<compile_context>
chip_gen: v7x
topology: tpu7x:2x2x1
jax: 0.10.2.dev20260603
libtpu: 0.0.44.dev20260713+nightly
codegen_flags: <defaults>
</compile_context>

<pallas_src>
import functools

import jax
import jax.numpy as jnp
from jax import lax
from jax.experimental import pallas as pl
from jax.experimental.pallas import tpu as pltpu
from jax.experimental.pallas import tpu_sc as plsc

N = 10000
NP = 10240
E = 320000
EP = 327680
D = 128
CK = 128
NTILE = 16
NPT = NP // NTILE
ECH_ALL = EP // NTILE
ECH_HALF = EP // (2 * NTILE)
NCH_ALL = ECH_ALL // CK
NCH_HALF = ECH_HALF // CK
DEPTH = 8
RB = 512
GRID = NP // RB


def _sc_mesh():
    return plsc.VectorSubcoreMesh(core_axis_name="c", subcore_axis_name="s")


def _drain(sem, dummy_hbm, dst_ref):
    pltpu.make_async_copy(dummy_hbm, dst_ref, sem).wait()


def _prep_body(dst2_hbm, src2_hbm, dis_hbm, up_hbm,
               zb, degb, onesb, dall, uda, usa, val0, val1,
               semA, semB, sg0, sg1, ss0, ss1,
               deg_sp, dis_sp, u_sp):
    c = lax.axis_index("c")
    s = lax.axis_index("s")
    row0 = s * NPT

    pltpu.async_copy(dst2_hbm.at[pl.ds(s * NCH_ALL, NCH_ALL)], dall, semA)
    wid = c * NTILE + s
    pltpu.async_copy(dst2_hbm.at[pl.ds(wid * NCH_HALF, NCH_HALF)], uda, semB)
    pltpu.async_copy(src2_hbm.at[pl.ds(wid * NCH_HALF, NCH_HALF)], usa, semB)

    for i in range(NPT // 16):
        zb[pl.ds(i * 16, 16)] = jnp.zeros((16,), jnp.float32)
    for i in range(CK // 16):
        onesb[pl.ds(i * 16, 16)] = jnp.ones((16,), jnp.float32)
    pltpu.sync_copy(zb, deg_sp.at[pl.ds(row0, NPT)])
    pltpu.sync_copy(zb, u_sp.at[pl.ds(row0, NPT)])
    _drain(semA, dst2_hbm.at[pl.ds(0, NCH_ALL)], dall)
    _drain(semB, dst2_hbm.at[pl.ds(0, NCH_HALF)], uda)
    _drain(semB, src2_hbm.at[pl.ds(0, NCH_HALF)], usa)
    plsc.subcore_barrier()

    def deg_step(k, carry):
        pltpu.async_copy(onesb, deg_sp.at[dall.at[k]], semA, add=True)

        @pl.when(k >= DEPTH)
        def _():
            _drain(semA, dis_hbm.at[pl.ds(0, CK)], onesb)

        return carry

    lax.fori_loop(0, NCH_ALL, deg_step, 0)
    for _ in range(DEPTH):
        _drain(semA, dis_hbm.at[pl.ds(0, CK)], onesb)
    plsc.subcore_barrier()

    pltpu.sync_copy(deg_sp.at[pl.ds(row0, NPT)], degb)
    for i in range(NPT // 16):
        d = degb[pl.ds(i * 16, 16)] + 1.0
        ii = lax.bitcast_convert_type(d, jnp.int32)
        ii = jnp.int32(0x5F3759DF) - lax.shift_right_logical(ii, 1)
        y = lax.bitcast_convert_type(ii, jnp.float32)
        half = d * 0.5
        y = y * (1.5 - half * y * y)
        y = y * (1.5 - half * y * y)
        y = y * (1.5 - half * y * y)
        gidx = row0 + i * 16 + lax.iota(jnp.int32, 16)
        y = jnp.where(gidx < N, y, 0.0)
        degb[pl.ds(i * 16, 16)] = y
    pltpu.sync_copy(degb, dis_sp.at[pl.ds(row0, NPT)])

    @pl.when(c == 0)
    def _():
        pltpu.sync_copy(degb, dis_hbm.at[pl.ds(row0, NPT)])

    plsc.subcore_barrier()

    vals = (val0, val1)
    sg = (sg0, sg1)
    ss = (ss0, ss1)
    pltpu.async_copy(dis_sp.at[uda.at[0]], val0, sg0)

    def u_pair(j, carry):
        for b in (0, 1):
            kk = 2 * j + b
            nb = 1 - b
            _drain(sg[b], dis_hbm.at[pl.ds(0, CK)], vals[b])
            pltpu.async_copy(vals[b], u_sp.at[usa.at[kk]], ss[b], add=True)

            @pl.when(kk >= 1)
            def _():
                _drain(ss[nb], dis_hbm.at[pl.ds(0, CK)], vals[nb])

            @pl.when(kk + 1 < NCH_HALF)
            def _():
                pltpu.async_copy(dis_sp.at[uda.at[kk + 1]],
                                 vals[nb], sg[nb])
        return carry

    lax.fori_loop(0, NCH_HALF // 2, u_pair, 0)
    _drain(ss[1], dis_hbm.at[pl.ds(0, CK)], val1)
    plsc.subcore_barrier()
    pltpu.sync_copy(u_sp.at[pl.ds(row0, NPT)],
                    up_hbm.at[c, 0, pl.ds(row0, NPT)])


_prep = functools.partial(
    pl.kernel,
    out_type=(jax.ShapeDtypeStruct((NP,), jnp.float32),
              jax.ShapeDtypeStruct((2, 1, NP), jnp.float32)),
    mesh=_sc_mesh(),
    scratch_types=[
        pltpu.VMEM((NPT,), jnp.float32),
        pltpu.VMEM((NPT,), jnp.float32),
        pltpu.VMEM((CK,), jnp.float32),
        pltpu.VMEM((NCH_ALL, CK), jnp.int32),
        pltpu.VMEM((NCH_HALF, CK), jnp.int32),
        pltpu.VMEM((NCH_HALF, CK), jnp.int32),
        pltpu.VMEM((CK,), jnp.float32),
        pltpu.VMEM((CK,), jnp.float32),
        pltpu.SemaphoreType.DMA,
        pltpu.SemaphoreType.DMA,
        pltpu.SemaphoreType.DMA,
        pltpu.SemaphoreType.DMA,
        pltpu.SemaphoreType.DMA,
        pltpu.SemaphoreType.DMA,
        pltpu.VMEM_SHARED((NP,), jnp.float32),
        pltpu.VMEM_SHARED((NP,), jnp.float32),
        pltpu.VMEM_SHARED((NP,), jnp.float32),
    ],
)(_prep_body)


CKS = 128
NCHS = ECH_HALF // CKS
NCHS_H = NCHS // 2


def _row_body(t_hbm, src1_hbm, dst2_hbm, out_hbm,
              srcall, dstall, rows0, rows1,
              semA, semB, sg0, sg1, ss0, ss1, acc_sp):
    c = lax.axis_index("c")
    s = lax.axis_index("s")
    row0 = s * NPT
    wid = c * NTILE + s
    e0 = wid * ECH_HALF
    half_edges = ECH_HALF // 2

    pltpu.async_copy(src1_hbm.at[pl.ds(e0, half_edges)], srcall, semA)
    pltpu.async_copy(dst2_hbm.at[pl.ds(wid * NCHS, NCHS)], dstall, semB)
    pltpu.sync_copy(t_hbm.at[pl.ds(row0, NPT)], acc_sp.at[pl.ds(row0, NPT)])
    _drain(semA, src1_hbm.at[pl.ds(0, half_edges)], srcall)
    _drain(semB, dst2_hbm.at[pl.ds(0, NCHS)], dstall)
    plsc.subcore_barrier()

    rows = (rows0, rows1)
    sg = (sg0, sg1)
    ss = (ss0, ss1)

    for h in (0, 1):
        if h == 1:
            pltpu.async_copy(src1_hbm.at[pl.ds(e0 + half_edges, half_edges)],
                             srcall, semA)
            _drain(semA, src1_hbm.at[pl.ds(0, half_edges)], srcall)
        base = h * NCHS_H
        pltpu.async_copy(t_hbm.at[srcall.at[pl.ds(0, CKS)]], rows0, sg0)

        def pair(j, carry):
            for b in (0, 1):
                lk = 2 * j + b
                nb = 1 - b
                _drain(sg[b], t_hbm.at[pl.ds(0, CKS)], rows[b])
                pltpu.async_copy(rows[b], acc_sp.at[dstall.at[base + lk]],
                                 ss[b], add=True)

                @pl.when(lk >= 1)
                def _():
                    _drain(ss[nb], t_hbm.at[pl.ds(0, CKS)], rows[nb])

                @pl.when(lk + 1 < NCHS_H)
                def _():
                    pltpu.async_copy(
                        t_hbm.at[srcall.at[pl.ds((lk + 1) * CKS, CKS)]],
                        rows[nb], sg[nb])
            return carry

        lax.fori_loop(0, NCHS_H // 2, pair, 0)
        _drain(ss[1], t_hbm.at[pl.ds(0, CKS)], rows1)

    plsc.subcore_barrier()
    pltpu.sync_copy(acc_sp.at[pl.ds(row0, NPT)],
                    out_hbm.at[c, pl.ds(row0, NPT)])


_rowpass = functools.partial(
    pl.kernel,
    out_type=jax.ShapeDtypeStruct((2, NP, D), jnp.float32),
    mesh=_sc_mesh(),
    scratch_types=[
        pltpu.VMEM((ECH_HALF // 2,), jnp.int32),
        pltpu.VMEM((NCHS, CKS), jnp.int32),
        pltpu.VMEM((CKS, D), jnp.float32),
        pltpu.VMEM((CKS, D), jnp.float32),
        pltpu.SemaphoreType.DMA,
        pltpu.SemaphoreType.DMA,
        pltpu.SemaphoreType.DMA,
        pltpu.SemaphoreType.DMA,
        pltpu.SemaphoreType.DMA,
        pltpu.SemaphoreType.DMA,
        pltpu.VMEM_SHARED((NP, D), jnp.float32),
    ],
)(_row_body)


def _mm1_body(x_ref, w_ref, dis_ref, o_ref):
    o_ref[...] = (jnp.dot(x_ref[...], w_ref[...],
                          preferred_element_type=jnp.float32) * dis_ref[...])


def _mm1(x_p, W1, dis_col):
    return pl.pallas_call(
        _mm1_body,
        grid=(GRID,),
        in_specs=[
            pl.BlockSpec((RB, D), lambda i: (i, 0)),
            pl.BlockSpec((D, D), lambda i: (0, 0)),
            pl.BlockSpec((RB, 1), lambda i: (i, 0)),
        ],
        out_specs=pl.BlockSpec((RB, D), lambda i: (i, 0)),
        out_shape=jax.ShapeDtypeStruct((NP, D), jnp.float32),
    )(x_p, W1, dis_col)


def _mid_body(a0_ref, a1_ref, t_ref, dis_ref, u0_ref, u1_ref, b_ref, w_ref,
              t2_ref, v_ref):
    dis = dis_ref[...]
    q = a0_ref[...] + a1_ref[...] - t_ref[...]
    h = jnp.maximum(dis * q + b_ref[...], 0.0)
    t2_ref[...] = jnp.dot(h, w_ref[...],
                          preferred_element_type=jnp.float32) * dis
    v_ref[...] = dis * (u0_ref[...] + u1_ref[...] + dis)


def _mid(acc1, t1, dis_col, u0, u1, b1, W2):
    return pl.pallas_call(
        _mid_body,
        grid=(GRID,),
        in_specs=[
            pl.BlockSpec((RB, D), lambda i: (i, 0)),
            pl.BlockSpec((RB, D), lambda i: (i, 0)),
            pl.BlockSpec((RB, D), lambda i: (i, 0)),
            pl.BlockSpec((RB, 1), lambda i: (i, 0)),
            pl.BlockSpec((RB, 1), lambda i: (i, 0)),
            pl.BlockSpec((RB, 1), lambda i: (i, 0)),
            pl.BlockSpec((1, D), lambda i: (0, 0)),
            pl.BlockSpec((D, D), lambda i: (0, 0)),
        ],
        out_specs=[
            pl.BlockSpec((RB, D), lambda i: (i, 0)),
            pl.BlockSpec((RB, 1), lambda i: (i, 0)),
        ],
        out_shape=[
            jax.ShapeDtypeStruct((NP, D), jnp.float32),
            jax.ShapeDtypeStruct((NP, 1), jnp.float32),
        ],
    )(acc1[0], acc1[1], t1, dis_col, u0, u1, b1, W2)


def _head_body(a0_ref, a1_ref, t_ref, dis_ref, v_ref, b2_ref, w3_ref, b3_ref,
               wc1_ref, bc1_ref, wc2_ref, bc2_ref, acc_ref, o_ref):
    i = pl.program_id(0)
    dis = dis_ref[...]
    q = a0_ref[...] + a1_ref[...] - t_ref[...]
    h = jnp.maximum(dis * q + b2_ref[...], 0.0)
    contrib = jnp.sum(v_ref[...] * h, axis=0, keepdims=True)

    @pl.when(i == 0)
    def _():
        acc_ref[...] = contrib

    @pl.when(i > 0)
    def _():
        acc_ref[...] = acc_ref[...] + contrib

    @pl.when(i == GRID - 1)
    def _():
        g = (jnp.dot(acc_ref[...], w3_ref[...],
                     preferred_element_type=jnp.float32) * (1.0 / N)
             + b3_ref[...])
        z = jnp.maximum(jnp.dot(g, wc1_ref[...],
                                preferred_element_type=jnp.float32)
                        + bc1_ref[...], 0.0)
        o = jnp.dot(z, wc2_ref[...],
                    preferred_element_type=jnp.float32) + bc2_ref[...]
        o_ref[...] = 1.0 / (1.0 + jnp.exp(-o))


def _head(acc2, t2, dis_col, v_col, b2, W3, b3, Wc1, bc1, Wc2p, bc2p):
    return pl.pallas_call(
        _head_body,
        grid=(GRID,),
        in_specs=[
            pl.BlockSpec((RB, D), lambda i: (i, 0)),
            pl.BlockSpec((RB, D), lambda i: (i, 0)),
            pl.BlockSpec((RB, D), lambda i: (i, 0)),
            pl.BlockSpec((RB, 1), lambda i: (i, 0)),
            pl.BlockSpec((RB, 1), lambda i: (i, 0)),
            pl.BlockSpec((1, D), lambda i: (0, 0)),
            pl.BlockSpec((D, D), lambda i: (0, 0)),
            pl.BlockSpec((1, D), lambda i: (0, 0)),
            pl.BlockSpec((D, 64), lambda i: (0, 0)),
            pl.BlockSpec((1, 64), lambda i: (0, 0)),
            pl.BlockSpec((64, D), lambda i: (0, 0)),
            pl.BlockSpec((1, D), lambda i: (0, 0)),
        ],
        out_specs=[
            pl.BlockSpec((1, D), lambda i: (0, 0)),
            pl.BlockSpec((1, D), lambda i: (0, 0)),
        ],
        out_shape=[
            jax.ShapeDtypeStruct((1, D), jnp.float32),
            jax.ShapeDtypeStruct((1, D), jnp.float32),
        ],
    )(acc2[0], acc2[1], t2, dis_col, v_col, b2, W3, b3, Wc1, bc1, Wc2p, bc2p)


def kernel(x, edge_index, W1, b1, W2, b2, W3, b3, Wc1, bc1, Wc2, bc2):
    src = edge_index[0]
    dst = edge_index[1]
    padv = (N + jnp.arange(EP - E, dtype=jnp.int32) % (NP - N))
    src_p = jnp.concatenate([src, padv])
    dst_p = jnp.concatenate([dst, padv])
    src2 = src_p.reshape(EP // CK, CK)
    dst2 = dst_p.reshape(EP // CK, CK)
    dst2b = dst2
    x_p = jnp.pad(x, ((0, NP - N), (0, 0)))

    dis, up = _prep(dst2, src2)
    dis_col = dis.reshape(NP, 1)
    u0 = up[0, 0].reshape(NP, 1)
    u1 = up[1, 0].reshape(NP, 1)

    t1 = _mm1(x_p, W1, dis_col)
    acc1 = _rowpass(t1, src_p, dst2b)
    t2, v_col = _mid(acc1, t1, dis_col, u0, u1, b1.reshape(1, D), W2)
    acc2 = _rowpass(t2, src_p, dst2b)

    Wc2p = jnp.pad(Wc2, ((0, 0), (0, D - 6)))
    bc2p = jnp.pad(bc2, (0, D - 6)).reshape(1, D)
    _, outp = _head(acc2, t2, dis_col, v_col, b2.reshape(1, D), W3,
                    b3.reshape(1, D), Wc1, bc1.reshape(1, 64), Wc2p, bc2p)
    return outp[:, :6]

# --- scband reference (transcript-rebuilt; emitter-appended) ---
"""Pipeline reference for scband-gnnresistance-predictor-24154896073520 (READ-ONLY COPY).

The authoritative reference and input builder live on the scoring server;
editing this copy changes nothing except your own understanding.
"""

import jax, jax.numpy as jnp
import numpy as np

N = 10000
E = 320000
D = 128
H = 128
C = 6

def setup_inputs(seed: int = 0):
    key = jax.random.key(seed)
    ks = jax.random.split(key, 12)
    def lin_w(k, fi, fo):
        s = 1.0 / np.sqrt(fi)
        return jax.random.uniform(k, (fi, fo), minval=-s, maxval=s, dtype=jnp.float32)
    inp = {}
    inp["x"] = jax.random.normal(ks[0], (N, D), dtype=jnp.float32)
    inp["edge_index"] = jax.random.randint(ks[1], (2, E), 0, N, dtype=jnp.int32)
    inp["W1"] = lin_w(ks[2], D, H)
    inp["b1"] = jnp.zeros((H,), jnp.float32)
    inp["W2"] = lin_w(ks[3], H, H)
    inp["b2"] = jnp.zeros((H,), jnp.float32)
    inp["W3"] = lin_w(ks[4], H, H)
    inp["b3"] = jnp.zeros((H,), jnp.float32)
    inp["Wc1"] = lin_w(ks[5], H, H // 2)
    inp["bc1"] = jnp.zeros((H // 2,), jnp.float32)
    inp["Wc2"] = lin_w(ks[6], H // 2, C)
    inp["bc2"] = jnp.zeros((C,), jnp.float32)
    return inp

def reference(x, edge_index, W1, b1, W2, b2, W3, b3, Wc1, bc1, Wc2, bc2):
    # GCNConv semantics (PyG): add self-loops, symmetric normalization,
    # out = A_hat @ (x @ W) + b
    loop = jnp.arange(N, dtype=edge_index.dtype)
    src = jnp.concatenate([edge_index[0], loop])
    dst = jnp.concatenate([edge_index[1], loop])
    deg = jnp.zeros((N,), jnp.float32).at[dst].add(1.0)
    dis = jnp.where(deg > 0, 1.0 / jnp.sqrt(deg), 0.0)
    norm = dis[src] * dis[dst]

    def gcn_layer(h, W, b):
        h = h @ W
        msg = h[src] * norm[:, None]
        agg = jnp.zeros((N, h.shape[1]), jnp.float32).at[dst].add(msg)
        return agg + b

    h = jax.nn.relu(gcn_layer(x, W1, b1))
    # dropout is identity in eval mode
    h = jax.nn.relu(gcn_layer(h, W2, b2))
    h = gcn_layer(h, W3, b3)
    # global_mean_pool with batch = zeros -> single graph mean over nodes
    g = jnp.mean(h, axis=0, keepdims=True)
    g = jax.nn.relu(g @ Wc1 + bc1)
    out = jax.nn.sigmoid(g @ Wc2 + bc2)
    return out

if __name__ == "__main__":
    import jax
    _d = setup_inputs()
    print(jax.jit(kernel)(*tuple(_d.values())))

</pallas_src>

<mosaic_0001>
#map = affine_map<(d0, d1) -> (0, 0)>
#map1 = affine_map<(d0, d1) -> (0)>
#map2 = affine_map<(d0, d1) -> (0, 0, 0)>
module attributes {stable_mosaic.version = 14 : i64} {
  func.func @_prep_body(%arg0: i32, %arg1: i32, %arg2: memref<2560x128xi32, #tpu.memory_space<hbm>>, %arg3: memref<2560x128xi32, #tpu.memory_space<hbm>>, %arg4: memref<10240xf32, #tpu.memory_space<hbm>>, %arg5: memref<2x1x10240xf32, #tpu.memory_space<hbm>>, %arg6: memref<640xf32, #tpu.memory_space<vmem>>, %arg7: memref<640xf32, #tpu.memory_space<vmem>>, %arg8: memref<128xf32, #tpu.memory_space<vmem>>, %arg9: memref<160x128xi32, #tpu.memory_space<vmem>>, %arg10: memref<80x128xi32, #tpu.memory_space<vmem>>, %arg11: memref<80x128xi32, #tpu.memory_space<vmem>>, %arg12: memref<128xf32, #tpu.memory_space<vmem>>, %arg13: memref<128xf32, #tpu.memory_space<vmem>>, %arg14: memref<!tpu.dma_semaphore, #tpu.memory_space<semaphore_mem>>, %arg15: memref<!tpu.dma_semaphore, #tpu.memory_space<semaphore_mem>>, %arg16: memref<!tpu.dma_semaphore, #tpu.memory_space<semaphore_mem>>, %arg17: memref<!tpu.dma_semaphore, #tpu.memory_space<semaphore_mem>>, %arg18: memref<!tpu.dma_semaphore, #tpu.memory_space<semaphore_mem>>, %arg19: memref<!tpu.dma_semaphore, #tpu.memory_space<semaphore_mem>>, %arg20: memref<10240xf32, #tpu.memory_space<vmem_shared>>, %arg21: memref<10240xf32, #tpu.memory_space<vmem_shared>>, %arg22: memref<10240xf32, #tpu.memory_space<vmem_shared>>) attributes {dimension_semantics = [#tpu.dimension_semantics<core_parallel>, #tpu.dimension_semantics<subcore_parallel>], iteration_bounds = array<i64: 2, 16>, scalar_prefetch = 0 : i64, scratch_operands = 17 : i64, tpu.core_type = #tpu.core_type<sc_vector_subcore>, window_params = [{transform_indices = #map}, {transform_indices = #map}, {transform_indices = #map1}, {transform_indices = #map2}]} {
    %mul3A = arith.constant 640 : i32
    %mul3A_0 = arith.muli %arg1, %mul3A : i32
    %mul3A_1 = arith.constant 160 : i32
    %mul3A_2 = arith.muli %arg1, %mul3A_1 : i32
    %dma_start3A = arith.constant 0 : i32
    %dma_start3A_3 = tpu.memref_slice %arg2[%mul3A_2, %dma_start3A] : memref<2560x128xi32, #tpu.memory_space<hbm>> -> memref<160x128xi32, #tpu.memory_space<hbm>>
    %dma_start3A_4 = arith.constant 0 : i32
    %dma_start3A_5 = tpu.memref_slice %arg2[%mul3A_2, %dma_start3A_4] : memref<2560x128xi32, #tpu.memory_space<hbm>> -> memref<160x128xi32, #tpu.memory_space<hbm>>
    tpu.enqueue_dma source(%dma_start3A_5 : memref<160x128xi32, #tpu.memory_space<hbm>>) target(%arg9 : memref<160x128xi32, #tpu.memory_space<vmem>>) target_semaphore(%arg14 : memref<!tpu.dma_semaphore, #tpu.memory_space<semaphore_mem>>)
    %mul3A_6 = arith.constant 16 : i32
    %mul3A_7 = arith.muli %arg0, %mul3A_6 : i32
    %add3A = arith.addi %mul3A_7, %arg1 : i32
    %mul3A_8 = arith.constant 80 : i32
    %mul3A_9 = arith.muli %add3A, %mul3A_8 : i32
    %dma_start3A_10 = arith.constant 0 : i32
    %dma_start3A_11 = tpu.memref_slice %arg2[%mul3A_9, %dma_start3A_10] : memref<2560x128xi32, #tpu.memory_space<hbm>> -> memref<80x128xi32, #tpu.memory_space<hbm>>
    %dma_start3A_12 = arith.constant 0 : i32
    %dma_start3A_13 = tpu.memref_slice %arg2[%mul3A_9, %dma_start3A_12] : memref<2560x128xi32, #tpu.memory_space<hbm>> -> memref<80x128xi32, #tpu.memory_space<hbm>>
    tpu.enqueue_dma source(%dma_start3A_13 : memref<80x128xi32, #tpu.memory_space<hbm>>) target(%arg10 : memref<80x128xi32, #tpu.memory_space<vmem>>) target_semaphore(%arg15 : memref<!tpu.dma_semaphore, #tpu.memory_space<semaphore_mem>>)
    %mul3A_14 = arith.constant 80 : i32
    %mul3A_15 = arith.muli %add3A, %mul3A_14 : i32
    %dma_start3A_16 = arith.constant 0 : i32
    %dma_start3A_17 = tpu.memref_slice %arg3[%mul3A_15, %dma_start3A_16] : memref<2560x128xi32, #tpu.memory_space<hbm>> -> memref<80x128xi32, #tpu.memory_space<hbm>>
    %dma_start3A_18 = arith.constant 0 : i32
    %dma_start3A_19 = tpu.memref_slice %arg3[%mul3A_15, %dma_start3A_18] : memref<2560x128xi32, #tpu.memory_space<hbm>> -> memref<80x128xi32, #tpu.memory_space<hbm>>
    tpu.enqueue_dma source(%dma_start3A_19 : memref<80x128xi32, #tpu.memory_space<hbm>>) target(%arg11 : memref<80x128xi32, #tpu.memory_space<vmem>>) target_semaphore(%arg15 : memref<!tpu.dma_semaphore, #tpu.memory_space<semaphore_mem>>)
    %broadcast_in_dim3A = arith.constant 0.000000e+00 : f32
    %broadcast_in_dim3A_20 = vector.broadcast %broadcast_in_dim3A : f32 to vector<16xf32>
    %swap3A = arith.constant 0 : index
    %swap3A_21 = tpu.vector_load %arg6[%swap3A] {strides = array<i32>} : memref<640xf32, #tpu.memory_space<vmem>>, vector<16xf32>,
    %swap3A_22 = vector.shape_cast %swap3A_21 : vector<16xf32> to vector<16xf32>
    %swap3A_23 = vector.shape_cast %broadcast_in_dim3A_20 : vector<16xf32> to vector<16xf32>
    tpu.vector_store %arg6[%swap3A], %swap3A_23 {strides = array<i32>} : memref<640xf32, #tpu.memory_space<vmem>>, vector<16xf32>,
    %broadcast_in_dim3A_24 = arith.constant 0.000000e+00 : f32
    %broadcast_in_dim3A_25 = vector.broadcast %broadcast_in_dim3A_24 : f32 to vector<16xf32>
    %swap3A_26 = arith.constant 16 : index
    %swap3A_27 = tpu.vector_load %arg6[%swap3A_26] {strides = array<i32>} : memref<640xf32, #tpu.memory_space<vmem>>, vector<16xf32>,
    %swap3A_28 = vector.shape_cast %swap3A_27 : vector<16xf32> to vector<16xf32>
    %swap3A_29 = vector.shape_cast %broadcast_in_dim3A_25 : vector<16xf32> to vector<16xf32>
    tpu.vector_store %arg6[%swap3A_26], %swap3A_29 {strides = array<i32>} : memref<640xf32, #tpu.memory_space<vmem>>, vector<16xf32>,
    %broadcast_in_dim3A_30 = arith.constant 0.000000e+00 : f32
    %broadcast_in_dim3A_31 = vector.broadcast %broadcast_in_dim3A_30 : f32 to vector<16xf32>
    %swap3A_32 = arith.constant 32 : index
    %swap3A_33 = tpu.vector_load %arg6[%swap3A_32] {strides = array<i32>} : memref<640xf32, #tpu.memory_space<vmem>>, vector<16xf32>,
    %swap3A_34 = vector.shape_cast %swap3A_33 : vector<16xf32> to vector<16xf32>
    %swap3A_35 = vector.shape_cast %broadcast_in_dim3A_31 : vector<16xf32> to vector<16xf32>
    tpu.vector_store %arg6[%swap3A_32], %swap3A_35 {strides = array<i32>} : memref<640xf32, #tpu.memory_space<vmem>>, vector<16xf32>,
    %broadcast_in_dim3A_36 = arith.constant 0.000000e+00 : f32
    %broadcast_in_dim3A_37 = vector.broadcast %broadcast_in_dim3A_36 : f32 to vector<16xf32>
    %swap3A_38 = arith.constant 48 : index
    %swap3A_39 = tpu.vector_load %arg6[%swap3A_38] {strides = array<i32>} : memref<640xf32, #tpu.memory_space<vmem>>, vector<16xf32>,
    %swap3A_40 = vector.shape_cast %swap3A_39 : vector<16xf32> to vector<16xf32>
    %swap3A_41 = vector.shape_cast %broadcast_in_dim3A_37 : vector<16xf32> to vector<16xf32>
    tpu.vector_store %arg6[%swap3A_38], %swap3A_41 {strides = array<i32>} : memref<640xf32, #tpu.memory_space<vmem>>, vector<16xf32>,
    %broadcast_in_dim3A_42 = arith.constant 0.000000e+00 : f32
    %broadcast_in_dim3A_43 = vector.broadcast %broadcast_in_dim3A_42 : f32 to vector<16xf32>
    %swap3A_44 = arith.constant 64 : index
    %swap3A_45 = tpu.vector_load %arg6[%swap3A_44] {strides = array<i32>} : memref<640xf32, #tpu.memory_space<vmem>>, vector<16xf32>,
    %swap3A_46 = vector.shape_cast %swap3A_45 : vector<16xf32> to vector<16xf32>
    %swap3A_47 = vector.shape_cast %broadcast_in_dim3A_43 : vector<16xf32> to vector<16xf32>
    tpu.vector_store %arg6[%swap3A_44], %swap3A_47 {strides = array<i32>} : memref<640xf32, #tpu.memory_space<vmem>>, vector<16xf32>,
    %broadcast_in_dim3A_48 = arith.constant 0.000000e+00 : f32
    %broadcast_in_dim3A_49 = vector.broadcast %broadcast_in_dim3A_48 : f32 to vector<16xf32>
    %swap3A_50 = arith.constant 80 : index
    %swap3A_51 = tpu.vector_load %arg6[%swap3A_50] {strides = array<i32>} : memref<640xf32, #tpu.memory_space<vmem>>, vector<16xf32>,
    %swap3A_52 = vector.shape_cast %swap3A_51 : vector<16xf32> to vector<16xf32>
    %swap3A_53 = vector.shape_cast %broadcast_in_dim3A_49 : vector<16xf32> to vector<16xf32>
    tpu.vector_store %arg6[%swap3A_50], %swap3A_53 {strides = array<i32>} : memref<640xf32, #tpu.memory_space<vmem>>, vector<16xf32>,
    %broadcast_in_dim3A_54 = arith.constant 0.000000e+00 : f32
    %broadcast_in_dim3A_55 = vector.broadcast %broadcast_in_dim3A_54 : f32 to vector<16xf32>
    %swap3A_56 = arith.constant 96 : index
    %swap3A_57 = tpu.vector_load %arg6[%swap3A_56] {strides = array<i32>} : memref<640xf32, #tpu.memory_space<vmem>>, vector<16xf32>,
    %swap3A_58 = vector.shape_cast %swap3A_57 : vector<16xf32> to vector<16xf32>
    %swap3A_59 = vector.shape_cast %broadcast_in_dim3A_55 : vector<16xf32> to vector<16xf32>
    tpu.vector_store %arg6[%swap3A_56], %swap3A_59 {strides = array<i32>} : memref<640xf32, #tpu.memory_space<vmem>>, vector<16xf32>,
    %broadcast_in_dim3A_60 = arith.constant 0.000000e+00 : f32
    %broadcast_in_dim3A_61 = vector.broadcast %broadcast_in_dim3A_60 : f32 to vector<16xf32>
    %swap3A_62 = arith.constant 112 : index
    %swap3A_63 = tpu.vector_load %arg6[%swap3A_62] {strides = array<i32>} : memref<640xf32, #tpu.memory_space<vmem>>, vector<16xf32>,
    %swap3A_64 = vector.shape_cast %swap3A_63 : vector<16xf32> to vector<16xf32>
    %swap3A_65 = vector.shape_cast %broadcast_in_dim3A_61 : vector<16xf32> to vector<16xf32>
    tpu.vector_store %arg6[%swap3A_62], %swap3A_65 {strides = array<i32>} : memref<640xf32, #tpu.memory_space<vmem>>, vector<16xf32>,
    %broadcast_in_dim3A_66 = arith.constant 0.000000e+00 : f32
    %broadcast_in_dim3A_67 = vector.broadcast %broadcast_in_dim3A_66 : f32 to vector<16xf32>
    %swap3A_68 = arith.constant 128 : index
    %swap3A_69 = tpu.vector_load %arg6[%swap3A_68] {strides = array<i32>} : memref<640xf32, #tpu.memory_space<vmem>>, vector<16xf32>,
    %swap3A_70 = vector.shape_cast %swap3A_69 : vector<16xf32> to vector<16xf32>
    %swap3A_71 = vector.shape_cast %broadcast_in_dim3A_67 : vector<16xf32> to vector<16xf32>
    tpu.vector_store %arg6[%swap3A_68], %swap3A_71 {strides = array<i32>} : memref<640xf32, #tpu.memory_space<vmem>>, vector<16xf32>,
    %broadcast_in_dim3A_72 = arith.constant 0.000000e+00 : f32
    %broadcast_in_dim3A_73 = vector.broadcast %broadcast_in_dim3A_72 : f32 to vector<16xf32>
    %swap3A_74 = arith.constant 144 : index
    %swap3A_75 = tpu.vector_load %arg6[%swap3A_74] {strides = array<i32>} : memref<640xf32, #tpu.memory_space<vmem>>, vector<16xf32>,
    %swap3A_76 = vector.shape_cast %swap3A_75 : vector<16xf32> to vector<16xf32>
    %swap3A_77 = vector.shape_cast %broadcast_in_dim3A_73 : vector<16xf32> to vector<16xf32>
    tpu.vector_store %arg6[%swap3A_74], %swap3A_77 {strides = array<i32>} : memref<640xf32, #tpu.memory_space<vmem>>, vector<16xf32>,
    %broadcast_in_dim3A_78 = arith.constant 0.000000e+00 : f32
    %broadcast_in_dim3A_79 = vector.broadcast %broadcast_in_dim3A_78 : f32 to vector<16xf32>
    %swap3A_80 = arith.constant 160 : index
    %swap3A_81 = tpu.vector_load %arg6[%swap3A_80] {strides = array<i32>} : memref<640xf32, #tpu.memory_space<vmem>>, vector<16xf32>,
    %swap3A_82 = vector.shape_cast %swap3A_81 : vector<16xf32> to vector<16xf32>
    %swap3A_83 = vector.shape_cast %broadcast_in_dim3A_79 : vector<16xf32> to vector<16xf32>
    tpu.vector_store %arg6[%swap3A_80], %swap3A_83 {strides = array<i32>} : memref<640xf32, #tpu.memory_space<vmem>>, vector<16xf32>,
    %broadcast_in_dim3A_84 = arith.constant 0.000000e+00 : f32
    %broadcast_in_dim3A_85 = vector.broadcast %broadcast_in_dim3A_84 : f32 to vector<16xf32>
    %swap3A_86 = arith.constant 176 : index
    %swap3A_87 = tpu.vector_load %arg6[%swap3A_86] {strides = array<i32>} : memref<640xf32, #tpu.memory_space<vmem>>, vector<16xf32>,
    %swap3A_88 = vector.shape_cast %swap3A_87 : vector<16xf32> to vector<16xf32>
    %swap3A_89 = vector.shape_cast %broadcast_in_dim3A_85 : vector<16xf32> to vector<16xf32>
    tpu.vector_store %arg6[%swap3A_86], %swap3A_89 {strides = array<i32>} : memref<640xf32, #tpu.memory_space<vmem>>, vector<16xf32>,
    %broadcast_in_dim3A_90 = arith.constant 0.000000e+00 : f32
    %broadcast_in_dim3A_91 = vector.broadcast %broadcast_in_dim3A_90 : f32 to vector<16xf32>
    %swap3A_92 = arith.constant 192 : index
    %swap3A_93 = tpu.vector_load %arg6[%swap3A_92] {strides = array<i32>} : memref<640xf32, #tpu.memory_space<vmem>>, vector<16xf32>,
    %swap3A_94 = vector.shape_cast %swap3A_93 : vector<16xf32> to vector<16xf32>
    %swap3A_95 = vector.shape_cast %broadcast_in_dim3A_91 : vector<16xf32> to vector<16xf32>
    tpu.vector_store %arg6[%swap3A_92], %swap3A_95 {strides = array<i32>} : memref<640xf32, #tpu.memory_space<vmem>>, vector<16xf32>,
    %broadcast_in_dim3A_96 = arith.constant 0.000000e+00 : f32
    %broadcast_in_dim3A_97 = vector.broadcast %broadcast_in_dim3A_96 : f32 to vector<16xf32>
    %swap3A_98 = arith.constant 208 : index
    %swap3A_99 = tpu.vector_load %arg6[%swap3A_98] {strides = array<i32>} : memref<640xf32, #tpu.memory_space<vmem>>, vector<16xf32>,
    %swap3A_100 = vector.shape_cast %swap3A_99 : vector<16xf32> to vector<16xf32>
    %swap3A_101 = vector.shape_cast %broadcast_in_dim3A_97 : vector<16xf32> to vector<16xf32>
    tpu.vector_store %arg6[%swap3A_98], %swap3A_101 {strides = array<i32>} : memref<640xf32, #tpu.memory_space<vmem>>, vector<16xf32>,
    %broadcast_in_dim3A_102 = arith.constant 0.000000e+00 : f32
    %broadcast_in_dim3A_103 = vector.broadcast %broadcast_in_dim3A_102 : f32 to vector<16xf32>
    %swap3A_104 = arith.constant 224 : index
    %swap3A_105 = tpu.vector_load %arg6[%swap3A_104] {strides = array<i32>} : memref<640xf32, #tpu.memory_space<vmem>>, vector<16xf32>,
    %swap3A_106 = vector.shape_cast %swap3A_105 : vector<16xf32> to vector<16xf32>
    %swap3A_107 = vector.shape_cast %broadcast_in_dim3A_103 : vector<16xf32> to vector<16xf32>
    tpu.vector_store %arg6[%swap3A_104], %swap3A_107 {strides = array<i32>} : memref<640xf32, #tpu.memory_space<vmem>>, vector<16xf32>,
    %broadcast_in_dim3A_108 = arith.constant 0.000000e+00 : f32
    %broadcast_in_dim3A_109 = vector.broadcast %broadcast_in_dim3A_108 : f32 to vector<16xf32>
    %swap3A_110 = arith.constant 240 : index
    %swap3A_111 = tpu.vector_load %arg6[%swap3A_110] {strides = array<i32>} : memref<640xf32, #tpu.memory_space<vmem>>, vector<16xf32>,
    %swap3A_112 = vector.shape_cast %swap3A_111 : vector<16xf32> to vector<16xf32>
    %swap3A_113 = vector.shape_cast %broadcast_in_dim3A_109 : vector<16xf32> to vector<16xf32>
    tpu.vector_store %arg6[%swap3A_110], %swap3A_113 {strides = array<i32>} : memref<640xf32, #tpu.memory_space<vmem>>, vector<16xf32>,
    %broadcast_in_dim3A_114 = arith.constant 0.000000e+00 : f32
    %broadcast_in_dim3A_115 = vector.broadcast %broadcast_in_dim3A_114 : f32 to vector<16xf32>
    %swap3A_116 = arith.constant 256 : index
    %swap3A_117 = tpu.vector_load %arg6[%swap3A_116] {strides = array<i32>} : memref<640xf32, #tpu.memory_space<vmem>>, vector<16xf32>,
    %swap3A_118 = vector.shape_cast %swap3A_117 : vector<16xf32> to vector<16xf32>
    %swap3A_119 = vector.shape_cast %broadcast_in_dim3A_115 : vector<16xf32> to vector<16xf32>
    tpu.vector_store %arg6[%swap3A_116], %swap3A_119 {strides = array<i32>} : memref<640xf32, #tpu.memory_space<vmem>>, vector<16xf32>,
    %broadcast_in_dim3A_120 = arith.constant 0.000000e+00 : f32
    %broadcast_in_dim3A_121 = vector.broadcast %broadcast_in_dim3A_120 : f32 to vector<16xf32>
    %swap3A_122 = arith.constant 272 : index
    %swap3A_123 = tpu.vector_load %arg6[%swap3A_122] {strides = array<i32>} : memref<640xf32, #tpu.memory_space<vmem>>, vector<16xf32>,
    %swap3A_124 = vector.shape_cast %swap3A_123 : vector<16xf32> to vector<16xf32>
    %swap3A_125 = vector.shape_cast %broadcast_in_dim3A_121 : vector<16xf32> to vector<16xf32>
    tpu.vector_store %arg6[%swap3A_122], %swap3A_125 {strides = array<i32>} : memref<640xf32, #tpu.memory_space<vmem>>, vector<16xf32>,
    %broadcast_in_dim3A_126 = arith.constant 0.000000e+00 : f32
    %broadcast_in_dim3A_127 = vector.broadcast %broadcast_in_dim3A_126 : f32 to vector<16xf32>
    %swap3A_128 = arith.constant 288 : index
    %swap3A_129 = tpu.vector_load %arg6[%swap3A_128] {strides = array<i32>} : memref<640xf32, #tpu.memory_space<vmem>>, vector<16xf32>,
    %swap3A_130 = vector.shape_cast %swap3A_129 : vector<16xf32> to vector<16xf32>
    %swap3A_131 = vector.shape_cast %broadcast_in_dim3A_127 : vector<16xf32> to vector<16xf32>
    tpu.vector_store %arg6[%swap3A_128], %swap3A_131 {strides = array<i32>} : memref<640xf32, #tpu.memory_space<vmem>>, vector<16xf32>,
    %broadcast_in_dim3A_132 = arith.constant 0.000000e+00 : f32
    %broadcast_in_dim3A_133 = vector.broadcast %broadcast_in_dim3A_132 : f32 to vector<16xf32>
    %swap3A_134 = arith.constant 304 : index
    %swap3A_135 = tpu.vector_load %arg6[%swap3A_134] {strides = array<i32>} : memref<640xf32, #tpu.memory_space<vmem>>, vector<16xf32>,
    %swap3A_136 = vector.shape_cast %swap3A_135 : vector<16xf32> to vector<16xf32>
    %swap3A_137 = vector.shape_cast %broadcast_in_dim3A_133 : vector<16xf32> to vector<16xf32>
    tpu.vector_store %arg6[%swap3A_134], %swap3A_137 {strides = array<i32>} : memref<640xf32, #tpu.memory_space<vmem>>, vector<16xf32>,
    %broadcast_in_dim3A_138 = arith.constant 0.000000e+00 : f32
    %broadcast_in_dim3A_139 = vector.broadcast %broadcast_in_dim3A_138 : f32 to vector<16xf32>
    %swap3A_140 = arith.constant 320 : index
    %swap3A_141 = tpu.vector_load %arg6[%swap3A_140] {strides = array<i32>} : memref<640xf32, #tpu.memory_space<vmem>>, vector<16xf32>,
    %swap3A_142 = vector.shape_cast %swap3A_141 : vector<16xf32> to vector<16xf32>
    %swap3A_143 = vector.shape_cast %broadcast_in_dim3A_139 : vector<16xf32> to vector<16xf32>
    tpu.vector_store %arg6[%swap3A_140], %swap3A_143 {strides = array<i32>} : memref<640xf32, #tpu.memory_space<vmem>>, vector<16xf32>,
    %broadcast_in_dim3A_144 = arith.constant 0.000000e+00 : f32
    %broadcast_in_dim3A_145 = vector.broadcast %broadcast_in_dim3A_144 : f32 to vector<16xf32>
    %swap3A_146 = arith.constant 336 : index
    %swap3A_147 = tpu.vector_load %arg6[%swap3A_146] {strides = array<i32>} : memref<640xf32, #tpu.memory_space<vmem>>, vector<16xf32>,
    %swap3A_148 = vector.shape_cast %swap3A_147 : vector<16xf32> to vector<16xf32>
    %swap3A_149 = vector.shape_cast %broadcast_in_dim3A_145 : vector<16xf32> to vector<16xf32>
    tpu.vector_store %arg6[%swap3A_146], %swap3A_149 {strides = array<i32>} : memref<640xf32, #tpu.memory_space<vmem>>, vector<16xf32>,
    %broadcast_in_dim3A_150 = arith.constant 0.000000e+00 : f32
    %broadcast_in_dim3A_151 = vector.broadcast %broadcast_in_dim3A_150 : f32 to vector<16xf32>
    %swap3A_152 = arith.constant 352 : index
    %swap3A_153 = tpu.vector_load %arg6[%swap3A_152] {strides = array<i32>} : memref<640xf32, #tpu.memory_space<vmem>>, vector<16xf32>,
    %swap3A_154 = vector.shape_cast %swap3A_153 : vector<16xf32> to vector<16xf32>
    %swap3A_155 = vector.shape_cast %broadcast_in_dim3A_151 : vector<16xf32> to vector<16xf32>
    tpu.vector_store %arg6[%swap3A_152], %swap3A_155 {strides = array<i32>} : memref<640xf32, #tpu.memory_space<vmem>>, vector<16xf32>,
    %broadcast_in_dim3A_156 = arith.constant 0.000000e+00 : f32
    %broadcast_in_dim3A_157 = vector.broadcast %broadcast_in_dim3A_156 : f32 to vector<16xf32>
    %swap3A_158 = arith.constant 368 : index
    %swap3A_159 = tpu.vector_load %arg6[%swap3A_158] {strides = array<i32>} : memref<640xf32, #tpu.memory_space<vmem>>, vector<16xf32>,
    %swap3A_160 = vector.shape_cast %swap3A_159 : vector<16xf32> to vector<16xf32>
    %swap3A_161 = vector.shape_cast %broadcast_in_dim3A_157 : vector<16xf32> to vector<16xf32>
    tpu.vector_store %arg6[%swap3A_158], %swap3A_161 {strides = array<i32>} : memref<640xf32, #tpu.memory_space<vmem>>, vector<16xf32>,
    %broadcast_in_dim3A_162 = arith.constant 0.000000e+00 : f32
    %broadcast_in_dim3A_163 = vector.broadcast %broadcast_in_dim3A_162 : f32 to vector<16xf32>
    %swap3A_164 = arith.constant 384 : index
    %swap3A_165 = tpu.vector_load %arg6[%swap3A_164] {strides = array<i32>} : memref<640xf32, #tpu.memory_space<vmem>>, vector<16xf32>,
    %swap3A_166 = vector.shape_cast %swap3A_165 : vector<16xf32> to vector<16xf32>
    %swap3A_167 = vector.shape_cast %broadcast_in_dim3A_163 : vector<16xf32> to vector<16xf32>
    tpu.vector_store %arg6[%swap3A_164], %swap3A_167 {strides = array<i32>} : memref<640xf32, #tpu.memory_space<vmem>>, vector<16xf32>,
    %broadcast_in_dim3A_168 = arith.constant 0.000000e+00 : f32
    %broadcast_in_dim3A_169 = vector.broadcast %broadcast_in_dim3A_168 : f32 to vector<16xf32>
    %swap3A_170 = arith.constant 400 : index
    %swap3A_171 = tpu.vector_load %arg6[%swap3A_170] {strides = array<i32>} : memref<640xf32, #tpu.memory_space<vmem>>, vector<16xf32>,
    %swap3A_172 = vector.shape_cast %swap3A_171 : vector<16xf32> to vector<16xf32>
    %swap3A_173 = vector.shape_cast %broadcast_in_dim3A_169 : vector<16xf32> to vector<16xf32>
    tpu.vector_store %arg6[%swap3A_170], %swap3A_173 {strides = array<i32>} : memref<640xf32, #tpu.memory_space<vmem>>, vector<16xf32>,
    %broadcast_in_dim3A_174 = arith.constant 0.000000e+00 : f32
    %broadcast_in_dim3A_175 = vector.broadcast %broadcast_in_dim3A_174 : f32 to vector<16xf32>
    %swap3A_176 = arith.constant 416 : index
    %swap3A_177 = tpu.vector_load %arg6[%swap3A_176] {strides = array<i32>} : memref<640xf32, #tpu.memory_space<vmem>>, vector<16xf32>,
    %swap3A_178 = vector.shape_cast %swap3A_177 : vector<16xf32> to vector<16xf32>
    %swap3A_179 = vector.shape_cast %broadcast_in_dim3A_175 : vector<16xf32> to vector<16xf32>
    tpu.vector_store %arg6[%swap3A_176], %swap3A_179 {strides = array<i32>} : memref<640xf32, #tpu.memory_space<vmem>>, vector<16xf32>,
    %broadcast_in_dim3A_180 = arith.constant 0.000000e+00 : f32
    %broadcast_in_dim3A_181 = vector.broadcast %broadcast_in_dim3A_180 : f32 to vector<16xf32>
    %swap3A_182 = arith.constant 432 : index
    %swap3A_183 = tpu.vector_load %arg6[%swap3A_182] {strides = array<i32>} : memref<640xf32, #tpu.memory_space<vmem>>, vector<16xf32>,
    %swap3A_184 = vector.shape_cast %swap3A_183 : vector<16xf32> to vector<16xf32>
    %swap3A_185 = vector.shape_cast %broadcast_in_dim3A_181 : vector<16xf32> to vector<16xf32>
    tpu.vector_store %arg6[%swap3A_182], %swap3A_185 {strides = array<i32>} : memref<640xf32, #tpu.memory_space<vmem>>, vector<16xf32>,
    %broadcast_in_dim3A_186 = arith.constant 0.000000e+00 : f32
    %broadcast_in_dim3A_187 = vector.broadcast %broadcast_in_dim3A_186 : f32 to vector<16xf32>
    %swap3A_188 = arith.constant 448 : index
    %swap3A_189 = tpu.vector_load %arg6[%swap3A_188] {strides = array<i32>} : memref<640xf32, #tpu.memory_space<vmem>>, vector<16xf32>,
    %swap3A_190 = vector.shape_cast %swap3A_189 : vector<16xf32> to vector<16xf32>
    %swap3A_191 = vector.shape_cast %broadcast_in_dim3A_187 : vector<16xf32> to vector<16xf32>
    tpu.vector_store %arg6[%swap3A_188], %swap3A_191 {strides = array<i32>} : memref<640xf32, #tpu.memory_space<vmem>>, vector<16xf32>,
    %broadcast_in_dim3A_192 = arith.constant 0.000000e+00 : f32
    %broadcast_in_dim3A_193 = vector.broadcast %broadcast_in_dim3A_192 : f32 to vector<16xf32>
    %swap3A_194 = arith.constant 464 : index
    %swap3A_195 = tpu.vector_load %arg6[%swap3A_194] {strides = array<i32>} : memref<640xf32, #tpu.memory_space<vmem>>, vector<16xf32>,
    %swap3A_196 = vector.shape_cast %swap3A_195 : vector<16xf32> to vector<16xf32>
    %swap3A_197 = vector.shape_cast %broadcast_in_dim3A_193 : vector<16xf32> to vector<16xf32>
    tpu.vector_store %arg6[%swap3A_194], %swap3A_197 {strides = array<i32>} : memref<640xf32, #tpu.memory_space<vmem>>, vector<16xf32>,
    %broadcast_in_dim3A_198 = arith.constant 0.000000e+00 : f32
    %broadcast_in_dim3A_199 = vector.broadcast %broadcast_in_dim3A_198 : f32 to vector<16xf32>
    %swap3A_200 = arith.constant 480 : index
    %swap3A_201 = tpu.vector_load %arg6[%swap3A_200] {strides = array<i32>} : memref<640xf32, #tpu.memory_space<vmem>>, vector<16xf32>,
    %swap3A_202 = vector.shape_cast %swap3A_201 : vector<16xf32> to vector<16xf32>
    %swap3A_203 = vector.shape_cast %broadcast_in_dim3A_199 : vector<16xf32> to vector<16xf32>
    tpu.vector_store %arg6[%swap3A_200], %swap3A_203 {strides = array<i32>} : memref<640xf32, #tpu.memory_space<vmem>>, vector<16xf32>,
    %broadcast_in_dim3A_204 = arith.constant 0.000000e+00 : f32
    %broadcast_in_dim3A_205 = vector.broadcast %broadcast_in_dim3A_204 : f32 to vector<16xf32>
    %swap3A_206 = arith.constant 496 : index
    %swap3A_207 = tpu.vector_load %arg6[%swap3A_206] {strides = array<i32>} : memref<640xf32, #tpu.memory_space<vmem>>, vector<16xf32>,
    %swap3A_208 = vector.shape_cast %swap3A_207 : vector<16xf32> to vector<16xf32>
    %swap3A_209 = vector.shape_cast %broadcast_in_dim3A_205 : vector<16xf32> to vector<16xf32>
    tpu.vector_store %arg6[%swap3A_206], %swap3A_209 {strides = array<i32>} : memref<640xf32, #tpu.memory_space<vmem>>, vector<16xf32>,
    %broadcast_in_dim3A_210 = arith.constant 0.000000e+00 : f32
    %broadcast_in_dim3A_211 = vector.broadcast %broadcast_in_dim3A_210 : f32 to vector<16xf32>
    %swap3A_212 = arith.constant 512 : index
    %swap3A_213 = tpu.vector_load %arg6[%swap3A_212] {strides = array<i32>} : memref<640xf32, #tpu.memory_space<vmem>>, vector<16xf32>,
    %swap3A_214 = vector.shape_cast %swap3A_213 : vector<16xf32> to vector<16xf32>
    %swap3A_215 = vector.shape_cast %broadcast_in_dim3A_211 : vector<16xf32> to vector<16xf32>
    tpu.vector_store %arg6[%swap3A_212], %swap3A_215 {strides = array<i32>} : memref<640xf32, #tpu.memory_space<vmem>>, vector<16xf32>,
    %broadcast_in_dim3A_216 = arith.constant 0.000000e+00 : f32
    %broadcast_in_dim3A_217 = vector.broadcast %broadcast_in_dim3A_216 : f32 to vector<16xf32>
    %swap3A_218 = arith.constant 528 : index
    %swap3A_219 = tpu.vector_load %arg6[%swap3A_218] {strides = array<i32>} : memref<640xf32, #tpu.memory_space<vmem>>, vector<16xf32>,
    %swap3A_220 = vector.shape_cast %swap3A_219 : vector<16xf32> to vector<16xf32>
    %swap3A_221 = vector.shape_cast %broadcast_in_dim3A_217 : vector<16xf32> to vector<16xf32>
    tpu.vector_store %arg6[%swap3A_218], %swap3A_221 {strides = array<i32>} : memref<640xf32, #tpu.memory_space<vmem>>, vector<16xf32>,
    %broadcast_in_dim3A_222 = arith.constant 0.000000e+00 : f32
    %broadcast_in_dim3A_223 = vector.broadcast %broadcast_in_dim3A_222 : f32 to vector<16xf32>
    %swap3A_224 = arith.constant 544 : index
    %swap3A_225 = tpu.vector_load %arg6[%swap3A_224] {strides = array<i32>} : memref<640xf32, #tpu.memory_space<vmem>>, vector<16xf32>,
    %swap3A_226 = vector.shape_cast %swap3A_225 : vector<16xf32> to vector<16xf32>
    %swap3A_227 = vector.shape_cast %broadcast_in_dim3A_223 : vector<16xf32> to vector<16xf32>
    tpu.vector_store %arg6[%swap3A_224], %swap3A_227 {strides = array<i32>} : memref<640xf32, #tpu.memory_space<vmem>>, vector<16xf32>,
    %broadcast_in_dim3A_228 = arith.constant 0.000000e+00 : f32
    %broadcast_in_dim3A_229 = vector.broadcast %broadcast_in_dim3A_228 : f32 to vector<16xf32>
    %swap3A_230 = arith.constant 560 : index
    %swap3A_231 = tpu.vector_load %arg6[%swap3A_230] {strides = array<i32>} : memref<640xf32, #tpu.memory_space<vmem>>, vector<16xf32>,
    %swap3A_232 = vector.shape_cast %swap3A_231 : vector<16xf32> to vector<16xf32>
    %swap3A_233 = vector.shape_cast %broadcast_in_dim3A_229 : vector<16xf32> to vector<16xf32>
    tpu.vector_store %arg6[%swap3A_230], %swap3A_233 {strides = array<i32>} : memref<640xf32, #tpu.memory_space<vmem>>, vector<16xf32>,
    %broadcast_in_dim3A_234 = arith.constant 0.000000e+00 : f32
    %broadcast_in_dim3A_235 = vector.broadcast %broadcast_in_dim3A_234 : f32 to vector<16xf32>
    %swap3A_236 = arith.constant 576 : index
    %swap3A_237 = tpu.vector_load %arg6[%swap3A_236] {strides = array<i32>} : memref<640xf32, #tpu.memory_space<vmem>>, vector<16xf32>,
    %swap3A_238 = vector.shape_cast %swap3A_237 : vector<16xf32> to vector<16xf32>
    %swap3A_239 = vector.shape_cast %broadcast_in_dim3A_235 : vector<16xf32> to vector<16xf32>
    tpu.vector_store %arg6[%swap3A_236], %swap3A_239 {strides = array<i32>} : memref<640xf32, #tpu.memory_space<vmem>>, vector<16xf32>,
    %broadcast_in_dim3A_240 = arith.constant 0.000000e+00 : f32
    %broadcast_in_dim3A_241 = vector.broadcast %broadcast_in_dim3A_240 : f32 to vector<16xf32>
    %swap3A_242 = arith.constant 592 : index
    %swap3A_243 = tpu.vector_load %arg6[%swap3A_242] {strides = array<i32>} : memref<640xf32, #tpu.memory_space<vmem>>, vector<16xf32>,
    %swap3A_244 = vector.shape_cast %swap3A_243 : vector<16xf32> to vector<16xf32>
    %swap3A_245 = vector.shape_cast %broadcast_in_dim3A_241 : vector<16xf32> to vector<16xf32>
    tpu.vector_store %arg6[%swap3A_242], %swap3A_245 {strides = array<i32>} : memref<640xf32, #tpu.memory_space<vmem>>, vector<16xf32>,
    %broadcast_in_dim3A_246 = arith.constant 0.000000e+00 : f32
    %broadcast_in_dim3A_247 = vector.broadcast %broadcast_in_dim3A_246 : f32 to vector<16xf32>
    %swap3A_248 = arith.constant 608 : index
    %swap3A_249 = tpu.vector_load %arg6[%swap3A_248] {strides = array<i32>} : memref<640xf32, #tpu.memory_space<vmem>>, vector<16xf32>,
    %swap3A_250 = vector.shape_cast %swap3A_249 : vector<16xf32> to vector<16xf32>
    %swap3A_251 = vector.shape_cast %broadcast_in_dim3A_247 : vector<16xf32> to vector<16xf32>
    tpu.vector_store %arg6[%swap3A_248], %swap3A_251 {strides = array<i32>} : memref<640xf32, #tpu.memory_space<vmem>>, vector<16xf32>,
    %broadcast_in_dim3A_252 = arith.constant 0.000000e+00 : f32
    %broadcast_in_dim3A_253 = vector.broadcast %broadcast_in_dim3A_252 : f32 to vector<16xf32>
    %swap3A_254 = arith.constant 624 : index
    %swap3A_255 = tpu.vector_load %arg6[%swap3A_254] {strides = array<i32>} : memref<640xf32, #tpu.memory_space<vmem>>, vector<16xf32>,
    %swap3A_256 = vector.shape_cast %swap3A_255 : vector<16xf32> to vector<16xf32>
    %swap3A_257 = vector.shape_cast %broadcast_in_dim3A_253 : vector<16xf32> to vector<16xf32>
    tpu.vector_store %arg6[%swap3A_254], %swap3A_257 {strides = array<i32>} : memref<640xf32, #tpu.memory_space<vmem>>, vector<16xf32>,
    %broadcast_in_dim3A_258 = arith.constant 1.000000e+00 : f32
    %broadcast_in_dim3A_259 = vector.broadcast %broadcast_in_dim3A_258 : f32 to vector<16xf32>
    %swap3A_260 = arith.constant 0 : index
    %swap3A_261 = tpu.vector_load %arg8[%swap3A_260] {strides = array<i32>} : memref<128xf32, #tpu.memory_space<vmem>>, vector<16xf32>,
    %swap3A_262 = vector.shape_cast %swap3A_261 : vector<16xf32> to vector<16xf32>
    %swap3A_263 = vector.shape_cast %broadcast_in_dim3A_259 : vector<16xf32> to vector<16xf32>
    tpu.vector_store %arg8[%swap3A_260], %swap3A_263 {strides = array<i32>} : memref<128xf32, #tpu.memory_space<vmem>>, vector<16xf32>,
    %broadcast_in_dim3A_264 = arith.constant 1.000000e+00 : f32
    %broadcast_in_dim3A_265 = vector.broadcast %broadcast_in_dim3A_264 : f32 to vector<16xf32>
    %swap3A_266 = arith.constant 16 : index
    %swap3A_267 = tpu.vector_load %arg8[%swap3A_266] {strides = array<i32>} : memref<128xf32, #tpu.memory_space<vmem>>, vector<16xf32>,
    %swap3A_268 = vector.shape_cast %swap3A_267 : vector<16xf32> to vector<16xf32>
    %swap3A_269 = vector.shape_cast %broadcast_in_dim3A_265 : vector<16xf32> to vector<16xf32>
    tpu.vector_store %arg8[%swap3A_266], %swap3A_269 {strides = array<i32>} : memref<128xf32, #tpu.memory_space<vmem>>, vector<16xf32>,
    %broadcast_in_dim3A_270 = arith.constant 1.000000e+00 : f32
    %broadcast_in_dim3A_271 = vector.broadcast %broadcast_in_dim3A_270 : f32 to vector<16xf32>
    %swap3A_272 = arith.constant 32 : index
    %swap3A_273 = tpu.vector_load %arg8[%swap3A_272] {strides = array<i32>} : memref<128xf32, #tpu.memory_space<vmem>>, vector<16xf32>,
    %swap3A_274 = vector.shape_cast %swap3A_273 : vector<16xf32> to vector<16xf32>
    %swap3A_275 = vector.shape_cast %broadcast_in_dim3A_271 : vector<16xf32> to vector<16xf32>
    tpu.vector_store %arg8[%swap3A_272], %swap3A_275 {strides = array<i32>} : memref<128xf32, #tpu.memory_space<vmem>>, vector<16xf32>,
    %broadcast_in_dim3A_276 = arith.constant 1.000000e+00 : f32
    %broadcast_in_dim3A_277 = vector.broadcast %broadcast_in_dim3A_276 : f32 to vector<16xf32>
    %swap3A_278 = arith.constant 48 : index
    %swap3A_279 = tpu.vector_load %arg8[%swap3A_278] {strides = array<i32>} : memref<128xf32, #tpu.memory_space<vmem>>, vector<16xf32>,
    %swap3A_280 = vector.shape_cast %swap3A_279 : vector<16xf32> to vector<16xf32>
    %swap3A_281 = vector.shape_cast %broadcast_in_dim3A_277 : vector<16xf32> to vector<16xf32>
    tpu.vector_store %arg8[%swap3A_278], %swap3A_281 {strides = array<i32>} : memref<128xf32, #tpu.memory_space<vmem>>, vector<16xf32>,
    %broadcast_in_dim3A_282 = arith.constant 1.000000e+00 : f32
    %broadcast_in_dim3A_283 = vector.broadcast %broadcast_in_dim3A_282 : f32 to vector<16xf32>
    %swap3A_284 = arith.constant 64 : index
    %swap3A_285 = tpu.vector_load %arg8[%swap3A_284] {strides = array<i32>} : memref<128xf32, #tpu.memory_space<vmem>>, vector<16xf32>,
    %swap3A_286 = vector.shape_cast %swap3A_285 : vector<16xf32> to vector<16xf32>
    %swap3A_287 = vector.shape_cast %broadcast_in_dim3A_283 : vector<16xf32> to vector<16xf32>
    tpu.vector_store %arg8[%swap3A_284], %swap3A_287 {strides = array<i32>} : memref<128xf32, #tpu.memory_space<vmem>>, vector<16xf32>,
    %broadcast_in_dim3A_288 = arith.constant 1.000000e+00 : f32
    %broadcast_in_dim3A_289 = vector.broadcast %broadcast_in_dim3A_288 : f32 to vector<16xf32>
    %swap3A_290 = arith.constant 80 : index
    %swap3A_291 = tpu.vector_load %arg8[%swap3A_290] {strides = array<i32>} : memref<128xf32, #tpu.memory_space<vmem>>, vector<16xf32>,
    %swap3A_292 = vector.shape_cast %swap3A_291 : vector<16xf32> to vector<16xf32>
    %swap3A_293 = vector.shape_cast %broadcast_in_dim3A_289 : vector<16xf32> to vector<16xf32>
    tpu.vector_store %arg8[%swap3A_290], %swap3A_293 {strides = array<i32>} : memref<128xf32, #tpu.memory_space<vmem>>, vector<16xf32>,
    %broadcast_in_dim3A_294 = arith.constant 1.000000e+00 : f32
    %broadcast_in_dim3A_295 = vector.broadcast %broadcast_in_dim3A_294 : f32 to vector<16xf32>
    %swap3A_296 = arith.constant 96 : index
    %swap3A_297 = tpu.vector_load %arg8[%swap3A_296] {strides = array<i32>} : memref<128xf32, #tpu.memory_space<vmem>>, vector<16xf32>,
    %swap3A_298 = vector.shape_cast %swap3A_297 : vector<16xf32> to vector<16xf32>
    %swap3A_299 = vector.shape_cast %broadcast_in_dim3A_295 : vector<16xf32> to vector<16xf32>
    tpu.vector_store %arg8[%swap3A_296], %swap3A_299 {strides = array<i32>} : memref<128xf32, #tpu.memory_space<vmem>>, vector<16xf32>,
    %broadcast_in_dim3A_300 = arith.constant 1.000000e+00 : f32
    %broadcast_in_dim3A_301 = vector.broadcast %broadcast_in_dim3A_300 : f32 to vector<16xf32>
    %swap3A_302 = arith.constant 112 : index
    %swap3A_303 = tpu.vector_load %arg8[%swap3A_302] {strides = array<i32>} : memref<128xf32, #tpu.memory_space<vmem>>, vector<16xf32>,
    %swap3A_304 = vector.shape_cast %swap3A_303 : vector<16xf32> to vector<16xf32>
    %swap3A_305 = vector.shape_cast %broadcast_in_dim3A_301 : vector<16xf32> to vector<16xf32>
    tpu.vector_store %arg8[%swap3A_302], %swap3A_305 {strides = array<i32>} : memref<128xf32, #tpu.memory_space<vmem>>, vector<16xf32>,
    "tpu.region"() ({
      %run_scoped3A_2373 = tpu.sem_alloc : memref<!tpu.dma_semaphore, #tpu.memory_space<semaphore_mem>>
      %dma_start3A_2374 = tpu.memref_slice %arg20[%mul3A_0] : memref<10240xf32, #tpu.memory_space<vmem_shared>> -> memref<640xf32, #tpu.memory_space<vmem_shared>>
      %dma_start3A_2375 = tpu.memref_slice %arg20[%mul3A_0] : memref<10240xf32, #tpu.memory_space<vmem_shared>> -> memref<640xf32, #tpu.memory_space<vmem_shared>>
      tpu.enqueue_dma source(%arg6 : memref<640xf32, #tpu.memory_space<vmem>>) target(%dma_start3A_2375 : memref<640xf32, #tpu.memory_space<vmem_shared>>) target_semaphore(%run_scoped3A_2373 : memref<!tpu.dma_semaphore, #tpu.memory_space<semaphore_mem>>)
      %dma_wait3A_2376 = tpu.memref_slice %arg20[%mul3A_0] : memref<10240xf32, #tpu.memory_space<vmem_shared>> -> memref<640xf32, #tpu.memory_space<vmem_shared>>
      %dma_wait3A_2377 = tpu.memref_slice %arg20[%mul3A_0] : memref<10240xf32, #tpu.memory_space<vmem_shared>> -> memref<640xf32, #tpu.memory_space<vmem_shared>>
      tpu.wait_dma2 semaphore(%run_scoped3A_2373 : memref<!tpu.dma_semaphore, #tpu.memory_space<semaphore_mem>>) src(%arg6 : memref<640xf32, #tpu.memory_space<vmem>>) dst(%dma_wait3A_2377 : memref<640xf32, #tpu.memory_space<vmem_shared>>)
      tpu.yield
    }) : () -> ()
    "tpu.region"() ({
      %run_scoped3A_2373 = tpu.sem_alloc : memref<!tpu.dma_semaphore, #tpu.memory_space<semaphore_mem>>
      %dma_start3A_2374 = tpu.memref_slice %arg22[%mul3A_0] : memref<10240xf32, #tpu.memory_space<vmem_shared>> -> memref<640xf32, #tpu.memory_space<vmem_shared>>
      %dma_start3A_2375 = tpu.memref_slice %arg22[%mul3A_0] : memref<10240xf32, #tpu.memory_space<vmem_shared>> -> memref<640xf32, #tpu.memory_space<vmem_shared>>
      tpu.enqueue_dma source(%arg6 : memref<640xf32, #tpu.memory_space<vmem>>) target(%dma_start3A_2375 : memref<640xf32, #tpu.memory_space<vmem_shared>>) target_semaphore(%run_scoped3A_2373 : memref<!tpu.dma_semaphore, #tpu.memory_space<semaphore_mem>>)
      %dma_wait3A_2376 = tpu.memref_slice %arg22[%mul3A_0] : memref<10240xf32, #tpu.memory_space<vmem_shared>> -> memref<640xf32, #tpu.memory_space<vmem_shared>>
      %dma_wait3A_2377 = tpu.memref_slice %arg22[%mul3A_0] : memref<10240xf32, #tpu.memory_space<vmem_shared>> -> memref<640xf32, #tpu.memory_space<vmem_shared>>
      tpu.wait_dma2 semaphore(%run_scoped3A_2373 : memref<!tpu.dma_semaphore, #tpu.memory_space<semaphore_mem>>) src(%arg6 : memref<640xf32, #tpu.memory_space<vmem>>) dst(%dma_wait3A_2377 : memref<640xf32, #tpu.memory_space<vmem_shared>>)
      tpu.yield
    }) : () -> ()
    %dma_wait3A = arith.constant 0 : i32
    %dma_wait3A_306 = arith.constant 0 : i32
    %dma_wait3A_307 = tpu.memref_slice %arg2[%dma_wait3A, %dma_wait3A_306] : memref<2560x128xi32, #tpu.memory_space<hbm>> -> memref<160x128xi32, #tpu.memory_space<hbm>>
    %dma_wait3A_308 = arith.constant 0 : i32
    %dma_wait3A_309 = arith.constant 0 : i32
    %dma_wait3A_310 = tpu.memref_slice %arg2[%dma_wait3A_308, %dma_wait3A_309] : memref<2560x128xi32, #tpu.memory_space<hbm>> -> memref<160x128xi32, #tpu.memory_space<hbm>>
    tpu.wait_dma2 semaphore(%arg14 : memref<!tpu.dma_semaphore, #tpu.memory_space<semaphore_mem>>) src(%dma_wait3A_310 : memref<160x128xi32, #tpu.memory_space<hbm>>) dst(%arg9 : memref<160x128xi32, #tpu.memory_space<vmem>>)
    %dma_wait3A_311 = arith.constant 0 : i32
    %dma_wait3A_312 = arith.constant 0 : i32
    %dma_wait3A_313 = tpu.memref_slice %arg2[%dma_wait3A_311, %dma_wait3A_312] : memref<2560x128xi32, #tpu.memory_space<hbm>> -> memref<80x128xi32, #tpu.memory_space<hbm>>
    %dma_wait3A_314 = arith.constant 0 : i32
    %dma_wait3A_315 = arith.constant 0 : i32
    %dma_wait3A_316 = tpu.memref_slice %arg2[%dma_wait3A_314, %dma_wait3A_315] : memref<2560x128xi32, #tpu.memory_space<hbm>> -> memref<80x128xi32, #tpu.memory_space<hbm>>
    tpu.wait_dma2 semaphore(%arg15 : memref<!tpu.dma_semaphore, #tpu.memory_space<semaphore_mem>>) src(%dma_wait3A_316 : memref<80x128xi32, #tpu.memory_space<hbm>>) dst(%arg10 : memref<80x128xi32, #tpu.memory_space<vmem>>)
    %dma_wait3A_317 = arith.constant 0 : i32
    %dma_wait3A_318 = arith.constant 0 : i32
    %dma_wait3A_319 = tpu.memref_slice %arg3[%dma_wait3A_317, %dma_wait3A_318] : memref<2560x128xi32, #tpu.memory_space<hbm>> -> memref<80x128xi32, #tpu.memory_space<hbm>>
    %dma_wait3A_320 = arith.constant 0 : i32
    %dma_wait3A_321 = arith.constant 0 : i32
    %dma_wait3A_322 = tpu.memref_slice %arg3[%dma_wait3A_320, %dma_wait3A_321] : memref<2560x128xi32, #tpu.memory_space<hbm>> -> memref<80x128xi32, #tpu.memory_space<hbm>>
    tpu.wait_dma2 semaphore(%arg15 : memref<!tpu.dma_semaphore, #tpu.memory_space<semaphore_mem>>) src(%dma_wait3A_322 : memref<80x128xi32, #tpu.memory_space<hbm>>) dst(%arg11 : memref<80x128xi32, #tpu.memory_space<vmem>>)
    %barrier3A = arith.constant 0 : index
    tpu.barrier barrier_id(%barrier3A)
    %scan3A = arith.constant 0 : i32
    %scan3A_323 = arith.constant 0 : i32
    %scan3A_324 = arith.constant 160 : i32
    %scan3A_325 = arith.addi %scan3A_323, %scan3A_324 : i32
    %scan3A_326 = arith.constant 1 : i32
    scf.for %scan3A_2373 = %scan3A_323 to %scan3A_325 step %scan3A_326  : i32 {
      %dma_start3A_2374 = arith.constant 0 : i32
      %dma_start3A_2375 = tpu.memref_slice %arg9[%scan3A_2373, %dma_start3A_2374] : memref<160x128xi32, #tpu.memory_space<vmem>> -> memref<1x128xi32, #tpu.memory_space<vmem>>
      %dma_start3A_2376 = tpu.memref_squeeze %dma_start3A_2375 : memref<1x128xi32, #tpu.memory_space<vmem>> -> memref<128xi32, #tpu.memory_space<vmem>>
      %dma_start3A_2377 = arith.constant 0 : i32
      %dma_start3A_2378 = tpu.memref_slice %arg20[%dma_start3A_2377] : memref<10240xf32, #tpu.memory_space<vmem_shared>> -> memref<10240xf32, #tpu.memory_space<vmem_shared>>
      tpu.enqueue_indirect_dma source(%arg8 : memref<128xf32, #tpu.memory_space<vmem>>) target(%dma_start3A_2378 : memref<10240xf32, #tpu.memory_space<vmem_shared>>) offsets(%dma_start3A_2376 : memref<128xi32, #tpu.memory_space<vmem>>) semaphore(%arg14 : memref<!tpu.dma_semaphore, #tpu.memory_space<semaphore_mem>>) {add = true}
      %ge3A = arith.constant 8 : i32
      %ge3A_2379 = arith.cmpi sge, %scan3A_2373, %ge3A : i32
      %convert_element_type3A_2380 = arith.extui %ge3A_2379 : i1 to i32
      %cond3A_2381 = arith.constant 0 : i32
      %cond3A_2382 = arith.cmpi ne, %convert_element_type3A_2380, %cond3A_2381 : i32
      scf.if %cond3A_2382 {
        %dma_wait3A_2383 = arith.constant 0 : i32
        %dma_wait3A_2384 = tpu.memref_slice %arg4[%dma_wait3A_2383] : memref<10240xf32, #tpu.memory_space<hbm>> -> memref<128xf32, #tpu.memory_space<hbm>>
        %dma_wait3A_2385 = arith.constant 0 : i32
        %dma_wait3A_2386 = tpu.memref_slice %arg4[%dma_wait3A_2385] : memref<10240xf32, #tpu.memory_space<hbm>> -> memref<128xf32, #tpu.memory_space<hbm>>
        tpu.wait_dma2 semaphore(%arg14 : memref<!tpu.dma_semaphore, #tpu.memory_space<semaphore_mem>>) src(%dma_wait3A_2386 : memref<128xf32, #tpu.memory_space<hbm>>) dst(%arg8 : memref<128xf32, #tpu.memory_space<vmem>>)
      } else {
      }
    }
    %scan3A_327 = arith.constant 160 : i32
    %dma_wait3A_328 = arith.constant 0 : i32
    %dma_wait3A_329 = tpu.memref_slice %arg4[%dma_wait3A_328] : memref<10240xf32, #tpu.memory_space<hbm>> -> memref<128xf32, #tpu.memory_space<hbm>>
    %dma_wait3A_330 = arith.constant 0 : i32
    %dma_wait3A_331 = tpu.memref_slice %arg4[%dma_wait3A_330] : memref<10240xf32, #tpu.memory_space<hbm>> -> memref<128xf32, #tpu.memory_space<hbm>>
    tpu.wait_dma2 semaphore(%arg14 : memref<!tpu.dma_semaphore, #tpu.memory_space<semaphore_mem>>) src(%dma_wait3A_331 : memref<128xf32, #tpu.memory_space<hbm>>) dst(%arg8 : memref<128xf32, #tpu.memory_space<vmem>>)
    %dma_wait3A_332 = arith.constant 0 : i32
    %dma_wait3A_333 = tpu.memref_slice %arg4[%dma_wait3A_332] : memref<10240xf32, #tpu.memory_space<hbm>> -> memref<128xf32, #tpu.memory_space<hbm>>
    %dma_wait3A_334 = arith.constant 0 : i32
    %dma_wait3A_335 = tpu.memref_slice %arg4[%dma_wait3A_334] : memref<10240xf32, #tpu.memory_space<hbm>> -> memref<128xf32, #tpu.memory_space<hbm>>
    tpu.wait_dma2 semaphore(%arg14 : memref<!tpu.dma_semaphore, #tpu.memory_space<semaphore_mem>>) src(%dma_wait3A_335 : memref<128xf32, #tpu.memory_space<hbm>>) dst(%arg8 : memref<128xf32, #tpu.memory_space<vmem>>)
    %dma_wait3A_336 = arith.constant 0 : i32
    %dma_wait3A_337 = tpu.memref_slice %arg4[%dma_wait3A_336] : memref<10240xf32, #tpu.memory_space<hbm>> -> memref<128xf32, #tpu.memory_space<hbm>>
    %dma_wait3A_338 = arith.constant 0 : i32
    %dma_wait3A_339 = tpu.memref_slice %arg4[%dma_wait3A_338] : memref<10240xf32, #tpu.memory_space<hbm>> -> memref<128xf32, #tpu.memory_space<hbm>>
    tpu.wait_dma2 semaphore(%arg14 : memref<!tpu.dma_semaphore, #tpu.memory_space<semaphore_mem>>) src(%dma_wait3A_339 : memref<128xf32, #tpu.memory_space<hbm>>) dst(%arg8 : memref<128xf32, #tpu.memory_space<vmem>>)
    %dma_wait3A_340 = arith.constant 0 : i32
    %dma_wait3A_341 = tpu.memref_slice %arg4[%dma_wait3A_340] : memref<10240xf32, #tpu.memory_space<hbm>> -> memref<128xf32, #tpu.memory_space<hbm>>
    %dma_wait3A_342 = arith.constant 0 : i32
    %dma_wait3A_343 = tpu.memref_slice %arg4[%dma_wait3A_342] : memref<10240xf32, #tpu.memory_space<hbm>> -> memref<128xf32, #tpu.memory_space<hbm>>
    tpu.wait_dma2 semaphore(%arg14 : memref<!tpu.dma_semaphore, #tpu.memory_space<semaphore_mem>>) src(%dma_wait3A_343 : memref<128xf32, #tpu.memory_space<hbm>>) dst(%arg8 : memref<128xf32, #tpu.memory_space<vmem>>)
    %dma_wait3A_344 = arith.constant 0 : i32
    %dma_wait3A_345 = tpu.memref_slice %arg4[%dma_wait3A_344] : memref<10240xf32, #tpu.memory_space<hbm>> -> memref<128xf32, #tpu.memory_space<hbm>>
    %dma_wait3A_346 = arith.constant 0 : i32
    %dma_wait3A_347 = tpu.memref_slice %arg4[%dma_wait3A_346] : memref<10240xf32, #tpu.memory_space<hbm>> -> memref<128xf32, #tpu.memory_space<hbm>>
    tpu.wait_dma2 semaphore(%arg14 : memref<!tpu.dma_semaphore, #tpu.memory_space<semaphore_mem>>) src(%dma_wait3A_347 : memref<128xf32, #tpu.memory_space<hbm>>) dst(%arg8 : memref<128xf32, #tpu.memory_space<vmem>>)
    %dma_wait3A_348 = arith.constant 0 : i32
    %dma_wait3A_349 = tpu.memref_slice %arg4[%dma_wait3A_348] : memref<10240xf32, #tpu.memory_space<hbm>> -> memref<128xf32, #tpu.memory_space<hbm>>
    %dma_wait3A_350 = arith.constant 0 : i32
    %dma_wait3A_351 = tpu.memref_slice %arg4[%dma_wait3A_350] : memref<10240xf32, #tpu.memory_space<hbm>> -> memref<128xf32, #tpu.memory_space<hbm>>
    tpu.wait_dma2 semaphore(%arg14 : memref<!tpu.dma_semaphore, #tpu.memory_space<semaphore_mem>>) src(%dma_wait3A_351 : memref<128xf32, #tpu.memory_space<hbm>>) dst(%arg8 : memref<128xf32, #tpu.memory_space<vmem>>)
    %dma_wait3A_352 = arith.constant 0 : i32
    %dma_wait3A_353 = tpu.memref_slice %arg4[%dma_wait3A_352] : memref<10240xf32, #tpu.memory_space<hbm>> -> memref<128xf32, #tpu.memory_space<hbm>>
    %dma_wait3A_354 = arith.constant 0 : i32
    %dma_wait3A_355 = tpu.memref_slice %arg4[%dma_wait3A_354] : memref<10240xf32, #tpu.memory_space<hbm>> -> memref<128xf32, #tpu.memory_space<hbm>>
    tpu.wait_dma2 semaphore(%arg14 : memref<!tpu.dma_semaphore, #tpu.memory_space<semaphore_mem>>) src(%dma_wait3A_355 : memref<128xf32, #tpu.memory_space<hbm>>) dst(%arg8 : memref<128xf32, #tpu.memory_space<vmem>>)
    %dma_wait3A_356 = arith.constant 0 : i32
    %dma_wait3A_357 = tpu.memref_slice %arg4[%dma_wait3A_356] : memref<10240xf32, #tpu.memory_space<hbm>> -> memref<128xf32, #tpu.memory_space<hbm>>
    %dma_wait3A_358 = arith.constant 0 : i32
    %dma_wait3A_359 = tpu.memref_slice %arg4[%dma_wait3A_358] : memref<10240xf32, #tpu.memory_space<hbm>> -> memref<128xf32, #tpu.memory_space<hbm>>
    tpu.wait_dma2 semaphore(%arg14 : memref<!tpu.dma_semaphore, #tpu.memory_space<semaphore_mem>>) src(%dma_wait3A_359 : memref<128xf32, #tpu.memory_space<hbm>>) dst(%arg8 : memref<128xf32, #tpu.memory_space<vmem>>)
    %barrier3A_360 = arith.constant 0 : index
    tpu.barrier barrier_id(%barrier3A_360)
    "tpu.region"() ({
      %run_scoped3A_2373 = tpu.sem_alloc : memref<!tpu.dma_semaphore, #tpu.memory_space<semaphore_mem>>
      %dma_start3A_2374 = tpu.memref_slice %arg20[%mul3A_0] : memref<10240xf32, #tpu.memory_space<vmem_shared>> -> memref<640xf32, #tpu.memory_space<vmem_shared>>
      %dma_start3A_2375 = tpu.memref_slice %arg20[%mul3A_0] : memref<10240xf32, #tpu.memory_space<vmem_shared>> -> memref<640xf32, #tpu.memory_space<vmem_shared>>
      tpu.enqueue_dma source(%dma_start3A_2375 : memref<640xf32, #tpu.memory_space<vmem_shared>>) target(%arg7 : memref<640xf32, #tpu.memory_space<vmem>>) target_semaphore(%run_scoped3A_2373 : memref<!tpu.dma_semaphore, #tpu.memory_space<semaphore_mem>>)
      %dma_wait3A_2376 = tpu.memref_slice %arg20[%mul3A_0] : memref<10240xf32, #tpu.memory_space<vmem_shared>> -> memref<640xf32, #tpu.memory_space<vmem_shared>>
      %dma_wait3A_2377 = tpu.memref_slice %arg20[%mul3A_0] : memref<10240xf32, #tpu.memory_space<vmem_shared>> -> memref<640xf32, #tpu.memory_space<vmem_shared>>
      tpu.wait_dma2 semaphore(%run_scoped3A_2373 : memref<!tpu.dma_semaphore, #tpu.memory_space<semaphore_mem>>) src(%dma_wait3A_2377 : memref<640xf32, #tpu.memory_space<vmem_shared>>) dst(%arg7 : memref<640xf32, #tpu.memory_space<vmem>>)
      tpu.yield
    }) : () -> ()
    %get3A = arith.constant 0 : index
    %get3A_361 = tpu.vector_load %arg7[%get3A] {strides = array<i32>} : memref<640xf32, #tpu.memory_space<vmem>>, vector<16xf32>,
    %get3A_362 = vector.shape_cast %get3A_361 : vector<16xf32> to vector<16xf32>
    %add3A_363 = arith.constant 1.000000e+00 : f32
    %add3A_364 = vector.broadcast %add3A_363 : f32 to vector<16xf32>
    %add3A_365 = arith.addf %get3A_362, %add3A_364 : vector<16xf32>
    %bitcast_convert_type3A = tpu.bitcast %add3A_365 : vector<16xf32> -> vector<16xi32>
    %shift_right_logical3A = arith.constant 1 : i32
    %shift_right_logical3A_366 = vector.broadcast %shift_right_logical3A : i32 to vector<16xi32>
    %shift_right_logical3A_367 = arith.shrui %bitcast_convert_type3A, %shift_right_logical3A_366 : vector<16xi32>
    %sub3A = arith.constant 1597463007 : i32
    %sub3A_368 = vector.broadcast %sub3A : i32 to vector<16xi32>
    %sub3A_369 = arith.subi %sub3A_368, %shift_right_logical3A_367 : vector<16xi32>
    %bitcast_convert_type3A_370 = tpu.bitcast %sub3A_369 : vector<16xi32> -> vector<16xf32>
    %mul3A_371 = arith.constant 5.000000e-01 : f32
    %mul3A_372 = vector.broadcast %mul3A_371 : f32 to vector<16xf32>
    %mul3A_373 = arith.mulf %add3A_365, %mul3A_372 : vector<16xf32>
    %mul3A_374 = arith.mulf %mul3A_373, %bitcast_convert_type3A_370 : vector<16xf32>
    %mul3A_375 = arith.mulf %mul3A_374, %bitcast_convert_type3A_370 : vector<16xf32>
    %sub3A_376 = arith.constant 1.500000e+00 : f32
    %sub3A_377 = vector.broadcast %sub3A_376 : f32 to vector<16xf32>
    %sub3A_378 = arith.subf %sub3A_377, %mul3A_375 : vector<16xf32>
    %mul3A_379 = arith.mulf %bitcast_convert_type3A_370, %sub3A_378 : vector<16xf32>
    %mul3A_380 = arith.mulf %mul3A_373, %mul3A_379 : vector<16xf32>
    %mul3A_381 = arith.mulf %mul3A_380, %mul3A_379 : vector<16xf32>
    %sub3A_382 = arith.constant 1.500000e+00 : f32
    %sub3A_383 = vector.broadcast %sub3A_382 : f32 to vector<16xf32>
    %sub3A_384 = arith.subf %sub3A_383, %mul3A_381 : vector<16xf32>
    %mul3A_385 = arith.mulf %mul3A_379, %sub3A_384 : vector<16xf32>
    %mul3A_386 = arith.mulf %mul3A_373, %mul3A_385 : vector<16xf32>
    %mul3A_387 = arith.mulf %mul3A_386, %mul3A_385 : vector<16xf32>
    %sub3A_388 = arith.constant 1.500000e+00 : f32
    %sub3A_389 = vector.broadcast %sub3A_388 : f32 to vector<16xf32>
    %sub3A_390 = arith.subf %sub3A_389, %mul3A_387 : vector<16xf32>
    %mul3A_391 = arith.mulf %mul3A_385, %sub3A_390 : vector<16xf32>
    %add3A_392 = arith.constant 0 : i32
    %add3A_393 = arith.addi %mul3A_0, %add3A_392 : i32
    %iota3A = tpu.iota {dimensions = array<i32: 0>} : vector<16xi32>
    %add3A_394 = vector.broadcast %add3A_393 : i32 to vector<16xi32>
    %add3A_395 = arith.addi %add3A_394, %iota3A : vector<16xi32>
    %lt3A = arith.constant 10000 : i32
    %lt3A_396 = vector.broadcast %lt3A : i32 to vector<16xi32>
    %lt3A_397 = arith.cmpi slt, %add3A_395, %lt3A_396 : vector<16xi32>
    %jit3A = arith.constant 0.000000e+00 : f32
    %broadcast_in_dim3A_398 = vector.broadcast %jit3A : f32 to vector<16xf32>
    %select_n3A = arith.select %lt3A_397, %mul3A_391, %broadcast_in_dim3A_398 : vector<16xi1>, vector<16xf32>
    %swap3A_399 = arith.constant 0 : index
    %swap3A_400 = tpu.vector_load %arg7[%swap3A_399] {strides = array<i32>} : memref<640xf32, #tpu.memory_space<vmem>>, vector<16xf32>,
    %swap3A_401 = vector.shape_cast %swap3A_400 : vector<16xf32> to vector<16xf32>
    %swap3A_402 = vector.shape_cast %select_n3A : vector<16xf32> to vector<16xf32>
    tpu.vector_store %arg7[%swap3A_399], %swap3A_402 {strides = array<i32>} : memref<640xf32, #tpu.memory_space<vmem>>, vector<16xf32>,
    %get3A_403 = arith.constant 16 : index
    %get3A_404 = tpu.vector_load %arg7[%get3A_403] {strides = array<i32>} : memref<640xf32, #tpu.memory_space<vmem>>, vector<16xf32>,
    %get3A_405 = vector.shape_cast %get3A_404 : vector<16xf32> to vector<16xf32>
    %add3A_406 = arith.constant 1.000000e+00 : f32
    %add3A_407 = vector.broadcast %add3A_406 : f32 to vector<16xf32>
    %add3A_408 = arith.addf %get3A_405, %add3A_407 : vector<16xf32>
    %bitcast_convert_type3A_409 = tpu.bitcast %add3A_408 : vector<16xf32> -> vector<16xi32>
    %shift_right_logical3A_410 = arith.constant 1 : i32
    %shift_right_logical3A_411 = vector.broadcast %shift_right_logical3A_410 : i32 to vector<16xi32>
    %shift_right_logical3A_412 = arith.shrui %bitcast_convert_type3A_409, %shift_right_logical3A_411 : vector<16xi32>
    %sub3A_413 = arith.constant 1597463007 : i32
    %sub3A_414 = vector.broadcast %sub3A_413 : i32 to vector<16xi32>
    %sub3A_415 = arith.subi %sub3A_414, %shift_right_logical3A_412 : vector<16xi32>
    %bitcast_convert_type3A_416 = tpu.bitcast %sub3A_415 : vector<16xi32> -> vector<16xf32>
    %mul3A_417 = arith.constant 5.000000e-01 : f32
    %mul3A_418 = vector.broadcast %mul3A_417 : f32 to vector<16xf32>
    %mul3A_419 = arith.mulf %add3A_408, %mul3A_418 : vector<16xf32>
    %mul3A_420 = arith.mulf %mul3A_419, %bitcast_convert_type3A_416 : vector<16xf32>
    %mul3A_421 = arith.mulf %mul3A_420, %bitcast_convert_type3A_416 : vector<16xf32>
    %sub3A_422 = arith.constant 1.500000e+00 : f32
    %sub3A_423 = vector.broadcast %sub3A_422 : f32 to vector<16xf32>
    %sub3A_424 = arith.subf %sub3A_423, %mul3A_421 : vector<16xf32>
    %mul3A_425 = arith.mulf %bitcast_convert_type3A_416, %sub3A_424 : vector<16xf32>
    %mul3A_426 = arith.mulf %mul3A_419, %mul3A_425 : vector<16xf32>
    %mul3A_427 = arith.mulf %mul3A_426, %mul3A_425 : vector<16xf32>
    %sub3A_428 = arith.constant 1.500000e+00 : f32
    %sub3A_429 = vector.broadcast %sub3A_428 : f32 to vector<16xf32>
    %sub3A_430 = arith.subf %sub3A_429, %mul3A_427 : vector<16xf32>
    %mul3A_431 = arith.mulf %mul3A_425, %sub3A_430 : vector<16xf32>
    %mul3A_432 = arith.mulf %mul3A_419, %mul3A_431 : vector<16xf32>
    %mul3A_433 = arith.mulf %mul3A_432, %mul3A_431 : vector<16xf32>
    %sub3A_434 = arith.constant 1.500000e+00 : f32
    %sub3A_435 = vector.broadcast %sub3A_434 : f32 to vector<16xf32>
    %sub3A_436 = arith.subf %sub3A_435, %mul3A_433 : vector<16xf32>
    %mul3A_437 = arith.mulf %mul3A_431, %sub3A_436 : vector<16xf32>
    %add3A_438 = arith.constant 16 : i32
    %add3A_439 = arith.addi %mul3A_0, %add3A_438 : i32
    %iota3A_440 = tpu.iota {dimensions = array<i32: 0>} : vector<16xi32>
    %add3A_441 = vector.broadcast %add3A_439 : i32 to vector<16xi32>
    %add3A_442 = arith.addi %add3A_441, %iota3A_440 : vector<16xi32>
    %lt3A_443 = arith.constant 10000 : i32
    %lt3A_444 = vector.broadcast %lt3A_443 : i32 to vector<16xi32>
    %lt3A_445 = arith.cmpi slt, %add3A_442, %lt3A_444 : vector<16xi32>
    %jit3A_446 = arith.constant 0.000000e+00 : f32
    %broadcast_in_dim3A_447 = vector.broadcast %jit3A_446 : f32 to vector<16xf32>
    %select_n3A_448 = arith.select %lt3A_445, %mul3A_437, %broadcast_in_dim3A_447 : vector<16xi1>, vector<16xf32>
    %swap3A_449 = arith.constant 16 : index
    %swap3A_450 = tpu.vector_load %arg7[%swap3A_449] {strides = array<i32>} : memref<640xf32, #tpu.memory_space<vmem>>, vector<16xf32>,
    %swap3A_451 = vector.shape_cast %swap3A_450 : vector<16xf32> to vector<16xf32>
    %swap3A_452 = vector.shape_cast %select_n3A_448 : vector<16xf32> to vector<16xf32>
    tpu.vector_store %arg7[%swap3A_449], %swap3A_452 {strides = array<i32>} : memref<640xf32, #tpu.memory_space<vmem>>, vector<16xf32>,
    %get3A_453 = arith.constant 32 : index
    %get3A_454 = tpu.vector_load %arg7[%get3A_453] {strides = array<i32>} : memref<640xf32, #tpu.memory_space<vmem>>, vector<16xf32>,
    %get3A_455 = vector.shape_cast %get3A_454 : vector<16xf32> to vector<16xf32>
    %add3A_456 = arith.constant 1.000000e+00 : f32
    %add3A_457 = vector.broadcast %add3A_456 : f32 to vector<16xf32>
    %add3A_458 = arith.addf %get3A_455, %add3A_457 : vector<16xf32>
    %bitcast_convert_type3A_459 = tpu.bitcast %add3A_458 : vector<16xf32> -> vector<16xi32>
    %shift_right_logical3A_460 = arith.constant 1 : i32
    %shift_right_logical3A_461 = vector.broadcast %shift_right_logical3A_460 : i32 to vector<16xi32>
    %shift_right_logical3A_462 = arith.shrui %bitcast_convert_type3A_459, %shift_right_logical3A_461 : vector<16xi32>
    %sub3A_463 = arith.constant 1597463007 : i32
    %sub3A_464 = vector.broadcast %sub3A_463 : i32 to vector<16xi32>
    %sub3A_465 = arith.subi %sub3A_464, %shift_right_logical3A_462 : vector<16xi32>
    %bitcast_convert_type3A_466 = tpu.bitcast %sub3A_465 : vector<16xi32> -> vector<16xf32>
    %mul3A_467 = arith.constant 5.000000e-01 : f32
    %mul3A_468 = vector.broadcast %mul3A_467 : f32 to vector<16xf32>
    %mul3A_469 = arith.mulf %add3A_458, %mul3A_468 : vector<16xf32>
    %mul3A_470 = arith.mulf %mul3A_469, %bitcast_convert_type3A_466 : vector<16xf32>
    %mul3A_471 = arith.mulf %mul3A_470, %bitcast_convert_type3A_466 : vector<16xf32>
    %sub3A_472 = arith.constant 1.500000e+00 : f32
    %sub3A_473 = vector.broadcast %sub3A_472 : f32 to vector<16xf32>
    %sub3A_474 = arith.subf %sub3A_473, %mul3A_471 : vector<16xf32>
    %mul3A_475 = arith.mulf %bitcast_convert_type3A_466, %sub3A_474 : vector<16xf32>
    %mul3A_476 = arith.mulf %mul3A_469, %mul3A_475 : vector<16xf32>
    %mul3A_477 = arith.mulf %mul3A_476, %mul3A_475 : vector<16xf32>
    %sub3A_478 = arith.constant 1.500000e+00 : f32
    %sub3A_479 = vector.broadcast %sub3A_478 : f32 to vector<16xf32>
    %sub3A_480 = arith.subf %sub3A_479, %mul3A_477 : vector<16xf32>
    %mul3A_481 = arith.mulf %mul3A_475, %sub3A_480 : vector<16xf32>
    %mul3A_482 = arith.mulf %mul3A_469, %mul3A_481 : vector<16xf32>
    %mul3A_483 = arith.mulf %mul3A_482, %mul3A_481 : vector<16xf32>
    %sub3A_484 = arith.constant 1.500000e+00 : f32
    %sub3A_485 = vector.broadcast %sub3A_484 : f32 to vector<16xf32>
    %sub3A_486 = arith.subf %sub3A_485, %mul3A_483 : vector<16xf32>
    %mul3A_487 = arith.mulf %mul3A_481, %sub3A_486 : vector<16xf32>
    %add3A_488 = arith.constant 32 : i32
    %add3A_489 = arith.addi %mul3A_0, %add3A_488 : i32
    %iota3A_490 = tpu.iota {dimensions = array<i32: 0>} : vector<16xi32>
    %add3A_491 = vector.broadcast %add3A_489 : i32 to vector<16xi32>
    %add3A_492 = arith.addi %add3A_491, %iota3A_490 : vector<16xi32>
    %lt3A_493 = arith.constant 10000 : i32
    %lt3A_494 = vector.broadcast %lt3A_493 : i32 to vector<16xi32>
    %lt3A_495 = arith.cmpi slt, %add3A_492, %lt3A_494 : vector<16xi32>
    %jit3A_496 = arith.constant 0.000000e+00 : f32
    %broadcast_in_dim3A_497 = vector.broadcast %jit3A_496 : f32 to vector<16xf32>
    %select_n3A_498 = arith.select %lt3A_495, %mul3A_487, %broadcast_in_dim3A_497 : vector<16xi1>, vector<16xf32>
    %swap3A_499 = arith.constant 32 : index
    %swap3A_500 = tpu.vector_load %arg7[%swap3A_499] {strides = array<i32>} : memref<640xf32, #tpu.memory_space<vmem>>, vector<16xf32>,
    %swap3A_501 = vector.shape_cast %swap3A_500 : vector<16xf32> to vector<16xf32>
    %swap3A_502 = vector.shape_cast %select_n3A_498 : vector<16xf32> to vector<16xf32>
    tpu.vector_store %arg7[%swap3A_499], %swap3A_502 {strides = array<i32>} : memref<640xf32, #tpu.memory_space<vmem>>, vector<16xf32>,
    %get3A_503 = arith.constant 48 : index
    %get3A_504 = tpu.vector_load %arg7[%get3A_503] {strides = array<i32>} : memref<640xf32, #tpu.memory_space<vmem>>, vector<16xf32>,
    %get3A_505 = vector.shape_cast %get3A_504 : vector<16xf32> to vector<16xf32>
    %add3A_506 = arith.constant 1.000000e+00 : f32
    %add3A_507 = vector.broadcast %add3A_506 : f32 to vector<16xf32>
    %add3A_508 = arith.addf %get3A_505, %add3A_507 : vector<16xf32>
    %bitcast_convert_type3A_509 = tpu.bitcast %add3A_508 : vector<16xf32> -> vector<16xi32>
    %shift_right_logical3A_510 = arith.constant 1 : i32
    %shift_right_logical3A_511 = vector.broadcast %shift_right_logical3A_510 : i32 to vector<16xi32>
    %shift_right_logical3A_512 = arith.shrui %bitcast_convert_type3A_509, %shift_right_logical3A_511 : vector<16xi32>
    %sub3A_513 = arith.constant 1597463007 : i32
    %sub3A_514 = vector.broadcast %sub3A_513 : i32 to vector<16xi32>
    %sub3A_515 = arith.subi %sub3A_514, %shift_right_logical3A_512 : vector<16xi32>
    %bitcast_convert_type3A_516 = tpu.bitcast %sub3A_515 : vector<16xi32> -> vector<16xf32>
    %mul3A_517 = arith.constant 5.000000e-01 : f32
    %mul3A_518 = vector.broadcast %mul3A_517 : f32 to vector<16xf32>
    %mul3A_519 = arith.mulf %add3A_508, %mul3A_518 : vector<16xf32>
    %mul3A_520 = arith.mulf %mul3A_519, %bitcast_convert_type3A_516 : vector<16xf32>
    %mul3A_521 = arith.mulf %mul3A_520, %bitcast_convert_type3A_516 : vector<16xf32>
    %sub3A_522 = arith.constant 1.500000e+00 : f32
    %sub3A_523 = vector.broadcast %sub3A_522 : f32 to vector<16xf32>
    %sub3A_524 = arith.subf %sub3A_523, %mul3A_521 : vector<16xf32>
    %mul3A_525 = arith.mulf %bitcast_convert_type3A_516, %sub3A_524 : vector<16xf32>
    %mul3A_526 = arith.mulf %mul3A_519, %mul3A_525 : vector<16xf32>
    %mul3A_527 = arith.mulf %mul3A_526, %mul3A_525 : vector<16xf32>
    %sub3A_528 = arith.constant 1.500000e+00 : f32
    %sub3A_529 = vector.broadcast %sub3A_528 : f32 to vector<16xf32>
    %sub3A_530 = arith.subf %sub3A_529, %mul3A_527 : vector<16xf32>
    %mul3A_531 = arith.mulf %mul3A_525, %sub3A_530 : vector<16xf32>
    %mul3A_532 = arith.mulf %mul3A_519, %mul3A_531 : vector<16xf32>
    %mul3A_533 = arith.mulf %mul3A_532, %mul3A_531 : vector<16xf32>
    %sub3A_534 = arith.constant 1.500000e+00 : f32
    %sub3A_535 = vector.broadcast %sub3A_534 : f32 to vector<16xf32>
    %sub3A_536 = arith.subf %sub3A_535, %mul3A_533 : vector<16xf32>
    %mul3A_537 = arith.mulf %mul3A_531, %sub3A_536 : vector<16xf32>
    %add3A_538 = arith.constant 48 : i32
    %add3A_539 = arith.addi %mul3A_0, %add3A_538 : i32
    %iota3A_540 = tpu.iota {dimensions = array<i32: 0>} : vector<16xi32>
    %add3A_541 = vector.broadcast %add3A_539 : i32 to vector<16xi32>
    %add3A_542 = arith.addi %add3A_541, %iota3A_540 : vector<16xi32>
    %lt3A_543 = arith.constant 10000 : i32
    %lt3A_544 = vector.broadcast %lt3A_543 : i32 to vector<16xi32>
    %lt3A_545 = arith.cmpi slt, %add3A_542, %lt3A_544 : vector<16xi32>
    %jit3A_546 = arith.constant 0.000000e+00 : f32
    %broadcast_in_dim3A_547 = vector.broadcast %jit3A_546 : f32 to vector<16xf32>
    %select_n3A_548 = arith.select %lt3A_545, %mul3A_537, %broadcast_in_dim3A_547 : vector<16xi1>, vector<16xf32>
    %swap3A_549 = arith.constant 48 : index
    %swap3A_550 = tpu.vector_load %arg7[%swap3A_549] {strides = array<i32>} : memref<640xf32, #tpu.memory_space<vmem>>, vector<16xf32>,
    %swap3A_551 = vector.shape_cast %swap3A_550 : vector<16xf32> to vector<16xf32>
    %swap3A_552 = vector.shape_cast %select_n3A_548 : vector<16xf32> to vector<16xf32>
    tpu.vector_store %arg7[%swap3A_549], %swap3A_552 {strides = array<i32>} : memref<640xf32, #tpu.memory_space<vmem>>, vector<16xf32>,
    %get3A_553 = arith.constant 64 : index
    %get3A_554 = tpu.vector_load %arg7[%get3A_553] {strides = array<i32>} : memref<640xf32, #tpu.memory_space<vmem>>, vector<16xf32>,
    %get3A_555 = vector.shape_cast %get3A_554 : vector<16xf32> to vector<16xf32>
    %add3A_556 = arith.constant 1.000000e+00 : f32
    %add3A_557 = vector.broadcast %add3A_556 : f32 to vector<16xf32>
    %add3A_558 = arith.addf %get3A_555, %add3A_557 : vector<16xf32>
    %bitcast_convert_type3A_559 = tpu.bitcast %add3A_558 : vector<16xf32> -> vector<16xi32>
    %shift_right_logical3A_560 = arith.constant 1 : i32
    %shift_right_logical3A_561 = vector.broadcast %shift_right_logical3A_560 : i32 to vector<16xi32>
    %shift_right_logical3A_562 = arith.shrui %bitcast_convert_type3A_559, %shift_right_logical3A_561 : vector<16xi32>
    %sub3A_563 = arith.constant 1597463007 : i32
    %sub3A_564 = vector.broadcast %sub3A_563 : i32 to vector<16xi32>
    %sub3A_565 = arith.subi %sub3A_564, %shift_right_logical3A_562 : vector<16xi32>
    %bitcast_convert_type3A_566 = tpu.bitcast %sub3A_565 : vector<16xi32> -> vector<16xf32>
    %mul3A_567 = arith.constant 5.000000e-01 : f32
    %mul3A_568 = vector.broadcast %mul3A_567 : f32 to vector<16xf32>
    %mul3A_569 = arith.mulf %add3A_558, %mul3A_568 : vector<16xf32>
    %mul3A_570 = arith.mulf %mul3A_569, %bitcast_convert_type3A_566 : vector<16xf32>
    %mul3A_571 = arith.mulf %mul3A_570, %bitcast_convert_type3A_566 : vector<16xf32>
    %sub3A_572 = arith.constant 1.500000e+00 : f32
    %sub3A_573 = vector.broadcast %sub3A_572 : f32 to vector<16xf32>
    %sub3A_574 = arith.subf %sub3A_573, %mul3A_571 : vector<16xf32>
    %mul3A_575 = arith.mulf %bitcast_convert_type3A_566, %sub3A_574 : vector<16xf32>
    %mul3A_576 = arith.mulf %mul3A_569, %mul3A_575 : vector<16xf32>
    %mul3A_577 = arith.mulf %mul3A_576, %mul3A_575 : vector<16xf32>
    %sub3A_578 = arith.constant 1.500000e+00 : f32
    %sub3A_579 = vector.broadcast %sub3A_578 : f32 to vector<16xf32>
    %sub3A_580 = arith.subf %sub3A_579, %mul3A_577 : vector<16xf32>
    %mul3A_581 = arith.mulf %mul3A_575, %sub3A_580 : vector<16xf32>
    %mul3A_582 = arith.mulf %mul3A_569, %mul3A_581 : vector<16xf32>
    %mul3A_583 = arith.mulf %mul3A_582, %mul3A_581 : vector<16xf32>
    %sub3A_584 = arith.constant 1.500000e+00 : f32
    %sub3A_585 = vector.broadcast %sub3A_584 : f32 to vector<16xf32>
    %sub3A_586 = arith.subf %sub3A_585, %mul3A_583 : vector<16xf32>
    %mul3A_587 = arith.mulf %mul3A_581, %sub3A_586 : vector<16xf32>
    %add3A_588 = arith.constant 64 : i32
    %add3A_589 = arith.addi %mul3A_0, %add3A_588 : i32
    %iota3A_590 = tpu.iota {dimensions = array<i32: 0>} : vector<16xi32>
    %add3A_591 = vector.broadcast %add3A_589 : i32 to vector<16xi32>
    %add3A_592 = arith.addi %add3A_591, %iota3A_590 : vector<16xi32>
    %lt3A_593 = arith.constant 10000 : i32
    %lt3A_594 = vector.broadcast %lt3A_593 : i32 to vector<16xi32>
    %lt3A_595 = arith.cmpi slt, %add3A_592, %lt3A_594 : vector<16xi32>
    %jit3A_596 = arith.constant 0.000000e+00 : f32
    %broadcast_in_dim3A_597 = vector.broadcast %jit3A_596 : f32 to vector<16xf32>
    %select_n3A_598 = arith.select %lt3A_595, %mul3A_587, %broadcast_in_dim3A_597 : vector<16xi1>, vector<16xf32>
    %swap3A_599 = arith.constant 64 : index
    %swap3A_600 = tpu.vector_load %arg7[%swap3A_599] {strides = array<i32>} : memref<640xf32, #tpu.memory_space<vmem>>, vector<16xf32>,
    %swap3A_601 = vector.shape_cast %swap3A_600 : vector<16xf32> to vector<16xf32>
    %swap3A_602 = vector.shape_cast %select_n3A_598 : vector<16xf32> to vector<16xf32>
    tpu.vector_store %arg7[%swap3A_599], %swap3A_602 {strides = array<i32>} : memref<640xf32, #tpu.memory_space<vmem>>, vector<16xf32>,
    %get3A_603 = arith.constant 80 : index
    %get3A_604 = tpu.vector_load %arg7[%get3A_603] {strides = array<i32>} : memref<640xf32, #tpu.memory_space<vmem>>, vector<16xf32>,
    %get3A_605 = vector.shape_cast %get3A_604 : vector<16xf32> to vector<16xf32>
    %add3A_606 = arith.constant 1.000000e+00 : f32
    %add3A_607 = vector.broadcast %add3A_606 : f32 to vector<16xf32>
    %add3A_608 = arith.addf %get3A_605, %add3A_607 : vector<16xf32>
    %bitcast_convert_type3A_609 = tpu.bitcast %add3A_608 : vector<16xf32> -> vector<16xi32>
    %shift_right_logical3A_610 = arith.constant 1 : i32
    %shift_right_logical3A_611 = vector.broadcast %shift_right_logical3A_610 : i32 to vector<16xi32>
    %shift_right_logical3A_612 = arith.shrui %bitcast_convert_type3A_609, %shift_right_logical3A_611 : vector<16xi32>
    %sub3A_613 = arith.constant 1597463007 : i32
    %sub3A_614 = vector.broadcast %sub3A_613 : i32 to vector<16xi32>
    %sub3A_615 = arith.subi %sub3A_614, %shift_right_logical3A_612 : vector<16xi32>
    %bitcast_convert_type3A_616 = tpu.bitcast %sub3A_615 : vector<16xi32> -> vector<16xf32>
    %mul3A_617 = arith.constant 5.000000e-01 : f32
    %mul3A_618 = vector.broadcast %mul3A_617 : f32 to vector<16xf32>
    %mul3A_619 = arith.mulf %add3A_608, %mul3A_618 : vector<16xf32>
    %mul3A_620 = arith.mulf %mul3A_619, %bitcast_convert_type3A_616 : vector<16xf32>
    %mul3A_621 = arith.mulf %mul3A_620, %bitcast_convert_type3A_616 : vector<16xf32>
    %sub3A_622 = arith.constant 1.500000e+00 : f32
    %sub3A_623 = vector.broadcast %sub3A_622 : f32 to vector<16xf32>
    %sub3A_624 = arith.subf %sub3A_623, %mul3A_621 : vector<16xf32>
    %mul3A_625 = arith.mulf %bitcast_convert_type3A_616, %sub3A_624 : vector<16xf32>
    %mul3A_626 = arith.mulf %mul3A_619, %mul3A_625 : vector<16xf32>
    %mul3A_627 = arith.mulf %mul3A_626, %mul3A_625 : vector<16xf32>
    %sub3A_628 = arith.constant 1.500000e+00 : f32
    %sub3A_629 = vector.broadcast %sub3A_628 : f32 to vector<16xf32>
    %sub3A_630 = arith.subf %sub3A_629, %mul3A_627 : vector<16xf32>
    %mul3A_631 = arith.mulf %mul3A_625, %sub3A_630 : vector<16xf32>
    %mul3A_632 = arith.mulf %mul3A_619, %mul3A_631 : vector<16xf32>
    %mul3A_633 = arith.mulf %mul3A_632, %mul3A_631 : vector<16xf32>
    %sub3A_634 = arith.constant 1.500000e+00 : f32
    %sub3A_635 = vector.broadcast %sub3A_634 : f32 to vector<16xf32>
    %sub3A_636 = arith.subf %sub3A_635, %mul3A_633 : vector<16xf32>
    %mul3A_637 = arith.mulf %mul3A_631, %sub3A_636 : vector<16xf32>
    %add3A_638 = arith.constant 80 : i32
    %add3A_639 = arith.addi %mul3A_0, %add3A_638 : i32
    %iota3A_640 = tpu.iota {dimensions = array<i32: 0>} : vector<16xi32>
    %add3A_641 = vector.broadcast %add3A_639 : i32 to vector<16xi32>
    %add3A_642 = arith.addi %add3A_641, %iota3A_640 : vector<16xi32>
    %lt3A_643 = arith.constant 10000 : i32
    %lt3A_644 = vector.broadcast %lt3A_643 : i32 to vector<16xi32>
    %lt3A_645 = arith.cmpi slt, %add3A_642, %lt3A_644 : vector<16xi32>
    %jit3A_646 = arith.constant 0.000000e+00 : f32
    %broadcast_in_dim3A_647 = vector.broadcast %jit3A_646 : f32 to vector<16xf32>
    %select_n3A_648 = arith.select %lt3A_645, %mul3A_637, %broadcast_in_dim3A_647 : vector<16xi1>, vector<16xf32>
    %swap3A_649 = arith.constant 80 : index
    %swap3A_650 = tpu.vector_load %arg7[%swap3A_649] {strides = array<i32>} : memref<640xf32, #tpu.memory_space<vmem>>, vector<16xf32>,
    %swap3A_651 = vector.shape_cast %swap3A_650 : vector<16xf32> to vector<16xf32>
    %swap3A_652 = vector.shape_cast %select_n3A_648 : vector<16xf32> to vector<16xf32>
    tpu.vector_store %arg7[%swap3A_649], %swap3A_652 {strides = array<i32>} : memref<640xf32, #tpu.memory_space<vmem>>, vector<16xf32>,
    %get3A_653 = arith.constant 96 : index
    %get3A_654 = tpu.vector_load %arg7[%get3A_653] {strides = array<i32>} : memref<640xf32, #tpu.memory_space<vmem>>, vector<16xf32>,
    %get3A_655 = vector.shape_cast %get3A_654 : vector<16xf32> to vector<16xf32>
    %add3A_656 = arith.constant 1.000000e+00 : f32
    %add3A_657 = vector.broadcast %add3A_656 : f32 to vector<16xf32>
    %add3A_658 = arith.addf %get3A_655, %add3A_657 : vector<16xf32>
    %bitcast_convert_type3A_659 = tpu.bitcast %add3A_658 : vector<16xf32> -> vector<16xi32>
    %shift_right_logical3A_660 = arith.constant 1 : i32
    %shift_right_logical3A_661 = vector.broadcast %shift_right_logical3A_660 : i32 to vector<16xi32>
    %shift_right_logical3A_662 = arith.shrui %bitcast_convert_type3A_659, %shift_right_logical3A_661 : vector<16xi32>
    %sub3A_663 = arith.constant 1597463007 : i32
    %sub3A_664 = vector.broadcast %sub3A_663 : i32 to vector<16xi32>
    %sub3A_665 = arith.subi %sub3A_664, %shift_right_logical3A_662 : vector<16xi32>
    %bitcast_convert_type3A_666 = tpu.bitcast %sub3A_665 : vector<16xi32> -> vector<16xf32>
    %mul3A_667 = arith.constant 5.000000e-01 : f32
    %mul3A_668 = vector.broadcast %mul3A_667 : f32 to vector<16xf32>
    %mul3A_669 = arith.mulf %add3A_658, %mul3A_668 : vector<16xf32>
    %mul3A_670 = arith.mulf %mul3A_669, %bitcast_convert_type3A_666 : vector<16xf32>
    %mul3A_671 = arith.mulf %mul3A_670, %bitcast_convert_type3A_666 : vector<16xf32>
    %sub3A_672 = arith.constant 1.500000e+00 : f32
    %sub3A_673 = vector.broadcast %sub3A_672 : f32 to vector<16xf32>
    %sub3A_674 = arith.subf %sub3A_673, %mul3A_671 : vector<16xf32>
    %mul3A_675 = arith.mulf %bitcast_convert_type3A_666, %sub3A_674 : vector<16xf32>
    %mul3A_676 = arith.mulf %mul3A_669, %mul3A_675 : vector<16xf32>
    %mul3A_677 = arith.mulf %mul3A_676, %mul3A_675 : vector<16xf32>
    %sub3A_678 = arith.constant 1.500000e+00 : f32
    %sub3A_679 = vector.broadcast %sub3A_678 : f32 to vector<16xf32>
    %sub3A_680 = arith.subf %sub3A_679, %mul3A_677 : vector<16xf32>
    %mul3A_681 = arith.mulf %mul3A_675, %sub3A_680 : vector<16xf32>
    %mul3A_682 = arith.mulf %mul3A_669, %mul3A_681 : vector<16xf32>
    %mul3A_683 = arith.mulf %mul3A_682, %mul3A_681 : vector<16xf32>
    %sub3A_684 = arith.constant 1.500000e+00 : f32
    %sub3A_685 = vector.broadcast %sub3A_684 : f32 to vector<16xf32>
    %sub3A_686 = arith.subf %sub3A_685, %mul3A_683 : vector<16xf32>
    %mul3A_687 = arith.mulf %mul3A_681, %sub3A_686 : vector<16xf32>
    %add3A_688 = arith.constant 96 : i32
    %add3A_689 = arith.addi %mul3A_0, %add3A_688 : i32
    %iota3A_690 = tpu.iota {dimensions = array<i32: 0>} : vector<16xi32>
    %add3A_691 = vector.broadcast %add3A_689 : i32 to vector<16xi32>
    %add3A_692 = arith.addi %add3A_691, %iota3A_690 : vector<16xi32>
    %lt3A_693 = arith.constant 10000 : i32
    %lt3A_694 = vector.broadcast %lt3A_693 : i32 to vector<16xi32>
    %lt3A_695 = arith.cmpi slt, %add3A_692, %lt3A_694 : vector<16xi32>
    %jit3A_696 = arith.constant 0.000000e+00 : f32
    %broadcast_in_dim3A_697 = vector.broadcast %jit3A_696 : f32 to vector<16xf32>
    %select_n3A_698 = arith.select %lt3A_695, %mul3A_687, %broadcast_in_dim3A_697 : vector<16xi1>, vector<16xf32>
    %swap3A_699 = arith.constant 96 : index
    %swap3A_700 = tpu.vector_load %arg7[%swap3A_699] {strides = array<i32>} : memref<640xf32, #tpu.memory_space<vmem>>, vector<16xf32>,
    %swap3A_701 = vector.shape_cast %swap3A_700 : vector<16xf32> to vector<16xf32>
    %swap3A_702 = vector.shape_cast %select_n3A_698 : vector<16xf32> to vector<16xf32>
    tpu.vector_store %arg7[%swap3A_699], %swap3A_702 {strides = array<i32>} : memref<640xf32, #tpu.memory_space<vmem>>, vector<16xf32>,
    %get3A_703 = arith.constant 112 : index
    %get3A_704 = tpu.vector_load %arg7[%get3A_703] {strides = array<i32>} : memref<640xf32, #tpu.memory_space<vmem>>, vector<16xf32>,
    %get3A_705 = vector.shape_cast %get3A_704 : vector<16xf32> to vector<16xf32>
    %add3A_706 = arith.constant 1.000000e+00 : f32
    %add3A_707 = vector.broadcast %add3A_706 : f32 to vector<16xf32>
    %add3A_708 = arith.addf %get3A_705, %add3A_707 : vector<16xf32>
    %bitcast_convert_type3A_709 = tpu.bitcast %add3A_708 : vector<16xf32> -> vector<16xi32>
    %shift_right_logical3A_710 = arith.constant 1 : i32
    %shift_right_logical3A_711 = vector.broadcast %shift_right_logical3A_710 : i32 to vector<16xi32>
    %shift_right_logical3A_712 = arith.shrui %bitcast_convert_type3A_709, %shift_right_logical3A_711 : vector<16xi32>
    %sub3A_713 = arith.constant 1597463007 : i32
    %sub3A_714 = vector.broadcast %sub3A_713 : i32 to vector<16xi32>
    %sub3A_715 = arith.subi %sub3A_714, %shift_right_logical3A_712 : vector<16xi32>
    %bitcast_convert_type3A_716 = tpu.bitcast %sub3A_715 : vector<16xi32> -> vector<16xf32>
    %mul3A_717 = arith.constant 5.000000e-01 : f32
    %mul3A_718 = vector.broadcast %mul3A_717 : f32 to vector<16xf32>
    %mul3A_719 = arith.mulf %add3A_708, %mul3A_718 : vector<16xf32>
    %mul3A_720 = arith.mulf %mul3A_719, %bitcast_convert_type3A_716 : vector<16xf32>
    %mul3A_721 = arith.mulf %mul3A_720, %bitcast_convert_type3A_716 : vector<16xf32>
    %sub3A_722 = arith.constant 1.500000e+00 : f32
    %sub3A_723 = vector.broadcast %sub3A_722 : f32 to vector<16xf32>
    %sub3A_724 = arith.subf %sub3A_723, %mul3A_721 : vector<16xf32>
    %mul3A_725 = arith.mulf %bitcast_convert_type3A_716, %sub3A_724 : vector<16xf32>
    %mul3A_726 = arith.mulf %mul3A_719, %mul3A_725 : vector<16xf32>
    %mul3A_727 = arith.mulf %mul3A_726, %mul3A_725 : vector<16xf32>
    %sub3A_728 = arith.constant 1.500000e+00 : f32
    %sub3A_729 = vector.broadcast %sub3A_728 : f32 to vector<16xf32>
    %sub3A_730 = arith.subf %sub3A_729, %mul3A_727 : vector<16xf32>
    %mul3A_731 = arith.mulf %mul3A_725, %sub3A_730 : vector<16xf32>
    %mul3A_732 = arith.mulf %mul3A_719, %mul3A_731 : vector<16xf32>
    %mul3A_733 = arith.mulf %mul3A_732, %mul3A_731 : vector<16xf32>
    %sub3A_734 = arith.constant 1.500000e+00 : f32
    %sub3A_735 = vector.broadcast %sub3A_734 : f32 to vector<16xf32>
    %sub3A_736 = arith.subf %sub3A_735, %mul3A_733 : vector<16xf32>
    %mul3A_737 = arith.mulf %mul3A_731, %sub3A_736 : vector<16xf32>
    %add3A_738 = arith.constant 112 : i32
    %add3A_739 = arith.addi %mul3A_0, %add3A_738 : i32
    %iota3A_740 = tpu.iota {dimensions = array<i32: 0>} : vector<16xi32>
    %add3A_741 = vector.broadcast %add3A_739 : i32 to vector<16xi32>
    %add3A_742 = arith.addi %add3A_741, %iota3A_740 : vector<16xi32>
    %lt3A_743 = arith.constant 10000 : i32
    %lt3A_744 = vector.broadcast %lt3A_743 : i32 to vector<16xi32>
    %lt3A_745 = arith.cmpi slt, %add3A_742, %lt3A_744 : vector<16xi32>
    %jit3A_746 = arith.constant 0.000000e+00 : f32
    %broadcast_in_dim3A_747 = vector.broadcast %jit3A_746 : f32 to vector<16xf32>
    %select_n3A_748 = arith.select %lt3A_745, %mul3A_737, %broadcast_in_dim3A_747 : vector<16xi1>, vector<16xf32>
    %swap3A_749 = arith.constant 112 : index
    %swap3A_750 = tpu.vector_load %arg7[%swap3A_749] {strides = array<i32>} : memref<640xf32, #tpu.memory_space<vmem>>, vector<16xf32>,
    %swap3A_751 = vector.shape_cast %swap3A_750 : vector<16xf32> to vector<16xf32>
    %swap3A_752 = vector.shape_cast %select_n3A_748 : vector<16xf32> to vector<16xf32>
    tpu.vector_store %arg7[%swap3A_749], %swap3A_752 {strides = array<i32>} : memref<640xf32, #tpu.memory_space<vmem>>, vector<16xf32>,
    %get3A_753 = arith.constant 128 : index
    %get3A_754 = tpu.vector_load %arg7[%get3A_753] {strides = array<i32>} : memref<640xf32, #tpu.memory_space<vmem>>, vector<16xf32>,
    %get3A_755 = vector.shape_cast %get3A_754 : vector<16xf32> to vector<16xf32>
    %add3A_756 = arith.constant 1.000000e+00 : f32
    %add3A_757 = vector.broadcast %add3A_756 : f32 to vector<16xf32>
    %add3A_758 = arith.addf %get3A_755, %add3A_757 : vector<16xf32>
    %bitcast_convert_type3A_759 = tpu.bitcast %add3A_758 : vector<16xf32> -> vector<16xi32>
    %shift_right_logical3A_760 = arith.constant 1 : i32
    %shift_right_logical3A_761 = vector.broadcast %shift_right_logical3A_760 : i32 to vector<16xi32>
    %shift_right_logical3A_762 = arith.shrui %bitcast_convert_type3A_759, %shift_right_logical3A_761 : vector<16xi32>
    %sub3A_763 = arith.constant 1597463007 : i32
    %sub3A_764 = vector.broadcast %sub3A_763 : i32 to vector<16xi32>
    %sub3A_765 = arith.subi %sub3A_764, %shift_right_logical3A_762 : vector<16xi32>
    %bitcast_convert_type3A_766 = tpu.bitcast %sub3A_765 : vector<16xi32> -> vector<16xf32>
    %mul3A_767 = arith.constant 5.000000e-01 : f32
    %mul3A_768 = vector.broadcast %mul3A_767 : f32 to vector<16xf32>
    %mul3A_769 = arith.mulf %add3A_758, %mul3A_768 : vector<16xf32>
    %mul3A_770 = arith.mulf %mul3A_769, %bitcast_convert_type3A_766 : vector<16xf32>
    %mul3A_771 = arith.mulf %mul3A_770, %bitcast_convert_type3A_766 : vector<16xf32>
    %sub3A_772 = arith.constant 1.500000e+00 : f32
    %sub3A_773 = vector.broadcast %sub3A_772 : f32 to vector<16xf32>
    %sub3A_774 = arith.subf %sub3A_773, %mul3A_771 : vector<16xf32>
    %mul3A_775 = arith.mulf %bitcast_convert_type3A_766, %sub3A_774 : vector<16xf32>
    %mul3A_776 = arith.mulf %mul3A_769, %mul3A_775 : vector<16xf32>
    %mul3A_777 = arith.mulf %mul3A_776, %mul3A_775 : vector<16xf32>
    %sub3A_778 = arith.constant 1.500000e+00 : f32
    %sub3A_779 = vector.broadcast %sub3A_778 : f32 to vector<16xf32>
    %sub3A_780 = arith.subf %sub3A_779, %mul3A_777 : vector<16xf32>
    %mul3A_781 = arith.mulf %mul3A_775, %sub3A_780 : vector<16xf32>
    %mul3A_782 = arith.mulf %mul3A_769, %mul3A_781 : vector<16xf32>
    %mul3A_783 = arith.mulf %mul3A_782, %mul3A_781 : vector<16xf32>
    %sub3A_784 = arith.constant 1.500000e+00 : f32
    %sub3A_785 = vector.broadcast %sub3A_784 : f32 to vector<16xf32>
    %sub3A_786 = arith.subf %sub3A_785, %mul3A_783 : vector<16xf32>
    %mul3A_787 = arith.mulf %mul3A_781, %sub3A_786 : vector<16xf32>
    %add3A_788 = arith.constant 128 : i32
    %add3A_789 = arith.addi %mul3A_0, %add3A_788 : i32
    %iota3A_790 = tpu.iota {dimensions = array<i32: 0>} : vector<16xi32>
    %add3A_791 = vector.broadcast %add3A_789 : i32 to vector<16xi32>
    %add3A_792 = arith.addi %add3A_791, %iota3A_790 : vector<16xi32>
    %lt3A_793 = arith.constant 10000 : i32
    %lt3A_794 = vector.broadcast %lt3A_793 : i32 to vector<16xi32>
    %lt3A_795 = arith.cmpi slt, %add3A_792, %lt3A_794 : vector<16xi32>
    %jit3A_796 = arith.constant 0.000000e+00 : f32
    %broadcast_in_dim3A_797 = vector.broadcast %jit3A_796 : f32 to vector<16xf32>
    %select_n3A_798 = arith.select %lt3A_795, %mul3A_787, %broadcast_in_dim3A_797 : vector<16xi1>, vector<16xf32>
    %swap3A_799 = arith.constant 128 : index
    %swap3A_800 = tpu.vector_load %arg7[%swap3A_799] {strides = array<i32>} : memref<640xf32, #tpu.memory_space<vmem>>, vector<16xf32>,
    %swap3A_801 = vector.shape_cast %swap3A_800 : vector<16xf32> to vector<16xf32>
    %swap3A_802 = vector.shape_cast %select_n3A_798 : vector<16xf32> to vector<16xf32>
    tpu.vector_store %arg7[%swap3A_799], %swap3A_802 {strides = array<i32>} : memref<640xf32, #tpu.memory_space<vmem>>, vector<16xf32>,
    %get3A_803 = arith.constant 144 : index
    %get3A_804 = tpu.vector_load %arg7[%get3A_803] {strides = array<i32>} : memref<640xf32, #tpu.memory_space<vmem>>, vector<16xf32>,
    %get3A_805 = vector.shape_cast %get3A_804 : vector<16xf32> to vector<16xf32>
    %add3A_806 = arith.constant 1.000000e+00 : f32
    %add3A_807 = vector.broadcast %add3A_806 : f32 to vector<16xf32>
    %add3A_808 = arith.addf %get3A_805, %add3A_807 : vector<16xf32>
    %bitcast_convert_type3A_809 = tpu.bitcast %add3A_808 : vector<16xf32> -> vector<16xi32>
    %shift_right_logical3A_810 = arith.constant 1 : i32
    %shift_right_logical3A_811 = vector.broadcast %shift_right_logical3A_810 : i32 to vector<16xi32>
    %shift_right_logical3A_812 = arith.shrui %bitcast_convert_type3A_809, %shift_right_logical3A_811 : vector<16xi32>
    %sub3A_813 = arith.constant 1597463007 : i32
    %sub3A_814 = vector.broadcast %sub3A_813 : i32 to vector<16xi32>
    %sub3A_815 = arith.subi %sub3A_814, %shift_right_logical3A_812 : vector<16xi32>
    %bitcast_convert_type3A_816 = tpu.bitcast %sub3A_815 : vector<16xi32> -> vector<16xf32>
    %mul3A_817 = arith.constant 5.000000e-01 : f32
    %mul3A_818 = vector.broadcast %mul3A_817 : f32 to vector<16xf32>
    %mul3A_819 = arith.mulf %add3A_808, %mul3A_818 : vector<16xf32>
    %mul3A_820 = arith.mulf %mul3A_819, %bitcast_convert_type3A_816 : vector<16xf32>
    %mul3A_821 = arith.mulf %mul3A_820, %bitcast_convert_type3A_816 : vector<16xf32>
    %sub3A_822 = arith.constant 1.500000e+00 : f32
    %sub3A_823 = vector.broadcast %sub3A_822 : f32 to vector<16xf32>
    %sub3A_824 = arith.subf %sub3A_823, %mul3A_821 : vector<16xf32>
    %mul3A_825 = arith.mulf %bitcast_convert_type3A_816, %sub3A_824 : vector<16xf32>
    %mul3A_826 = arith.mulf %mul3A_819, %mul3A_825 : vector<16xf32>
    %mul3A_827 = arith.mulf %mul3A_826, %mul3A_825 : vector<16xf32>
    %sub3A_828 = arith.constant 1.500000e+00 : f32
    %sub3A_829 = vector.broadcast %sub3A_828 : f32 to vector<16xf32>
    %sub3A_830 = arith.subf %sub3A_829, %mul3A_827 : vector<16xf32>
    %mul3A_831 = arith.mulf %mul3A_825, %sub3A_830 : vector<16xf32>
    %mul3A_832 = arith.mulf %mul3A_819, %mul3A_831 : vector<16xf32>
    %mul3A_833 = arith.mulf %mul3A_832, %mul3A_831 : vector<16xf32>
    %sub3A_834 = arith.constant 1.500000e+00 : f32
    %sub3A_835 = vector.broadcast %sub3A_834 : f32 to vector<16xf32>
    %sub3A_836 = arith.subf %sub3A_835, %mul3A_833 : vector<16xf32>
    %mul3A_837 = arith.mulf %mul3A_831, %sub3A_836 : vector<16xf32>
    %add3A_838 = arith.constant 144 : i32
    %add3A_839 = arith.addi %mul3A_0, %add3A_838 : i32
    %iota3A_840 = tpu.iota {dimensions = array<i32: 0>} : vector<16xi32>
    %add3A_841 = vector.broadcast %add3A_839 : i32 to vector<16xi32>
    %add3A_842 = arith.addi %add3A_841, %iota3A_840 : vector<16xi32>
    %lt3A_843 = arith.constant 10000 : i32
    %lt3A_844 = vector.broadcast %lt3A_843 : i32 to vector<16xi32>
    %lt3A_845 = arith.cmpi slt, %add3A_842, %lt3A_844 : vector<16xi32>
    %jit3A_846 = arith.constant 0.000000e+00 : f32
    %broadcast_in_dim3A_847 = vector.broadcast %jit3A_846 : f32 to vector<16xf32>
    %select_n3A_848 = arith.select %lt3A_845, %mul3A_837, %broadcast_in_dim3A_847 : vector<16xi1>, vector<16xf32>
    %swap3A_849 = arith.constant 144 : index
    %swap3A_850 = tpu.vector_load %arg7[%swap3A_849] {strides = array<i32>} : memref<640xf32, #tpu.memory_space<vmem>>, vector<16xf32>,
    %swap3A_851 = vector.shape_cast %swap3A_850 : vector<16xf32> to vector<16xf32>
    %swap3A_852 = vector.shape_cast %select_n3A_848 : vector<16xf32> to vector<16xf32>
    tpu.vector_store %arg7[%swap3A_849], %swap3A_852 {strides = array<i32>} : memref<640xf32, #tpu.memory_space<vmem>>, vector<16xf32>,
    %get3A_853 = arith.constant 160 : index
    %get3A_854 = tpu.vector_load %arg7[%get3A_853] {strides = array<i32>} : memref<640xf32, #tpu.memory_space<vmem>>, vector<16xf32>,
    %get3A_855 = vector.shape_cast %get3A_854 : vector<16xf32> to vector<16xf32>
    %add3A_856 = arith.constant 1.000000e+00 : f32
    %add3A_857 = vector.broadcast %add3A_856 : f32 to vector<16xf32>
    %add3A_858 = arith.addf %get3A_855, %add3A_857 : vector<16xf32>
    %bitcast_convert_type3A_859 = tpu.bitcast %add3A_858 : vector<16xf32> -> vector<16xi32>
    %shift_right_logical3A_860 = arith.constant 1 : i32
    %shift_right_logical3A_861 = vector.broadcast %shift_right_logical3A_860 : i32 to vector<16xi32>
    %shift_right_logical3A_862 = arith.shrui %bitcast_convert_type3A_859, %shift_right_logical3A_861 : vector<16xi32>
    %sub3A_863 = arith.constant 1597463007 : i32
    %sub3A_864 = vector.broadcast %sub3A_863 : i32 to vector<16xi32>
    %sub3A_865 = arith.subi %sub3A_864, %shift_right_logical3A_862 : vector<16xi32>
    %bitcast_convert_type3A_866 = tpu.bitcast %sub3A_865 : vector<16xi32> -> vector<16xf32>
    %mul3A_867 = arith.constant 5.000000e-01 : f32
    %mul3A_868 = vector.broadcast %mul3A_867 : f32 to vector<16xf32>
    %mul3A_869 = arith.mulf %add3A_858, %mul3A_868 : vector<16xf32>
    %mul3A_870 = arith.mulf %mul3A_869, %bitcast_convert_type3A_866 : vector<16xf32>
    %mul3A_871 = arith.mulf %mul3A_870, %bitcast_convert_type3A_866 : vector<16xf32>
    %sub3A_872 = arith.constant 1.500000e+00 : f32
    %sub3A_873 = vector.broadcast %sub3A_872 : f32 to vector<16xf32>
    %sub3A_874 = arith.subf %sub3A_873, %mul3A_871 : vector<16xf32>
    %mul3A_875 = arith.mulf %bitcast_convert_type3A_866, %sub3A_874 : vector<16xf32>
    %mul3A_876 = arith.mulf %mul3A_869, %mul3A_875 : vector<16xf32>
    %mul3A_877 = arith.mulf %mul3A_876, %mul3A_875 : vector<16xf32>
    %sub3A_878 = arith.constant 1.500000e+00 : f32
    %sub3A_879 = vector.broadcast %sub3A_878 : f32 to vector<16xf32>
    %sub3A_880 = arith.subf %sub3A_879, %mul3A_877 : vector<16xf32>
    %mul3A_881 = arith.mulf %mul3A_875, %sub3A_880 : vector<16xf32>
    %mul3A_882 = arith.mulf %mul3A_869, %mul3A_881 : vector<16xf32>
    %mul3A_883 = arith.mulf %mul3A_882, %mul3A_881 : vector<16xf32>
    %sub3A_884 = arith.constant 1.500000e+00 : f32
    %sub3A_885 = vector.broadcast %sub3A_884 : f32 to vector<16xf32>
    %sub3A_886 = arith.subf %sub3A_885, %mul3A_883 : vector<16xf32>
    %mul3A_887 = arith.mulf %mul3A_881, %sub3A_886 : vector<16xf32>
    %add3A_888 = arith.constant 160 : i32
    %add3A_889 = arith.addi %mul3A_0, %add3A_888 : i32
    %iota3A_890 = tpu.iota {dimensions = array<i32: 0>} : vector<16xi32>
    %add3A_891 = vector.broadcast %add3A_889 : i32 to vector<16xi32>
    %add3A_892 = arith.addi %add3A_891, %iota3A_890 : vector<16xi32>
    %lt3A_893 = arith.constant 10000 : i32
    %lt3A_894 = vector.broadcast %lt3A_893 : i32 to vector<16xi32>
    %lt3A_895 = arith.cmpi slt, %add3A_892, %lt3A_894 : vector<16xi32>
    %jit3A_896 = arith.constant 0.000000e+00 : f32
    %broadcast_in_dim3A_897 = vector.broadcast %jit3A_896 : f32 to vector<16xf32>
    %select_n3A_898 = arith.select %lt3A_895, %mul3A_887, %broadcast_in_dim3A_897 : vector<16xi1>, vector<16xf32>
    %swap3A_899 = arith.constant 160 : index
    %swap3A_900 = tpu.vector_load %arg7[%swap3A_899] {strides = array<i32>} : memref<640xf32, #tpu.memory_space<vmem>>, vector<16xf32>,
    %swap3A_901 = vector.shape_cast %swap3A_900 : vector<16xf32> to vector<16xf32>
    %swap3A_902 = vector.shape_cast %select_n3A_898 : vector<16xf32> to vector<16xf32>
    tpu.vector_store %arg7[%swap3A_899], %swap3A_902 {strides = array<i32>} : memref<640xf32, #tpu.memory_space<vmem>>, vector<16xf32>,
    %get3A_903 = arith.constant 176 : index
    %get3A_904 = tpu.vector_load %arg7[%get3A_903] {strides = array<i32>} : memref<640xf32, #tpu.memory_space<vmem>>, vector<16xf32>,
    %get3A_905 = vector.shape_cast %get3A_904 : vector<16xf32> to vector<16xf32>
    %add3A_906 = arith.constant 1.000000e+00 : f32
    %add3A_907 = vector.broadcast %add3A_906 : f32 to vector<16xf32>
    %add3A_908 = arith.addf %get3A_905, %add3A_907 : vector<16xf32>
    %bitcast_convert_type3A_909 = tpu.bitcast %add3A_908 : vector<16xf32> -> vector<16xi32>
    %shift_right_logical3A_910 = arith.constant 1 : i32
    %shift_right_logical3A_911 = vector.broadcast %shift_right_logical3A_910 : i32 to vector<16xi32>
    %shift_right_logical3A_912 = arith.shrui %bitcast_convert_type3A_909, %shift_right_logical3A_911 : vector<16xi32>
    %sub3A_913 = arith.constant 1597463007 : i32
    %sub3A_914 = vector.broadcast %sub3A_913 : i32 to vector<16xi32>
    %sub3A_915 = arith.subi %sub3A_914, %shift_right_logical3A_912 : vector<16xi32>
    %bitcast_convert_type3A_916 = tpu.bitcast %sub3A_915 : vector<16xi32> -> vector<16xf32>
    %mul3A_917 = arith.constant 5.000000e-01 : f32
    %mul3A_918 = vector.broadcast %mul3A_917 : f32 to vector<16xf32>
    %mul3A_919 = arith.mulf %add3A_908, %mul3A_918 : vector<16xf32>
    %mul3A_920 = arith.mulf %mul3A_919, %bitcast_convert_type3A_916 : vector<16xf32>
    %mul3A_921 = arith.mulf %mul3A_920, %bitcast_convert_type3A_916 : vector<16xf32>
    %sub3A_922 = arith.constant 1.500000e+00 : f32
    %sub3A_923 = vector.broadcast %sub3A_922 : f32 to vector<16xf32>
    %sub3A_924 = arith.subf %sub3A_923, %mul3A_921 : vector<16xf32>
    %mul3A_925 = arith.mulf %bitcast_convert_type3A_916, %sub3A_924 : vector<16xf32>
    %mul3A_926 = arith.mulf %mul3A_919, %mul3A_925 : vector<16xf32>
    %mul3A_927 = arith.mulf %mul3A_926, %mul3A_925 : vector<16xf32>
    %sub3A_928 = arith.constant 1.500000e+00 : f32
    %sub3A_929 = vector.broadcast %sub3A_928 : f32 to vector<16xf32>
    %sub3A_930 = arith.subf %sub3A_929, %mul3A_927 : vector<16xf32>
    %mul3A_931 = arith.mulf %mul3A_925, %sub3A_930 : vector<16xf32>
    %mul3A_932 = arith.mulf %mul3A_919, %mul3A_931 : vector<16xf32>
    %mul3A_933 = arith.mulf %mul3A_932, %mul3A_931 : vector<16xf32>
    %sub3A_934 = arith.constant 1.500000e+00 : f32
    %sub3A_935 = vector.broadcast %sub3A_934 : f32 to vector<16xf32>
    %sub3A_936 = arith.subf %sub3A_935, %mul3A_933 : vector<16xf32>
    %mul3A_937 = arith.mulf %mul3A_931, %sub3A_936 : vector<16xf32>
    %add3A_938 = arith.constant 176 : i32
    %add3A_939 = arith.addi %mul3A_0, %add3A_938 : i32
    %iota3A_940 = tpu.iota {dimensions = array<i32: 0>} : vector<16xi32>
    %add3A_941 = vector.broadcast %add3A_939 : i32 to vector<16xi32>
    %add3A_942 = arith.addi %add3A_941, %iota3A_940 : vector<16xi32>
    %lt3A_943 = arith.constant 10000 : i32
    %lt3A_944 = vector.broadcast %lt3A_943 : i32 to vector<16xi32>
    %lt3A_945 = arith.cmpi slt, %add3A_942, %lt3A_944 : vector<16xi32>
    %jit3A_946 = arith.constant 0.000000e+00 : f32
    %broadcast_in_dim3A_947 = vector.broadcast %jit3A_946 : f32 to vector<16xf32>
    %select_n3A_948 = arith.select %lt3A_945, %mul3A_937, %broadcast_in_dim3A_947 : vector<16xi1>, vector<16xf32>
    %swap3A_949 = arith.constant 176 : index
    %swap3A_950 = tpu.vector_load %arg7[%swap3A_949] {strides = array<i32>} : memref<640xf32, #tpu.memory_space<vmem>>, vector<16xf32>,
    %swap3A_951 = vector.shape_cast %swap3A_950 : vector<16xf32> to vector<16xf32>
    %swap3A_952 = vector.shape_cast %select_n3A_948 : vector<16xf32> to vector<16xf32>
    tpu.vector_store %arg7[%swap3A_949], %swap3A_952 {strides = array<i32>} : memref<640xf32, #tpu.memory_space<vmem>>, vector<16xf32>,
    %get3A_953 = arith.constant 192 : index
    %get3A_954 = tpu.vector_load %arg7[%get3A_953] {strides = array<i32>} : memref<640xf32, #tpu.memory_space<vmem>>, vector<16xf32>,
    %get3A_955 = vector.shape_cast %get3A_954 : vector<16xf32> to vector<16xf32>
    %add3A_956 = arith.constant 1.000000e+00 : f32
    %add3A_957 = vector.broadcast %add3A_956 : f32 to vector<16xf32>
    %add3A_958 = arith.addf %get3A_955, %add3A_957 : vector<16xf32>
    %bitcast_convert_type3A_959 = tpu.bitcast %add3A_958 : vector<16xf32> -> vector<16xi32>
    %shift_right_logical3A_960 = arith.constant 1 : i32
    %shift_right_logical3A_961 = vector.broadcast %shift_right_logical3A_960 : i32 to vector<16xi32>
    %shift_right_logical3A_962 = arith.shrui %bitcast_convert_type3A_959, %shift_right_logical3A_961 : vector<16xi32>
    %sub3A_963 = arith.constant 1597463007 : i32
    %sub3A_964 = vector.broadcast %sub3A_963 : i32 to vector<16xi32>
    %sub3A_965 = arith.subi %sub3A_964, %shift_right_logical3A_962 : vector<16xi32>
    %bitcast_convert_type3A_966 = tpu.bitcast %sub3A_965 : vector<16xi32> -> vector<16xf32>
    %mul3A_967 = arith.constant 5.000000e-01 : f32
    %mul3A_968 = vector.broadcast %mul3A_967 : f32 to vector<16xf32>
    %mul3A_969 = arith.mulf %add3A_958, %mul3A_968 : vector<16xf32>
    %mul3A_970 = arith.mulf %mul3A_969, %bitcast_convert_type3A_966 : vector<16xf32>
    %mul3A_971 = arith.mulf %mul3A_970, %bitcast_convert_type3A_966 : vector<16xf32>
    %sub3A_972 = arith.constant 1.500000e+00 : f32
    %sub3A_973 = vector.broadcast %sub3A_972 : f32 to vector<16xf32>
    %sub3A_974 = arith.subf %sub3A_973, %mul3A_971 : vector<16xf32>
    %mul3A_975 = arith.mulf %bitcast_convert_type3A_966, %sub3A_974 : vector<16xf32>
    %mul3A_976 = arith.mulf %mul3A_969, %mul3A_975 : vector<16xf32>
    %mul3A_977 = arith.mulf %mul3A_976, %mul3A_975 : vector<16xf32>
    %sub3A_978 = arith.constant 1.500000e+00 : f32
    %sub3A_979 = vector.broadcast %sub3A_978 : f32 to vector<16xf32>
    %sub3A_980 = arith.subf %sub3A_979, %mul3A_977 : vector<16xf32>
    %mul3A_981 = arith.mulf %mul3A_975, %sub3A_980 : vector<16xf32>
    %mul3A_982 = arith.mulf %mul3A_969, %mul3A_981 : vector<16xf32>
    %mul3A_983 = arith.mulf %mul3A_982, %mul3A_981 : vector<16xf32>
    %sub3A_984 = arith.constant 1.500000e+00 : f32
    %sub3A_985 = vector.broadcast %sub3A_984 : f32 to vector<16xf32>
    %sub3A_986 = arith.subf %sub3A_985, %mul3A_983 : vector<16xf32>
    %mul3A_987 = arith.mulf %mul3A_981, %sub3A_986 : vector<16xf32>
    %add3A_988 = arith.constant 192 : i32
    %add3A_989 = arith.addi %mul3A_0, %add3A_988 : i32
    %iota3A_990 = tpu.iota {dimensions = array<i32: 0>} : vector<16xi32>
    %add3A_991 = vector.broadcast %add3A_989 : i32 to vector<16xi32>
    %add3A_992 = arith.addi %add3A_991, %iota3A_990 : vector<16xi32>
    %lt3A_993 = arith.constant 10000 : i32
    %lt3A_994 = vector.broadcast %lt3A_993 : i32 to vector<16xi32>
    %lt3A_995 = arith.cmpi slt, %add3A_992, %lt3A_994 : vector<16xi32>
    %jit3A_996 = arith.constant 0.000000e+00 : f32
    %broadcast_in_dim3A_997 = vector.broadcast %jit3A_996 : f32 to vector<16xf32>
    %select_n3A_998 = arith.select %lt3A_995, %mul3A_987, %broadcast_in_dim3A_997 : vector<16xi1>, vector<16xf32>
    %swap3A_999 = arith.constant 192 : index
    %swap3A_1000 = tpu.vector_load %arg7[%swap3A_999] {strides = array<i32>} : memref<640xf32, #tpu.memory_space<vmem>>, vector<16xf32>,
    %swap3A_1001 = vector.shape_cast %swap3A_1000 : vector<16xf32> to vector<16xf32>
    %swap3A_1002 = vector.shape_cast %select_n3A_998 : vector<16xf32> to vector<16xf32>
    tpu.vector_store %arg7[%swap3A_999], %swap3A_1002 {strides = array<i32>} : memref<640xf32, #tpu.memory_space<vmem>>, vector<16xf32>,
    %get3A_1003 = arith.constant 208 : index
    %get3A_1004 = tpu.vector_load %arg7[%get3A_1003] {strides = array<i32>} : memref<640xf32, #tpu.memory_space<vmem>>, vector<16xf32>,
    %get3A_1005 = vector.shape_cast %get3A_1004 : vector<16xf32> to vector<16xf32>
    %add3A_1006 = arith.constant 1.000000e+00 : f32
    %add3A_1007 = vector.broadcast %add3A_1006 : f32 to vector<16xf32>
    %add3A_1008 = arith.addf %get3A_1005, %add3A_1007 : vector<16xf32>
    %bitcast_convert_type3A_1009 = tpu.bitcast %add3A_1008 : vector<16xf32> -> vector<16xi32>
    %shift_right_logical3A_1010 = arith.constant 1 : i32
    %shift_right_logical3A_1011 = vector.broadcast %shift_right_logical3A_1010 : i32 to vector<16xi32>
    %shift_right_logical3A_1012 = arith.shrui %bitcast_convert_type3A_1009, %shift_right_logical3A_1011 : vector<16xi32>
    %sub3A_1013 = arith.constant 1597463007 : i32
    %sub3A_1014 = vector.broadcast %sub3A_1013 : i32 to vector<16xi32>
    %sub3A_1015 = arith.subi %sub3A_1014, %shift_right_logical3A_1012 : vector<16xi32>
    %bitcast_convert_type3A_1016 = tpu.bitcast %sub3A_1015 : vector<16xi32> -> vector<16xf32>
    %mul3A_1017 = arith.constant 5.000000e-01 : f32
    %mul3A_1018 = vector.broadcast %mul3A_1017 : f32 to vector<16xf32>
    %mul3A_1019 = arith.mulf %add3A_1008, %mul3A_1018 : vector<16xf32>
    %mul3A_1020 = arith.mulf %mul3A_1019, %bitcast_convert_type3A_1016 : vector<16xf32>
    %mul3A_1021 = arith.mulf %mul3A_1020, %bitcast_convert_type3A_1016 : vector<16xf32>
    %sub3A_1022 = arith.constant 1.500000e+00 : f32
    %sub3A_1023 = vector.broadcast %sub3A_1022 : f32 to vector<16xf32>
    %sub3A_1024 = arith.subf %sub3A_1023, %mul3A_1021 : vector<16xf32>
    %mul3A_1025 = arith.mulf %bitcast_convert_type3A_1016, %sub3A_1024 : vector<16xf32>
    %mul3A_1026 = arith.mulf %mul3A_1019, %mul3A_1025 : vector<16xf32>
    %mul3A_1027 = arith.mulf %mul3A_1026, %mul3A_1025 : vector<16xf32>
    %sub3A_1028 = arith.constant 1.500000e+00 : f32
    %sub3A_1029 = vector.broadcast %sub3A_1028 : f32 to vector<16xf32>
    %sub3A_1030 = arith.subf %sub3A_1029, %mul3A_1027 : vector<16xf32>
    %mul3A_1031 = arith.mulf %mul3A_1025, %sub3A_1030 : vector<16xf32>
    %mul3A_1032 = arith.mulf %mul3A_1019, %mul3A_1031 : vector<16xf32>
    %mul3A_1033 = arith.mulf %mul3A_1032, %mul3A_1031 : vector<16xf32>
    %sub3A_1034 = arith.constant 1.500000e+00 : f32
    %sub3A_1035 = vector.broadcast %sub3A_1034 : f32 to vector<16xf32>
    %sub3A_1036 = arith.subf %sub3A_1035, %mul3A_1033 : vector<16xf32>
    %mul3A_1037 = arith.mulf %mul3A_1031, %sub3A_1036 : vector<16xf32>
    %add3A_1038 = arith.constant 208 : i32
    %add3A_1039 = arith.addi %mul3A_0, %add3A_1038 : i32
    %iota3A_1040 = tpu.iota {dimensions = array<i32: 0>} : vector<16xi32>
    %add3A_1041 = vector.broadcast %add3A_1039 : i32 to vector<16xi32>
    %add3A_1042 = arith.addi %add3A_1041, %iota3A_1040 : vector<16xi32>
    %lt3A_1043 = arith.constant 10000 : i32
    %lt3A_1044 = vector.broadcast %lt3A_1043 : i32 to vector<16xi32>
    %lt3A_1045 = arith.cmpi slt, %add3A_1042, %lt3A_1044 : vector<16xi32>
    %jit3A_1046 = arith.constant 0.000000e+00 : f32
    %broadcast_in_dim3A_1047 = vector.broadcast %jit3A_1046 : f32 to vector<16xf32>
    %select_n3A_1048 = arith.select %lt3A_1045, %mul3A_1037, %broadcast_in_dim3A_1047 : vector<16xi1>, vector<16xf32>
    %swap3A_1049 = arith.constant 208 : index
    %swap3A_1050 = tpu.vector_load %arg7[%swap3A_1049] {strides = array<i32>} : memref<640xf32, #tpu.memory_space<vmem>>, vector<16xf32>,
    %swap3A_1051 = vector.shape_cast %swap3A_1050 : vector<16xf32> to vector<16xf32>
    %swap3A_1052 = vector.shape_cast %select_n3A_1048 : vector<16xf32> to vector<16xf32>
    tpu.vector_store %arg7[%swap3A_1049], %swap3A_1052 {strides = array<i32>} : memref<640xf32, #tpu.memory_space<vmem>>, vector<16xf32>,
    %get3A_1053 = arith.constant 224 : index
    %get3A_1054 = tpu.vector_load %arg7[%get3A_1053] {strides = array<i32>} : memref<640xf32, #tpu.memory_space<vmem>>, vector<16xf32>,
    %get3A_1055 = vector.shape_cast %get3A_1054 : vector<16xf32> to vector<16xf32>
    %add3A_1056 = arith.constant 1.000000e+00 : f32
    %add3A_1057 = vector.broadcast %add3A_1056 : f32 to vector<16xf32>
    %add3A_1058 = arith.addf %get3A_1055, %add3A_1057 : vector<16xf32>
    %bitcast_convert_type3A_1059 = tpu.bitcast %add3A_1058 : vector<16xf32> -> vector<16xi32>
    %shift_right_logical3A_1060 = arith.constant 1 : i32
    %shift_right_logical3A_1061 = vector.broadcast %shift_right_logical3A_1060 : i32 to vector<16xi32>
    %shift_right_logical3A_1062 = arith.shrui %bitcast_convert_type3A_1059, %shift_right_logical3A_1061 : vector<16xi32>
    %sub3A_1063 = arith.constant 1597463007 : i32
    %sub3A_1064 = vector.broadcast %sub3A_1063 : i32 to vector<16xi32>
    %sub3A_1065 = arith.subi %sub3A_1064, %shift_right_logical3A_1062 : vector<16xi32>
    %bitcast_convert_type3A_1066 = tpu.bitcast %sub3A_1065 : vector<16xi32> -> vector<16xf32>
    %mul3A_1067 = arith.constant 5.000000e-01 : f32
    %mul3A_1068 = vector.broadcast %mul3A_1067 : f32 to vector<16xf32>
    %mul3A_1069 = arith.mulf %add3A_1058, %mul3A_1068 : vector<16xf32>
    %mul3A_1070 = arith.mulf %mul3A_1069, %bitcast_convert_type3A_1066 : vector<16xf32>
    %mul3A_1071 = arith.mulf %mul3A_1070, %bitcast_convert_type3A_1066 : vector<16xf32>
    %sub3A_1072 = arith.constant 1.500000e+00 : f32
    %sub3A_1073 = vector.broadcast %sub3A_1072 : f32 to vector<16xf32>
    %sub3A_1074 = arith.subf %sub3A_1073, %mul3A_1071 : vector<16xf32>
    %mul3A_1075 = arith.mulf %bitcast_convert_type3A_1066, %sub3A_1074 : vector<16xf32>
    %mul3A_1076 = arith.mulf %mul3A_1069, %mul3A_1075 : vector<16xf32>
    %mul3A_1077 = arith.mulf %mul3A_1076, %mul3A_1075 : vector<16xf32>
    %sub3A_1078 = arith.constant 1.500000e+00 : f32
    %sub3A_1079 = vector.broadcast %sub3A_1078 : f32 to vector<16xf32>
    %sub3A_1080 = arith.subf %sub3A_1079, %mul3A_1077 : vector<16xf32>
    %mul3A_1081 = arith.mulf %mul3A_1075, %sub3A_1080 : vector<16xf32>
    %mul3A_1082 = arith.mulf %mul3A_1069, %mul3A_1081 : vector<16xf32>
    %mul3A_1083 = arith.mulf %mul3A_1082, %mul3A_1081 : vector<16xf32>
    %sub3A_1084 = arith.constant 1.500000e+00 : f32
    %sub3A_1085 = vector.broadcast %sub3A_1084 : f32 to vector<16xf32>
    %sub3A_1086 = arith.subf %sub3A_1085, %mul3A_1083 : vector<16xf32>
    %mul3A_1087 = arith.mulf %mul3A_1081, %sub3A_1086 : vector<16xf32>
    %add3A_1088 = arith.constant 224 : i32
    %add3A_1089 = arith.addi %mul3A_0, %add3A_1088 : i32
    %iota3A_1090 = tpu.iota {dimensions = array<i32: 0>} : vector<16xi32>
    %add3A_1091 = vector.broadcast %add3A_1089 : i32 to vector<16xi32>
    %add3A_1092 = arith.addi %add3A_1091, %iota3A_1090 : vector<16xi32>
    %lt3A_1093 = arith.constant 10000 : i32
    %lt3A_1094 = vector.broadcast %lt3A_1093 : i32 to vector<16xi32>
    %lt3A_1095 = arith.cmpi slt, %add3A_1092, %lt3A_1094 : vector<16xi32>
    %jit3A_1096 = arith.constant 0.000000e+00 : f32
    %broadcast_in_dim3A_1097 = vector.broadcast %jit3A_1096 : f32 to vector<16xf32>
    %select_n3A_1098 = arith.select %lt3A_1095, %mul3A_1087, %broadcast_in_dim3A_1097 : vector<16xi1>, vector<16xf32>
    %swap3A_1099 = arith.constant 224 : index
    %swap3A_1100 = tpu.vector_load %arg7[%swap3A_1099] {strides = array<i32>} : memref<640xf32, #tpu.memory_space<vmem>>, vector<16xf32>,
    %swap3A_1101 = vector.shape_cast %swap3A_1100 : vector<16xf32> to vector<16xf32>
    %swap3A_1102 = vector.shape_cast %select_n3A_1098 : vector<16xf32> to vector<16xf32>
    tpu.vector_store %arg7[%swap3A_1099], %swap3A_1102 {strides = array<i32>} : memref<640xf32, #tpu.memory_space<vmem>>, vector<16xf32>,
    %get3A_1103 = arith.constant 240 : index
    %get3A_1104 = tpu.vector_load %arg7[%get3A_1103] {strides = array<i32>} : memref<640xf32, #tpu.memory_space<vmem>>, vector<16xf32>,
    %get3A_1105 = vector.shape_cast %get3A_1104 : vector<16xf32> to vector<16xf32>
    %add3A_1106 = arith.constant 1.000000e+00 : f32
    %add3A_1107 = vector.broadcast %add3A_1106 : f32 to vector<16xf32>
    %add3A_1108 = arith.addf %get3A_1105, %add3A_1107 : vector<16xf32>
    %bitcast_convert_type3A_1109 = tpu.bitcast %add3A_1108 : vector<16xf32> -> vector<16xi32>
    %shift_right_logical3A_1110 = arith.constant 1 : i32
    %shift_right_logical3A_1111 = vector.broadcast %shift_right_logical3A_1110 : i32 to vector<16xi32>
    %shift_right_logical3A_1112 = arith.shrui %bitcast_convert_type3A_1109, %shift_right_logical3A_1111 : vector<16xi32>
    %sub3A_1113 = arith.constant 1597463007 : i32
    %sub3A_1114 = vector.broadcast %sub3A_1113 : i32 to vector<16xi32>
    %sub3A_1115 = arith.subi %sub3A_1114, %shift_right_logical3A_1112 : vector<16xi32>
    %bitcast_convert_type3A_1116 = tpu.bitcast %sub3A_1115 : vector<16xi32> -> vector<16xf32>
    %mul3A_1117 = arith.constant 5.000000e-01 : f32
    %mul3A_1118 = vector.broadcast %mul3A_1117 : f32 to vector<16xf32>
    %mul3A_1119 = arith.mulf %add3A_1108, %mul3A_1118 : vector<16xf32>
    %mul3A_1120 = arith.mulf %mul3A_1119, %bitcast_convert_type3A_1116 : vector<16xf32>
    %mul3A_1121 = arith.mulf %mul3A_1120, %bitcast_convert_type3A_1116 : vector<16xf32>
    %sub3A_1122 = arith.constant 1.500000e+00 : f32
    %sub3A_1123 = vector.broadcast %sub3A_1122 : f32 to vector<16xf32>
    %sub3A_1124 = arith.subf %sub3A_1123, %mul3A_1121 : vector<16xf32>
    %mul3A_1125 = arith.mulf %bitcast_convert_type3A_1116, %sub3A_1124 : vector<16xf32>
    %mul3A_1126 = arith.mulf %mul3A_1119, %mul3A_1125 : vector<16xf32>
    %mul3A_1127 = arith.mulf %mul3A_1126, %mul3A_1125 : vector<16xf32>
    %sub3A_1128 = arith.constant 1.500000e+00 : f32
    %sub3A_1129 = vector.broadcast %sub3A_1128 : f32 to vector<16xf32>
    %sub3A_1130 = arith.subf %sub3A_1129, %mul3A_1127 : vector<16xf32>
    %mul3A_1131 = arith.mulf %mul3A_1125, %sub3A_1130 : vector<16xf32>
    %mul3A_1132 = arith.mulf %mul3A_1119, %mul3A_1131 : vector<16xf32>
    %mul3A_1133 = arith.mulf %mul3A_1132, %mul3A_1131 : vector<16xf32>
    %sub3A_1134 = arith.constant 1.500000e+00 : f32
    %sub3A_1135 = vector.broadcast %sub3A_1134 : f32 to vector<16xf32>
    %sub3A_1136 = arith.subf %sub3A_1135, %mul3A_1133 : vector<16xf32>
    %mul3A_1137 = arith.mulf %mul3A_1131, %sub3A_1136 : vector<16xf32>
    %add3A_1138 = arith.constant 240 : i32
    %add3A_1139 = arith.addi %mul3A_0, %add3A_1138 : i32
    %iota3A_1140 = tpu.iota {dimensions = array<i32: 0>} : vector<16xi32>
    %add3A_1141 = vector.broadcast %add3A_1139 : i32 to vector<16xi32>
    %add3A_1142 = arith.addi %add3A_1141, %iota3A_1140 : vector<16xi32>
    %lt3A_1143 = arith.constant 10000 : i32
    %lt3A_1144 = vector.broadcast %lt3A_1143 : i32 to vector<16xi32>
    %lt3A_1145 = arith.cmpi slt, %add3A_1142, %lt3A_1144 : vector<16xi32>
    %jit3A_1146 = arith.constant 0.000000e+00 : f32
    %broadcast_in_dim3A_1147 = vector.broadcast %jit3A_1146 : f32 to vector<16xf32>
    %select_n3A_1148 = arith.select %lt3A_1145, %mul3A_1137, %broadcast_in_dim3A_1147 : vector<16xi1>, vector<16xf32>
    %swap3A_1149 = arith.constant 240 : index
    %swap3A_1150 = tpu.vector_load %arg7[%swap3A_1149] {strides = array<i32>} : memref<640xf32, #tpu.memory_space<vmem>>, vector<16xf32>,
    %swap3A_1151 = vector.shape_cast %swap3A_1150 : vector<16xf32> to vector<16xf32>
    %swap3A_1152 = vector.shape_cast %select_n3A_1148 : vector<16xf32> to vector<16xf32>
    tpu.vector_store %arg7[%swap3A_1149], %swap3A_1152 {strides = array<i32>} : memref<640xf32, #tpu.memory_space<vmem>>, vector<16xf32>,
    %get3A_1153 = arith.constant 256 : index
    %get3A_1154 = tpu.vector_load %arg7[%get3A_1153] {strides = array<i32>} : memref<640xf32, #tpu.memory_space<vmem>>, vector<16xf32>,
    %get3A_1155 = vector.shape_cast %get3A_1154 : vector<16xf32> to vector<16xf32>
    %add3A_1156 = arith.constant 1.000000e+00 : f32
    %add3A_1157 = vector.broadcast %add3A_1156 : f32 to vector<16xf32>
    %add3A_1158 = arith.addf %get3A_1155, %add3A_1157 : vector<16xf32>
    %bitcast_convert_type3A_1159 = tpu.bitcast %add3A_1158 : vector<16xf32> -> vector<16xi32>
    %shift_right_logical3A_1160 = arith.constant 1 : i32
    %shift_right_logical3A_1161 = vector.broadcast %shift_right_logical3A_1160 : i32 to vector<16xi32>
    %shift_right_logical3A_1162 = arith.shrui %bitcast_convert_type3A_1159, %shift_right_logical3A_1161 : vector<16xi32>
    %sub3A_1163 = arith.constant 1597463007 : i32
    %sub3A_1164 = vector.broadcast %sub3A_1163 : i32 to vector<16xi32>
    %sub3A_1165 = arith.subi %sub3A_1164, %shift_right_logical3A_1162 : vector<16xi32>
    %bitcast_convert_type3A_1166 = tpu.bitcast %sub3A_1165 : vector<16xi32> -> vector<16xf32>
    %mul3A_1167 = arith.constant 5.000000e-01 : f32
    %mul3A_1168 = vector.broadcast %mul3A_1167 : f32 to vector<16xf32>
    %mul3A_1169 = arith.mulf %add3A_1158, %mul3A_1168 : vector<16xf32>
    %mul3A_1170 = arith.mulf %mul3A_1169, %bitcast_convert_type3A_1166 : vector<16xf32>
    %mul3A_1171 = arith.mulf %mul3A_1170, %bitcast_convert_type3A_1166 : vector<16xf32>
    %sub3A_1172 = arith.constant 1.500000e+00 : f32
    %sub3A_1173 = vector.broadcast %sub3A_1172 : f32 to vector<16xf32>
    %sub3A_1174 = arith.subf %sub3A_1173, %mul3A_1171 : vector<16xf32>
    %mul3A_1175 = arith.mulf %bitcast_convert_type3A_1166, %sub3A_1174 : vector<16xf32>
    %mul3A_1176 = arith.mulf %mul3A_1169, %mul3A_1175 : vector<16xf32>
    %mul3A_1177 = arith.mulf %mul3A_1176, %mul3A_1175 : vector<16xf32>
    %sub3A_1178 = arith.constant 1.500000e+00 : f32
    %sub3A_1179 = vector.broadcast %sub3A_1178 : f32 to vector<16xf32>
    %sub3A_1180 = arith.subf %sub3A_1179, %mul3A_1177 : vector<16xf32>
    %mul3A_1181 = arith.mulf %mul3A_1175, %sub3A_1180 : vector<16xf32>
    %mul3A_1182 = arith.mulf %mul3A_1169, %mul3A_1181 : vector<16xf32>
    %mul3A_1183 = arith.mulf %mul3A_1182, %mul3A_1181 : vector<16xf32>
    %sub3A_1184 = arith.constant 1.500000e+00 : f32
    %sub3A_1185 = vector.broadcast %sub3A_1184 : f32 to vector<16xf32>
    %sub3A_1186 = arith.subf %sub3A_1185, %mul3A_1183 : vector<16xf32>
    %mul3A_1187 = arith.mulf %mul3A_1181, %sub3A_1186 : vector<16xf32>
    %add3A_1188 = arith.constant 256 : i32
    %add3A_1189 = arith.addi %mul3A_0, %add3A_1188 : i32
    %iota3A_1190 = tpu.iota {dimensions = array<i32: 0>} : vector<16xi32>
    %add3A_1191 = vector.broadcast %add3A_1189 : i32 to vector<16xi32>
    %add3A_1192 = arith.addi %add3A_1191, %iota3A_1190 : vector<16xi32>
    %lt3A_1193 = arith.constant 10000 : i32
    %lt3A_1194 = vector.broadcast %lt3A_1193 : i32 to vector<16xi32>
    %lt3A_1195 = arith.cmpi slt, %add3A_1192, %lt3A_1194 : vector<16xi32>
    %jit3A_1196 = arith.constant 0.000000e+00 : f32
    %broadcast_in_dim3A_1197 = vector.broadcast %jit3A_1196 : f32 to vector<16xf32>
    %select_n3A_1198 = arith.select %lt3A_1195, %mul3A_1187, %broadcast_in_dim3A_1197 : vector<16xi1>, vector<16xf32>
    %swap3A_1199 = arith.constant 256 : index
    %swap3A_1200 = tpu.vector_load %arg7[%swap3A_1199] {strides = array<i32>} : memref<640xf32, #tpu.memory_space<vmem>>, vector<16xf32>,
    %swap3A_1201 = vector.shape_cast %swap3A_1200 : vector<16xf32> to vector<16xf32>
    %swap3A_1202 = vector.shape_cast %select_n3A_1198 : vector<16xf32> to vector<16xf32>
    tpu.vector_store %arg7[%swap3A_1199], %swap3A_1202 {strides = array<i32>} : memref<640xf32, #tpu.memory_space<vmem>>, vector<16xf32>,
    %get3A_1203 = arith.constant 272 : index
    %get3A_1204 = tpu.vector_load %arg7[%get3A_1203] {strides = array<i32>} : memref<640xf32, #tpu.memory_space<vmem>>, vector<16xf32>,
    %get3A_1205 = vector.shape_cast %get3A_1204 : vector<16xf32> to vector<16xf32>
    %add3A_1206 = arith.constant 1.000000e+00 : f32
    %add3A_1207 = vector.broadcast %add3A_1206 : f32 to vector<16xf32>
    %add3A_1208 = arith.addf %get3A_1205, %add3A_1207 : vector<16xf32>
    %bitcast_convert_type3A_1209 = tpu.bitcast %add3A_1208 : vector<16xf32> -> vector<16xi32>
    %shift_right_logical3A_1210 = arith.constant 1 : i32
    %shift_right_logical3A_1211 = vector.broadcast %shift_right_logical3A_1210 : i32 to vector<16xi32>
    %shift_right_logical3A_1212 = arith.shrui %bitcast_convert_type3A_1209, %shift_right_logical3A_1211 : vector<16xi32>
    %sub3A_1213 = arith.constant 1597463007 : i32
    %sub3A_1214 = vector.broadcast %sub3A_1213 : i32 to vector<16xi32>
    %sub3A_1215 = arith.subi %sub3A_1214, %shift_right_logical3A_1212 : vector<16xi32>
    %bitcast_convert_type3A_1216 = tpu.bitcast %sub3A_1215 : vector<16xi32> -> vector<16xf32>
    %mul3A_1217 = arith.constant 5.000000e-01 : f32
    %mul3A_1218 = vector.broadcast %mul3A_1217 : f32 to vector<16xf32>
    %mul3A_1219 = arith.mulf %add3A_1208, %mul3A_1218 : vector<16xf32>
    %mul3A_1220 = arith.mulf %mul3A_1219, %bitcast_convert_type3A_1216 : vector<16xf32>
    %mul3A_1221 = arith.mulf %mul3A_1220, %bitcast_convert_type3A_1216 : vector<16xf32>
    %sub3A_1222 = arith.constant 1.500000e+00 : f32
    %sub3A_1223 = vector.broadcast %sub3A_1222 : f32 to vector<16xf32>
    %sub3A_1224 = arith.subf %sub3A_1223, %mul3A_1221 : vector<16xf32>
    %mul3A_1225 = arith.mulf %bitcast_convert_type3A_1216, %sub3A_1224 : vector<16xf32>
    %mul3A_1226 = arith.mulf %mul3A_1219, %mul3A_1225 : vector<16xf32>
    %mul3A_1227 = arith.mulf %mul3A_1226, %mul3A_1225 : vector<16xf32>
    %sub3A_1228 = arith.constant 1.500000e+00 : f32
    %sub3A_1229 = vector.broadcast %sub3A_1228 : f32 to vector<16xf32>
    %sub3A_1230 = arith.subf %sub3A_1229, %mul3A_1227 : vector<16xf32>
    %mul3A_1231 = arith.mulf %mul3A_1225, %sub3A_1230 : vector<16xf32>
    %mul3A_1232 = arith.mulf %mul3A_1219, %mul3A_1231 : vector<16xf32>
    %mul3A_1233 = arith.mulf %mul3A_1232, %mul3A_1231 : vector<16xf32>
    %sub3A_1234 = arith.constant 1.500000e+00 : f32
    %sub3A_1235 = vector.broadcast %sub3A_1234 : f32 to vector<16xf32>
    %sub3A_1236 = arith.subf %sub3A_1235, %mul3A_1233 : vector<16xf32>
    %mul3A_1237 = arith.mulf %mul3A_1231, %sub3A_1236 : vector<16xf32>
    %add3A_1238 = arith.constant 272 : i32
    %add3A_1239 = arith.addi %mul3A_0, %add3A_1238 : i32
    %iota3A_1240 = tpu.iota {dimensions = array<i32: 0>} : vector<16xi32>
    %add3A_1241 = vector.broadcast %add3A_1239 : i32 to vector<16xi32>
    %add3A_1242 = arith.addi %add3A_1241, %iota3A_1240 : vector<16xi32>
    %lt3A_1243 = arith.constant 10000 : i32
    %lt3A_1244 = vector.broadcast %lt3A_1243 : i32 to vector<16xi32>
    %lt3A_1245 = arith.cmpi slt, %add3A_1242, %lt3A_1244 : vector<16xi32>
    %jit3A_1246 = arith.constant 0.000000e+00 : f32
    %broadcast_in_dim3A_1247 = vector.broadcast %jit3A_1246 : f32 to vector<16xf32>
    %select_n3A_1248 = arith.select %lt3A_1245, %mul3A_1237, %broadcast_in_dim3A_1247 : vector<16xi1>, vector<16xf32>
    %swap3A_1249 = arith.constant 272 : index
    %swap3A_1250 = tpu.vector_load %arg7[%swap3A_1249] {strides = array<i32>} : memref<640xf32, #tpu.memory_space<vmem>>, vector<16xf32>,
    %swap3A_1251 = vector.shape_cast %swap3A_1250 : vector<16xf32> to vector<16xf32>
    %swap3A_1252 = vector.shape_cast %select_n3A_1248 : vector<16xf32> to vector<16xf32>
    tpu.vector_store %arg7[%swap3A_1249], %swap3A_1252 {strides = array<i32>} : memref<640xf32, #tpu.memory_space<vmem>>, vector<16xf32>,
    %get3A_1253 = arith.constant 288 : index
    %get3A_1254 = tpu.vector_load %arg7[%get3A_1253] {strides = array<i32>} : memref<640xf32, #tpu.memory_space<vmem>>, vector<16xf32>,
    %get3A_1255 = vector.shape_cast %get3A_1254 : vector<16xf32> to vector<16xf32>
    %add3A_1256 = arith.constant 1.000000e+00 : f32
    %add3A_1257 = vector.broadcast %add3A_1256 : f32 to vector<16xf32>
    %add3A_1258 = arith.addf %get3A_1255, %add3A_1257 : vector<16xf32>
    %bitcast_convert_type3A_1259 = tpu.bitcast %add3A_1258 : vector<16xf32> -> vector<16xi32>
    %shift_right_logical3A_1260 = arith.constant 1 : i32
    %shift_right_logical3A_1261 = vector.broadcast %shift_right_logical3A_1260 : i32 to vector<16xi32>
    %shift_right_logical3A_1262 = arith.shrui %bitcast_convert_type3A_1259, %shift_right_logical3A_1261 : vector<16xi32>
    %sub3A_1263 = arith.constant 1597463007 : i32
    %sub3A_1264 = vector.broadcast %sub3A_1263 : i32 to vector<16xi32>
    %sub3A_1265 = arith.subi %sub3A_1264, %shift_right_logical3A_1262 : vector<16xi32>
    %bitcast_convert_type3A_1266 = tpu.bitcast %sub3A_1265 : vector<16xi32> -> vector<16xf32>
    %mul3A_1267 = arith.constant 5.000000e-01 : f32
    %mul3A_1268 = vector.broadcast %mul3A_1267 : f32 to vector<16xf32>
    %mul3A_1269 = arith.mulf %add3A_1258, %mul3A_1268 : vector<16xf32>
    %mul3A_1270 = arith.mulf %mul3A_1269, %bitcast_convert_type3A_1266 : vector<16xf32>
    %mul3A_1271 = arith.mulf %mul3A_1270, %bitcast_convert_type3A_1266 : vector<16xf32>
    %sub3A_1272 = arith.constant 1.500000e+00 : f32
    %sub3A_1273 = vector.broadcast %sub3A_1272 : f32 to vector<16xf32>
    %sub3A_1274 = arith.subf %sub3A_1273, %mul3A_1271 : vector<16xf32>
    %mul3A_1275 = arith.mulf %bitcast_convert_type3A_1266, %sub3A_1274 : vector<16xf32>
    %mul3A_1276 = arith.mulf %mul3A_1269, %mul3A_1275 : vector<16xf32>
    %mul3A_1277 = arith.mulf %mul3A_1276, %mul3A_1275 : vector<16xf32>
    %sub3A_1278 = arith.constant 1.500000e+00 : f32
    %sub3A_1279 = vector.broadcast %sub3A_1278 : f32 to vector<16xf32>
    %sub3A_1280 = arith.subf %sub3A_1279, %mul3A_1277 : vector<16xf32>
    %mul3A_1281 = arith.mulf %mul3A_1275, %sub3A_1280 : vector<16xf32>
    %mul3A_1282 = arith.mulf %mul3A_1269, %mul3A_1281 : vector<16xf32>
    %mul3A_1283 = arith.mulf %mul3A_1282, %mul3A_1281 : vector<16xf32>
    %sub3A_1284 = arith.constant 1.500000e+00 : f32
    %sub3A_1285 = vector.broadcast %sub3A_1284 : f32 to vector<16xf32>
    %sub3A_1286 = arith.subf %sub3A_1285, %mul3A_1283 : vector<16xf32>
    %mul3A_1287 = arith.mulf %mul3A_1281, %sub3A_1286 : vector<16xf32>
    %add3A_1288 = arith.constant 288 : i32
    %add3A_1289 = arith.addi %mul3A_0, %add3A_1288 : i32
    %iota3A_1290 = tpu.iota {dimensions = array<i32: 0>} : vector<16xi32>
    %add3A_1291 = vector.broadcast %add3A_1289 : i32 to vector<16xi32>
    %add3A_1292 = arith.addi %add3A_1291, %iota3A_1290 : vector<16xi32>
    %lt3A_1293 = arith.constant 10000 : i32
    %lt3A_1294 = vector.broadcast %lt3A_1293 : i32 to vector<16xi32>
    %lt3A_1295 = arith.cmpi slt, %add3A_1292, %lt3A_1294 : vector<16xi32>
    %jit3A_1296 = arith.constant 0.000000e+00 : f32
    %broadcast_in_dim3A_1297 = vector.broadcast %jit3A_1296 : f32 to vector<16xf32>
    %select_n3A_1298 = arith.select %lt3A_1295, %mul3A_1287, %broadcast_in_dim3A_1297 : vector<16xi1>, vector<16xf32>
    %swap3A_1299 = arith.constant 288 : index
    %swap3A_1300 = tpu.vector_load %arg7[%swap3A_1299] {strides = array<i32>} : memref<640xf32, #tpu.memory_space<vmem>>, vector<16xf32>,
    %swap3A_1301 = vector.shape_cast %swap3A_1300 : vector<16xf32> to vector<16xf32>
    %swap3A_1302 = vector.shape_cast %select_n3A_1298 : vector<16xf32> to vector<16xf32>
    tpu.vector_store %arg7[%swap3A_1299], %swap3A_1302 {strides = array<i32>} : memref<640xf32, #tpu.memory_space<vmem>>, vector<16xf32>,
    %get3A_1303 = arith.constant 304 : index
    %get3A_1304 = tpu.vector_load %arg7[%get3A_1303] {strides = array<i32>} : memref<640xf32, #tpu.memory_space<vmem>>, vector<16xf32>,
    %get3A_1305 = vector.shape_cast %get3A_1304 : vector<16xf32> to vector<16xf32>
    %add3A_1306 = arith.constant 1.000000e+00 : f32
    %add3A_1307 = vector.broadcast %add3A_1306 : f32 to vector<16xf32>
    %add3A_1308 = arith.addf %get3A_1305, %add3A_1307 : vector<16xf32>
    %bitcast_convert_type3A_1309 = tpu.bitcast %add3A_1308 : vector<16xf32> -> vector<16xi32>
    %shift_right_logical3A_1310 = arith.constant 1 : i32
    %shift_right_logical3A_1311 = vector.broadcast %shift_right_logical3A_1310 : i32 to vector<16xi32>
    %shift_right_logical3A_1312 = arith.shrui %bitcast_convert_type3A_1309, %shift_right_logical3A_1311 : vector<16xi32>
    %sub3A_1313 = arith.constant 1597463007 : i32
    %sub3A_1314 = vector.broadcast %sub3A_1313 : i32 to vector<16xi32>
    %sub3A_1315 = arith.subi %sub3A_1314, %shift_right_logical3A_1312 : vector<16xi32>
    %bitcast_convert_type3A_1316 = tpu.bitcast %sub3A_1315 : vector<16xi32> -> vector<16xf32>
    %mul3A_1317 = arith.constant 5.000000e-01 : f32
    %mul3A_1318 = vector.broadcast %mul3A_1317 : f32 to vector<16xf32>
    %mul3A_1319 = arith.mulf %add3A_1308, %mul3A_1318 : vector<16xf32>
    %mul3A_1320 = arith.mulf %mul3A_1319, %bitcast_convert_type3A_1316 : vector<16xf32>
    %mul3A_1321 = arith.mulf %mul3A_1320, %bitcast_convert_type3A_1316 : vector<16xf32>
    %sub3A_1322 = arith.constant 1.500000e+00 : f32
    %sub3A_1323 = vector.broadcast %sub3A_1322 : f32 to vector<16xf32>
    %sub3A_1324 = arith.subf %sub3A_1323, %mul3A_1321 : vector<16xf32>
    %mul3A_1325 = arith.mulf %bitcast_convert_type3A_1316, %sub3A_1324 : vector<16xf32>
    %mul3A_1326 = arith.mulf %mul3A_1319, %mul3A_1325 : vector<16xf32>
    %mul3A_1327 = arith.mulf %mul3A_1326, %mul3A_1325 : vector<16xf32>
    %sub3A_1328 = arith.constant 1.500000e+00 : f32
    %sub3A_1329 = vector.broadcast %sub3A_1328 : f32 to vector<16xf32>
    %sub3A_1330 = arith.subf %sub3A_1329, %mul3A_1327 : vector<16xf32>
    %mul3A_1331 = arith.mulf %mul3A_1325, %sub3A_1330 : vector<16xf32>
    %mul3A_1332 = arith.mulf %mul3A_1319, %mul3A_1331 : vector<16xf32>
    %mul3A_1333 = arith.mulf %mul3A_1332, %mul3A_1331 : vector<16xf32>
    %sub3A_1334 = arith.constant 1.500000e+00 : f32
    %sub3A_1335 = vector.broadcast %sub3A_1334 : f32 to vector<16xf32>
    %sub3A_1336 = arith.subf %sub3A_1335, %mul3A_1333 : vector<16xf32>
    %mul3A_1337 = arith.mulf %mul3A_1331, %sub3A_1336 : vector<16xf32>
    %add3A_1338 = arith.constant 304 : i32
    %add3A_1339 = arith.addi %mul3A_0, %add3A_1338 : i32
    %iota3A_1340 = tpu.iota {dimensions = array<i32: 0>} : vector<16xi32>
    %add3A_1341 = vector.broadcast %add3A_1339 : i32 to vector<16xi32>
    %add3A_1342 = arith.addi %add3A_1341, %iota3A_1340 : vector<16xi32>
    %lt3A_1343 = arith.constant 10000 : i32
    %lt3A_1344 = vector.broadcast %lt3A_1343 : i32 to vector<16xi32>
    %lt3A_1345 = arith.cmpi slt, %add3A_1342, %lt3A_1344 : vector<16xi32>
    %jit3A_1346 = arith.constant 0.000000e+00 : f32
    %broadcast_in_dim3A_1347 = vector.broadcast %jit3A_1346 : f32 to vector<16xf32>
    %select_n3A_1348 = arith.select %lt3A_1345, %mul3A_1337, %broadcast_in_dim3A_1347 : vector<16xi1>, vector<16xf32>
    %swap3A_1349 = arith.constant 304 : index
    %swap3A_1350 = tpu.vector_load %arg7[%swap3A_1349] {strides = array<i32>} : memref<640xf32, #tpu.memory_space<vmem>>, vector<16xf32>,
    %swap3A_1351 = vector.shape_cast %swap3A_1350 : vector<16xf32> to vector<16xf32>
    %swap3A_1352 = vector.shape_cast %select_n3A_1348 : vector<16xf32> to vector<16xf32>
    tpu.vector_store %arg7[%swap3A_1349], %swap3A_1352 {strides = array<i32>} : memref<640xf32, #tpu.memory_space<vmem>>, vector<16xf32>,
    %get3A_1353 = arith.constant 320 : index
    %get3A_1354 = tpu.vector_load %arg7[%get3A_1353] {strides = array<i32>} : memref<640xf32, #tpu.memory_space<vmem>>, vector<16xf32>,
    %get3A_1355 = vector.shape_cast %get3A_1354 : vector<16xf32> to vector<16xf32>
    %add3A_1356 = arith.constant 1.000000e+00 : f32
    %add3A_1357 = vector.broadcast %add3A_1356 : f32 to vector<16xf32>
    %add3A_1358 = arith.addf %get3A_1355, %add3A_1357 : vector<16xf32>
    %bitcast_convert_type3A_1359 = tpu.bitcast %add3A_1358 : vector<16xf32> -> vector<16xi32>
    %shift_right_logical3A_1360 = arith.constant 1 : i32
    %shift_right_logical3A_1361 = vector.broadcast %shift_right_logical3A_1360 : i32 to vector<16xi32>
    %shift_right_logical3A_1362 = arith.shrui %bitcast_convert_type3A_1359, %shift_right_logical3A_1361 : vector<16xi32>
    %sub3A_1363 = arith.constant 1597463007 : i32
    %sub3A_1364 = vector.broadcast %sub3A_1363 : i32 to vector<16xi32>
    %sub3A_1365 = arith.subi %sub3A_1364, %shift_right_logical3A_1362 : vector<16xi32>
    %bitcast_convert_type3A_1366 = tpu.bitcast %sub3A_1365 : vector<16xi32> -> vector<16xf32>
    %mul3A_1367 = arith.constant 5.000000e-01 : f32
    %mul3A_1368 = vector.broadcast %mul3A_1367 : f32 to vector<16xf32>
    %mul3A_1369 = arith.mulf %add3A_1358, %mul3A_1368 : vector<16xf32>
    %mul3A_1370 = arith.mulf %mul3A_1369, %bitcast_convert_type3A_1366 : vector<16xf32>
    %mul3A_1371 = arith.mulf %mul3A_1370, %bitcast_convert_type3A_1366 : vector<16xf32>
    %sub3A_1372 = arith.constant 1.500000e+00 : f32
    %sub3A_1373 = vector.broadcast %sub3A_1372 : f32 to vector<16xf32>
    %sub3A_1374 = arith.subf %sub3A_1373, %mul3A_1371 : vector<16xf32>
    %mul3A_1375 = arith.mulf %bitcast_convert_type3A_1366, %sub3A_1374 : vector<16xf32>
    %mul3A_1376 = arith.mulf %mul3A_1369, %mul3A_1375 : vector<16xf32>
    %mul3A_1377 = arith.mulf %mul3A_1376, %mul3A_1375 : vector<16xf32>
    %sub3A_1378 = arith.constant 1.500000e+00 : f32
    %sub3A_1379 = vector.broadcast %sub3A_1378 : f32 to vector<16xf32>
    %sub3A_1380 = arith.subf %sub3A_1379, %mul3A_1377 : vector<16xf32>
    %mul3A_1381 = arith.mulf %mul3A_1375, %sub3A_1380 : vector<16xf32>
    %mul3A_1382 = arith.mulf %mul3A_1369, %mul3A_1381 : vector<16xf32>
    %mul3A_1383 = arith.mulf %mul3A_1382, %mul3A_1381 : vector<16xf32>
    %sub3A_1384 = arith.constant 1.500000e+00 : f32
    %sub3A_1385 = vector.broadcast %sub3A_1384 : f32 to vector<16xf32>
    %sub3A_1386 = arith.subf %sub3A_1385, %mul3A_1383 : vector<16xf32>
    %mul3A_1387 = arith.mulf %mul3A_1381, %sub3A_1386 : vector<16xf32>
    %add3A_1388 = arith.constant 320 : i32
    %add3A_1389 = arith.addi %mul3A_0, %add3A_1388 : i32
    %iota3A_1390 = tpu.iota {dimensions = array<i32: 0>} : vector<16xi32>
    %add3A_1391 = vector.broadcast %add3A_1389 : i32 to vector<16xi32>
    %add3A_1392 = arith.addi %add3A_1391, %iota3A_1390 : vector<16xi32>
    %lt3A_1393 = arith.constant 10000 : i32
    %lt3A_1394 = vector.broadcast %lt3A_1393 : i32 to vector<16xi32>
    %lt3A_1395 = arith.cmpi slt, %add3A_1392, %lt3A_1394 : vector<16xi32>
    %jit3A_1396 = arith.constant 0.000000e+00 : f32
    %broadcast_in_dim3A_1397 = vector.broadcast %jit3A_1396 : f32 to vector<16xf32>
    %select_n3A_1398 = arith.select %lt3A_1395, %mul3A_1387, %broadcast_in_dim3A_1397 : vector<16xi1>, vector<16xf32>
    %swap3A_1399 = arith.constant 320 : index
    %swap3A_1400 = tpu.vector_load %arg7[%swap3A_1399] {strides = array<i32>} : memref<640xf32, #tpu.memory_space<vmem>>, vector<16xf32>,
    %swap3A_1401 = vector.shape_cast %swap3A_1400 : vector<16xf32> to vector<16xf32>
    %swap3A_1402 = vector.shape_cast %select_n3A_1398 : vector<16xf32> to vector<16xf32>
    tpu.vector_store %arg7[%swap3A_1399], %swap3A_1402 {strides = array<i32>} : memref<640xf32, #tpu.memory_space<vmem>>, vector<16xf32>,
    %get3A_1403 = arith.constant 336 : index
    %get3A_1404 = tpu.vector_load %arg7[%get3A_1403] {strides = array<i32>} : memref<640xf32, #tpu.memory_space<vmem>>, vector<16xf32>,
    %get3A_1405 = vector.shape_cast %get3A_1404 : vector<16xf32> to vector<16xf32>
    %add3A_1406 = arith.constant 1.000000e+00 : f32
    %add3A_1407 = vector.broadcast %add3A_1406 : f32 to vector<16xf32>
    %add3A_1408 = arith.addf %get3A_1405, %add3A_1407 : vector<16xf32>
    %bitcast_convert_type3A_1409 = tpu.bitcast %add3A_1408 : vector<16xf32> -> vector<16xi32>
    %shift_right_logical3A_1410 = arith.constant 1 : i32
    %shift_right_logical3A_1411 = vector.broadcast %shift_right_logical3A_1410 : i32 to vector<16xi32>
    %shift_right_logical3A_1412 = arith.shrui %bitcast_convert_type3A_1409, %shift_right_logical3A_1411 : vector<16xi32>
    %sub3A_1413 = arith.constant 1597463007 : i32
    %sub3A_1414 = vector.broadcast %sub3A_1413 : i32 to vector<16xi32>
    %sub3A_1415 = arith.subi %sub3A_1414, %shift_right_logical3A_1412 : vector<16xi32>
    %bitcast_convert_type3A_1416 = tpu.bitcast %sub3A_1415 : vector<16xi32> -> vector<16xf32>
    %mul3A_1417 = arith.constant 5.000000e-01 : f32
    %mul3A_1418 = vector.broadcast %mul3A_1417 : f32 to vector<16xf32>
    %mul3A_1419 = arith.mulf %add3A_1408, %mul3A_1418 : vector<16xf32>
    %mul3A_1420 = arith.mulf %mul3A_1419, %bitcast_convert_type3A_1416 : vector<16xf32>
    %mul3A_1421 = arith.mulf %mul3A_1420, %bitcast_convert_type3A_1416 : vector<16xf32>
    %sub3A_1422 = arith.constant 1.500000e+00 : f32
    %sub3A_1423 = vector.broadcast %sub3A_1422 : f32 to vector<16xf32>
    %sub3A_1424 = arith.subf %sub3A_1423, %mul3A_1421 : vector<16xf32>
    %mul3A_1425 = arith.mulf %bitcast_convert_type3A_1416, %sub3A_1424 : vector<16xf32>
    %mul3A_1426 = arith.mulf %mul3A_1419, %mul3A_1425 : vector<16xf32>
    %mul3A_1427 = arith.mulf %mul3A_1426, %mul3A_1425 : vector<16xf32>
    %sub3A_1428 = arith.constant 1.500000e+00 : f32
    %sub3A_1429 = vector.broadcast %sub3A_1428 : f32 to vector<16xf32>
    %sub3A_1430 = arith.subf %sub3A_1429, %mul3A_1427 : vector<16xf32>
    %mul3A_1431 = arith.mulf %mul3A_1425, %sub3A_1430 : vector<16xf32>
    %mul3A_1432 = arith.mulf %mul3A_1419, %mul3A_1431 : vector<16xf32>
    %mul3A_1433 = arith.mulf %mul3A_1432, %mul3A_1431 : vector<16xf32>
    %sub3A_1434 = arith.constant 1.500000e+00 : f32
    %sub3A_1435 = vector.broadcast %sub3A_1434 : f32 to vector<16xf32>
    %sub3A_1436 = arith.subf %sub3A_1435, %mul3A_1433 : vector<16xf32>
    %mul3A_1437 = arith.mulf %mul3A_1431, %sub3A_1436 : vector<16xf32>
    %add3A_1438 = arith.constant 336 : i32
    %add3A_1439 = arith.addi %mul3A_0, %add3A_1438 : i32
    %iota3A_1440 = tpu.iota {dimensions = array<i32: 0>} : vector<16xi32>
    %add3A_1441 = vector.broadcast %add3A_1439 : i32 to vector<16xi32>
    %add3A_1442 = arith.addi %add3A_1441, %iota3A_1440 : vector<16xi32>
    %lt3A_1443 = arith.constant 10000 : i32
    %lt3A_1444 = vector.broadcast %lt3A_1443 : i32 to vector<16xi32>
    %lt3A_1445 = arith.cmpi slt, %add3A_1442, %lt3A_1444 : vector<16xi32>
    %jit3A_1446 = arith.constant 0.000000e+00 : f32
    %broadcast_in_dim3A_1447 = vector.broadcast %jit3A_1446 : f32 to vector<16xf32>
    %select_n3A_1448 = arith.select %lt3A_1445, %mul3A_1437, %broadcast_in_dim3A_1447 : vector<16xi1>, vector<16xf32>
    %swap3A_1449 = arith.constant 336 : index
    %swap3A_1450 = tpu.vector_load %arg7[%swap3A_1449] {strides = array<i32>} : memref<640xf32, #tpu.memory_space<vmem>>, vector<16xf32>,
    %swap3A_1451 = vector.shape_cast %swap3A_1450 : vector<16xf32> to vector<16xf32>
    %swap3A_1452 = vector.shape_cast %select_n3A_1448 : vector<16xf32> to vector<16xf32>
    tpu.vector_store %arg7[%swap3A_1449], %swap3A_1452 {strides = array<i32>} : memref<640xf32, #tpu.memory_space<vmem>>, vector<16xf32>,
    %get3A_1453 = arith.constant 352 : index
    %get3A_1454 = tpu.vector_load %arg7[%get3A_1453] {strides = array<i32>} : memref<640xf32, #tpu.memory_space<vmem>>, vector<16xf32>,
    %get3A_1455 = vector.shape_cast %get3A_1454 : vector<16xf32> to vector<16xf32>
    %add3A_1456 = arith.constant 1.000000e+00 : f32
    %add3A_1457 = vector.broadcast %add3A_1456 : f32 to vector<16xf32>
    %add3A_1458 = arith.addf %get3A_1455, %add3A_1457 : vector<16xf32>
    %bitcast_convert_type3A_1459 = tpu.bitcast %add3A_1458 : vector<16xf32> -> vector<16xi32>
    %shift_right_logical3A_1460 = arith.constant 1 : i32
    %shift_right_logical3A_1461 = vector.broadcast %shift_right_logical3A_1460 : i32 to vector<16xi32>
    %shift_right_logical3A_1462 = arith.shrui %bitcast_convert_type3A_1459, %shift_right_logical3A_1461 : vector<16xi32>
    %sub3A_1463 = arith.constant 1597463007 : i32
    %sub3A_1464 = vector.broadcast %sub3A_1463 : i32 to vector<16xi32>
    %sub3A_1465 = arith.subi %sub3A_1464, %shift_right_logical3A_1462 : vector<16xi32>
    %bitcast_convert_type3A_1466 = tpu.bitcast %sub3A_1465 : vector<16xi32> -> vector<16xf32>
    %mul3A_1467 = arith.constant 5.000000e-01 : f32
    %mul3A_1468 = vector.broadcast %mul3A_1467 : f32 to vector<16xf32>
    %mul3A_1469 = arith.mulf %add3A_1458, %mul3A_1468 : vector<16xf32>
    %mul3A_1470 = arith.mulf %mul3A_1469, %bitcast_convert_type3A_1466 : vector<16xf32>
    %mul3A_1471 = arith.mulf %mul3A_1470, %bitcast_convert_type3A_1466 : vector<16xf32>
    %sub3A_1472 = arith.constant 1.500000e+00 : f32
    %sub3A_1473 = vector.broadcast %sub3A_1472 : f32 to vector<16xf32>
    %sub3A_1474 = arith.subf %sub3A_1473, %mul3A_1471 : vector<16xf32>
    %mul3A_1475 = arith.mulf %bitcast_convert_type3A_1466, %sub3A_1474 : vector<16xf32>
    %mul3A_1476 = arith.mulf %mul3A_1469, %mul3A_1475 : vector<16xf32>
    %mul3A_1477 = arith.mulf %mul3A_1476, %mul3A_1475 : vector<16xf32>
    %sub3A_1478 = arith.constant 1.500000e+00 : f32
    %sub3A_1479 = vector.broadcast %sub3A_1478 : f32 to vector<16xf32>
    %sub3A_1480 = arith.subf %sub3A_1479, %mul3A_1477 : vector<16xf32>
    %mul3A_1481 = arith.mulf %mul3A_1475, %sub3A_1480 : vector<16xf32>
    %mul3A_1482 = arith.mulf %mul3A_1469, %mul3A_1481 : vector<16xf32>
    %mul3A_1483 = arith.mulf %mul3A_1482, %mul3A_1481 : vector<16xf32>
    %sub3A_1484 = arith.constant 1.500000e+00 : f32
    %sub3A_1485 = vector.broadcast %sub3A_1484 : f32 to vector<16xf32>
    %sub3A_1486 = arith.subf %sub3A_1485, %mul3A_1483 : vector<16xf32>
    %mul3A_1487 = arith.mulf %mul3A_1481, %sub3A_1486 : vector<16xf32>
    %add3A_1488 = arith.constant 352 : i32
    %add3A_1489 = arith.addi %mul3A_0, %add3A_1488 : i32
    %iota3A_1490 = tpu.iota {dimensions = array<i32: 0>} : vector<16xi32>
    %add3A_1491 = vector.broadcast %add3A_1489 : i32 to vector<16xi32>
    %add3A_1492 = arith.addi %add3A_1491, %iota3A_1490 : vector<16xi32>
    %lt3A_1493 = arith.constant 10000 : i32
    %lt3A_1494 = vector.broadcast %lt3A_1493 : i32 to vector<16xi32>
    %lt3A_1495 = arith.cmpi slt, %add3A_1492, %lt3A_1494 : vector<16xi32>
    %jit3A_1496 = arith.constant 0.000000e+00 : f32
    %broadcast_in_dim3A_1497 = vector.broadcast %jit3A_1496 : f32 to vector<16xf32>
    %select_n3A_1498 = arith.select %lt3A_1495, %mul3A_1487, %broadcast_in_dim3A_1497 : vector<16xi1>, vector<16xf32>
    %swap3A_1499 = arith.constant 352 : index
    %swap3A_1500 = tpu.vector_load %arg7[%swap3A_1499] {strides = array<i32>} : memref<640xf32, #tpu.memory_space<vmem>>, vector<16xf32>,
    %swap3A_1501 = vector.shape_cast %swap3A_1500 : vector<16xf32> to vector<16xf32>
    %swap3A_1502 = vector.shape_cast %select_n3A_1498 : vector<16xf32> to vector<16xf32>
    tpu.vector_store %arg7[%swap3A_1499], %swap3A_1502 {strides = array<i32>} : memref<640xf32, #tpu.memory_space<vmem>>, vector<16xf32>,
    %get3A_1503 = arith.constant 368 : index
    %get3A_1504 = tpu.vector_load %arg7[%get3A_1503] {strides = array<i32>} : memref<640xf32, #tpu.memory_space<vmem>>, vector<16xf32>,
    %get3A_1505 = vector.shape_cast %get3A_1504 : vector<16xf32> to vector<16xf32>
    %add3A_1506 = arith.constant 1.000000e+00 : f32
    %add3A_1507 = vector.broadcast %add3A_1506 : f32 to vector<16xf32>
    %add3A_1508 = arith.addf %get3A_1505, %add3A_1507 : vector<16xf32>
    %bitcast_convert_type3A_1509 = tpu.bitcast %add3A_1508 : vector<16xf32> -> vector<16xi32>
    %shift_right_logical3A_1510 = arith.constant 1 : i32
    %shift_right_logical3A_1511 = vector.broadcast %shift_right_logical3A_1510 : i32 to vector<16xi32>
    %shift_right_logical3A_1512 = arith.shrui %bitcast_convert_type3A_1509, %shift_right_logical3A_1511 : vector<16xi32>
    %sub3A_1513 = arith.constant 1597463007 : i32
    %sub3A_1514 = vector.broadcast %sub3A_1513 : i32 to vector<16xi32>
    %sub3A_1515 = arith.subi %sub3A_1514, %shift_right_logical3A_1512 : vector<16xi32>
    %bitcast_convert_type3A_1516 = tpu.bitcast %sub3A_1515 : vector<16xi32> -> vector<16xf32>
    %mul3A_1517 = arith.constant 5.000000e-01 : f32
    %mul3A_1518 = vector.broadcast %mul3A_1517 : f32 to vector<16xf32>
    %mul3A_1519 = arith.mulf %add3A_1508, %mul3A_1518 : vector<16xf32>
    %mul3A_1520 = arith.mulf %mul3A_1519, %bitcast_convert_type3A_1516 : vector<16xf32>
    %mul3A_1521 = arith.mulf %mul3A_1520, %bitcast_convert_type3A_1516 : vector<16xf32>
    %sub3A_1522 = arith.constant 1.500000e+00 : f32
    %sub3A_1523 = vector.broadcast %sub3A_1522 : f32 to vector<16xf32>
    %sub3A_1524 = arith.subf %sub3A_1523, %mul3A_1521 : vector<16xf32>
    %mul3A_1525 = arith.mulf %bitcast_convert_type3A_1516, %sub3A_1524 : vector<16xf32>
    %mul3A_1526 = arith.mulf %mul3A_1519, %mul3A_1525 : vector<16xf32>
    %mul3A_1527 = arith.mulf %mul3A_1526, %mul3A_1525 : vector<16xf32>
    %sub3A_1528 = arith.constant 1.500000e+00 : f32
    %sub3A_1529 = vector.broadcast %sub3A_1528 : f32 to vector<16xf32>
    %sub3A_1530 = arith.subf %sub3A_1529, %mul3A_1527 : vector<16xf32>
    %mul3A_1531 = arith.mulf %mul3A_1525, %sub3A_1530 : vector<16xf32>
    %mul3A_1532 = arith.mulf %mul3A_1519, %mul3A_1531 : vector<16xf32>
    %mul3A_1533 = arith.mulf %mul3A_1532, %mul3A_1531 : vector<16xf32>
    %sub3A_1534 = arith.constant 1.500000e+00 : f32
    %sub3A_1535 = vector.broadcast %sub3A_1534 : f32 to vector<16xf32>
    %sub3A_1536 = arith.subf %sub3A_1535, %mul3A_1533 : vector<16xf32>
    %mul3A_1537 = arith.mulf %mul3A_1531, %sub3A_1536 : vector<16xf32>
    %add3A_1538 = arith.constant 368 : i32
    %add3A_1539 = arith.addi %mul3A_0, %add3A_1538 : i32
    %iota3A_1540 = tpu.iota {dimensions = array<i32: 0>} : vector<16xi32>
    %add3A_1541 = vector.broadcast %add3A_1539 : i32 to vector<16xi32>
    %add3A_1542 = arith.addi %add3A_1541, %iota3A_1540 : vector<16xi32>
    %lt3A_1543 = arith.constant 10000 : i32
    %lt3A_1544 = vector.broadcast %lt3A_1543 : i32 to vector<16xi32>
    %lt3A_1545 = arith.cmpi slt, %add3A_1542, %lt3A_1544 : vector<16xi32>
    %jit3A_1546 = arith.constant 0.000000e+00 : f32
    %broadcast_in_dim3A_1547 = vector.broadcast %jit3A_1546 : f32 to vector<16xf32>
    %select_n3A_1548 = arith.select %lt3A_1545, %mul3A_1537, %broadcast_in_dim3A_1547 : vector<16xi1>, vector<16xf32>
    %swap3A_1549 = arith.constant 368 : index
    %swap3A_1550 = tpu.vector_load %arg7[%swap3A_1549] {strides = array<i32>} : memref<640xf32, #tpu.memory_space<vmem>>, vector<16xf32>,
    %swap3A_1551 = vector.shape_cast %swap3A_1550 : vector<16xf32> to vector<16xf32>
    %swap3A_1552 = vector.shape_cast %select_n3A_1548 : vector<16xf32> to vector<16xf32>
    tpu.vector_store %arg7[%swap3A_1549], %swap3A_1552 {strides = array<i32>} : memref<640xf32, #tpu.memory_space<vmem>>, vector<16xf32>,
    %get3A_1553 = arith.constant 384 : index
    %get3A_1554 = tpu.vector_load %arg7[%get3A_1553] {strides = array<i32>} : memref<640xf32, #tpu.memory_space<vmem>>, vector<16xf32>,
    %get3A_1555 = vector.shape_cast %get3A_1554 : vector<16xf32> to vector<16xf32>
    %add3A_1556 = arith.constant 1.000000e+00 : f32
    %add3A_1557 = vector.broadcast %add3A_1556 : f32 to vector<16xf32>
    %add3A_1558 = arith.addf %get3A_1555, %add3A_1557 : vector<16xf32>
    %bitcast_convert_type3A_1559 = tpu.bitcast %add3A_1558 : vector<16xf32> -> vector<16xi32>
    %shift_right_logical3A_1560 = arith.constant 1 : i32
    %shift_right_logical3A_1561 = vector.broadcast %shift_right_logical3A_1560 : i32 to vector<16xi32>
    %shift_right_logical3A_1562 = arith.shrui %bitcast_convert_type3A_1559, %shift_right_logical3A_1561 : vector<16xi32>
    %sub3A_1563 = arith.constant 1597463007 : i32
    %sub3A_1564 = vector.broadcast %sub3A_1563 : i32 to vector<16xi32>
    %sub3A_1565 = arith.subi %sub3A_1564, %shift_right_logical3A_1562 : vector<16xi32>
    %bitcast_convert_type3A_1566 = tpu.bitcast %sub3A_1565 : vector<16xi32> -> vector<16xf32>
    %mul3A_1567 = arith.constant 5.000000e-01 : f32
    %mul3A_1568 = vector.broadcast %mul3A_1567 : f32 to vector<16xf32>
    %mul3A_1569 = arith.mulf %add3A_1558, %mul3A_1568 : vector<16xf32>
    %mul3A_1570 = arith.mulf %mul3A_1569, %bitcast_convert_type3A_1566 : vector<16xf32>
    %mul3A_1571 = arith.mulf %mul3A_1570, %bitcast_convert_type3A_1566 : vector<16xf32>
    %sub3A_1572 = arith.constant 1.500000e+00 : f32
    %sub3A_1573 = vector.broadcast %sub3A_1572 : f32 to vector<16xf32>
    %sub3A_1574 = arith.subf %sub3A_1573, %mul3A_1571 : vector<16xf32>
    %mul3A_1575 = arith.mulf %bitcast_convert_type3A_1566, %sub3A_1574 : vector<16xf32>
    %mul3A_1576 = arith.mulf %mul3A_1569, %mul3A_1575 : vector<16xf32>
    %mul3A_1577 = arith.mulf %mul3A_1576, %mul3A_1575 : vector<16xf32>
    %sub3A_1578 = arith.constant 1.500000e+00 : f32
    %sub3A_1579 = vector.broadcast %sub3A_1578 : f32 to vector<16xf32>
    %sub3A_1580 = arith.subf %sub3A_1579, %mul3A_1577 : vector<16xf32>
    %mul3A_1581 = arith.mulf %mul3A_1575, %sub3A_1580 : vector<16xf32>
    %mul3A_1582 = arith.mulf %mul3A_1569, %mul3A_1581 : vector<16xf32>
    %mul3A_1583 = arith.mulf %mul3A_1582, %mul3A_1581 : vector<16xf32>
    %sub3A_1584 = arith.constant 1.500000e+00 : f32
    %sub3A_1585 = vector.broadcast %sub3A_1584 : f32 to vector<16xf32>
    %sub3A_1586 = arith.subf %sub3A_1585, %mul3A_1583 : vector<16xf32>
    %mul3A_1587 = arith.mulf %mul3A_1581, %sub3A_1586 : vector<16xf32>
    %add3A_1588 = arith.constant 384 : i32
    %add3A_1589 = arith.addi %mul3A_0, %add3A_1588 : i32
    %iota3A_1590 = tpu.iota {dimensions = array<i32: 0>} : vector<16xi32>
    %add3A_1591 = vector.broadcast %add3A_1589 : i32 to vector<16xi32>
    %add3A_1592 = arith.addi %add3A_1591, %iota3A_1590 : vector<16xi32>
    %lt3A_1593 = arith.constant 10000 : i32
    %lt3A_1594 = vector.broadcast %lt3A_1593 : i32 to vector<16xi32>
    %lt3A_1595 = arith.cmpi slt, %add3A_1592, %lt3A_1594 : vector<16xi32>
    %jit3A_1596 = arith.constant 0.000000e+00 : f32
    %broadcast_in_dim3A_1597 = vector.broadcast %jit3A_1596 : f32 to vector<16xf32>
    %select_n3A_1598 = arith.select %lt3A_1595, %mul3A_1587, %broadcast_in_dim3A_1597 : vector<16xi1>, vector<16xf32>
    %swap3A_1599 = arith.constant 384 : index
    %swap3A_1600 = tpu.vector_load %arg7[%swap3A_1599] {strides = array<i32>} : memref<640xf32, #tpu.memory_space<vmem>>, vector<16xf32>,
    %swap3A_1601 = vector.shape_cast %swap3A_1600 : vector<16xf32> to vector<16xf32>
    %swap3A_1602 = vector.shape_cast %select_n3A_1598 : vector<16xf32> to vector<16xf32>
    tpu.vector_store %arg7[%swap3A_1599], %swap3A_1602 {strides = array<i32>} : memref<640xf32, #tpu.memory_space<vmem>>, vector<16xf32>,
    %get3A_1603 = arith.constant 400 : index
    %get3A_1604 = tpu.vector_load %arg7[%get3A_1603] {strides = array<i32>} : memref<640xf32, #tpu.memory_space<vmem>>, vector<16xf32>,
    %get3A_1605 = vector.shape_cast %get3A_1604 : vector<16xf32> to vector<16xf32>
    %add3A_1606 = arith.constant 1.000000e+00 : f32
    %add3A_1607 = vector.broadcast %add3A_1606 : f32 to vector<16xf32>
    %add3A_1608 = arith.addf %get3A_1605, %add3A_1607 : vector<16xf32>
    %bitcast_convert_type3A_1609 = tpu.bitcast %add3A_1608 : vector<16xf32> -> vector<16xi32>
    %shift_right_logical3A_1610 = arith.constant 1 : i32
    %shift_right_logical3A_1611 = vector.broadcast %shift_right_logical3A_1610 : i32 to vector<16xi32>
    %shift_right_logical3A_1612 = arith.shrui %bitcast_convert_type3A_1609, %shift_right_logical3A_1611 : vector<16xi32>
    %sub3A_1613 = arith.constant 1597463007 : i32
    %sub3A_1614 = vector.broadcast %sub3A_1613 : i32 to vector<16xi32>
    %sub3A_1615 = arith.subi %sub3A_1614, %shift_right_logical3A_1612 : vector<16xi32>
    %bitcast_convert_type3A_1616 = tpu.bitcast %sub3A_1615 : vector<16xi32> -> vector<16xf32>
    %mul3A_1617 = arith.constant 5.000000e-01 : f32
    %mul3A_1618 = vector.broadcast %mul3A_1617 : f32 to vector<16xf32>
    %mul3A_1619 = arith.mulf %add3A_1608, %mul3A_1618 : vector<16xf32>
    %mul3A_1620 = arith.mulf %mul3A_1619, %bitcast_convert_type3A_1616 : vector<16xf32>
    %mul3A_1621 = arith.mulf %mul3A_1620, %bitcast_convert_type3A_1616 : vector<16xf32>
    %sub3A_1622 = arith.constant 1.500000e+00 : f32
    %sub3A_1623 = vector.broadcast %sub3A_1622 : f32 to vector<16xf32>
    %sub3A_1624 = arith.subf %sub3A_1623, %mul3A_1621 : vector<16xf32>
    %mul3A_1625 = arith.mulf %bitcast_convert_type3A_1616, %sub3A_1624 : vector<16xf32>
    %mul3A_1626 = arith.mulf %mul3A_1619, %mul3A_1625 : vector<16xf32>
    %mul3A_1627 = arith.mulf %mul3A_1626, %mul3A_1625 : vector<16xf32>
    %sub3A_1628 = arith.constant 1.500000e+00 : f32
    %sub3A_1629 = vector.broadcast %sub3A_1628 : f32 to vector<16xf32>
    %sub3A_1630 = arith.subf %sub3A_1629, %mul3A_1627 : vector<16xf32>
    %mul3A_1631 = arith.mulf %mul3A_1625, %sub3A_1630 : vector<16xf32>
    %mul3A_1632 = arith.mulf %mul3A_1619, %mul3A_1631 : vector<16xf32>
    %mul3A_1633 = arith.mulf %mul3A_1632, %mul3A_1631 : vector<16xf32>
    %sub3A_1634 = arith.constant 1.500000e+00 : f32
    %sub3A_1635 = vector.broadcast %sub3A_1634 : f32 to vector<16xf32>
    %sub3A_1636 = arith.subf %sub3A_1635, %mul3A_1633 : vector<16xf32>
    %mul3A_1637 = arith.mulf %mul3A_1631, %sub3A_1636 : vector<16xf32>
    %add3A_1638 = arith.constant 400 : i32
    %add3A_1639 = arith.addi %mul3A_0, %add3A_1638 : i32
    %iota3A_1640 = tpu.iota {dimensions = array<i32: 0>} : vector<16xi32>
    %add3A_1641 = vector.broadcast %add3A_1639 : i32 to vector<16xi32>
    %add3A_1642 = arith.addi %add3A_1641, %iota3A_1640 : vector<16xi32>
    %lt3A_1643 = arith.constant 10000 : i32
    %lt3A_1644 = vector.broadcast %lt3A_1643 : i32 to vector<16xi32>
    %lt3A_1645 = arith.cmpi slt, %add3A_1642, %lt3A_1644 : vector<16xi32>
    %jit3A_1646 = arith.constant 0.000000e+00 : f32
    %broadcast_in_dim3A_1647 = vector.broadcast %jit3A_1646 : f32 to vector<16xf32>
    %select_n3A_1648 = arith.select %lt3A_1645, %mul3A_1637, %broadcast_in_dim3A_1647 : vector<16xi1>, vector<16xf32>
    %swap3A_1649 = arith.constant 400 : index
    %swap3A_1650 = tpu.vector_load %arg7[%swap3A_1649] {strides = array<i32>} : memref<640xf32, #tpu.memory_space<vmem>>, vector<16xf32>,
    %swap3A_1651 = vector.shape_cast %swap3A_1650 : vector<16xf32> to vector<16xf32>
    %swap3A_1652 = vector.shape_cast %select_n3A_1648 : vector<16xf32> to vector<16xf32>
    tpu.vector_store %arg7[%swap3A_1649], %swap3A_1652 {strides = array<i32>} : memref<640xf32, #tpu.memory_space<vmem>>, vector<16xf32>,
    %get3A_1653 = arith.constant 416 : index
    %get3A_1654 = tpu.vector_load %arg7[%get3A_1653] {strides = array<i32>} : memref<640xf32, #tpu.memory_space<vmem>>, vector<16xf32>,
    %get3A_1655 = vector.shape_cast %get3A_1654 : vector<16xf32> to vector<16xf32>
    %add3A_1656 = arith.constant 1.000000e+00 : f32
    %add3A_1657 = vector.broadcast %add3A_1656 : f32 to vector<16xf32>
    %add3A_1658 = arith.addf %get3A_1655, %add3A_1657 : vector<16xf32>
    %bitcast_convert_type3A_1659 = tpu.bitcast %add3A_1658 : vector<16xf32> -> vector<16xi32>
    %shift_right_logical3A_1660 = arith.constant 1 : i32
    %shift_right_logical3A_1661 = vector.broadcast %shift_right_logical3A_1660 : i32 to vector<16xi32>
    %shift_right_logical3A_1662 = arith.shrui %bitcast_convert_type3A_1659, %shift_right_logical3A_1661 : vector<16xi32>
    %sub3A_1663 = arith.constant 1597463007 : i32
    %sub3A_1664 = vector.broadcast %sub3A_1663 : i32 to vector<16xi32>
    %sub3A_1665 = arith.subi %sub3A_1664, %shift_right_logical3A_1662 : vector<16xi32>
    %bitcast_convert_type3A_1666 = tpu.bitcast %sub3A_1665 : vector<16xi32> -> vector<16xf32>
    %mul3A_1667 = arith.constant 5.000000e-01 : f32
    %mul3A_1668 = vector.broadcast %mul3A_1667 : f32 to vector<16xf32>
    %mul3A_1669 = arith.mulf %add3A_1658, %mul3A_1668 : vector<16xf32>
    %mul3A_1670 = arith.mulf %mul3A_1669, %bitcast_convert_type3A_1666 : vector<16xf32>
    %mul3A_1671 = arith.mulf %mul3A_1670, %bitcast_convert_type3A_1666 : vector<16xf32>
    %sub3A_1672 = arith.constant 1.500000e+00 : f32
    %sub3A_1673 = vector.broadcast %sub3A_1672 : f32 to vector<16xf32>
    %sub3A_1674 = arith.subf %sub3A_1673, %mul3A_1671 : vector<16xf32>
    %mul3A_1675 = arith.mulf %bitcast_convert_type3A_1666, %sub3A_1674 : vector<16xf32>
    %mul3A_1676 = arith.mulf %mul3A_1669, %mul3A_1675 : vector<16xf32>
    %mul3A_1677 = arith.mulf %mul3A_1676, %mul3A_1675 : vector<16xf32>
    %sub3A_1678 = arith.constant 1.500000e+00 : f32
    %sub3A_1679 = vector.broadcast %sub3A_1678 : f32 to vector<16xf32>
    %sub3A_1680 = arith.subf %sub3A_1679, %mul3A_1677 : vector<16xf32>
    %mul3A_1681 = arith.mulf %mul3A_1675, %sub3A_1680 : vector<16xf32>
    %mul3A_1682 = arith.mulf %mul3A_1669, %mul3A_1681 : vector<16xf32>
    %mul3A_1683 = arith.mulf %mul3A_1682, %mul3A_1681 : vector<16xf32>
    %sub3A_1684 = arith.constant 1.500000e+00 : f32
    %sub3A_1685 = vector.broadcast %sub3A_1684 : f32 to vector<16xf32>
    %sub3A_1686 = arith.subf %sub3A_1685, %mul3A_1683 : vector<16xf32>
    %mul3A_1687 = arith.mulf %mul3A_1681, %sub3A_1686 : vector<16xf32>
    %add3A_1688 = arith.constant 416 : i32
    %add3A_1689 = arith.addi %mul3A_0, %add3A_1688 : i32
    %iota3A_1690 = tpu.iota {dimensions = array<i32: 0>} : vector<16xi32>
    %add3A_1691 = vector.broadcast %add3A_1689 : i32 to vector<16xi32>
    %add3A_1692 = arith.addi %add3A_1691, %iota3A_1690 : vector<16xi32>
    %lt3A_1693 = arith.constant 10000 : i32
    %lt3A_1694 = vector.broadcast %lt3A_1693 : i32 to vector<16xi32>
    %lt3A_1695 = arith.cmpi slt, %add3A_1692, %lt3A_1694 : vector<16xi32>
    %jit3A_1696 = arith.constant 0.000000e+00 : f32
    %broadcast_in_dim3A_1697 = vector.broadcast %jit3A_1696 : f32 to vector<16xf32>
    %select_n3A_1698 = arith.select %lt3A_1695, %mul3A_1687, %broadcast_in_dim3A_1697 : vector<16xi1>, vector<16xf32>
    %swap3A_1699 = arith.constant 416 : index
    %swap3A_1700 = tpu.vector_load %arg7[%swap3A_1699] {strides = array<i32>} : memref<640xf32, #tpu.memory_space<vmem>>, vector<16xf32>,
    %swap3A_1701 = vector.shape_cast %swap3A_1700 : vector<16xf32> to vector<16xf32>
    %swap3A_1702 = vector.shape_cast %select_n3A_1698 : vector<16xf32> to vector<16xf32>
    tpu.vector_store %arg7[%swap3A_1699], %swap3A_1702 {strides = array<i32>} : memref<640xf32, #tpu.memory_space<vmem>>, vector<16xf32>,
    %get3A_1703 = arith.constant 432 : index
    %get3A_1704 = tpu.vector_load %arg7[%get3A_1703] {strides = array<i32>} : memref<640xf32, #tpu.memory_space<vmem>>, vector<16xf32>,
    %get3A_1705 = vector.shape_cast %get3A_1704 : vector<16xf32> to vector<16xf32>
    %add3A_1706 = arith.constant 1.000000e+00 : f32
    %add3A_1707 = vector.broadcast %add3A_1706 : f32 to vector<16xf32>
    %add3A_1708 = arith.addf %get3A_1705, %add3A_1707 : vector<16xf32>
    %bitcast_convert_type3A_1709 = tpu.bitcast %add3A_1708 : vector<16xf32> -> vector<16xi32>
    %shift_right_logical3A_1710 = arith.constant 1 : i32
    %shift_right_logical3A_1711 = vector.broadcast %shift_right_logical3A_1710 : i32 to vector<16xi32>
    %shift_right_logical3A_1712 = arith.shrui %bitcast_convert_type3A_1709, %shift_right_logical3A_1711 : vector<16xi32>
    %sub3A_1713 = arith.constant 1597463007 : i32
    %sub3A_1714 = vector.broadcast %sub3A_1713 : i32 to vector<16xi32>
    %sub3A_1715 = arith.subi %sub3A_1714, %shift_right_logical3A_1712 : vector<16xi32>
    %bitcast_convert_type3A_1716 = tpu.bitcast %sub3A_1715 : vector<16xi32> -> vector<16xf32>
    %mul3A_1717 = arith.constant 5.000000e-01 : f32
    %mul3A_1718 = vector.broadcast %mul3A_1717 : f32 to vector<16xf32>
    %mul3A_1719 = arith.mulf %add3A_1708, %mul3A_1718 : vector<16xf32>
    %mul3A_1720 = arith.mulf %mul3A_1719, %bitcast_convert_type3A_1716 : vector<16xf32>
    %mul3A_1721 = arith.mulf %mul3A_1720, %bitcast_convert_type3A_1716 : vector<16xf32>
    %sub3A_1722 = arith.constant 1.500000e+00 : f32
    %sub3A_1723 = vector.broadcast %sub3A_1722 : f32 to vector<16xf32>
    %sub3A_1724 = arith.subf %sub3A_1723, %mul3A_1721 : vector<16xf32>
    %mul3A_1725 = arith.mulf %bitcast_convert_type3A_1716, %sub3A_1724 : vector<16xf32>
    %mul3A_1726 = arith.mulf %mul3A_1719, %mul3A_1725 : vector<16xf32>
    %mul3A_1727 = arith.mulf %mul3A_1726, %mul3A_1725 : vector<16xf32>
    %sub3A_1728 = arith.constant 1.500000e+00 : f32
    %sub3A_1729 = vector.broadcast %sub3A_1728 : f32 to vector<16xf32>
    %sub3A_1730 = arith.subf %sub3A_1729, %mul3A_1727 : vector<16xf32>
    %mul3A_1731 = arith.mulf %mul3A_1725, %sub3A_1730 : vector<16xf32>
    %mul3A_1732 = arith.mulf %mul3A_1719, %mul3A_1731 : vector<16xf32>
    %mul3A_1733 = arith.mulf %mul3A_1732, %mul3A_1731 : vector<16xf32>
    %sub3A_1734 = arith.constant 1.500000e+00 : f32
    %sub3A_1735 = vector.broadcast %sub3A_1734 : f32 to vector<16xf32>
    %sub3A_1736 = arith.subf %sub3A_1735, %mul3A_1733 : vector<16xf32>
    %mul3A_1737 = arith.mulf %mul3A_1731, %sub3A_1736 : vector<16xf32>
    %add3A_1738 = arith.constant 432 : i32
    %add3A_1739 = arith.addi %mul3A_0, %add3A_1738 : i32
    %iota3A_1740 = tpu.iota {dimensions = array<i32: 0>} : vector<16xi32>
    %add3A_1741 = vector.broadcast %add3A_1739 : i32 to vector<16xi32>
    %add3A_1742 = arith.addi %add3A_1741, %iota3A_1740 : vector<16xi32>
    %lt3A_1743 = arith.constant 10000 : i32
    %lt3A_1744 = vector.broadcast %lt3A_1743 : i32 to vector<16xi32>
    %lt3A_1745 = arith.cmpi slt, %add3A_1742, %lt3A_1744 : vector<16xi32>
    %jit3A_1746 = arith.constant 0.000000e+00 : f32
    %broadcast_in_dim3A_1747 = vector.broadcast %jit3A_1746 : f32 to vector<16xf32>
    %select_n3A_1748 = arith.select %lt3A_1745, %mul3A_1737, %broadcast_in_dim3A_1747 : vector<16xi1>, vector<16xf32>
    %swap3A_1749 = arith.constant 432 : index
    %swap3A_1750 = tpu.vector_load %arg7[%swap3A_1749] {strides = array<i32>} : memref<640xf32, #tpu.memory_space<vmem>>, vector<16xf32>,
    %swap3A_1751 = vector.shape_cast %swap3A_1750 : vector<16xf32> to vector<16xf32>
    %swap3A_1752 = vector.shape_cast %select_n3A_1748 : vector<16xf32> to vector<16xf32>
    tpu.vector_store %arg7[%swap3A_1749], %swap3A_1752 {strides = array<i32>} : memref<640xf32, #tpu.memory_space<vmem>>, vector<16xf32>,
    %get3A_1753 = arith.constant 448 : index
    %get3A_1754 = tpu.vector_load %arg7[%get3A_1753] {strides = array<i32>} : memref<640xf32, #tpu.memory_space<vmem>>, vector<16xf32>,
    %get3A_1755 = vector.shape_cast %get3A_1754 : vector<16xf32> to vector<16xf32>
    %add3A_1756 = arith.constant 1.000000e+00 : f32
    %add3A_1757 = vector.broadcast %add3A_1756 : f32 to vector<16xf32>
    %add3A_1758 = arith.addf %get3A_1755, %add3A_1757 : vector<16xf32>
    %bitcast_convert_type3A_1759 = tpu.bitcast %add3A_1758 : vector<16xf32> -> vector<16xi32>
    %shift_right_logical3A_1760 = arith.constant 1 : i32
    %shift_right_logical3A_1761 = vector.broadcast %shift_right_logical3A_1760 : i32 to vector<16xi32>
    %shift_right_logical3A_1762 = arith.shrui %bitcast_convert_type3A_1759, %shift_right_logical3A_1761 : vector<16xi32>
    %sub3A_1763 = arith.constant 1597463007 : i32
    %sub3A_1764 = vector.broadcast %sub3A_1763 : i32 to vector<16xi32>
    %sub3A_1765 = arith.subi %sub3A_1764, %shift_right_logical3A_1762 : vector<16xi32>
    %bitcast_convert_type3A_1766 = tpu.bitcast %sub3A_1765 : vector<16xi32> -> vector<16xf32>
    %mul3A_1767 = arith.constant 5.000000e-01 : f32
    %mul3A_1768 = vector.broadcast %mul3A_1767 : f32 to vector<16xf32>
    %mul3A_1769 = arith.mulf %add3A_1758, %mul3A_1768 : vector<16xf32>
    %mul3A_1770 = arith.mulf %mul3A_1769, %bitcast_convert_type3A_1766 : vector<16xf32>
    %mul3A_1771 = arith.mulf %mul3A_1770, %bitcast_convert_type3A_1766 : vector<16xf32>
    %sub3A_1772 = arith.constant 1.500000e+00 : f32
    %sub3A_1773 = vector.broadcast %sub3A_1772 : f32 to vector<16xf32>
    %sub3A_1774 = arith.subf %sub3A_1773, %mul3A_1771 : vector<16xf32>
    %mul3A_1775 = arith.mulf %bitcast_convert_type3A_1766, %sub3A_1774 : vector<16xf32>
    %mul3A_1776 = arith.mulf %mul3A_1769, %mul3A_1775 : vector<16xf32>
    %mul3A_1777 = arith.mulf %mul3A_1776, %mul3A_1775 : vector<16xf32>
    %sub3A_1778 = arith.constant 1.500000e+00 : f32
    %sub3A_1779 = vector.broadcast %sub3A_1778 : f32 to vector<16xf32>
    %sub3A_1780 = arith.subf %sub3A_1779, %mul3A_1777 : vector<16xf32>
    %mul3A_1781 = arith.mulf %mul3A_1775, %sub3A_1780 : vector<16xf32>
    %mul3A_1782 = arith.mulf %mul3A_1769, %mul3A_1781 : vector<16xf32>
    %mul3A_1783 = arith.mulf %mul3A_1782, %mul3A_1781 : vector<16xf32>
    %sub3A_1784 = arith.constant 1.500000e+00 : f32
    %sub3A_1785 = vector.broadcast %sub3A_1784 : f32 to vector<16xf32>
    %sub3A_1786 = arith.subf %sub3A_1785, %mul3A_1783 : vector<16xf32>
    %mul3A_1787 = arith.mulf %mul3A_1781, %sub3A_1786 : vector<16xf32>
    %add3A_1788 = arith.constant 448 : i32
    %add3A_1789 = arith.addi %mul3A_0, %add3A_1788 : i32
    %iota3A_1790 = tpu.iota {dimensions = array<i32: 0>} : vector<16xi32>
    %add3A_1791 = vector.broadcast %add3A_1789 : i32 to vector<16xi32>
    %add3A_1792 = arith.addi %add3A_1791, %iota3A_1790 : vector<16xi32>
    %lt3A_1793 = arith.constant 10000 : i32
    %lt3A_1794 = vector.broadcast %lt3A_1793 : i32 to vector<16xi32>
    %lt3A_1795 = arith.cmpi slt, %add3A_1792, %lt3A_1794 : vector<16xi32>
    %jit3A_1796 = arith.constant 0.000000e+00 : f32
    %broadcast_in_dim3A_1797 = vector.broadcast %jit3A_1796 : f32 to vector<16xf32>
    %select_n3A_1798 = arith.select %lt3A_1795, %mul3A_1787, %broadcast_in_dim3A_1797 : vector<16xi1>, vector<16xf32>
    %swap3A_1799 = arith.constant 448 : index
    %swap3A_1800 = tpu.vector_load %arg7[%swap3A_1799] {strides = array<i32>} : memref<640xf32, #tpu.memory_space<vmem>>, vector<16xf32>,
    %swap3A_1801 = vector.shape_cast %swap3A_1800 : vector<16xf32> to vector<16xf32>
    %swap3A_1802 = vector.shape_cast %select_n3A_1798 : vector<16xf32> to vector<16xf32>
    tpu.vector_store %arg7[%swap3A_1799], %swap3A_1802 {strides = array<i32>} : memref<640xf32, #tpu.memory_space<vmem>>, vector<16xf32>,
    %get3A_1803 = arith.constant 464 : index
    %get3A_1804 = tpu.vector_load %arg7[%get3A_1803] {strides = array<i32>} : memref<640xf32, #tpu.memory_space<vmem>>, vector<16xf32>,
    %get3A_1805 = vector.shape_cast %get3A_1804 : vector<16xf32> to vector<16xf32>
    %add3A_1806 = arith.constant 1.000000e+00 : f32
    %add3A_1807 = vector.broadcast %add3A_1806 : f32 to vector<16xf32>
    %add3A_1808 = arith.addf %get3A_1805, %add3A_1807 : vector<16xf32>
    %bitcast_convert_type3A_1809 = tpu.bitcast %add3A_1808 : vector<16xf32> -> vector<16xi32>
    %shift_right_logical3A_1810 = arith.constant 1 : i32
    %shift_right_logical3A_1811 = vector.broadcast %shift_right_logical3A_1810 : i32 to vector<16xi32>
    %shift_right_logical3A_1812 = arith.shrui %bitcast_convert_type3A_1809, %shift_right_logical3A_1811 : vector<16xi32>
    %sub3A_1813 = arith.constant 1597463007 : i32
    %sub3A_1814 = vector.broadcast %sub3A_1813 : i32 to vector<16xi32>
    %sub3A_1815 = arith.subi %sub3A_1814, %shift_right_logical3A_1812 : vector<16xi32>
    %bitcast_convert_type3A_1816 = tpu.bitcast %sub3A_1815 : vector<16xi32> -> vector<16xf32>
    %mul3A_1817 = arith.constant 5.000000e-01 : f32
    %mul3A_1818 = vector.broadcast %mul3A_1817 : f32 to vector<16xf32>
    %mul3A_1819 = arith.mulf %add3A_1808, %mul3A_1818 : vector<16xf32>
    %mul3A_1820 = arith.mulf %mul3A_1819, %bitcast_convert_type3A_1816 : vector<16xf32>
    %mul3A_1821 = arith.mulf %mul3A_1820, %bitcast_convert_type3A_1816 : vector<16xf32>
    %sub3A_1822 = arith.constant 1.500000e+00 : f32
    %sub3A_1823 = vector.broadcast %sub3A_1822 : f32 to vector<16xf32>
    %sub3A_1824 = arith.subf %sub3A_1823, %mul3A_1821 : vector<16xf32>
    %mul3A_1825 = arith.mulf %bitcast_convert_type3A_1816, %sub3A_1824 : vector<16xf32>
    %mul3A_1826 = arith.mulf %mul3A_1819, %mul3A_1825 : vector<16xf32>
    %mul3A_1827 = arith.mulf %mul3A_1826, %mul3A_1825 : vector<16xf32>
    %sub3A_1828 = arith.constant 1.500000e+00 : f32
    %sub3A_1829 = vector.broadcast %sub3A_1828 : f32 to vector<16xf32>
    %sub3A_1830 = arith.subf %sub3A_1829, %mul3A_1827 : vector<16xf32>
    %mul3A_1831 = arith.mulf %mul3A_1825, %sub3A_1830 : vector<16xf32>
    %mul3A_1832 = arith.mulf %mul3A_1819, %mul3A_1831 : vector<16xf32>
    %mul3A_1833 = arith.mulf %mul3A_1832, %mul3A_1831 : vector<16xf32>
    %sub3A_1834 = arith.constant 1.500000e+00 : f32
    %sub3A_1835 = vector.broadcast %sub3A_1834 : f32 to vector<16xf32>
    %sub3A_1836 = arith.subf %sub3A_1835, %mul3A_1833 : vector<16xf32>
    %mul3A_1837 = arith.mulf %mul3A_1831, %sub3A_1836 : vector<16xf32>
    %add3A_1838 = arith.constant 464 : i32
    %add3A_1839 = arith.addi %mul3A_0, %add3A_1838 : i32
    %iota3A_1840 = tpu.iota {dimensions = array<i32: 0>} : vector<16xi32>
    %add3A_1841 = vector.broadcast %add3A_1839 : i32 to vector<16xi32>
    %add3A_1842 = arith.addi %add3A_1841, %iota3A_1840 : vector<16xi32>
    %lt3A_1843 = arith.constant 10000 : i32
    %lt3A_1844 = vector.broadcast %lt3A_1843 : i32 to vector<16xi32>
    %lt3A_1845 = arith.cmpi slt, %add3A_1842, %lt3A_1844 : vector<16xi32>
    %jit3A_1846 = arith.constant 0.000000e+00 : f32
    %broadcast_in_dim3A_1847 = vector.broadcast %jit3A_1846 : f32 to vector<16xf32>
    %select_n3A_1848 = arith.select %lt3A_1845, %mul3A_1837, %broadcast_in_dim3A_1847 : vector<16xi1>, vector<16xf32>
    %swap3A_1849 = arith.constant 464 : index
    %swap3A_1850 = tpu.vector_load %arg7[%swap3A_1849] {strides = array<i32>} : memref<640xf32, #tpu.memory_space<vmem>>, vector<16xf32>,
    %swap3A_1851 = vector.shape_cast %swap3A_1850 : vector<16xf32> to vector<16xf32>
    %swap3A_1852 = vector.shape_cast %select_n3A_1848 : vector<16xf32> to vector<16xf32>
    tpu.vector_store %arg7[%swap3A_1849], %swap3A_1852 {strides = array<i32>} : memref<640xf32, #tpu.memory_space<vmem>>, vector<16xf32>,
    %get3A_1853 = arith.constant 480 : index
    %get3A_1854 = tpu.vector_load %arg7[%get3A_1853] {strides = array<i32>} : memref<640xf32, #tpu.memory_space<vmem>>, vector<16xf32>,
    %get3A_1855 = vector.shape_cast %get3A_1854 : vector<16xf32> to vector<16xf32>
    %add3A_1856 = arith.constant 1.000000e+00 : f32
    %add3A_1857 = vector.broadcast %add3A_1856 : f32 to vector<16xf32>
    %add3A_1858 = arith.addf %get3A_1855, %add3A_1857 : vector<16xf32>
    %bitcast_convert_type3A_1859 = tpu.bitcast %add3A_1858 : vector<16xf32> -> vector<16xi32>
    %shift_right_logical3A_1860 = arith.constant 1 : i32
    %shift_right_logical3A_1861 = vector.broadcast %shift_right_logical3A_1860 : i32 to vector<16xi32>
    %shift_right_logical3A_1862 = arith.shrui %bitcast_convert_type3A_1859, %shift_right_logical3A_1861 : vector<16xi32>
    %sub3A_1863 = arith.constant 1597463007 : i32
    %sub3A_1864 = vector.broadcast %sub3A_1863 : i32 to vector<16xi32>
    %sub3A_1865 = arith.subi %sub3A_1864, %shift_right_logical3A_1862 : vector<16xi32>
    %bitcast_convert_type3A_1866 = tpu.bitcast %sub3A_1865 : vector<16xi32> -> vector<16xf32>
    %mul3A_1867 = arith.constant 5.000000e-01 : f32
    %mul3A_1868 = vector.broadcast %mul3A_1867 : f32 to vector<16xf32>
    %mul3A_1869 = arith.mulf %add3A_1858, %mul3A_1868 : vector<16xf32>
    %mul3A_1870 = arith.mulf %mul3A_1869, %bitcast_convert_type3A_1866 : vector<16xf32>
    %mul3A_1871 = arith.mulf %mul3A_1870, %bitcast_convert_type3A_1866 : vector<16xf32>
    %sub3A_1872 = arith.constant 1.500000e+00 : f32
    %sub3A_1873 = vector.broadcast %sub3A_1872 : f32 to vector<16xf32>
    %sub3A_1874 = arith.subf %sub3A_1873, %mul3A_1871 : vector<16xf32>
    %mul3A_1875 = arith.mulf %bitcast_convert_type3A_1866, %sub3A_1874 : vector<16xf32>
    %mul3A_1876 = arith.mulf %mul3A_1869, %mul3A_1875 : vector<16xf32>
    %mul3A_1877 = arith.mulf %mul3A_1876, %mul3A_1875 : vector<16xf32>
    %sub3A_1878 = arith.constant 1.500000e+00 : f32
    %sub3A_1879 = vector.broadcast %sub3A_1878 : f32 to vector<16xf32>
    %sub3A_1880 = arith.subf %sub3A_1879, %mul3A_1877 : vector<16xf32>
    %mul3A_1881 = arith.mulf %mul3A_1875, %sub3A_1880 : vector<16xf32>
    %mul3A_1882 = arith.mulf %mul3A_1869, %mul3A_1881 : vector<16xf32>
    %mul3A_1883 = arith.mulf %mul3A_1882, %mul3A_1881 : vector<16xf32>
    %sub3A_1884 = arith.constant 1.500000e+00 : f32
    %sub3A_1885 = vector.broadcast %sub3A_1884 : f32 to vector<16xf32>
    %sub3A_1886 = arith.subf %sub3A_1885, %mul3A_1883 : vector<16xf32>
    %mul3A_1887 = arith.mulf %mul3A_1881, %sub3A_1886 : vector<16xf32>
    %add3A_1888 = arith.constant 480 : i32
    %add3A_1889 = arith.addi %mul3A_0, %add3A_1888 : i32
    %iota3A_1890 = tpu.iota {dimensions = array<i32: 0>} : vector<16xi32>
    %add3A_1891 = vector.broadcast %add3A_1889 : i32 to vector<16xi32>
    %add3A_1892 = arith.addi %add3A_1891, %iota3A_1890 : vector<16xi32>
    %lt3A_1893 = arith.constant 10000 : i32
    %lt3A_1894 = vector.broadcast %lt3A_1893 : i32 to vector<16xi32>
    %lt3A_1895 = arith.cmpi slt, %add3A_1892, %lt3A_1894 : vector<16xi32>
    %jit3A_1896 = arith.constant 0.000000e+00 : f32
    %broadcast_in_dim3A_1897 = vector.broadcast %jit3A_1896 : f32 to vector<16xf32>
    %select_n3A_1898 = arith.select %lt3A_1895, %mul3A_1887, %broadcast_in_dim3A_1897 : vector<16xi1>, vector<16xf32>
    %swap3A_1899 = arith.constant 480 : index
    %swap3A_1900 = tpu.vector_load %arg7[%swap3A_1899] {strides = array<i32>} : memref<640xf32, #tpu.memory_space<vmem>>, vector<16xf32>,
    %swap3A_1901 = vector.shape_cast %swap3A_1900 : vector<16xf32> to vector<16xf32>
    %swap3A_1902 = vector.shape_cast %select_n3A_1898 : vector<16xf32> to vector<16xf32>
    tpu.vector_store %arg7[%swap3A_1899], %swap3A_1902 {strides = array<i32>} : memref<640xf32, #tpu.memory_space<vmem>>, vector<16xf32>,
    %get3A_1903 = arith.constant 496 : index
    %get3A_1904 = tpu.vector_load %arg7[%get3A_1903] {strides = array<i32>} : memref<640xf32, #tpu.memory_space<vmem>>, vector<16xf32>,
    %get3A_1905 = vector.shape_cast %get3A_1904 : vector<16xf32> to vector<16xf32>
    %add3A_1906 = arith.constant 1.000000e+00 : f32
    %add3A_1907 = vector.broadcast %add3A_1906 : f32 to vector<16xf32>
    %add3A_1908 = arith.addf %get3A_1905, %add3A_1907 : vector<16xf32>
    %bitcast_convert_type3A_1909 = tpu.bitcast %add3A_1908 : vector<16xf32> -> vector<16xi32>
    %shift_right_logical3A_1910 = arith.constant 1 : i32
    %shift_right_logical3A_1911 = vector.broadcast %shift_right_logical3A_1910 : i32 to vector<16xi32>
    %shift_right_logical3A_1912 = arith.shrui %bitcast_convert_type3A_1909, %shift_right_logical3A_1911 : vector<16xi32>
    %sub3A_1913 = arith.constant 1597463007 : i32
    %sub3A_1914 = vector.broadcast %sub3A_1913 : i32 to vector<16xi32>
    %sub3A_1915 = arith.subi %sub3A_1914, %shift_right_logical3A_1912 : vector<16xi32>
    %bitcast_convert_type3A_1916 = tpu.bitcast %sub3A_1915 : vector<16xi32> -> vector<16xf32>
    %mul3A_1917 = arith.constant 5.000000e-01 : f32
    %mul3A_1918 = vector.broadcast %mul3A_1917 : f32 to vector<16xf32>
    %mul3A_1919 = arith.mulf %add3A_1908, %mul3A_1918 : vector<16xf32>
    %mul3A_1920 = arith.mulf %mul3A_1919, %bitcast_convert_type3A_1916 : vector<16xf32>
    %mul3A_1921 = arith.mulf %mul3A_1920, %bitcast_convert_type3A_1916 : vector<16xf32>
    %sub3A_1922 = arith.constant 1.500000e+00 : f32
    %sub3A_1923 = vector.broadcast %sub3A_1922 : f32 to vector<16xf32>
    %sub3A_1924 = arith.subf %sub3A_1923, %mul3A_1921 : vector<16xf32>
    %mul3A_1925 = arith.mulf %bitcast_convert_type3A_1916, %sub3A_1924 : vector<16xf32>
    %mul3A_1926 = arith.mulf %mul3A_1919, %mul3A_1925 : vector<16xf32>
    %mul3A_1927 = arith.mulf %mul3A_1926, %mul3A_1925 : vector<16xf32>
    %sub3A_1928 = arith.constant 1.500000e+00 : f32
    %sub3A_1929 = vector.broadcast %sub3A_1928 : f32 to vector<16xf32>
    %sub3A_1930 = arith.subf %sub3A_1929, %mul3A_1927 : vector<16xf32>
    %mul3A_1931 = arith.mulf %mul3A_1925, %sub3A_1930 : vector<16xf32>
    %mul3A_1932 = arith.mulf %mul3A_1919, %mul3A_1931 : vector<16xf32>
    %mul3A_1933 = arith.mulf %mul3A_1932, %mul3A_1931 : vector<16xf32>
    %sub3A_1934 = arith.constant 1.500000e+00 : f32
    %sub3A_1935 = vector.broadcast %sub3A_1934 : f32 to vector<16xf32>
    %sub3A_1936 = arith.subf %sub3A_1935, %mul3A_1933 : vector<16xf32>
    %mul3A_1937 = arith.mulf %mul3A_1931, %sub3A_1936 : vector<16xf32>
    %add3A_1938 = arith.constant 496 : i32
    %add3A_1939 = arith.addi %mul3A_0, %add3A_1938 : i32
    %iota3A_1940 = tpu.iota {dimensions = array<i32: 0>} : vector<16xi32>
    %add3A_1941 = vector.broadcast %add3A_1939 : i32 to vector<16xi32>
    %add3A_1942 = arith.addi %add3A_1941, %iota3A_1940 : vector<16xi32>
    %lt3A_1943 = arith.constant 10000 : i32
    %lt3A_1944 = vector.broadcast %lt3A_1943 : i32 to vector<16xi32>
    %lt3A_1945 = arith.cmpi slt, %add3A_1942, %lt3A_1944 : vector<16xi32>
    %jit3A_1946 = arith.constant 0.000000e+00 : f32
    %broadcast_in_dim3A_1947 = vector.broadcast %jit3A_1946 : f32 to vector<16xf32>
    %select_n3A_1948 = arith.select %lt3A_1945, %mul3A_1937, %broadcast_in_dim3A_1947 : vector<16xi1>, vector<16xf32>
    %swap3A_1949 = arith.constant 496 : index
    %swap3A_1950 = tpu.vector_load %arg7[%swap3A_1949] {strides = array<i32>} : memref<640xf32, #tpu.memory_space<vmem>>, vector<16xf32>,
    %swap3A_1951 = vector.shape_cast %swap3A_1950 : vector<16xf32> to vector<16xf32>
    %swap3A_1952 = vector.shape_cast %select_n3A_1948 : vector<16xf32> to vector<16xf32>
    tpu.vector_store %arg7[%swap3A_1949], %swap3A_1952 {strides = array<i32>} : memref<640xf32, #tpu.memory_space<vmem>>, vector<16xf32>,
    %get3A_1953 = arith.constant 512 : index
    %get3A_1954 = tpu.vector_load %arg7[%get3A_1953] {strides = array<i32>} : memref<640xf32, #tpu.memory_space<vmem>>, vector<16xf32>,
    %get3A_1955 = vector.shape_cast %get3A_1954 : vector<16xf32> to vector<16xf32>
    %add3A_1956 = arith.constant 1.000000e+00 : f32
    %add3A_1957 = vector.broadcast %add3A_1956 : f32 to vector<16xf32>
    %add3A_1958 = arith.addf %get3A_1955, %add3A_1957 : vector<16xf32>
    %bitcast_convert_type3A_1959 = tpu.bitcast %add3A_1958 : vector<16xf32> -> vector<16xi32>
    %shift_right_logical3A_1960 = arith.constant 1 : i32
    %shift_right_logical3A_1961 = vector.broadcast %shift_right_logical3A_1960 : i32 to vector<16xi32>
    %shift_right_logical3A_1962 = arith.shrui %bitcast_convert_type3A_1959, %shift_right_logical3A_1961 : vector<16xi32>
    %sub3A_1963 = arith.constant 1597463007 : i32
    %sub3A_1964 = vector.broadcast %sub3A_1963 : i32 to vector<16xi32>
    %sub3A_1965 = arith.subi %sub3A_1964, %shift_right_logical3A_1962 : vector<16xi32>
    %bitcast_convert_type3A_1966 = tpu.bitcast %sub3A_1965 : vector<16xi32> -> vector<16xf32>
    %mul3A_1967 = arith.constant 5.000000e-01 : f32
    %mul3A_1968 = vector.broadcast %mul3A_1967 : f32 to vector<16xf32>
    %mul3A_1969 = arith.mulf %add3A_1958, %mul3A_1968 : vector<16xf32>
    %mul3A_1970 = arith.mulf %mul3A_1969, %bitcast_convert_type3A_1966 : vector<16xf32>
    %mul3A_1971 = arith.mulf %mul3A_1970, %bitcast_convert_type3A_1966 : vector<16xf32>
    %sub3A_1972 = arith.constant 1.500000e+00 : f32
    %sub3A_1973 = vector.broadcast %sub3A_1972 : f32 to vector<16xf32>
    %sub3A_1974 = arith.subf %sub3A_1973, %mul3A_1971 : vector<16xf32>
    %mul3A_1975 = arith.mulf %bitcast_convert_type3A_1966, %sub3A_1974 : vector<16xf32>
    %mul3A_1976 = arith.mulf %mul3A_1969, %mul3A_1975 : vector<16xf32>
    %mul3A_1977 = arith.mulf %mul3A_1976, %mul3A_1975 : vector<16xf32>
    %sub3A_1978 = arith.constant 1.500000e+00 : f32
    %sub3A_1979 = vector.broadcast %sub3A_1978 : f32 to vector<16xf32>
    %sub3A_1980 = arith.subf %sub3A_1979, %mul3A_1977 : vector<16xf32>
    %mul3A_1981 = arith.mulf %mul3A_1975, %sub3A_1980 : vector<16xf32>
    %mul3A_1982 = arith.mulf %mul3A_1969, %mul3A_1981 : vector<16xf32>
    %mul3A_1983 = arith.mulf %mul3A_1982, %mul3A_1981 : vector<16xf32>
    %sub3A_1984 = arith.constant 1.500000e+00 : f32
    %sub3A_1985 = vector.broadcast %sub3A_1984 : f32 to vector<16xf32>
    %sub3A_1986 = arith.subf %sub3A_1985, %mul3A_1983 : vector<16xf32>
    %mul3A_1987 = arith.mulf %mul3A_1981, %sub3A_1986 : vector<16xf32>
    %add3A_1988 = arith.constant 512 : i32
    %add3A_1989 = arith.addi %mul3A_0, %add3A_1988 : i32
    %iota3A_1990 = tpu.iota {dimensions = array<i32: 0>} : vector<16xi32>
    %add3A_1991 = vector.broadcast %add3A_1989 : i32 to vector<16xi32>
    %add3A_1992 = arith.addi %add3A_1991, %iota3A_1990 : vector<16xi32>
    %lt3A_1993 = arith.constant 10000 : i32
    %lt3A_1994 = vector.broadcast %lt3A_1993 : i32 to vector<16xi32>
    %lt3A_1995 = arith.cmpi slt, %add3A_1992, %lt3A_1994 : vector<16xi32>
    %jit3A_1996 = arith.constant 0.000000e+00 : f32
    %broadcast_in_dim3A_1997 = vector.broadcast %jit3A_1996 : f32 to vector<16xf32>
    %select_n3A_1998 = arith.select %lt3A_1995, %mul3A_1987, %broadcast_in_dim3A_1997 : vector<16xi1>, vector<16xf32>
    %swap3A_1999 = arith.constant 512 : index
    %swap3A_2000 = tpu.vector_load %arg7[%swap3A_1999] {strides = array<i32>} : memref<640xf32, #tpu.memory_space<vmem>>, vector<16xf32>,
    %swap3A_2001 = vector.shape_cast %swap3A_2000 : vector<16xf32> to vector<16xf32>
    %swap3A_2002 = vector.shape_cast %select_n3A_1998 : vector<16xf32> to vector<16xf32>
    tpu.vector_store %arg7[%swap3A_1999], %swap3A_2002 {strides = array<i32>} : memref<640xf32, #tpu.memory_space<vmem>>, vector<16xf32>,
    %get3A_2003 = arith.constant 528 : index
    %get3A_2004 = tpu.vector_load %arg7[%get3A_2003] {strides = array<i32>} : memref<640xf32, #tpu.memory_space<vmem>>, vector<16xf32>,
    %get3A_2005 = vector.shape_cast %get3A_2004 : vector<16xf32> to vector<16xf32>
    %add3A_2006 = arith.constant 1.000000e+00 : f32
    %add3A_2007 = vector.broadcast %add3A_2006 : f32 to vector<16xf32>
    %add3A_2008 = arith.addf %get3A_2005, %add3A_2007 : vector<16xf32>
    %bitcast_convert_type3A_2009 = tpu.bitcast %add3A_2008 : vector<16xf32> -> vector<16xi32>
    %shift_right_logical3A_2010 = arith.constant 1 : i32
    %shift_right_logical3A_2011 = vector.broadcast %shift_right_logical3A_2010 : i32 to vector<16xi32>
    %shift_right_logical3A_2012 = arith.shrui %bitcast_convert_type3A_2009, %shift_right_logical3A_2011 : vector<16xi32>
    %sub3A_2013 = arith.constant 1597463007 : i32
    %sub3A_2014 = vector.broadcast %sub3A_2013 : i32 to vector<16xi32>
    %sub3A_2015 = arith.subi %sub3A_2014, %shift_right_logical3A_2012 : vector<16xi32>
    %bitcast_convert_type3A_2016 = tpu.bitcast %sub3A_2015 : vector<16xi32> -> vector<16xf32>
    %mul3A_2017 = arith.constant 5.000000e-01 : f32
    %mul3A_2018 = vector.broadcast %mul3A_2017 : f32 to vector<16xf32>
    %mul3A_2019 = arith.mulf %add3A_2008, %mul3A_2018 : vector<16xf32>
    %mul3A_2020 = arith.mulf %mul3A_2019, %bitcast_convert_type3A_2016 : vector<16xf32>
    %mul3A_2021 = arith.mulf %mul3A_2020, %bitcast_convert_type3A_2016 : vector<16xf32>
    %sub3A_2022 = arith.constant 1.500000e+00 : f32
    %sub3A_2023 = vector.broadcast %sub3A_2022 : f32 to vector<16xf32>
    %sub3A_2024 = arith.subf %sub3A_2023, %mul3A_2021 : vector<16xf32>
    %mul3A_2025 = arith.mulf %bitcast_convert_type3A_2016, %sub3A_2024 : vector<16xf32>
    %mul3A_2026 = arith.mulf %mul3A_2019, %mul3A_2025 : vector<16xf32>
    %mul3A_2027 = arith.mulf %mul3A_2026, %mul3A_2025 : vector<16xf32>
    %sub3A_2028 = arith.constant 1.500000e+00 : f32
    %sub3A_2029 = vector.broadcast %sub3A_2028 : f32 to vector<16xf32>
    %sub3A_2030 = arith.subf %sub3A_2029, %mul3A_2027 : vector<16xf32>
    %mul3A_2031 = arith.mulf %mul3A_2025, %sub3A_2030 : vector<16xf32>
    %mul3A_2032 = arith.mulf %mul3A_2019, %mul3A_2031 : vector<16xf32>
    %mul3A_2033 = arith.mulf %mul3A_2032, %mul3A_2031 : vector<16xf32>
    %sub3A_2034 = arith.constant 1.500000e+00 : f32
    %sub3A_2035 = vector.broadcast %sub3A_2034 : f32 to vector<16xf32>
    %sub3A_2036 = arith.subf %sub3A_2035, %mul3A_2033 : vector<16xf32>
    %mul3A_2037 = arith.mulf %mul3A_2031, %sub3A_2036 : vector<16xf32>
    %add3A_2038 = arith.constant 528 : i32
    %add3A_2039 = arith.addi %mul3A_0, %add3A_2038 : i32
    %iota3A_2040 = tpu.iota {dimensions = array<i32: 0>} : vector<16xi32>
    %add3A_2041 = vector.broadcast %add3A_2039 : i32 to vector<16xi32>
    %add3A_2042 = arith.addi %add3A_2041, %iota3A_2040 : vector<16xi32>
    %lt3A_2043 = arith.constant 10000 : i32
    %lt3A_2044 = vector.broadcast %lt3A_2043 : i32 to vector<16xi32>
    %lt3A_2045 = arith.cmpi slt, %add3A_2042, %lt3A_2044 : vector<16xi32>
    %jit3A_2046 = arith.constant 0.000000e+00 : f32
    %broadcast_in_dim3A_2047 = vector.broadcast %jit3A_2046 : f32 to vector<16xf32>
    %select_n3A_2048 = arith.select %lt3A_2045, %mul3A_2037, %broadcast_in_dim3A_2047 : vector<16xi1>, vector<16xf32>
    %swap3A_2049 = arith.constant 528 : index
    %swap3A_2050 = tpu.vector_load %arg7[%swap3A_2049] {strides = array<i32>} : memref<640xf32, #tpu.memory_space<vmem>>, vector<16xf32>,
    %swap3A_2051 = vector.shape_cast %swap3A_2050 : vector<16xf32> to vector<16xf32>
    %swap3A_2052 = vector.shape_cast %select_n3A_2048 : vector<16xf32> to vector<16xf32>
    tpu.vector_store %arg7[%swap3A_2049], %swap3A_2052 {strides = array<i32>} : memref<640xf32, #tpu.memory_space<vmem>>, vector<16xf32>,
    %get3A_2053 = arith.constant 544 : index
    %get3A_2054 = tpu.vector_load %arg7[%get3A_2053] {strides = array<i32>} : memref<640xf32, #tpu.memory_space<vmem>>, vector<16xf32>,
    %get3A_2055 = vector.shape_cast %get3A_2054 : vector<16xf32> to vector<16xf32>
    %add3A_2056 = arith.constant 1.000000e+00 : f32
    %add3A_2057 = vector.broadcast %add3A_2056 : f32 to vector<16xf32>
    %add3A_2058 = arith.addf %get3A_2055, %add3A_2057 : vector<16xf32>
    %bitcast_convert_type3A_2059 = tpu.bitcast %add3A_2058 : vector<16xf32> -> vector<16xi32>
    %shift_right_logical3A_2060 = arith.constant 1 : i32
    %shift_right_logical3A_2061 = vector.broadcast %shift_right_logical3A_2060 : i32 to vector<16xi32>
    %shift_right_logical3A_2062 = arith.shrui %bitcast_convert_type3A_2059, %shift_right_logical3A_2061 : vector<16xi32>
    %sub3A_2063 = arith.constant 1597463007 : i32
    %sub3A_2064 = vector.broadcast %sub3A_2063 : i32 to vector<16xi32>
    %sub3A_2065 = arith.subi %sub3A_2064, %shift_right_logical3A_2062 : vector<16xi32>
    %bitcast_convert_type3A_2066 = tpu.bitcast %sub3A_2065 : vector<16xi32> -> vector<16xf32>
    %mul3A_2067 = arith.constant 5.000000e-01 : f32
    %mul3A_2068 = vector.broadcast %mul3A_2067 : f32 to vector<16xf32>
    %mul3A_2069 = arith.mulf %add3A_2058, %mul3A_2068 : vector<16xf32>
    %mul3A_2070 = arith.mulf %mul3A_2069, %bitcast_convert_type3A_2066 : vector<16xf32>
    %mul3A_2071 = arith.mulf %mul3A_2070, %bitcast_convert_type3A_2066 : vector<16xf32>
    %sub3A_2072 = arith.constant 1.500000e+00 : f32
    %sub3A_2073 = vector.broadcast %sub3A_2072 : f32 to vector<16xf32>
    %sub3A_2074 = arith.subf %sub3A_2073, %mul3A_2071 : vector<16xf32>
    %mul3A_2075 = arith.mulf %bitcast_convert_type3A_2066, %sub3A_2074 : vector<16xf32>
    %mul3A_2076 = arith.mulf %mul3A_2069, %mul3A_2075 : vector<16xf32>
    %mul3A_2077 = arith.mulf %mul3A_2076, %mul3A_2075 : vector<16xf32>
    %sub3A_2078 = arith.constant 1.500000e+00 : f32
    %sub3A_2079 = vector.broadcast %sub3A_2078 : f32 to vector<16xf32>
    %sub3A_2080 = arith.subf %sub3A_2079, %mul3A_2077 : vector<16xf32>
    %mul3A_2081 = arith.mulf %mul3A_2075, %sub3A_2080 : vector<16xf32>
    %mul3A_2082 = arith.mulf %mul3A_2069, %mul3A_2081 : vector<16xf32>
    %mul3A_2083 = arith.mulf %mul3A_2082, %mul3A_2081 : vector<16xf32>
    %sub3A_2084 = arith.constant 1.500000e+00 : f32
    %sub3A_2085 = vector.broadcast %sub3A_2084 : f32 to vector<16xf32>
    %sub3A_2086 = arith.subf %sub3A_2085, %mul3A_2083 : vector<16xf32>
    %mul3A_2087 = arith.mulf %mul3A_2081, %sub3A_2086 : vector<16xf32>
    %add3A_2088 = arith.constant 544 : i32
    %add3A_2089 = arith.addi %mul3A_0, %add3A_2088 : i32
    %iota3A_2090 = tpu.iota {dimensions = array<i32: 0>} : vector<16xi32>
    %add3A_2091 = vector.broadcast %add3A_2089 : i32 to vector<16xi32>
    %add3A_2092 = arith.addi %add3A_2091, %iota3A_2090 : vector<16xi32>
    %lt3A_2093 = arith.constant 10000 : i32
    %lt3A_2094 = vector.broadcast %lt3A_2093 : i32 to vector<16xi32>
    %lt3A_2095 = arith.cmpi slt, %add3A_2092, %lt3A_2094 : vector<16xi32>
    %jit3A_2096 = arith.constant 0.000000e+00 : f32
    %broadcast_in_dim3A_2097 = vector.broadcast %jit3A_2096 : f32 to vector<16xf32>
    %select_n3A_2098 = arith.select %lt3A_2095, %mul3A_2087, %broadcast_in_dim3A_2097 : vector<16xi1>, vector<16xf32>
    %swap3A_2099 = arith.constant 544 : index
    %swap3A_2100 = tpu.vector_load %arg7[%swap3A_2099] {strides = array<i32>} : memref<640xf32, #tpu.memory_space<vmem>>, vector<16xf32>,
    %swap3A_2101 = vector.shape_cast %swap3A_2100 : vector<16xf32> to vector<16xf32>
    %swap3A_2102 = vector.shape_cast %select_n3A_2098 : vector<16xf32> to vector<16xf32>
    tpu.vector_store %arg7[%swap3A_2099], %swap3A_2102 {strides = array<i32>} : memref<640xf32, #tpu.memory_space<vmem>>, vector<16xf32>,
    %get3A_2103 = arith.constant 560 : index
    %get3A_2104 = tpu.vector_load %arg7[%get3A_2103] {strides = array<i32>} : memref<640xf32, #tpu.memory_space<vmem>>, vector<16xf32>,
    %get3A_2105 = vector.shape_cast %get3A_2104 : vector<16xf32> to vector<16xf32>
    %add3A_2106 = arith.constant 1.000000e+00 : f32
    %add3A_2107 = vector.broadcast %add3A_2106 : f32 to vector<16xf32>
    %add3A_2108 = arith.addf %get3A_2105, %add3A_2107 : vector<16xf32>
    %bitcast_convert_type3A_2109 = tpu.bitcast %add3A_2108 : vector<16xf32> -> vector<16xi32>
    %shift_right_logical3A_2110 = arith.constant 1 : i32
    %shift_right_logical3A_2111 = vector.broadcast %shift_right_logical3A_2110 : i32 to vector<16xi32>
    %shift_right_logical3A_2112 = arith.shrui %bitcast_convert_type3A_2109, %shift_right_logical3A_2111 : vector<16xi32>
    %sub3A_2113 = arith.constant 1597463007 : i32
    %sub3A_2114 = vector.broadcast %sub3A_2113 : i32 to vector<16xi32>
    %sub3A_2115 = arith.subi %sub3A_2114, %shift_right_logical3A_2112 : vector<16xi32>
    %bitcast_convert_type3A_2116 = tpu.bitcast %sub3A_2115 : vector<16xi32> -> vector<16xf32>
    %mul3A_2117 = arith.constant 5.000000e-01 : f32
    %mul3A_2118 = vector.broadcast %mul3A_2117 : f32 to vector<16xf32>
    %mul3A_2119 = arith.mulf %add3A_2108, %mul3A_2118 : vector<16xf32>
    %mul3A_2120 = arith.mulf %mul3A_2119, %bitcast_convert_type3A_2116 : vector<16xf32>
    %mul3A_2121 = arith.mulf %mul3A_2120, %bitcast_convert_type3A_2116 : vector<16xf32>
    %sub3A_2122 = arith.constant 1.500000e+00 : f32
    %sub3A_2123 = vector.broadcast %sub3A_2122 : f32 to vector<16xf32>
    %sub3A_2124 = arith.subf %sub3A_2123, %mul3A_2121 : vector<16xf32>
    %mul3A_2125 = arith.mulf %bitcast_convert_type3A_2116, %sub3A_2124 : vector<16xf32>
    %mul3A_2126 = arith.mulf %mul3A_2119, %mul3A_2125 : vector<16xf32>
    %mul3A_2127 = arith.mulf %mul3A_2126, %mul3A_2125 : vector<16xf32>
    %sub3A_2128 = arith.constant 1.500000e+00 : f32
    %sub3A_2129 = vector.broadcast %sub3A_2128 : f32 to vector<16xf32>
    %sub3A_2130 = arith.subf %sub3A_2129, %mul3A_2127 : vector<16xf32>
    %mul3A_2131 = arith.mulf %mul3A_2125, %sub3A_2130 : vector<16xf32>
    %mul3A_2132 = arith.mulf %mul3A_2119, %mul3A_2131 : vector<16xf32>
    %mul3A_2133 = arith.mulf %mul3A_2132, %mul3A_2131 : vector<16xf32>
    %sub3A_2134 = arith.constant 1.500000e+00 : f32
    %sub3A_2135 = vector.broadcast %sub3A_2134 : f32 to vector<16xf32>
    %sub3A_2136 = arith.subf %sub3A_2135, %mul3A_2133 : vector<16xf32>
    %mul3A_2137 = arith.mulf %mul3A_2131, %sub3A_2136 : vector<16xf32>
    %add3A_2138 = arith.constant 560 : i32
    %add3A_2139 = arith.addi %mul3A_0, %add3A_2138 : i32
    %iota3A_2140 = tpu.iota {dimensions = array<i32: 0>} : vector<16xi32>
    %add3A_2141 = vector.broadcast %add3A_2139 : i32 to vector<16xi32>
    %add3A_2142 = arith.addi %add3A_2141, %iota3A_2140 : vector<16xi32>
    %lt3A_2143 = arith.constant 10000 : i32
    %lt3A_2144 = vector.broadcast %lt3A_2143 : i32 to vector<16xi32>
    %lt3A_2145 = arith.cmpi slt, %add3A_2142, %lt3A_2144 : vector<16xi32>
    %jit3A_2146 = arith.constant 0.000000e+00 : f32
    %broadcast_in_dim3A_2147 = vector.broadcast %jit3A_2146 : f32 to vector<16xf32>
    %select_n3A_2148 = arith.select %lt3A_2145, %mul3A_2137, %broadcast_in_dim3A_2147 : vector<16xi1>, vector<16xf32>
    %swap3A_2149 = arith.constant 560 : index
    %swap3A_2150 = tpu.vector_load %arg7[%swap3A_2149] {strides = array<i32>} : memref<640xf32, #tpu.memory_space<vmem>>, vector<16xf32>,
    %swap3A_2151 = vector.shape_cast %swap3A_2150 : vector<16xf32> to vector<16xf32>
    %swap3A_2152 = vector.shape_cast %select_n3A_2148 : vector<16xf32> to vector<16xf32>
    tpu.vector_store %arg7[%swap3A_2149], %swap3A_2152 {strides = array<i32>} : memref<640xf32, #tpu.memory_space<vmem>>, vector<16xf32>,
    %get3A_2153 = arith.constant 576 : index
    %get3A_2154 = tpu.vector_load %arg7[%get3A_2153] {strides = array<i32>} : memref<640xf32, #tpu.memory_space<vmem>>, vector<16xf32>,
    %get3A_2155 = vector.shape_cast %get3A_2154 : vector<16xf32> to vector<16xf32>
    %add3A_2156 = arith.constant 1.000000e+00 : f32
    %add3A_2157 = vector.broadcast %add3A_2156 : f32 to vector<16xf32>
    %add3A_2158 = arith.addf %get3A_2155, %add3A_2157 : vector<16xf32>
    %bitcast_convert_type3A_2159 = tpu.bitcast %add3A_2158 : vector<16xf32> -> vector<16xi32>
    %shift_right_logical3A_2160 = arith.constant 1 : i32
    %shift_right_logical3A_2161 = vector.broadcast %shift_right_logical3A_2160 : i32 to vector<16xi32>
    %shift_right_logical3A_2162 = arith.shrui %bitcast_convert_type3A_2159, %shift_right_logical3A_2161 : vector<16xi32>
    %sub3A_2163 = arith.constant 1597463007 : i32
    %sub3A_2164 = vector.broadcast %sub3A_2163 : i32 to vector<16xi32>
    %sub3A_2165 = arith.subi %sub3A_2164, %shift_right_logical3A_2162 : vector<16xi32>
    %bitcast_convert_type3A_2166 = tpu.bitcast %sub3A_2165 : vector<16xi32> -> vector<16xf32>
    %mul3A_2167 = arith.constant 5.000000e-01 : f32
    %mul3A_2168 = vector.broadcast %mul3A_2167 : f32 to vector<16xf32>
    %mul3A_2169 = arith.mulf %add3A_2158, %mul3A_2168 : vector<16xf32>
    %mul3A_2170 = arith.mulf %mul3A_2169, %bitcast_convert_type3A_2166 : vector<16xf32>
    %mul3A_2171 = arith.mulf %mul3A_2170, %bitcast_convert_type3A_2166 : vector<16xf32>
    %sub3A_2172 = arith.constant 1.500000e+00 : f32
    %sub3A_2173 = vector.broadcast %sub3A_2172 : f32 to vector<16xf32>
    %sub3A_2174 = arith.subf %sub3A_2173, %mul3A_2171 : vector<16xf32>
    %mul3A_2175 = arith.mulf %bitcast_convert_type3A_2166, %sub3A_2174 : vector<16xf32>
    %mul3A_2176 = arith.mulf %mul3A_2169, %mul3A_2175 : vector<16xf32>
    %mul3A_2177 = arith.mulf %mul3A_2176, %mul3A_2175 : vector<16xf32>
    %sub3A_2178 = arith.constant 1.500000e+00 : f32
    %sub3A_2179 = vector.broadcast %sub3A_2178 : f32 to vector<16xf32>
    %sub3A_2180 = arith.subf %sub3A_2179, %mul3A_2177 : vector<16xf32>
    %mul3A_2181 = arith.mulf %mul3A_2175, %sub3A_2180 : vector<16xf32>
    %mul3A_2182 = arith.mulf %mul3A_2169, %mul3A_2181 : vector<16xf32>
    %mul3A_2183 = arith.mulf %mul3A_2182, %mul3A_2181 : vector<16xf32>
    %sub3A_2184 = arith.constant 1.500000e+00 : f32
    %sub3A_2185 = vector.broadcast %sub3A_2184 : f32 to vector<16xf32>
    %sub3A_2186 = arith.subf %sub3A_2185, %mul3A_2183 : vector<16xf32>
    %mul3A_2187 = arith.mulf %mul3A_2181, %sub3A_2186 : vector<16xf32>
    %add3A_2188 = arith.constant 576 : i32
    %add3A_2189 = arith.addi %mul3A_0, %add3A_2188 : i32
    %iota3A_2190 = tpu.iota {dimensions = array<i32: 0>} : vector<16xi32>
    %add3A_2191 = vector.broadcast %add3A_2189 : i32 to vector<16xi32>
    %add3A_2192 = arith.addi %add3A_2191, %iota3A_2190 : vector<16xi32>
    %lt3A_2193 = arith.constant 10000 : i32
    %lt3A_2194 = vector.broadcast %lt3A_2193 : i32 to vector<16xi32>
    %lt3A_2195 = arith.cmpi slt, %add3A_2192, %lt3A_2194 : vector<16xi32>
    %jit3A_2196 = arith.constant 0.000000e+00 : f32
    %broadcast_in_dim3A_2197 = vector.broadcast %jit3A_2196 : f32 to vector<16xf32>
    %select_n3A_2198 = arith.select %lt3A_2195, %mul3A_2187, %broadcast_in_dim3A_2197 : vector<16xi1>, vector<16xf32>
    %swap3A_2199 = arith.constant 576 : index
    %swap3A_2200 = tpu.vector_load %arg7[%swap3A_2199] {strides = array<i32>} : memref<640xf32, #tpu.memory_space<vmem>>, vector<16xf32>,
    %swap3A_2201 = vector.shape_cast %swap3A_2200 : vector<16xf32> to vector<16xf32>
    %swap3A_2202 = vector.shape_cast %select_n3A_2198 : vector<16xf32> to vector<16xf32>
    tpu.vector_store %arg7[%swap3A_2199], %swap3A_2202 {strides = array<i32>} : memref<640xf32, #tpu.memory_space<vmem>>, vector<16xf32>,
    %get3A_2203 = arith.constant 592 : index
    %get3A_2204 = tpu.vector_load %arg7[%get3A_2203] {strides = array<i32>} : memref<640xf32, #tpu.memory_space<vmem>>, vector<16xf32>,
    %get3A_2205 = vector.shape_cast %get3A_2204 : vector<16xf32> to vector<16xf32>
    %add3A_2206 = arith.constant 1.000000e+00 : f32
    %add3A_2207 = vector.broadcast %add3A_2206 : f32 to vector<16xf32>
    %add3A_2208 = arith.addf %get3A_2205, %add3A_2207 : vector<16xf32>
    %bitcast_convert_type3A_2209 = tpu.bitcast %add3A_2208 : vector<16xf32> -> vector<16xi32>
    %shift_right_logical3A_2210 = arith.constant 1 : i32
    %shift_right_logical3A_2211 = vector.broadcast %shift_right_logical3A_2210 : i32 to vector<16xi32>
    %shift_right_logical3A_2212 = arith.shrui %bitcast_convert_type3A_2209, %shift_right_logical3A_2211 : vector<16xi32>
    %sub3A_2213 = arith.constant 1597463007 : i32
    %sub3A_2214 = vector.broadcast %sub3A_2213 : i32 to vector<16xi32>
    %sub3A_2215 = arith.subi %sub3A_2214, %shift_right_logical3A_2212 : vector<16xi32>
    %bitcast_convert_type3A_2216 = tpu.bitcast %sub3A_2215 : vector<16xi32> -> vector<16xf32>
    %mul3A_2217 = arith.constant 5.000000e-01 : f32
    %mul3A_2218 = vector.broadcast %mul3A_2217 : f32 to vector<16xf32>
    %mul3A_2219 = arith.mulf %add3A_2208, %mul3A_2218 : vector<16xf32>
    %mul3A_2220 = arith.mulf %mul3A_2219, %bitcast_convert_type3A_2216 : vector<16xf32>
    %mul3A_2221 = arith.mulf %mul3A_2220, %bitcast_convert_type3A_2216 : vector<16xf32>
    %sub3A_2222 = arith.constant 1.500000e+00 : f32
    %sub3A_2223 = vector.broadcast %sub3A_2222 : f32 to vector<16xf32>
    %sub3A_2224 = arith.subf %sub3A_2223, %mul3A_2221 : vector<16xf32>
    %mul3A_2225 = arith.mulf %bitcast_convert_type3A_2216, %sub3A_2224 : vector<16xf32>
    %mul3A_2226 = arith.mulf %mul3A_2219, %mul3A_2225 : vector<16xf32>
    %mul3A_2227 = arith.mulf %mul3A_2226, %mul3A_2225 : vector<16xf32>
    %sub3A_2228 = arith.constant 1.500000e+00 : f32
    %sub3A_2229 = vector.broadcast %sub3A_2228 : f32 to vector<16xf32>
    %sub3A_2230 = arith.subf %sub3A_2229, %mul3A_2227 : vector<16xf32>
    %mul3A_2231 = arith.mulf %mul3A_2225, %sub3A_2230 : vector<16xf32>
    %mul3A_2232 = arith.mulf %mul3A_2219, %mul3A_2231 : vector<16xf32>
    %mul3A_2233 = arith.mulf %mul3A_2232, %mul3A_2231 : vector<16xf32>
    %sub3A_2234 = arith.constant 1.500000e+00 : f32
    %sub3A_2235 = vector.broadcast %sub3A_2234 : f32 to vector<16xf32>
    %sub3A_2236 = arith.subf %sub3A_2235, %mul3A_2233 : vector<16xf32>
    %mul3A_2237 = arith.mulf %mul3A_2231, %sub3A_2236 : vector<16xf32>
    %add3A_2238 = arith.constant 592 : i32
    %add3A_2239 = arith.addi %mul3A_0, %add3A_2238 : i32
    %iota3A_2240 = tpu.iota {dimensions = array<i32: 0>} : vector<16xi32>
    %add3A_2241 = vector.broadcast %add3A_2239 : i32 to vector<16xi32>
    %add3A_2242 = arith.addi %add3A_2241, %iota3A_2240 : vector<16xi32>
    %lt3A_2243 = arith.constant 10000 : i32
    %lt3A_2244 = vector.broadcast %lt3A_2243 : i32 to vector<16xi32>
    %lt3A_2245 = arith.cmpi slt, %add3A_2242, %lt3A_2244 : vector<16xi32>
    %jit3A_2246 = arith.constant 0.000000e+00 : f32
    %broadcast_in_dim3A_2247 = vector.broadcast %jit3A_2246 : f32 to vector<16xf32>
    %select_n3A_2248 = arith.select %lt3A_2245, %mul3A_2237, %broadcast_in_dim3A_2247 : vector<16xi1>, vector<16xf32>
    %swap3A_2249 = arith.constant 592 : index
    %swap3A_2250 = tpu.vector_load %arg7[%swap3A_2249] {strides = array<i32>} : memref<640xf32, #tpu.memory_space<vmem>>, vector<16xf32>,
    %swap3A_2251 = vector.shape_cast %swap3A_2250 : vector<16xf32> to vector<16xf32>
    %swap3A_2252 = vector.shape_cast %select_n3A_2248 : vector<16xf32> to vector<16xf32>
    tpu.vector_store %arg7[%swap3A_2249], %swap3A_2252 {strides = array<i32>} : memref<640xf32, #tpu.memory_space<vmem>>, vector<16xf32>,
    %get3A_2253 = arith.constant 608 : index
    %get3A_2254 = tpu.vector_load %arg7[%get3A_2253] {strides = array<i32>} : memref<640xf32, #tpu.memory_space<vmem>>, vector<16xf32>,
    %get3A_2255 = vector.shape_cast %get3A_2254 : vector<16xf32> to vector<16xf32>
    %add3A_2256 = arith.constant 1.000000e+00 : f32
    %add3A_2257 = vector.broadcast %add3A_2256 : f32 to vector<16xf32>
    %add3A_2258 = arith.addf %get3A_2255, %add3A_2257 : vector<16xf32>
    %bitcast_convert_type3A_2259 = tpu.bitcast %add3A_2258 : vector<16xf32> -> vector<16xi32>
    %shift_right_logical3A_2260 = arith.constant 1 : i32
    %shift_right_logical3A_2261 = vector.broadcast %shift_right_logical3A_2260 : i32 to vector<16xi32>
    %shift_right_logical3A_2262 = arith.shrui %bitcast_convert_type3A_2259, %shift_right_logical3A_2261 : vector<16xi32>
    %sub3A_2263 = arith.constant 1597463007 : i32
    %sub3A_2264 = vector.broadcast %sub3A_2263 : i32 to vector<16xi32>
    %sub3A_2265 = arith.subi %sub3A_2264, %shift_right_logical3A_2262 : vector<16xi32>
    %bitcast_convert_type3A_2266 = tpu.bitcast %sub3A_2265 : vector<16xi32> -> vector<16xf32>
    %mul3A_2267 = arith.constant 5.000000e-01 : f32
    %mul3A_2268 = vector.broadcast %mul3A_2267 : f32 to vector<16xf32>
    %mul3A_2269 = arith.mulf %add3A_2258, %mul3A_2268 : vector<16xf32>
    %mul3A_2270 = arith.mulf %mul3A_2269, %bitcast_convert_type3A_2266 : vector<16xf32>
    %mul3A_2271 = arith.mulf %mul3A_2270, %bitcast_convert_type3A_2266 : vector<16xf32>
    %sub3A_2272 = arith.constant 1.500000e+00 : f32
    %sub3A_2273 = vector.broadcast %sub3A_2272 : f32 to vector<16xf32>
    %sub3A_2274 = arith.subf %sub3A_2273, %mul3A_2271 : vector<16xf32>
    %mul3A_2275 = arith.mulf %bitcast_convert_type3A_2266, %sub3A_2274 : vector<16xf32>
    %mul3A_2276 = arith.mulf %mul3A_2269, %mul3A_2275 : vector<16xf32>
    %mul3A_2277 = arith.mulf %mul3A_2276, %mul3A_2275 : vector<16xf32>
    %sub3A_2278 = arith.constant 1.500000e+00 : f32
    %sub3A_2279 = vector.broadcast %sub3A_2278 : f32 to vector<16xf32>
    %sub3A_2280 = arith.subf %sub3A_2279, %mul3A_2277 : vector<16xf32>
    %mul3A_2281 = arith.mulf %mul3A_2275, %sub3A_2280 : vector<16xf32>
    %mul3A_2282 = arith.mulf %mul3A_2269, %mul3A_2281 : vector<16xf32>
    %mul3A_2283 = arith.mulf %mul3A_2282, %mul3A_2281 : vector<16xf32>
    %sub3A_2284 = arith.constant 1.500000e+00 : f32
    %sub3A_2285 = vector.broadcast %sub3A_2284 : f32 to vector<16xf32>
    %sub3A_2286 = arith.subf %sub3A_2285, %mul3A_2283 : vector<16xf32>
    %mul3A_2287 = arith.mulf %mul3A_2281, %sub3A_2286 : vector<16xf32>
    %add3A_2288 = arith.constant 608 : i32
    %add3A_2289 = arith.addi %mul3A_0, %add3A_2288 : i32
    %iota3A_2290 = tpu.iota {dimensions = array<i32: 0>} : vector<16xi32>
    %add3A_2291 = vector.broadcast %add3A_2289 : i32 to vector<16xi32>
    %add3A_2292 = arith.addi %add3A_2291, %iota3A_2290 : vector<16xi32>
    %lt3A_2293 = arith.constant 10000 : i32
    %lt3A_2294 = vector.broadcast %lt3A_2293 : i32 to vector<16xi32>
    %lt3A_2295 = arith.cmpi slt, %add3A_2292, %lt3A_2294 : vector<16xi32>
    %jit3A_2296 = arith.constant 0.000000e+00 : f32
    %broadcast_in_dim3A_2297 = vector.broadcast %jit3A_2296 : f32 to vector<16xf32>
    %select_n3A_2298 = arith.select %lt3A_2295, %mul3A_2287, %broadcast_in_dim3A_2297 : vector<16xi1>, vector<16xf32>
    %swap3A_2299 = arith.constant 608 : index
    %swap3A_2300 = tpu.vector_load %arg7[%swap3A_2299] {strides = array<i32>} : memref<640xf32, #tpu.memory_space<vmem>>, vector<16xf32>,
    %swap3A_2301 = vector.shape_cast %swap3A_2300 : vector<16xf32> to vector<16xf32>
    %swap3A_2302 = vector.shape_cast %select_n3A_2298 : vector<16xf32> to vector<16xf32>
    tpu.vector_store %arg7[%swap3A_2299], %swap3A_2302 {strides = array<i32>} : memref<640xf32, #tpu.memory_space<vmem>>, vector<16xf32>,
    %get3A_2303 = arith.constant 624 : index
    %get3A_2304 = tpu.vector_load %arg7[%get3A_2303] {strides = array<i32>} : memref<640xf32, #tpu.memory_space<vmem>>, vector<16xf32>,
    %get3A_2305 = vector.shape_cast %get3A_2304 : vector<16xf32> to vector<16xf32>
    %add3A_2306 = arith.constant 1.000000e+00 : f32
    %add3A_2307 = vector.broadcast %add3A_2306 : f32 to vector<16xf32>
    %add3A_2308 = arith.addf %get3A_2305, %add3A_2307 : vector<16xf32>
    %bitcast_convert_type3A_2309 = tpu.bitcast %add3A_2308 : vector<16xf32> -> vector<16xi32>
    %shift_right_logical3A_2310 = arith.constant 1 : i32
    %shift_right_logical3A_2311 = vector.broadcast %shift_right_logical3A_2310 : i32 to vector<16xi32>
    %shift_right_logical3A_2312 = arith.shrui %bitcast_convert_type3A_2309, %shift_right_logical3A_2311 : vector<16xi32>
    %sub3A_2313 = arith.constant 1597463007 : i32
    %sub3A_2314 = vector.broadcast %sub3A_2313 : i32 to vector<16xi32>
    %sub3A_2315 = arith.subi %sub3A_2314, %shift_right_logical3A_2312 : vector<16xi32>
    %bitcast_convert_type3A_2316 = tpu.bitcast %sub3A_2315 : vector<16xi32> -> vector<16xf32>
    %mul3A_2317 = arith.constant 5.000000e-01 : f32
    %mul3A_2318 = vector.broadcast %mul3A_2317 : f32 to vector<16xf32>
    %mul3A_2319 = arith.mulf %add3A_2308, %mul3A_2318 : vector<16xf32>
    %mul3A_2320 = arith.mulf %mul3A_2319, %bitcast_convert_type3A_2316 : vector<16xf32>
    %mul3A_2321 = arith.mulf %mul3A_2320, %bitcast_convert_type3A_2316 : vector<16xf32>
    %sub3A_2322 = arith.constant 1.500000e+00 : f32
    %sub3A_2323 = vector.broadcast %sub3A_2322 : f32 to vector<16xf32>
    %sub3A_2324 = arith.subf %sub3A_2323, %mul3A_2321 : vector<16xf32>
    %mul3A_2325 = arith.mulf %bitcast_convert_type3A_2316, %sub3A_2324 : vector<16xf32>
    %mul3A_2326 = arith.mulf %mul3A_2319, %mul3A_2325 : vector<16xf32>
    %mul3A_2327 = arith.mulf %mul3A_2326, %mul3A_2325 : vector<16xf32>
    %sub3A_2328 = arith.constant 1.500000e+00 : f32
    %sub3A_2329 = vector.broadcast %sub3A_2328 : f32 to vector<16xf32>
    %sub3A_2330 = arith.subf %sub3A_2329, %mul3A_2327 : vector<16xf32>
    %mul3A_2331 = arith.mulf %mul3A_2325, %sub3A_2330 : vector<16xf32>
    %mul3A_2332 = arith.mulf %mul3A_2319, %mul3A_2331 : vector<16xf32>
    %mul3A_2333 = arith.mulf %mul3A_2332, %mul3A_2331 : vector<16xf32>
    %sub3A_2334 = arith.constant 1.500000e+00 : f32
    %sub3A_2335 = vector.broadcast %sub3A_2334 : f32 to vector<16xf32>
    %sub3A_2336 = arith.subf %sub3A_2335, %mul3A_2333 : vector<16xf32>
    %mul3A_2337 = arith.mulf %mul3A_2331, %sub3A_2336 : vector<16xf32>
    %add3A_2338 = arith.constant 624 : i32
    %add3A_2339 = arith.addi %mul3A_0, %add3A_2338 : i32
    %iota3A_2340 = tpu.iota {dimensions = array<i32: 0>} : vector<16xi32>
    %add3A_2341 = vector.broadcast %add3A_2339 : i32 to vector<16xi32>
    %add3A_2342 = arith.addi %add3A_2341, %iota3A_2340 : vector<16xi32>
    %lt3A_2343 = arith.constant 10000 : i32
    %lt3A_2344 = vector.broadcast %lt3A_2343 : i32 to vector<16xi32>
    %lt3A_2345 = arith.cmpi slt, %add3A_2342, %lt3A_2344 : vector<16xi32>
    %jit3A_2346 = arith.constant 0.000000e+00 : f32
    %broadcast_in_dim3A_2347 = vector.broadcast %jit3A_2346 : f32 to vector<16xf32>
    %select_n3A_2348 = arith.select %lt3A_2345, %mul3A_2337, %broadcast_in_dim3A_2347 : vector<16xi1>, vector<16xf32>
    %swap3A_2349 = arith.constant 624 : index
    %swap3A_2350 = tpu.vector_load %arg7[%swap3A_2349] {strides = array<i32>} : memref<640xf32, #tpu.memory_space<vmem>>, vector<16xf32>,
    %swap3A_2351 = vector.shape_cast %swap3A_2350 : vector<16xf32> to vector<16xf32>
    %swap3A_2352 = vector.shape_cast %select_n3A_2348 : vector<16xf32> to vector<16xf32>
    tpu.vector_store %arg7[%swap3A_2349], %swap3A_2352 {strides = array<i32>} : memref<640xf32, #tpu.memory_space<vmem>>, vector<16xf32>,
    "tpu.region"() ({
      %run_scoped3A_2373 = tpu.sem_alloc : memref<!tpu.dma_semaphore, #tpu.memory_space<semaphore_mem>>
      %dma_start3A_2374 = tpu.memref_slice %arg21[%mul3A_0] : memref<10240xf32, #tpu.memory_space<vmem_shared>> -> memref<640xf32, #tpu.memory_space<vmem_shared>>
      %dma_start3A_2375 = tpu.memref_slice %arg21[%mul3A_0] : memref<10240xf32, #tpu.memory_space<vmem_shared>> -> memref<640xf32, #tpu.memory_space<vmem_shared>>
      tpu.enqueue_dma source(%arg7 : memref<640xf32, #tpu.memory_space<vmem>>) target(%dma_start3A_2375 : memref<640xf32, #tpu.memory_space<vmem_shared>>) target_semaphore(%run_scoped3A_2373 : memref<!tpu.dma_semaphore, #tpu.memory_space<semaphore_mem>>)
      %dma_wait3A_2376 = tpu.memref_slice %arg21[%mul3A_0] : memref<10240xf32, #tpu.memory_space<vmem_shared>> -> memref<640xf32, #tpu.memory_space<vmem_shared>>
      %dma_wait3A_2377 = tpu.memref_slice %arg21[%mul3A_0] : memref<10240xf32, #tpu.memory_space<vmem_shared>> -> memref<640xf32, #tpu.memory_space<vmem_shared>>
      tpu.wait_dma2 semaphore(%run_scoped3A_2373 : memref<!tpu.dma_semaphore, #tpu.memory_space<semaphore_mem>>) src(%arg7 : memref<640xf32, #tpu.memory_space<vmem>>) dst(%dma_wait3A_2377 : memref<640xf32, #tpu.memory_space<vmem_shared>>)
      tpu.yield
    }) : () -> ()
    %eq3A = arith.constant 0 : i32
    %eq3A_2353 = arith.cmpi eq, %arg0, %eq3A : i32
    %convert_element_type3A = arith.extui %eq3A_2353 : i1 to i32
    %cond3A = arith.constant 0 : i32
    %cond3A_2354 = arith.cmpi ne, %convert_element_type3A, %cond3A : i32
    scf.if %cond3A_2354 {
      "tpu.region"() ({
        %run_scoped3A_2373 = tpu.sem_alloc : memref<!tpu.dma_semaphore, #tpu.memory_space<semaphore_mem>>
        %dma_start3A_2374 = tpu.memref_slice %arg4[%mul3A_0] : memref<10240xf32, #tpu.memory_space<hbm>> -> memref<640xf32, #tpu.memory_space<hbm>>
        %dma_start3A_2375 = tpu.memref_slice %arg4[%mul3A_0] : memref<10240xf32, #tpu.memory_space<hbm>> -> memref<640xf32, #tpu.memory_space<hbm>>
        tpu.enqueue_dma source(%arg7 : memref<640xf32, #tpu.memory_space<vmem>>) target(%dma_start3A_2375 : memref<640xf32, #tpu.memory_space<hbm>>) target_semaphore(%run_scoped3A_2373 : memref<!tpu.dma_semaphore, #tpu.memory_space<semaphore_mem>>)
        %dma_wait3A_2376 = tpu.memref_slice %arg4[%mul3A_0] : memref<10240xf32, #tpu.memory_space<hbm>> -> memref<640xf32, #tpu.memory_space<hbm>>
        %dma_wait3A_2377 = tpu.memref_slice %arg4[%mul3A_0] : memref<10240xf32, #tpu.memory_space<hbm>> -> memref<640xf32, #tpu.memory_space<hbm>>
        tpu.wait_dma2 semaphore(%run_scoped3A_2373 : memref<!tpu.dma_semaphore, #tpu.memory_space<semaphore_mem>>) src(%arg7 : memref<640xf32, #tpu.memory_space<vmem>>) dst(%dma_wait3A_2377 : memref<640xf32, #tpu.memory_space<hbm>>)
        tpu.yield
      }) : () -> ()
    } else {
    }
    %barrier3A_2355 = arith.constant 0 : index
    tpu.barrier barrier_id(%barrier3A_2355)
    %dma_start3A_2356 = arith.constant 0 : i32
    %dma_start3A_2357 = arith.constant 0 : i32
    %dma_start3A_2358 = tpu.memref_slice %arg10[%dma_start3A_2356, %dma_start3A_2357] : memref<80x128xi32, #tpu.memory_space<vmem>> -> memref<1x128xi32, #tpu.memory_space<vmem>>
    %dma_start3A_2359 = tpu.memref_squeeze %dma_start3A_2358 : memref<1x128xi32, #tpu.memory_space<vmem>> -> memref<128xi32, #tpu.memory_space<vmem>>
    %dma_start3A_2360 = arith.constant 0 : i32
    %dma_start3A_2361 = tpu.memref_slice %arg21[%dma_start3A_2360] : memref<10240xf32, #tpu.memory_space<vmem_shared>> -> memref<10240xf32, #tpu.memory_space<vmem_shared>>
    tpu.enqueue_indirect_dma source(%dma_start3A_2361 : memref<10240xf32, #tpu.memory_space<vmem_shared>>) target(%arg12 : memref<128xf32, #tpu.memory_space<vmem>>) offsets(%dma_start3A_2359 : memref<128xi32, #tpu.memory_space<vmem>>) semaphore(%arg16 : memref<!tpu.dma_semaphore, #tpu.memory_space<semaphore_mem>>)
    %scan3A_2362 = arith.constant 0 : i32
    %scan3A_2363 = arith.constant 0 : i32
    %scan3A_2364 = arith.constant 40 : i32
    %scan3A_2365 = arith.addi %scan3A_2363, %scan3A_2364 : i32
    %scan3A_2366 = arith.constant 1 : i32
    scf.for %scan3A_2373 = %scan3A_2363 to %scan3A_2365 step %scan3A_2366  : i32 {
      %mul3A_2374 = arith.constant 2 : i32
      %mul3A_2375 = arith.muli %mul3A_2374, %scan3A_2373 : i32
      %add3A_2376 = arith.constant 0 : i32
      %add3A_2377 = arith.addi %mul3A_2375, %add3A_2376 : i32
      %dma_wait3A_2378 = arith.constant 0 : i32
      %dma_wait3A_2379 = tpu.memref_slice %arg4[%dma_wait3A_2378] : memref<10240xf32, #tpu.memory_space<hbm>> -> memref<128xf32, #tpu.memory_space<hbm>>
      %dma_wait3A_2380 = arith.constant 0 : i32
      %dma_wait3A_2381 = tpu.memref_slice %arg4[%dma_wait3A_2380] : memref<10240xf32, #tpu.memory_space<hbm>> -> memref<128xf32, #tpu.memory_space<hbm>>
      tpu.wait_dma2 semaphore(%arg16 : memref<!tpu.dma_semaphore, #tpu.memory_space<semaphore_mem>>) src(%dma_wait3A_2381 : memref<128xf32, #tpu.memory_space<hbm>>) dst(%arg12 : memref<128xf32, #tpu.memory_space<vmem>>)
      %dma_start3A_2382 = arith.constant 0 : i32
      %dma_start3A_2383 = tpu.memref_slice %arg11[%add3A_2377, %dma_start3A_2382] : memref<80x128xi32, #tpu.memory_space<vmem>> -> memref<1x128xi32, #tpu.memory_space<vmem>>
      %dma_start3A_2384 = tpu.memref_squeeze %dma_start3A_2383 : memref<1x128xi32, #tpu.memory_space<vmem>> -> memref<128xi32, #tpu.memory_space<vmem>>
      %dma_start3A_2385 = arith.constant 0 : i32
      %dma_start3A_2386 = tpu.memref_slice %arg22[%dma_start3A_2385] : memref<10240xf32, #tpu.memory_space<vmem_shared>> -> memref<10240xf32, #tpu.memory_space<vmem_shared>>
      tpu.enqueue_indirect_dma source(%arg12 : memref<128xf32, #tpu.memory_space<vmem>>) target(%dma_start3A_2386 : memref<10240xf32, #tpu.memory_space<vmem_shared>>) offsets(%dma_start3A_2384 : memref<128xi32, #tpu.memory_space<vmem>>) semaphore(%arg18 : memref<!tpu.dma_semaphore, #tpu.memory_space<semaphore_mem>>) {add = true}
      %ge3A = arith.constant 1 : i32
      %ge3A_2387 = arith.cmpi sge, %add3A_2377, %ge3A : i32
      %convert_element_type3A_2388 = arith.extui %ge3A_2387 : i1 to i32
      %cond3A_2389 = arith.constant 0 : i32
      %cond3A_2390 = arith.cmpi ne, %convert_element_type3A_2388, %cond3A_2389 : i32
      scf.if %cond3A_2390 {
        %dma_wait3A_2423 = arith.constant 0 : i32
        %dma_wait3A_2424 = tpu.memref_slice %arg4[%dma_wait3A_2423] : memref<10240xf32, #tpu.memory_space<hbm>> -> memref<128xf32, #tpu.memory_space<hbm>>
        %dma_wait3A_2425 = arith.constant 0 : i32
        %dma_wait3A_2426 = tpu.memref_slice %arg4[%dma_wait3A_2425] : memref<10240xf32, #tpu.memory_space<hbm>> -> memref<128xf32, #tpu.memory_space<hbm>>
        tpu.wait_dma2 semaphore(%arg19 : memref<!tpu.dma_semaphore, #tpu.memory_space<semaphore_mem>>) src(%dma_wait3A_2426 : memref<128xf32, #tpu.memory_space<hbm>>) dst(%arg13 : memref<128xf32, #tpu.memory_space<vmem>>)
      } else {
      }
      %add3A_2391 = arith.constant 1 : i32
      %add3A_2392 = arith.addi %add3A_2377, %add3A_2391 : i32
      %lt3A_2393 = arith.constant 80 : i32
      %lt3A_2394 = arith.cmpi slt, %add3A_2392, %lt3A_2393 : i32
      %convert_element_type3A_2395 = arith.extui %lt3A_2394 : i1 to i32
      %cond3A_2396 = arith.constant 0 : i32
      %cond3A_2397 = arith.cmpi ne, %convert_element_type3A_2395, %cond3A_2396 : i32
      scf.if %cond3A_2397 {
        %add3A_2423 = arith.constant 1 : i32
        %add3A_2424 = arith.addi %add3A_2377, %add3A_2423 : i32
        %dma_start3A_2425 = arith.constant 0 : i32
        %dma_start3A_2426 = tpu.memref_slice %arg10[%add3A_2424, %dma_start3A_2425] : memref<80x128xi32, #tpu.memory_space<vmem>> -> memref<1x128xi32, #tpu.memory_space<vmem>>
        %dma_start3A_2427 = tpu.memref_squeeze %dma_start3A_2426 : memref<1x128xi32, #tpu.memory_space<vmem>> -> memref<128xi32, #tpu.memory_space<vmem>>
        %dma_start3A_2428 = arith.constant 0 : i32
        %dma_start3A_2429 = tpu.memref_slice %arg21[%dma_start3A_2428] : memref<10240xf32, #tpu.memory_space<vmem_shared>> -> memref<10240xf32, #tpu.memory_space<vmem_shared>>
        tpu.enqueue_indirect_dma source(%dma_start3A_2429 : memref<10240xf32, #tpu.memory_space<vmem_shared>>) target(%arg13 : memref<128xf32, #tpu.memory_space<vmem>>) offsets(%dma_start3A_2427 : memref<128xi32, #tpu.memory_space<vmem>>) semaphore(%arg17 : memref<!tpu.dma_semaphore, #tpu.memory_space<semaphore_mem>>)
      } else {
      }
      %mul3A_2398 = arith.constant 2 : i32
      %mul3A_2399 = arith.muli %mul3A_2398, %scan3A_2373 : i32
      %add3A_2400 = arith.constant 1 : i32
      %add3A_2401 = arith.addi %mul3A_2399, %add3A_2400 : i32
      %dma_wait3A_2402 = arith.constant 0 : i32
      %dma_wait3A_2403 = tpu.memref_slice %arg4[%dma_wait3A_2402] : memref<10240xf32, #tpu.memory_space<hbm>> -> memref<128xf32, #tpu.memory_space<hbm>>
      %dma_wait3A_2404 = arith.constant 0 : i32
      %dma_wait3A_2405 = tpu.memref_slice %arg4[%dma_wait3A_2404] : memref<10240xf32, #tpu.memory_space<hbm>> -> memref<128xf32, #tpu.memory_space<hbm>>
      tpu.wait_dma2 semaphore(%arg17 : memref<!tpu.dma_semaphore, #tpu.memory_space<semaphore_mem>>) src(%dma_wait3A_2405 : memref<128xf32, #tpu.memory_space<hbm>>) dst(%arg13 : memref<128xf32, #tpu.memory_space<vmem>>)
      %dma_start3A_2406 = arith.constant 0 : i32
      %dma_start3A_2407 = tpu.memref_slice %arg11[%add3A_2401, %dma_start3A_2406] : memref<80x128xi32, #tpu.memory_space<vmem>> -> memref<1x128xi32, #tpu.memory_space<vmem>>
      %dma_start3A_2408 = tpu.memref_squeeze %dma_start3A_2407 : memref<1x128xi32, #tpu.memory_space<vmem>> -> memref<128xi32, #tpu.memory_space<vmem>>
      %dma_start3A_2409 = arith.constant 0 : i32
      %dma_start3A_2410 = tpu.memref_slice %arg22[%dma_start3A_2409] : memref<10240xf32, #tpu.memory_space<vmem_shared>> -> memref<10240xf32, #tpu.memory_space<vmem_shared>>
      tpu.enqueue_indirect_dma source(%arg13 : memref<128xf32, #tpu.memory_space<vmem>>) target(%dma_start3A_2410 : memref<10240xf32, #tpu.memory_space<vmem_shared>>) offsets(%dma_start3A_2408 : memref<128xi32, #tpu.memory_space<vmem>>) semaphore(%arg19 : memref<!tpu.dma_semaphore, #tpu.memory_space<semaphore_mem>>) {add = true}
      %ge3A_2411 = arith.constant 1 : i32
      %ge3A_2412 = arith.cmpi sge, %add3A_2401, %ge3A_2411 : i32
      %convert_element_type3A_2413 = arith.extui %ge3A_2412 : i1 to i32
      %cond3A_2414 = arith.constant 0 : i32
      %cond3A_2415 = arith.cmpi ne, %convert_element_type3A_2413, %cond3A_2414 : i32
      scf.if %cond3A_2415 {
        %dma_wait3A_2423 = arith.constant 0 : i32
        %dma_wait3A_2424 = tpu.memref_slice %arg4[%dma_wait3A_2423] : memref<10240xf32, #tpu.memory_space<hbm>> -> memref<128xf32, #tpu.memory_space<hbm>>
        %dma_wait3A_2425 = arith.constant 0 : i32
        %dma_wait3A_2426 = tpu.memref_slice %arg4[%dma_wait3A_2425] : memref<10240xf32, #tpu.memory_space<hbm>> -> memref<128xf32, #tpu.memory_space<hbm>>
        tpu.wait_dma2 semaphore(%arg18 : memref<!tpu.dma_semaphore, #tpu.memory_space<semaphore_mem>>) src(%dma_wait3A_2426 : memref<128xf32, #tpu.memory_space<hbm>>) dst(%arg12 : memref<128xf32, #tpu.memory_space<vmem>>)
      } else {
      }
      %add3A_2416 = arith.constant 1 : i32
      %add3A_2417 = arith.addi %add3A_2401, %add3A_2416 : i32
      %lt3A_2418 = arith.constant 80 : i32
      %lt3A_2419 = arith.cmpi slt, %add3A_2417, %lt3A_2418 : i32
      %convert_element_type3A_2420 = arith.extui %lt3A_2419 : i1 to i32
      %cond3A_2421 = arith.constant 0 : i32
      %cond3A_2422 = arith.cmpi ne, %convert_element_type3A_2420, %cond3A_2421 : i32
      scf.if %cond3A_2422 {
        %add3A_2423 = arith.constant 1 : i32
        %add3A_2424 = arith.addi %add3A_2401, %add3A_2423 : i32
        %dma_start3A_2425 = arith.constant 0 : i32
        %dma_start3A_2426 = tpu.memref_slice %arg10[%add3A_2424, %dma_start3A_2425] : memref<80x128xi32, #tpu.memory_space<vmem>> -> memref<1x128xi32, #tpu.memory_space<vmem>>
        %dma_start3A_2427 = tpu.memref_squeeze %dma_start3A_2426 : memref<1x128xi32, #tpu.memory_space<vmem>> -> memref<128xi32, #tpu.memory_space<vmem>>
        %dma_start3A_2428 = arith.constant 0 : i32
        %dma_start3A_2429 = tpu.memref_slice %arg21[%dma_start3A_2428] : memref<10240xf32, #tpu.memory_space<vmem_shared>> -> memref<10240xf32, #tpu.memory_space<vmem_shared>>
        tpu.enqueue_indirect_dma source(%dma_start3A_2429 : memref<10240xf32, #tpu.memory_space<vmem_shared>>) target(%arg12 : memref<128xf32, #tpu.memory_space<vmem>>) offsets(%dma_start3A_2427 : memref<128xi32, #tpu.memory_space<vmem>>) semaphore(%arg16 : memref<!tpu.dma_semaphore, #tpu.memory_space<semaphore_mem>>)
      } else {
      }
    }
    %scan3A_2367 = arith.constant 40 : i32
    %dma_wait3A_2368 = arith.constant 0 : i32
    %dma_wait3A_2369 = tpu.memref_slice %arg4[%dma_wait3A_2368] : memref<10240xf32, #tpu.memory_space<hbm>> -> memref<128xf32, #tpu.memory_space<hbm>>
    %dma_wait3A_2370 = arith.constant 0 : i32
    %dma_wait3A_2371 = tpu.memref_slice %arg4[%dma_wait3A_2370] : memref<10240xf32, #tpu.memory_space<hbm>> -> memref<128xf32, #tpu.memory_space<hbm>>
    tpu.wait_dma2 semaphore(%arg19 : memref<!tpu.dma_semaphore, #tpu.memory_space<semaphore_mem>>) src(%dma_wait3A_2371 : memref<128xf32, #tpu.memory_space<hbm>>) dst(%arg13 : memref<128xf32, #tpu.memory_space<vmem>>)
    %barrier3A_2372 = arith.constant 0 : index
    tpu.barrier barrier_id(%barrier3A_2372)
    %run_scoped3A = arith.constant 0 : i32
    "tpu.region"() ({
      %run_scoped3A_2373 = tpu.sem_alloc : memref<!tpu.dma_semaphore, #tpu.memory_space<semaphore_mem>>
      %dma_start3A_2374 = tpu.memref_slice %arg5[%arg0, %run_scoped3A, %mul3A_0] : memref<2x1x10240xf32, #tpu.memory_space<hbm>> -> memref<1x1x640xf32, #tpu.memory_space<hbm>>
      %dma_start3A_2375 = tpu.memref_squeeze %dma_start3A_2374 : memref<1x1x640xf32, #tpu.memory_space<hbm>> -> memref<640xf32, #tpu.memory_space<hbm>>
      %dma_start3A_2376 = tpu.memref_slice %arg22[%mul3A_0] : memref<10240xf32, #tpu.memory_space<vmem_shared>> -> memref<640xf32, #tpu.memory_space<vmem_shared>>
      tpu.enqueue_dma source(%dma_start3A_2376 : memref<640xf32, #tpu.memory_space<vmem_shared>>) target(%dma_start3A_2375 : memref<640xf32, #tpu.memory_space<hbm>>) target_semaphore(%run_scoped3A_2373 : memref<!tpu.dma_semaphore, #tpu.memory_space<semaphore_mem>>)
      %dma_wait3A_2377 = tpu.memref_slice %arg5[%arg0, %run_scoped3A, %mul3A_0] : memref<2x1x10240xf32, #tpu.memory_space<hbm>> -> memref<1x1x640xf32, #tpu.memory_space<hbm>>
      %dma_wait3A_2378 = tpu.memref_squeeze %dma_wait3A_2377 : memref<1x1x640xf32, #tpu.memory_space<hbm>> -> memref<640xf32, #tpu.memory_space<hbm>>
      %dma_wait3A_2379 = tpu.memref_slice %arg22[%mul3A_0] : memref<10240xf32, #tpu.memory_space<vmem_shared>> -> memref<640xf32, #tpu.memory_space<vmem_shared>>
      tpu.wait_dma2 semaphore(%run_scoped3A_2373 : memref<!tpu.dma_semaphore, #tpu.memory_space<semaphore_mem>>) src(%dma_wait3A_2379 : memref<640xf32, #tpu.memory_space<vmem_shared>>) dst(%dma_wait3A_2378 : memref<640xf32, #tpu.memory_space<hbm>>)
      tpu.yield
    }) : () -> ()
    return
  }
}

#map = affine_map<(d0, d1) -> (0, 0)>
#map1 = affine_map<(d0, d1) -> (0)>
#map2 = affine_map<(d0, d1) -> (0, 0, 0)>
module attributes {stable_mosaic.version = 14 : i64} {
  func.func @_row_body(%arg0: i32, %arg1: i32, %arg2: memref<10240x128xf32, #tpu.memory_space<hbm>>, %arg3: memref<327680xi32, #tpu.memory_space<hbm>>, %arg4: memref<2560x128xi32, #tpu.memory_space<hbm>>, %arg5: memref<2x10240x128xf32, #tpu.memory_space<hbm>>, %arg6: memref<5120xi32, #tpu.memory_space<vmem>>, %arg7: memref<80x128xi32, #tpu.memory_space<vmem>>, %arg8: memref<128x128xf32, #tpu.memory_space<vmem>>, %arg9: memref<128x128xf32, #tpu.memory_space<vmem>>, %arg10: memref<!tpu.dma_semaphore, #tpu.memory_space<semaphore_mem>>, %arg11: memref<!tpu.dma_semaphore, #tpu.memory_space<semaphore_mem>>, %arg12: memref<!tpu.dma_semaphore, #tpu.memory_space<semaphore_mem>>, %arg13: memref<!tpu.dma_semaphore, #tpu.memory_space<semaphore_mem>>, %arg14: memref<!tpu.dma_semaphore, #tpu.memory_space<semaphore_mem>>, %arg15: memref<!tpu.dma_semaphore, #tpu.memory_space<semaphore_mem>>, %arg16: memref<10240x128xf32, #tpu.memory_space<vmem_shared>>) attributes {dimension_semantics = [#tpu.dimension_semantics<core_parallel>, #tpu.dimension_semantics<subcore_parallel>], iteration_bounds = array<i64: 2, 16>, scalar_prefetch = 0 : i64, scratch_operands = 11 : i64, tpu.core_type = #tpu.core_type<sc_vector_subcore>, window_params = [{transform_indices = #map}, {transform_indices = #map1}, {transform_indices = #map}, {transform_indices = #map2}]} {
    %mul3A = arith.constant 640 : i32
    %mul3A_0 = arith.muli %arg1, %mul3A : i32
    %mul3A_1 = arith.constant 16 : i32
    %mul3A_2 = arith.muli %arg0, %mul3A_1 : i32
    %add3A = arith.addi %mul3A_2, %arg1 : i32
    %mul3A_3 = arith.constant 10240 : i32
    %mul3A_4 = arith.muli %add3A, %mul3A_3 : i32
    %dma_start3A = tpu.memref_slice %arg3[%mul3A_4] : memref<327680xi32, #tpu.memory_space<hbm>> -> memref<5120xi32, #tpu.memory_space<hbm>>
    %dma_start3A_5 = tpu.memref_slice %arg3[%mul3A_4] : memref<327680xi32, #tpu.memory_space<hbm>> -> memref<5120xi32, #tpu.memory_space<hbm>>
    tpu.enqueue_dma source(%dma_start3A_5 : memref<5120xi32, #tpu.memory_space<hbm>>) target(%arg6 : memref<5120xi32, #tpu.memory_space<vmem>>) target_semaphore(%arg10 : memref<!tpu.dma_semaphore, #tpu.memory_space<semaphore_mem>>)
    %mul3A_6 = arith.constant 80 : i32
    %mul3A_7 = arith.muli %add3A, %mul3A_6 : i32
    %dma_start3A_8 = arith.constant 0 : i32
    %dma_start3A_9 = tpu.memref_slice %arg4[%mul3A_7, %dma_start3A_8] : memref<2560x128xi32, #tpu.memory_space<hbm>> -> memref<80x128xi32, #tpu.memory_space<hbm>>
    %dma_start3A_10 = arith.constant 0 : i32
    %dma_start3A_11 = tpu.memref_slice %arg4[%mul3A_7, %dma_start3A_10] : memref<2560x128xi32, #tpu.memory_space<hbm>> -> memref<80x128xi32, #tpu.memory_space<hbm>>
    tpu.enqueue_dma source(%dma_start3A_11 : memref<80x128xi32, #tpu.memory_space<hbm>>) target(%arg7 : memref<80x128xi32, #tpu.memory_space<vmem>>) target_semaphore(%arg11 : memref<!tpu.dma_semaphore, #tpu.memory_space<semaphore_mem>>)
    "tpu.region"() ({
      %run_scoped3A = tpu.sem_alloc : memref<!tpu.dma_semaphore, #tpu.memory_space<semaphore_mem>>
      %dma_start3A_63 = arith.constant 0 : i32
      %dma_start3A_64 = tpu.memref_slice %arg16[%mul3A_0, %dma_start3A_63] : memref<10240x128xf32, #tpu.memory_space<vmem_shared>> -> memref<640x128xf32, #tpu.memory_space<vmem_shared>>
      %dma_start3A_65 = arith.constant 0 : i32
      %dma_start3A_66 = tpu.memref_slice %arg2[%mul3A_0, %dma_start3A_65] : memref<10240x128xf32, #tpu.memory_space<hbm>> -> memref<640x128xf32, #tpu.memory_space<hbm>>
      tpu.enqueue_dma source(%dma_start3A_66 : memref<640x128xf32, #tpu.memory_space<hbm>>) target(%dma_start3A_64 : memref<640x128xf32, #tpu.memory_space<vmem_shared>>) target_semaphore(%run_scoped3A : memref<!tpu.dma_semaphore, #tpu.memory_space<semaphore_mem>>)
      %dma_wait3A_67 = arith.constant 0 : i32
      %dma_wait3A_68 = tpu.memref_slice %arg16[%mul3A_0, %dma_wait3A_67] : memref<10240x128xf32, #tpu.memory_space<vmem_shared>> -> memref<640x128xf32, #tpu.memory_space<vmem_shared>>
      %dma_wait3A_69 = arith.constant 0 : i32
      %dma_wait3A_70 = tpu.memref_slice %arg2[%mul3A_0, %dma_wait3A_69] : memref<10240x128xf32, #tpu.memory_space<hbm>> -> memref<640x128xf32, #tpu.memory_space<hbm>>
      tpu.wait_dma2 semaphore(%run_scoped3A : memref<!tpu.dma_semaphore, #tpu.memory_space<semaphore_mem>>) src(%dma_wait3A_70 : memref<640x128xf32, #tpu.memory_space<hbm>>) dst(%dma_wait3A_68 : memref<640x128xf32, #tpu.memory_space<vmem_shared>>)
      tpu.yield
    }) : () -> ()
    %dma_wait3A = arith.constant 0 : i32
    %dma_wait3A_12 = tpu.memref_slice %arg3[%dma_wait3A] : memref<327680xi32, #tpu.memory_space<hbm>> -> memref<5120xi32, #tpu.memory_space<hbm>>
    %dma_wait3A_13 = arith.constant 0 : i32
    %dma_wait3A_14 = tpu.memref_slice %arg3[%dma_wait3A_13] : memref<327680xi32, #tpu.memory_space<hbm>> -> memref<5120xi32, #tpu.memory_space<hbm>>
    tpu.wait_dma2 semaphore(%arg10 : memref<!tpu.dma_semaphore, #tpu.memory_space<semaphore_mem>>) src(%dma_wait3A_14 : memref<5120xi32, #tpu.memory_space<hbm>>) dst(%arg6 : memref<5120xi32, #tpu.memory_space<vmem>>)
    %dma_wait3A_15 = arith.constant 0 : i32
    %dma_wait3A_16 = arith.constant 0 : i32
    %dma_wait3A_17 = tpu.memref_slice %arg4[%dma_wait3A_15, %dma_wait3A_16] : memref<2560x128xi32, #tpu.memory_space<hbm>> -> memref<80x128xi32, #tpu.memory_space<hbm>>
    %dma_wait3A_18 = arith.constant 0 : i32
    %dma_wait3A_19 = arith.constant 0 : i32
    %dma_wait3A_20 = tpu.memref_slice %arg4[%dma_wait3A_18, %dma_wait3A_19] : memref<2560x128xi32, #tpu.memory_space<hbm>> -> memref<80x128xi32, #tpu.memory_space<hbm>>
    tpu.wait_dma2 semaphore(%arg11 : memref<!tpu.dma_semaphore, #tpu.memory_space<semaphore_mem>>) src(%dma_wait3A_20 : memref<80x128xi32, #tpu.memory_space<hbm>>) dst(%arg7 : memref<80x128xi32, #tpu.memory_space<vmem>>)
    %barrier3A = arith.constant 0 : index
    tpu.barrier barrier_id(%barrier3A)
    %dma_start3A_21 = arith.constant 0 : i32
    %dma_start3A_22 = tpu.memref_slice %arg6[%dma_start3A_21] : memref<5120xi32, #tpu.memory_space<vmem>> -> memref<128xi32, #tpu.memory_space<vmem>>
    %dma_start3A_23 = arith.constant 0 : i32
    %dma_start3A_24 = arith.constant 0 : i32
    %dma_start3A_25 = tpu.memref_slice %arg2[%dma_start3A_23, %dma_start3A_24] : memref<10240x128xf32, #tpu.memory_space<hbm>> -> memref<10240x128xf32, #tpu.memory_space<hbm>>
    tpu.enqueue_indirect_dma source(%dma_start3A_25 : memref<10240x128xf32, #tpu.memory_space<hbm>>) target(%arg8 : memref<128x128xf32, #tpu.memory_space<vmem>>) offsets(%dma_start3A_22 : memref<128xi32, #tpu.memory_space<vmem>>) semaphore(%arg12 : memref<!tpu.dma_semaphore, #tpu.memory_space<semaphore_mem>>)
    %scan3A = arith.constant 0 : i32
    %scan3A_26 = arith.constant 0 : i32
    %scan3A_27 = arith.constant 20 : i32
    %scan3A_28 = arith.addi %scan3A_26, %scan3A_27 : i32
    %scan3A_29 = arith.constant 1 : i32
    scf.for %scan3A_63 = %scan3A_26 to %scan3A_28 step %scan3A_29  : i32 {
      %mul3A_64 = arith.constant 2 : i32
      %mul3A_65 = arith.muli %mul3A_64, %scan3A_63 : i32
      %add3A_66 = arith.constant 0 : i32
      %add3A_67 = arith.addi %mul3A_65, %add3A_66 : i32
      %dma_wait3A_68 = arith.constant 0 : i32
      %dma_wait3A_69 = arith.constant 0 : i32
      %dma_wait3A_70 = tpu.memref_slice %arg2[%dma_wait3A_68, %dma_wait3A_69] : memref<10240x128xf32, #tpu.memory_space<hbm>> -> memref<128x128xf32, #tpu.memory_space<hbm>>
      %dma_wait3A_71 = arith.constant 0 : i32
      %dma_wait3A_72 = arith.constant 0 : i32
      %dma_wait3A_73 = tpu.memref_slice %arg2[%dma_wait3A_71, %dma_wait3A_72] : memref<10240x128xf32, #tpu.memory_space<hbm>> -> memref<128x128xf32, #tpu.memory_space<hbm>>
      tpu.wait_dma2 semaphore(%arg12 : memref<!tpu.dma_semaphore, #tpu.memory_space<semaphore_mem>>) src(%dma_wait3A_73 : memref<128x128xf32, #tpu.memory_space<hbm>>) dst(%arg8 : memref<128x128xf32, #tpu.memory_space<vmem>>)
      %add3A_74 = arith.constant 0 : i32
      %add3A_75 = arith.addi %add3A_74, %add3A_67 : i32
      %dma_start3A_76 = arith.constant 0 : i32
      %dma_start3A_77 = tpu.memref_slice %arg7[%add3A_75, %dma_start3A_76] : memref<80x128xi32, #tpu.memory_space<vmem>> -> memref<1x128xi32, #tpu.memory_space<vmem>>
      %dma_start3A_78 = tpu.memref_squeeze %dma_start3A_77 : memref<1x128xi32, #tpu.memory_space<vmem>> -> memref<128xi32, #tpu.memory_space<vmem>>
      %dma_start3A_79 = arith.constant 0 : i32
      %dma_start3A_80 = arith.constant 0 : i32
      %dma_start3A_81 = tpu.memref_slice %arg16[%dma_start3A_79, %dma_start3A_80] : memref<10240x128xf32, #tpu.memory_space<vmem_shared>> -> memref<10240x128xf32, #tpu.memory_space<vmem_shared>>
      tpu.enqueue_indirect_dma source(%arg8 : memref<128x128xf32, #tpu.memory_space<vmem>>) target(%dma_start3A_81 : memref<10240x128xf32, #tpu.memory_space<vmem_shared>>) offsets(%dma_start3A_78 : memref<128xi32, #tpu.memory_space<vmem>>) semaphore(%arg14 : memref<!tpu.dma_semaphore, #tpu.memory_space<semaphore_mem>>) {add = true}
      %ge3A = arith.constant 1 : i32
      %ge3A_82 = arith.cmpi sge, %add3A_67, %ge3A : i32
      %convert_element_type3A = arith.extui %ge3A_82 : i1 to i32
      %cond3A = arith.constant 0 : i32
      %cond3A_83 = arith.cmpi ne, %convert_element_type3A, %cond3A : i32
      scf.if %cond3A_83 {
        %dma_wait3A_120 = arith.constant 0 : i32
        %dma_wait3A_121 = arith.constant 0 : i32
        %dma_wait3A_122 = tpu.memref_slice %arg2[%dma_wait3A_120, %dma_wait3A_121] : memref<10240x128xf32, #tpu.memory_space<hbm>> -> memref<128x128xf32, #tpu.memory_space<hbm>>
        %dma_wait3A_123 = arith.constant 0 : i32
        %dma_wait3A_124 = arith.constant 0 : i32
        %dma_wait3A_125 = tpu.memref_slice %arg2[%dma_wait3A_123, %dma_wait3A_124] : memref<10240x128xf32, #tpu.memory_space<hbm>> -> memref<128x128xf32, #tpu.memory_space<hbm>>
        tpu.wait_dma2 semaphore(%arg15 : memref<!tpu.dma_semaphore, #tpu.memory_space<semaphore_mem>>) src(%dma_wait3A_125 : memref<128x128xf32, #tpu.memory_space<hbm>>) dst(%arg9 : memref<128x128xf32, #tpu.memory_space<vmem>>)
      } else {
      }
      %add3A_84 = arith.constant 1 : i32
      %add3A_85 = arith.addi %add3A_67, %add3A_84 : i32
      %lt3A = arith.constant 40 : i32
      %lt3A_86 = arith.cmpi slt, %add3A_85, %lt3A : i32
      %convert_element_type3A_87 = arith.extui %lt3A_86 : i1 to i32
      %cond3A_88 = arith.constant 0 : i32
      %cond3A_89 = arith.cmpi ne, %convert_element_type3A_87, %cond3A_88 : i32
      scf.if %cond3A_89 {
        %add3A_120 = arith.constant 1 : i32
        %add3A_121 = arith.addi %add3A_67, %add3A_120 : i32
        %mul3A_122 = arith.constant 128 : i32
        %mul3A_123 = arith.muli %add3A_121, %mul3A_122 : i32
        %dma_start3A_124 = tpu.memref_slice %arg6[%mul3A_123] : memref<5120xi32, #tpu.memory_space<vmem>> -> memref<128xi32, #tpu.memory_space<vmem>>
        %dma_start3A_125 = arith.constant 0 : i32
        %dma_start3A_126 = arith.constant 0 : i32
        %dma_start3A_127 = tpu.memref_slice %arg2[%dma_start3A_125, %dma_start3A_126] : memref<10240x128xf32, #tpu.memory_space<hbm>> -> memref<10240x128xf32, #tpu.memory_space<hbm>>
        tpu.enqueue_indirect_dma source(%dma_start3A_127 : memref<10240x128xf32, #tpu.memory_space<hbm>>) target(%arg9 : memref<128x128xf32, #tpu.memory_space<vmem>>) offsets(%dma_start3A_124 : memref<128xi32, #tpu.memory_space<vmem>>) semaphore(%arg13 : memref<!tpu.dma_semaphore, #tpu.memory_space<semaphore_mem>>)
      } else {
      }
      %mul3A_90 = arith.constant 2 : i32
      %mul3A_91 = arith.muli %mul3A_90, %scan3A_63 : i32
      %add3A_92 = arith.constant 1 : i32
      %add3A_93 = arith.addi %mul3A_91, %add3A_92 : i32
      %dma_wait3A_94 = arith.constant 0 : i32
      %dma_wait3A_95 = arith.constant 0 : i32
      %dma_wait3A_96 = tpu.memref_slice %arg2[%dma_wait3A_94, %dma_wait3A_95] : memref<10240x128xf32, #tpu.memory_space<hbm>> -> memref<128x128xf32, #tpu.memory_space<hbm>>
      %dma_wait3A_97 = arith.constant 0 : i32
      %dma_wait3A_98 = arith.constant 0 : i32
      %dma_wait3A_99 = tpu.memref_slice %arg2[%dma_wait3A_97, %dma_wait3A_98] : memref<10240x128xf32, #tpu.memory_space<hbm>> -> memref<128x128xf32, #tpu.memory_space<hbm>>
      tpu.wait_dma2 semaphore(%arg13 : memref<!tpu.dma_semaphore, #tpu.memory_space<semaphore_mem>>) src(%dma_wait3A_99 : memref<128x128xf32, #tpu.memory_space<hbm>>) dst(%arg9 : memref<128x128xf32, #tpu.memory_space<vmem>>)
      %add3A_100 = arith.constant 0 : i32
      %add3A_101 = arith.addi %add3A_100, %add3A_93 : i32
      %dma_start3A_102 = arith.constant 0 : i32
      %dma_start3A_103 = tpu.memref_slice %arg7[%add3A_101, %dma_start3A_102] : memref<80x128xi32, #tpu.memory_space<vmem>> -> memref<1x128xi32, #tpu.memory_space<vmem>>
      %dma_start3A_104 = tpu.memref_squeeze %dma_start3A_103 : memref<1x128xi32, #tpu.memory_space<vmem>> -> memref<128xi32, #tpu.memory_space<vmem>>
      %dma_start3A_105 = arith.constant 0 : i32
      %dma_start3A_106 = arith.constant 0 : i32
      %dma_start3A_107 = tpu.memref_slice %arg16[%dma_start3A_105, %dma_start3A_106] : memref<10240x128xf32, #tpu.memory_space<vmem_shared>> -> memref<10240x128xf32, #tpu.memory_space<vmem_shared>>
      tpu.enqueue_indirect_dma source(%arg9 : memref<128x128xf32, #tpu.memory_space<vmem>>) target(%dma_start3A_107 : memref<10240x128xf32, #tpu.memory_space<vmem_shared>>) offsets(%dma_start3A_104 : memref<128xi32, #tpu.memory_space<vmem>>) semaphore(%arg15 : memref<!tpu.dma_semaphore, #tpu.memory_space<semaphore_mem>>) {add = true}
      %ge3A_108 = arith.constant 1 : i32
      %ge3A_109 = arith.cmpi sge, %add3A_93, %ge3A_108 : i32
      %convert_element_type3A_110 = arith.extui %ge3A_109 : i1 to i32
      %cond3A_111 = arith.constant 0 : i32
      %cond3A_112 = arith.cmpi ne, %convert_element_type3A_110, %cond3A_111 : i32
      scf.if %cond3A_112 {
        %dma_wait3A_120 = arith.constant 0 : i32
        %dma_wait3A_121 = arith.constant 0 : i32
        %dma_wait3A_122 = tpu.memref_slice %arg2[%dma_wait3A_120, %dma_wait3A_121] : memref<10240x128xf32, #tpu.memory_space<hbm>> -> memref<128x128xf32, #tpu.memory_space<hbm>>
        %dma_wait3A_123 = arith.constant 0 : i32
        %dma_wait3A_124 = arith.constant 0 : i32
        %dma_wait3A_125 = tpu.memref_slice %arg2[%dma_wait3A_123, %dma_wait3A_124] : memref<10240x128xf32, #tpu.memory_space<hbm>> -> memref<128x128xf32, #tpu.memory_space<hbm>>
        tpu.wait_dma2 semaphore(%arg14 : memref<!tpu.dma_semaphore, #tpu.memory_space<semaphore_mem>>) src(%dma_wait3A_125 : memref<128x128xf32, #tpu.memory_space<hbm>>) dst(%arg8 : memref<128x128xf32, #tpu.memory_space<vmem>>)
      } else {
      }
      %add3A_113 = arith.constant 1 : i32
      %add3A_114 = arith.addi %add3A_93, %add3A_113 : i32
      %lt3A_115 = arith.constant 40 : i32
      %lt3A_116 = arith.cmpi slt, %add3A_114, %lt3A_115 : i32
      %convert_element_type3A_117 = arith.extui %lt3A_116 : i1 to i32
      %cond3A_118 = arith.constant 0 : i32
      %cond3A_119 = arith.cmpi ne, %convert_element_type3A_117, %cond3A_118 : i32
      scf.if %cond3A_119 {
        %add3A_120 = arith.constant 1 : i32
        %add3A_121 = arith.addi %add3A_93, %add3A_120 : i32
        %mul3A_122 = arith.constant 128 : i32
        %mul3A_123 = arith.muli %add3A_121, %mul3A_122 : i32
        %dma_start3A_124 = tpu.memref_slice %arg6[%mul3A_123] : memref<5120xi32, #tpu.memory_space<vmem>> -> memref<128xi32, #tpu.memory_space<vmem>>
        %dma_start3A_125 = arith.constant 0 : i32
        %dma_start3A_126 = arith.constant 0 : i32
        %dma_start3A_127 = tpu.memref_slice %arg2[%dma_start3A_125, %dma_start3A_126] : memref<10240x128xf32, #tpu.memory_space<hbm>> -> memref<10240x128xf32, #tpu.memory_space<hbm>>
        tpu.enqueue_indirect_dma source(%dma_start3A_127 : memref<10240x128xf32, #tpu.memory_space<hbm>>) target(%arg8 : memref<128x128xf32, #tpu.memory_space<vmem>>) offsets(%dma_start3A_124 : memref<128xi32, #tpu.memory_space<vmem>>) semaphore(%arg12 : memref<!tpu.dma_semaphore, #tpu.memory_space<semaphore_mem>>)
      } else {
      }
    }
    %scan3A_30 = arith.constant 20 : i32
    %dma_wait3A_31 = arith.constant 0 : i32
    %dma_wait3A_32 = arith.constant 0 : i32
    %dma_wait3A_33 = tpu.memref_slice %arg2[%dma_wait3A_31, %dma_wait3A_32] : memref<10240x128xf32, #tpu.memory_space<hbm>> -> memref<128x128xf32, #tpu.memory_space<hbm>>
    %dma_wait3A_34 = arith.constant 0 : i32
    %dma_wait3A_35 = arith.constant 0 : i32
    %dma_wait3A_36 = tpu.memref_slice %arg2[%dma_wait3A_34, %dma_wait3A_35] : memref<10240x128xf32, #tpu.memory_space<hbm>> -> memref<128x128xf32, #tpu.memory_space<hbm>>
    tpu.wait_dma2 semaphore(%arg15 : memref<!tpu.dma_semaphore, #tpu.memory_space<semaphore_mem>>) src(%dma_wait3A_36 : memref<128x128xf32, #tpu.memory_space<hbm>>) dst(%arg9 : memref<128x128xf32, #tpu.memory_space<vmem>>)
    %add3A_37 = arith.constant 5120 : i32
    %add3A_38 = arith.addi %mul3A_4, %add3A_37 : i32
    %dma_start3A_39 = tpu.memref_slice %arg3[%add3A_38] : memref<327680xi32, #tpu.memory_space<hbm>> -> memref<5120xi32, #tpu.memory_space<hbm>>
    %dma_start3A_40 = tpu.memref_slice %arg3[%add3A_38] : memref<327680xi32, #tpu.memory_space<hbm>> -> memref<5120xi32, #tpu.memory_space<hbm>>
    tpu.enqueue_dma source(%dma_start3A_40 : memref<5120xi32, #tpu.memory_space<hbm>>) target(%arg6 : memref<5120xi32, #tpu.memory_space<vmem>>) target_semaphore(%arg10 : memref<!tpu.dma_semaphore, #tpu.memory_space<semaphore_mem>>)
    %dma_wait3A_41 = arith.constant 0 : i32
    %dma_wait3A_42 = tpu.memref_slice %arg3[%dma_wait3A_41] : memref<327680xi32, #tpu.memory_space<hbm>> -> memref<5120xi32, #tpu.memory_space<hbm>>
    %dma_wait3A_43 = arith.constant 0 : i32
    %dma_wait3A_44 = tpu.memref_slice %arg3[%dma_wait3A_43] : memref<327680xi32, #tpu.memory_space<hbm>> -> memref<5120xi32, #tpu.memory_space<hbm>>
    tpu.wait_dma2 semaphore(%arg10 : memref<!tpu.dma_semaphore, #tpu.memory_space<semaphore_mem>>) src(%dma_wait3A_44 : memref<5120xi32, #tpu.memory_space<hbm>>) dst(%arg6 : memref<5120xi32, #tpu.memory_space<vmem>>)
    %dma_start3A_45 = arith.constant 0 : i32
    %dma_start3A_46 = tpu.memref_slice %arg6[%dma_start3A_45] : memref<5120xi32, #tpu.memory_space<vmem>> -> memref<128xi32, #tpu.memory_space<vmem>>
    %dma_start3A_47 = arith.constant 0 : i32
    %dma_start3A_48 = arith.constant 0 : i32
    %dma_start3A_49 = tpu.memref_slice %arg2[%dma_start3A_47, %dma_start3A_48] : memref<10240x128xf32, #tpu.memory_space<hbm>> -> memref<10240x128xf32, #tpu.memory_space<hbm>>
    tpu.enqueue_indirect_dma source(%dma_start3A_49 : memref<10240x128xf32, #tpu.memory_space<hbm>>) target(%arg8 : memref<128x128xf32, #tpu.memory_space<vmem>>) offsets(%dma_start3A_46 : memref<128xi32, #tpu.memory_space<vmem>>) semaphore(%arg12 : memref<!tpu.dma_semaphore, #tpu.memory_space<semaphore_mem>>)
    %scan3A_50 = arith.constant 0 : i32
    %scan3A_51 = arith.constant 0 : i32
    %scan3A_52 = arith.constant 20 : i32
    %scan3A_53 = arith.addi %scan3A_51, %scan3A_52 : i32
    %scan3A_54 = arith.constant 1 : i32
    scf.for %scan3A_63 = %scan3A_51 to %scan3A_53 step %scan3A_54  : i32 {
      %mul3A_64 = arith.constant 2 : i32
      %mul3A_65 = arith.muli %mul3A_64, %scan3A_63 : i32
      %add3A_66 = arith.constant 0 : i32
      %add3A_67 = arith.addi %mul3A_65, %add3A_66 : i32
      %dma_wait3A_68 = arith.constant 0 : i32
      %dma_wait3A_69 = arith.constant 0 : i32
      %dma_wait3A_70 = tpu.memref_slice %arg2[%dma_wait3A_68, %dma_wait3A_69] : memref<10240x128xf32, #tpu.memory_space<hbm>> -> memref<128x128xf32, #tpu.memory_space<hbm>>
      %dma_wait3A_71 = arith.constant 0 : i32
      %dma_wait3A_72 = arith.constant 0 : i32
      %dma_wait3A_73 = tpu.memref_slice %arg2[%dma_wait3A_71, %dma_wait3A_72] : memref<10240x128xf32, #tpu.memory_space<hbm>> -> memref<128x128xf32, #tpu.memory_space<hbm>>
      tpu.wait_dma2 semaphore(%arg12 : memref<!tpu.dma_semaphore, #tpu.memory_space<semaphore_mem>>) src(%dma_wait3A_73 : memref<128x128xf32, #tpu.memory_space<hbm>>) dst(%arg8 : memref<128x128xf32, #tpu.memory_space<vmem>>)
      %add3A_74 = arith.constant 40 : i32
      %add3A_75 = arith.addi %add3A_74, %add3A_67 : i32
      %dma_start3A_76 = arith.constant 0 : i32
      %dma_start3A_77 = tpu.memref_slice %arg7[%add3A_75, %dma_start3A_76] : memref<80x128xi32, #tpu.memory_space<vmem>> -> memref<1x128xi32, #tpu.memory_space<vmem>>
      %dma_start3A_78 = tpu.memref_squeeze %dma_start3A_77 : memref<1x128xi32, #tpu.memory_space<vmem>> -> memref<128xi32, #tpu.memory_space<vmem>>
      %dma_start3A_79 = arith.constant 0 : i32
      %dma_start3A_80 = arith.constant 0 : i32
      %dma_start3A_81 = tpu.memref_slice %arg16[%dma_start3A_79, %dma_start3A_80] : memref<10240x128xf32, #tpu.memory_space<vmem_shared>> -> memref<10240x128xf32, #tpu.memory_space<vmem_shared>>
      tpu.enqueue_indirect_dma source(%arg8 : memref<128x128xf32, #tpu.memory_space<vmem>>) target(%dma_start3A_81 : memref<10240x128xf32, #tpu.memory_space<vmem_shared>>) offsets(%dma_start3A_78 : memref<128xi32, #tpu.memory_space<vmem>>) semaphore(%arg14 : memref<!tpu.dma_semaphore, #tpu.memory_space<semaphore_mem>>) {add = true}
      %ge3A = arith.constant 1 : i32
      %ge3A_82 = arith.cmpi sge, %add3A_67, %ge3A : i32
      %convert_element_type3A = arith.extui %ge3A_82 : i1 to i32
      %cond3A = arith.constant 0 : i32
      %cond3A_83 = arith.cmpi ne, %convert_element_type3A, %cond3A : i32
      scf.if %cond3A_83 {
        %dma_wait3A_120 = arith.constant 0 : i32
        %dma_wait3A_121 = arith.constant 0 : i32
        %dma_wait3A_122 = tpu.memref_slice %arg2[%dma_wait3A_120, %dma_wait3A_121] : memref<10240x128xf32, #tpu.memory_space<hbm>> -> memref<128x128xf32, #tpu.memory_space<hbm>>
        %dma_wait3A_123 = arith.constant 0 : i32
        %dma_wait3A_124 = arith.constant 0 : i32
        %dma_wait3A_125 = tpu.memref_slice %arg2[%dma_wait3A_123, %dma_wait3A_124] : memref<10240x128xf32, #tpu.memory_space<hbm>> -> memref<128x128xf32, #tpu.memory_space<hbm>>
        tpu.wait_dma2 semaphore(%arg15 : memref<!tpu.dma_semaphore, #tpu.memory_space<semaphore_mem>>) src(%dma_wait3A_125 : memref<128x128xf32, #tpu.memory_space<hbm>>) dst(%arg9 : memref<128x128xf32, #tpu.memory_space<vmem>>)
      } else {
      }
      %add3A_84 = arith.constant 1 : i32
      %add3A_85 = arith.addi %add3A_67, %add3A_84 : i32
      %lt3A = arith.constant 40 : i32
      %lt3A_86 = arith.cmpi slt, %add3A_85, %lt3A : i32
      %convert_element_type3A_87 = arith.extui %lt3A_86 : i1 to i32
      %cond3A_88 = arith.constant 0 : i32
      %cond3A_89 = arith.cmpi ne, %convert_element_type3A_87, %cond3A_88 : i32
      scf.if %cond3A_89 {
        %add3A_120 = arith.constant 1 : i32
        %add3A_121 = arith.addi %add3A_67, %add3A_120 : i32
        %mul3A_122 = arith.constant 128 : i32
        %mul3A_123 = arith.muli %add3A_121, %mul3A_122 : i32
        %dma_start3A_124 = tpu.memref_slice %arg6[%mul3A_123] : memref<5120xi32, #tpu.memory_space<vmem>> -> memref<128xi32, #tpu.memory_space<vmem>>
        %dma_start3A_125 = arith.constant 0 : i32
        %dma_start3A_126 = arith.constant 0 : i32
        %dma_start3A_127 = tpu.memref_slice %arg2[%dma_start3A_125, %dma_start3A_126] : memref<10240x128xf32, #tpu.memory_space<hbm>> -> memref<10240x128xf32, #tpu.memory_space<hbm>>
        tpu.enqueue_indirect_dma source(%dma_start3A_127 : memref<10240x128xf32, #tpu.memory_space<hbm>>) target(%arg9 : memref<128x128xf32, #tpu.memory_space<vmem>>) offsets(%dma_start3A_124 : memref<128xi32, #tpu.memory_space<vmem>>) semaphore(%arg13 : memref<!tpu.dma_semaphore, #tpu.memory_space<semaphore_mem>>)
      } else {
      }
      %mul3A_90 = arith.constant 2 : i32
      %mul3A_91 = arith.muli %mul3A_90, %scan3A_63 : i32
      %add3A_92 = arith.constant 1 : i32
      %add3A_93 = arith.addi %mul3A_91, %add3A_92 : i32
      %dma_wait3A_94 = arith.constant 0 : i32
      %dma_wait3A_95 = arith.constant 0 : i32
      %dma_wait3A_96 = tpu.memref_slice %arg2[%dma_wait3A_94, %dma_wait3A_95] : memref<10240x128xf32, #tpu.memory_space<hbm>> -> memref<128x128xf32, #tpu.memory_space<hbm>>
      %dma_wait3A_97 = arith.constant 0 : i32
      %dma_wait3A_98 = arith.constant 0 : i32
      %dma_wait3A_99 = tpu.memref_slice %arg2[%dma_wait3A_97, %dma_wait3A_98] : memref<10240x128xf32, #tpu.memory_space<hbm>> -> memref<128x128xf32, #tpu.memory_space<hbm>>
      tpu.wait_dma2 semaphore(%arg13 : memref<!tpu.dma_semaphore, #tpu.memory_space<semaphore_mem>>) src(%dma_wait3A_99 : memref<128x128xf32, #tpu.memory_space<hbm>>) dst(%arg9 : memref<128x128xf32, #tpu.memory_space<vmem>>)
      %add3A_100 = arith.constant 40 : i32
      %add3A_101 = arith.addi %add3A_100, %add3A_93 : i32
      %dma_start3A_102 = arith.constant 0 : i32
      %dma_start3A_103 = tpu.memref_slice %arg7[%add3A_101, %dma_start3A_102] : memref<80x128xi32, #tpu.memory_space<vmem>> -> memref<1x128xi32, #tpu.memory_space<vmem>>
      %dma_start3A_104 = tpu.memref_squeeze %dma_start3A_103 : memref<1x128xi32, #tpu.memory_space<vmem>> -> memref<128xi32, #tpu.memory_space<vmem>>
      %dma_start3A_105 = arith.constant 0 : i32
      %dma_start3A_106 = arith.constant 0 : i32
      %dma_start3A_107 = tpu.memref_slice %arg16[%dma_start3A_105, %dma_start3A_106] : memref<10240x128xf32, #tpu.memory_space<vmem_shared>> -> memref<10240x128xf32, #tpu.memory_space<vmem_shared>>
      tpu.enqueue_indirect_dma source(%arg9 : memref<128x128xf32, #tpu.memory_space<vmem>>) target(%dma_start3A_107 : memref<10240x128xf32, #tpu.memory_space<vmem_shared>>) offsets(%dma_start3A_104 : memref<128xi32, #tpu.memory_space<vmem>>) semaphore(%arg15 : memref<!tpu.dma_semaphore, #tpu.memory_space<semaphore_mem>>) {add = true}
      %ge3A_108 = arith.constant 1 : i32
      %ge3A_109 = arith.cmpi sge, %add3A_93, %ge3A_108 : i32
      %convert_element_type3A_110 = arith.extui %ge3A_109 : i1 to i32
      %cond3A_111 = arith.constant 0 : i32
      %cond3A_112 = arith.cmpi ne, %convert_element_type3A_110, %cond3A_111 : i32
      scf.if %cond3A_112 {
        %dma_wait3A_120 = arith.constant 0 : i32
        %dma_wait3A_121 = arith.constant 0 : i32
        %dma_wait3A_122 = tpu.memref_slice %arg2[%dma_wait3A_120, %dma_wait3A_121] : memref<10240x128xf32, #tpu.memory_space<hbm>> -> memref<128x128xf32, #tpu.memory_space<hbm>>
        %dma_wait3A_123 = arith.constant 0 : i32
        %dma_wait3A_124 = arith.constant 0 : i32
        %dma_wait3A_125 = tpu.memref_slice %arg2[%dma_wait3A_123, %dma_wait3A_124] : memref<10240x128xf32, #tpu.memory_space<hbm>> -> memref<128x128xf32, #tpu.memory_space<hbm>>
        tpu.wait_dma2 semaphore(%arg14 : memref<!tpu.dma_semaphore, #tpu.memory_space<semaphore_mem>>) src(%dma_wait3A_125 : memref<128x128xf32, #tpu.memory_space<hbm>>) dst(%arg8 : memref<128x128xf32, #tpu.memory_space<vmem>>)
      } else {
      }
      %add3A_113 = arith.constant 1 : i32
      %add3A_114 = arith.addi %add3A_93, %add3A_113 : i32
      %lt3A_115 = arith.constant 40 : i32
      %lt3A_116 = arith.cmpi slt, %add3A_114, %lt3A_115 : i32
      %convert_element_type3A_117 = arith.extui %lt3A_116 : i1 to i32
      %cond3A_118 = arith.constant 0 : i32
      %cond3A_119 = arith.cmpi ne, %convert_element_type3A_117, %cond3A_118 : i32
      scf.if %cond3A_119 {
        %add3A_120 = arith.constant 1 : i32
        %add3A_121 = arith.addi %add3A_93, %add3A_120 : i32
        %mul3A_122 = arith.constant 128 : i32
        %mul3A_123 = arith.muli %add3A_121, %mul3A_122 : i32
        %dma_start3A_124 = tpu.memref_slice %arg6[%mul3A_123] : memref<5120xi32, #tpu.memory_space<vmem>> -> memref<128xi32, #tpu.memory_space<vmem>>
        %dma_start3A_125 = arith.constant 0 : i32
        %dma_start3A_126 = arith.constant 0 : i32
        %dma_start3A_127 = tpu.memref_slice %arg2[%dma_start3A_125, %dma_start3A_126] : memref<10240x128xf32, #tpu.memory_space<hbm>> -> memref<10240x128xf32, #tpu.memory_space<hbm>>
        tpu.enqueue_indirect_dma source(%dma_start3A_127 : memref<10240x128xf32, #tpu.memory_space<hbm>>) target(%arg8 : memref<128x128xf32, #tpu.memory_space<vmem>>) offsets(%dma_start3A_124 : memref<128xi32, #tpu.memory_space<vmem>>) semaphore(%arg12 : memref<!tpu.dma_semaphore, #tpu.memory_space<semaphore_mem>>)
      } else {
      }
    }
    %scan3A_55 = arith.constant 20 : i32
    %dma_wait3A_56 = arith.constant 0 : i32
    %dma_wait3A_57 = arith.constant 0 : i32
    %dma_wait3A_58 = tpu.memref_slice %arg2[%dma_wait3A_56, %dma_wait3A_57] : memref<10240x128xf32, #tpu.memory_space<hbm>> -> memref<128x128xf32, #tpu.memory_space<hbm>>
    %dma_wait3A_59 = arith.constant 0 : i32
    %dma_wait3A_60 = arith.constant 0 : i32
    %dma_wait3A_61 = tpu.memref_slice %arg2[%dma_wait3A_59, %dma_wait3A_60] : memref<10240x128xf32, #tpu.memory_space<hbm>> -> memref<128x128xf32, #tpu.memory_space<hbm>>
    tpu.wait_dma2 semaphore(%arg15 : memref<!tpu.dma_semaphore, #tpu.memory_space<semaphore_mem>>) src(%dma_wait3A_61 : memref<128x128xf32, #tpu.memory_space<hbm>>) dst(%arg9 : memref<128x128xf32, #tpu.memory_space<vmem>>)
    %barrier3A_62 = arith.constant 0 : index
    tpu.barrier barrier_id(%barrier3A_62)
    "tpu.region"() ({
      %run_scoped3A = tpu.sem_alloc : memref<!tpu.dma_semaphore, #tpu.memory_space<semaphore_mem>>
      %dma_start3A_63 = arith.constant 0 : i32
      %dma_start3A_64 = tpu.memref_slice %arg5[%arg0, %mul3A_0, %dma_start3A_63] : memref<2x10240x128xf32, #tpu.memory_space<hbm>> -> memref<1x640x128xf32, #tpu.memory_space<hbm>>
      %dma_start3A_65 = tpu.memref_squeeze %dma_start3A_64 : memref<1x640x128xf32, #tpu.memory_space<hbm>> -> memref<640x128xf32, #tpu.memory_space<hbm>>
      %dma_start3A_66 = arith.constant 0 : i32
      %dma_start3A_67 = tpu.memref_slice %arg16[%mul3A_0, %dma_start3A_66] : memref<10240x128xf32, #tpu.memory_space<vmem_shared>> -> memref<640x128xf32, #tpu.memory_space<vmem_shared>>
      tpu.enqueue_dma source(%dma_start3A_67 : memref<640x128xf32, #tpu.memory_space<vmem_shared>>) target(%dma_start3A_65 : memref<640x128xf32, #tpu.memory_space<hbm>>) target_semaphore(%run_scoped3A : memref<!tpu.dma_semaphore, #tpu.memory_space<semaphore_mem>>)
      %dma_wait3A_68 = arith.constant 0 : i32
      %dma_wait3A_69 = tpu.memref_slice %arg5[%arg0, %mul3A_0, %dma_wait3A_68] : memref<2x10240x128xf32, #tpu.memory_space<hbm>> -> memref<1x640x128xf32, #tpu.memory_space<hbm>>
      %dma_wait3A_70 = tpu.memref_squeeze %dma_wait3A_69 : memref<1x640x128xf32, #tpu.memory_space<hbm>> -> memref<640x128xf32, #tpu.memory_space<hbm>>
      %dma_wait3A_71 = arith.constant 0 : i32
      %dma_wait3A_72 = tpu.memref_slice %arg16[%mul3A_0, %dma_wait3A_71] : memref<10240x128xf32, #tpu.memory_space<vmem_shared>> -> memref<640x128xf32, #tpu.memory_space<vmem_shared>>
      tpu.wait_dma2 semaphore(%run_scoped3A : memref<!tpu.dma_semaphore, #tpu.memory_space<semaphore_mem>>) src(%dma_wait3A_72 : memref<640x128xf32, #tpu.memory_space<vmem_shared>>) dst(%dma_wait3A_70 : memref<640x128xf32, #tpu.memory_space<hbm>>)
      tpu.yield
    }) : () -> ()
    return
  }
}

#map = affine_map<(d0, d1) -> (0, 0)>
#map1 = affine_map<(d0, d1) -> (0)>
#map2 = affine_map<(d0, d1) -> (0, 0, 0)>
module attributes {stable_mosaic.version = 14 : i64} {
  func.func @_row_body(%arg0: i32, %arg1: i32, %arg2: memref<10240x128xf32, #tpu.memory_space<hbm>>, %arg3: memref<327680xi32, #tpu.memory_space<hbm>>, %arg4: memref<2560x128xi32, #tpu.memory_space<hbm>>, %arg5: memref<2x10240x128xf32, #tpu.memory_space<hbm>>, %arg6: memref<5120xi32, #tpu.memory_space<vmem>>, %arg7: memref<80x128xi32, #tpu.memory_space<vmem>>, %arg8: memref<128x128xf32, #tpu.memory_space<vmem>>, %arg9: memref<128x128xf32, #tpu.memory_space<vmem>>, %arg10: memref<!tpu.dma_semaphore, #tpu.memory_space<semaphore_mem>>, %arg11: memref<!tpu.dma_semaphore, #tpu.memory_space<semaphore_mem>>, %arg12: memref<!tpu.dma_semaphore, #tpu.memory_space<semaphore_mem>>, %arg13: memref<!tpu.dma_semaphore, #tpu.memory_space<semaphore_mem>>, %arg14: memref<!tpu.dma_semaphore, #tpu.memory_space<semaphore_mem>>, %arg15: memref<!tpu.dma_semaphore, #tpu.memory_space<semaphore_mem>>, %arg16: memref<10240x128xf32, #tpu.memory_space<vmem_shared>>) attributes {dimension_semantics = [#tpu.dimension_semantics<core_parallel>, #tpu.dimension_semantics<subcore_parallel>], iteration_bounds = array<i64: 2, 16>, scalar_prefetch = 0 : i64, scratch_operands = 11 : i64, tpu.core_type = #tpu.core_type<sc_vector_subcore>, window_params = [{transform_indices = #map}, {transform_indices = #map1}, {transform_indices = #map}, {transform_indices = #map2}]} {
    %mul3A = arith.constant 640 : i32
    %mul3A_0 = arith.muli %arg1, %mul3A : i32
    %mul3A_1 = arith.constant 16 : i32
    %mul3A_2 = arith.muli %arg0, %mul3A_1 : i32
    %add3A = arith.addi %mul3A_2, %arg1 : i32
    %mul3A_3 = arith.constant 10240 : i32
    %mul3A_4 = arith.muli %add3A, %mul3A_3 : i32
    %dma_start3A = tpu.memref_slice %arg3[%mul3A_4] : memref<327680xi32, #tpu.memory_space<hbm>> -> memref<5120xi32, #tpu.memory_space<hbm>>
    %dma_start3A_5 = tpu.memref_slice %arg3[%mul3A_4] : memref<327680xi32, #tpu.memory_space<hbm>> -> memref<5120xi32, #tpu.memory_space<hbm>>
    tpu.enqueue_dma source(%dma_start3A_5 : memref<5120xi32, #tpu.memory_space<hbm>>) target(%arg6 : memref<5120xi32, #tpu.memory_space<vmem>>) target_semaphore(%arg10 : memref<!tpu.dma_semaphore, #tpu.memory_space<semaphore_mem>>)
    %mul3A_6 = arith.constant 80 : i32
    %mul3A_7 = arith.muli %add3A, %mul3A_6 : i32
    %dma_start3A_8 = arith.constant 0 : i32
    %dma_start3A_9 = tpu.memref_slice %arg4[%mul3A_7, %dma_start3A_8] : memref<2560x128xi32, #tpu.memory_space<hbm>> -> memref<80x128xi32, #tpu.memory_space<hbm>>
    %dma_start3A_10 = arith.constant 0 : i32
    %dma_start3A_11 = tpu.memref_slice %arg4[%mul3A_7, %dma_start3A_10] : memref<2560x128xi32, #tpu.memory_space<hbm>> -> memref<80x128xi32, #tpu.memory_space<hbm>>
    tpu.enqueue_dma source(%dma_start3A_11 : memref<80x128xi32, #tpu.memory_space<hbm>>) target(%arg7 : memref<80x128xi32, #tpu.memory_space<vmem>>) target_semaphore(%arg11 : memref<!tpu.dma_semaphore, #tpu.memory_space<semaphore_mem>>)
    "tpu.region"() ({
      %run_scoped3A = tpu.sem_alloc : memref<!tpu.dma_semaphore, #tpu.memory_space<semaphore_mem>>
      %dma_start3A_63 = arith.constant 0 : i32
      %dma_start3A_64 = tpu.memref_slice %arg16[%mul3A_0, %dma_start3A_63] : memref<10240x128xf32, #tpu.memory_space<vmem_shared>> -> memref<640x128xf32, #tpu.memory_space<vmem_shared>>
      %dma_start3A_65 = arith.constant 0 : i32
      %dma_start3A_66 = tpu.memref_slice %arg2[%mul3A_0, %dma_start3A_65] : memref<10240x128xf32, #tpu.memory_space<hbm>> -> memref<640x128xf32, #tpu.memory_space<hbm>>
      tpu.enqueue_dma source(%dma_start3A_66 : memref<640x128xf32, #tpu.memory_space<hbm>>) target(%dma_start3A_64 : memref<640x128xf32, #tpu.memory_space<vmem_shared>>) target_semaphore(%run_scoped3A : memref<!tpu.dma_semaphore, #tpu.memory_space<semaphore_mem>>)
      %dma_wait3A_67 = arith.constant 0 : i32
      %dma_wait3A_68 = tpu.memref_slice %arg16[%mul3A_0, %dma_wait3A_67] : memref<10240x128xf32, #tpu.memory_space<vmem_shared>> -> memref<640x128xf32, #tpu.memory_space<vmem_shared>>
      %dma_wait3A_69 = arith.constant 0 : i32
      %dma_wait3A_70 = tpu.memref_slice %arg2[%mul3A_0, %dma_wait3A_69] : memref<10240x128xf32, #tpu.memory_space<hbm>> -> memref<640x128xf32, #tpu.memory_space<hbm>>
      tpu.wait_dma2 semaphore(%run_scoped3A : memref<!tpu.dma_semaphore, #tpu.memory_space<semaphore_mem>>) src(%dma_wait3A_70 : memref<640x128xf32, #tpu.memory_space<hbm>>) dst(%dma_wait3A_68 : memref<640x128xf32, #tpu.memory_space<vmem_shared>>)
      tpu.yield
    }) : () -> ()
    %dma_wait3A = arith.constant 0 : i32
    %dma_wait3A_12 = tpu.memref_slice %arg3[%dma_wait3A] : memref<327680xi32, #tpu.memory_space<hbm>> -> memref<5120xi32, #tpu.memory_space<hbm>>
    %dma_wait3A_13 = arith.constant 0 : i32
    %dma_wait3A_14 = tpu.memref_slice %arg3[%dma_wait3A_13] : memref<327680xi32, #tpu.memory_space<hbm>> -> memref<5120xi32, #tpu.memory_space<hbm>>
    tpu.wait_dma2 semaphore(%arg10 : memref<!tpu.dma_semaphore, #tpu.memory_space<semaphore_mem>>) src(%dma_wait3A_14 : memref<5120xi32, #tpu.memory_space<hbm>>) dst(%arg6 : memref<5120xi32, #tpu.memory_space<vmem>>)
    %dma_wait3A_15 = arith.constant 0 : i32
    %dma_wait3A_16 = arith.constant 0 : i32
    %dma_wait3A_17 = tpu.memref_slice %arg4[%dma_wait3A_15, %dma_wait3A_16] : memref<2560x128xi32, #tpu.memory_space<hbm>> -> memref<80x128xi32, #tpu.memory_space<hbm>>
    %dma_wait3A_18 = arith.constant 0 : i32
    %dma_wait3A_19 = arith.constant 0 : i32
    %dma_wait3A_20 = tpu.memref_slice %arg4[%dma_wait3A_18, %dma_wait3A_19] : memref<2560x128xi32, #tpu.memory_space<hbm>> -> memref<80x128xi32, #tpu.memory_space<hbm>>
    tpu.wait_dma2 semaphore(%arg11 : memref<!tpu.dma_semaphore, #tpu.memory_space<semaphore_mem>>) src(%dma_wait3A_20 : memref<80x128xi32, #tpu.memory_space<hbm>>) dst(%arg7 : memref<80x128xi32, #tpu.memory_space<vmem>>)
    %barrier3A = arith.constant 0 : index
    tpu.barrier barrier_id(%barrier3A)
    %dma_start3A_21 = arith.constant 0 : i32
    %dma_start3A_22 = tpu.memref_slice %arg6[%dma_start3A_21] : memref<5120xi32, #tpu.memory_space<vmem>> -> memref<128xi32, #tpu.memory_space<vmem>>
    %dma_start3A_23 = arith.constant 0 : i32
    %dma_start3A_24 = arith.constant 0 : i32
    %dma_start3A_25 = tpu.memref_slice %arg2[%dma_start3A_23, %dma_start3A_24] : memref<10240x128xf32, #tpu.memory_space<hbm>> -> memref<10240x128xf32, #tpu.memory_space<hbm>>
    tpu.enqueue_indirect_dma source(%dma_start3A_25 : memref<10240x128xf32, #tpu.memory_space<hbm>>) target(%arg8 : memref<128x128xf32, #tpu.memory_space<vmem>>) offsets(%dma_start3A_22 : memref<128xi32, #tpu.memory_space<vmem>>) semaphore(%arg12 : memref<!tpu.dma_semaphore, #tpu.memory_space<semaphore_mem>>)
    %scan3A = arith.constant 0 : i32
    %scan3A_26 = arith.constant 0 : i32
    %scan3A_27 = arith.constant 20 : i32
    %scan3A_28 = arith.addi %scan3A_26, %scan3A_27 : i32
    %scan3A_29 = arith.constant 1 : i32
    scf.for %scan3A_63 = %scan3A_26 to %scan3A_28 step %scan3A_29  : i32 {
      %mul3A_64 = arith.constant 2 : i32
      %mul3A_65 = arith.muli %mul3A_64, %scan3A_63 : i32
      %add3A_66 = arith.constant 0 : i32
      %add3A_67 = arith.addi %mul3A_65, %add3A_66 : i32
      %dma_wait3A_68 = arith.constant 0 : i32
      %dma_wait3A_69 = arith.constant 0 : i32
      %dma_wait3A_70 = tpu.memref_slice %arg2[%dma_wait3A_68, %dma_wait3A_69] : memref<10240x128xf32, #tpu.memory_space<hbm>> -> memref<128x128xf32, #tpu.memory_space<hbm>>
      %dma_wait3A_71 = arith.constant 0 : i32
      %dma_wait3A_72 = arith.constant 0 : i32
      %dma_wait3A_73 = tpu.memref_slice %arg2[%dma_wait3A_71, %dma_wait3A_72] : memref<10240x128xf32, #tpu.memory_space<hbm>> -> memref<128x128xf32, #tpu.memory_space<hbm>>
      tpu.wait_dma2 semaphore(%arg12 : memref<!tpu.dma_semaphore, #tpu.memory_space<semaphore_mem>>) src(%dma_wait3A_73 : memref<128x128xf32, #tpu.memory_space<hbm>>) dst(%arg8 : memref<128x128xf32, #tpu.memory_space<vmem>>)
      %add3A_74 = arith.constant 0 : i32
      %add3A_75 = arith.addi %add3A_74, %add3A_67 : i32
      %dma_start3A_76 = arith.constant 0 : i32
      %dma_start3A_77 = tpu.memref_slice %arg7[%add3A_75, %dma_start3A_76] : memref<80x128xi32, #tpu.memory_space<vmem>> -> memref<1x128xi32, #tpu.memory_space<vmem>>
      %dma_start3A_78 = tpu.memref_squeeze %dma_start3A_77 : memref<1x128xi32, #tpu.memory_space<vmem>> -> memref<128xi32, #tpu.memory_space<vmem>>
      %dma_start3A_79 = arith.constant 0 : i32
      %dma_start3A_80 = arith.constant 0 : i32
      %dma_start3A_81 = tpu.memref_slice %arg16[%dma_start3A_79, %dma_start3A_80] : memref<10240x128xf32, #tpu.memory_space<vmem_shared>> -> memref<10240x128xf32, #tpu.memory_space<vmem_shared>>
      tpu.enqueue_indirect_dma source(%arg8 : memref<128x128xf32, #tpu.memory_space<vmem>>) target(%dma_start3A_81 : memref<10240x128xf32, #tpu.memory_space<vmem_shared>>) offsets(%dma_start3A_78 : memref<128xi32, #tpu.memory_space<vmem>>) semaphore(%arg14 : memref<!tpu.dma_semaphore, #tpu.memory_space<semaphore_mem>>) {add = true}
      %ge3A = arith.constant 1 : i32
      %ge3A_82 = arith.cmpi sge, %add3A_67, %ge3A : i32
      %convert_element_type3A = arith.extui %ge3A_82 : i1 to i32
      %cond3A = arith.constant 0 : i32
      %cond3A_83 = arith.cmpi ne, %convert_element_type3A, %cond3A : i32
      scf.if %cond3A_83 {
        %dma_wait3A_120 = arith.constant 0 : i32
        %dma_wait3A_121 = arith.constant 0 : i32
        %dma_wait3A_122 = tpu.memref_slice %arg2[%dma_wait3A_120, %dma_wait3A_121] : memref<10240x128xf32, #tpu.memory_space<hbm>> -> memref<128x128xf32, #tpu.memory_space<hbm>>
        %dma_wait3A_123 = arith.constant 0 : i32
        %dma_wait3A_124 = arith.constant 0 : i32
        %dma_wait3A_125 = tpu.memref_slice %arg2[%dma_wait3A_123, %dma_wait3A_124] : memref<10240x128xf32, #tpu.memory_space<hbm>> -> memref<128x128xf32, #tpu.memory_space<hbm>>
        tpu.wait_dma2 semaphore(%arg15 : memref<!tpu.dma_semaphore, #tpu.memory_space<semaphore_mem>>) src(%dma_wait3A_125 : memref<128x128xf32, #tpu.memory_space<hbm>>) dst(%arg9 : memref<128x128xf32, #tpu.memory_space<vmem>>)
      } else {
      }
      %add3A_84 = arith.constant 1 : i32
      %add3A_85 = arith.addi %add3A_67, %add3A_84 : i32
      %lt3A = arith.constant 40 : i32
      %lt3A_86 = arith.cmpi slt, %add3A_85, %lt3A : i32
      %convert_element_type3A_87 = arith.extui %lt3A_86 : i1 to i32
      %cond3A_88 = arith.constant 0 : i32
      %cond3A_89 = arith.cmpi ne, %convert_element_type3A_87, %cond3A_88 : i32
      scf.if %cond3A_89 {
        %add3A_120 = arith.constant 1 : i32
        %add3A_121 = arith.addi %add3A_67, %add3A_120 : i32
        %mul3A_122 = arith.constant 128 : i32
        %mul3A_123 = arith.muli %add3A_121, %mul3A_122 : i32
        %dma_start3A_124 = tpu.memref_slice %arg6[%mul3A_123] : memref<5120xi32, #tpu.memory_space<vmem>> -> memref<128xi32, #tpu.memory_space<vmem>>
        %dma_start3A_125 = arith.constant 0 : i32
        %dma_start3A_126 = arith.constant 0 : i32
        %dma_start3A_127 = tpu.memref_slice %arg2[%dma_start3A_125, %dma_start3A_126] : memref<10240x128xf32, #tpu.memory_space<hbm>> -> memref<10240x128xf32, #tpu.memory_space<hbm>>
        tpu.enqueue_indirect_dma source(%dma_start3A_127 : memref<10240x128xf32, #tpu.memory_space<hbm>>) target(%arg9 : memref<128x128xf32, #tpu.memory_space<vmem>>) offsets(%dma_start3A_124 : memref<128xi32, #tpu.memory_space<vmem>>) semaphore(%arg13 : memref<!tpu.dma_semaphore, #tpu.memory_space<semaphore_mem>>)
      } else {
      }
      %mul3A_90 = arith.constant 2 : i32
      %mul3A_91 = arith.muli %mul3A_90, %scan3A_63 : i32
      %add3A_92 = arith.constant 1 : i32
      %add3A_93 = arith.addi %mul3A_91, %add3A_92 : i32
      %dma_wait3A_94 = arith.constant 0 : i32
      %dma_wait3A_95 = arith.constant 0 : i32
      %dma_wait3A_96 = tpu.memref_slice %arg2[%dma_wait3A_94, %dma_wait3A_95] : memref<10240x128xf32, #tpu.memory_space<hbm>> -> memref<128x128xf32, #tpu.memory_space<hbm>>
      %dma_wait3A_97 = arith.constant 0 : i32
      %dma_wait3A_98 = arith.constant 0 : i32
      %dma_wait3A_99 = tpu.memref_slice %arg2[%dma_wait3A_97, %dma_wait3A_98] : memref<10240x128xf32, #tpu.memory_space<hbm>> -> memref<128x128xf32, #tpu.memory_space<hbm>>
      tpu.wait_dma2 semaphore(%arg13 : memref<!tpu.dma_semaphore, #tpu.memory_space<semaphore_mem>>) src(%dma_wait3A_99 : memref<128x128xf32, #tpu.memory_space<hbm>>) dst(%arg9 : memref<128x128xf32, #tpu.memory_space<vmem>>)
      %add3A_100 = arith.constant 0 : i32
      %add3A_101 = arith.addi %add3A_100, %add3A_93 : i32
      %dma_start3A_102 = arith.constant 0 : i32
      %dma_start3A_103 = tpu.memref_slice %arg7[%add3A_101, %dma_start3A_102] : memref<80x128xi32, #tpu.memory_space<vmem>> -> memref<1x128xi32, #tpu.memory_space<vmem>>
      %dma_start3A_104 = tpu.memref_squeeze %dma_start3A_103 : memref<1x128xi32, #tpu.memory_space<vmem>> -> memref<128xi32, #tpu.memory_space<vmem>>
      %dma_start3A_105 = arith.constant 0 : i32
      %dma_start3A_106 = arith.constant 0 : i32
      %dma_start3A_107 = tpu.memref_slice %arg16[%dma_start3A_105, %dma_start3A_106] : memref<10240x128xf32, #tpu.memory_space<vmem_shared>> -> memref<10240x128xf32, #tpu.memory_space<vmem_shared>>
      tpu.enqueue_indirect_dma source(%arg9 : memref<128x128xf32, #tpu.memory_space<vmem>>) target(%dma_start3A_107 : memref<10240x128xf32, #tpu.memory_space<vmem_shared>>) offsets(%dma_start3A_104 : memref<128xi32, #tpu.memory_space<vmem>>) semaphore(%arg15 : memref<!tpu.dma_semaphore, #tpu.memory_space<semaphore_mem>>) {add = true}
      %ge3A_108 = arith.constant 1 : i32
      %ge3A_109 = arith.cmpi sge, %add3A_93, %ge3A_108 : i32
      %convert_element_type3A_110 = arith.extui %ge3A_109 : i1 to i32
      %cond3A_111 = arith.constant 0 : i32
      %cond3A_112 = arith.cmpi ne, %convert_element_type3A_110, %cond3A_111 : i32
      scf.if %cond3A_112 {
        %dma_wait3A_120 = arith.constant 0 : i32
        %dma_wait3A_121 = arith.constant 0 : i32
        %dma_wait3A_122 = tpu.memref_slice %arg2[%dma_wait3A_120, %dma_wait3A_121] : memref<10240x128xf32, #tpu.memory_space<hbm>> -> memref<128x128xf32, #tpu.memory_space<hbm>>
        %dma_wait3A_123 = arith.constant 0 : i32
        %dma_wait3A_124 = arith.constant 0 : i32
        %dma_wait3A_125 = tpu.memref_slice %arg2[%dma_wait3A_123, %dma_wait3A_124] : memref<10240x128xf32, #tpu.memory_space<hbm>> -> memref<128x128xf32, #tpu.memory_space<hbm>>
        tpu.wait_dma2 semaphore(%arg14 : memref<!tpu.dma_semaphore, #tpu.memory_space<semaphore_mem>>) src(%dma_wait3A_125 : memref<128x128xf32, #tpu.memory_space<hbm>>) dst(%arg8 : memref<128x128xf32, #tpu.memory_space<vmem>>)
      } else {
      }
      %add3A_113 = arith.constant 1 : i32
      %add3A_114 = arith.addi %add3A_93, %add3A_113 : i32
      %lt3A_115 = arith.constant 40 : i32
      %lt3A_116 = arith.cmpi slt, %add3A_114, %lt3A_115 : i32
      %convert_element_type3A_117 = arith.extui %lt3A_116 : i1 to i32
      %cond3A_118 = arith.constant 0 : i32
      %cond3A_119 = arith.cmpi ne, %convert_element_type3A_117, %cond3A_118 : i32
      scf.if %cond3A_119 {
        %add3A_120 = arith.constant 1 : i32
        %add3A_121 = arith.addi %add3A_93, %add3A_120 : i32
        %mul3A_122 = arith.constant 128 : i32
        %mul3A_123 = arith.muli %add3A_121, %mul3A_122 : i32
        %dma_start3A_124 = tpu.memref_slice %arg6[%mul3A_123] : memref<5120xi32, #tpu.memory_space<vmem>> -> memref<128xi32, #tpu.memory_space<vmem>>
        %dma_start3A_125 = arith.constant 0 : i32
        %dma_start3A_126 = arith.constant 0 : i32
        %dma_start3A_127 = tpu.memref_slice %arg2[%dma_start3A_125, %dma_start3A_126] : memref<10240x128xf32, #tpu.memory_space<hbm>> -> memref<10240x128xf32, #tpu.memory_space<hbm>>
        tpu.enqueue_indirect_dma source(%dma_start3A_127 : memref<10240x128xf32, #tpu.memory_space<hbm>>) target(%arg8 : memref<128x128xf32, #tpu.memory_space<vmem>>) offsets(%dma_start3A_124 : memref<128xi32, #tpu.memory_space<vmem>>) semaphore(%arg12 : memref<!tpu.dma_semaphore, #tpu.memory_space<semaphore_mem>>)
      } else {
      }
    }
    %scan3A_30 = arith.constant 20 : i32
    %dma_wait3A_31 = arith.constant 0 : i32
    %dma_wait3A_32 = arith.constant 0 : i32
    %dma_wait3A_33 = tpu.memref_slice %arg2[%dma_wait3A_31, %dma_wait3A_32] : memref<10240x128xf32, #tpu.memory_space<hbm>> -> memref<128x128xf32, #tpu.memory_space<hbm>>
    %dma_wait3A_34 = arith.constant 0 : i32
    %dma_wait3A_35 = arith.constant 0 : i32
    %dma_wait3A_36 = tpu.memref_slice %arg2[%dma_wait3A_34, %dma_wait3A_35] : memref<10240x128xf32, #tpu.memory_space<hbm>> -> memref<128x128xf32, #tpu.memory_space<hbm>>
    tpu.wait_dma2 semaphore(%arg15 : memref<!tpu.dma_semaphore, #tpu.memory_space<semaphore_mem>>) src(%dma_wait3A_36 : memref<128x128xf32, #tpu.memory_space<hbm>>) dst(%arg9 : memref<128x128xf32, #tpu.memory_space<vmem>>)
    %add3A_37 = arith.constant 5120 : i32
    %add3A_38 = arith.addi %mul3A_4, %add3A_37 : i32
    %dma_start3A_39 = tpu.memref_slice %arg3[%add3A_38] : memref<327680xi32, #tpu.memory_space<hbm>> -> memref<5120xi32, #tpu.memory_space<hbm>>
    %dma_start3A_40 = tpu.memref_slice %arg3[%add3A_38] : memref<327680xi32, #tpu.memory_space<hbm>> -> memref<5120xi32, #tpu.memory_space<hbm>>
    tpu.enqueue_dma source(%dma_start3A_40 : memref<5120xi32, #tpu.memory_space<hbm>>) target(%arg6 : memref<5120xi32, #tpu.memory_space<vmem>>) target_semaphore(%arg10 : memref<!tpu.dma_semaphore, #tpu.memory_space<semaphore_mem>>)
    %dma_wait3A_41 = arith.constant 0 : i32
    %dma_wait3A_42 = tpu.memref_slice %arg3[%dma_wait3A_41] : memref<327680xi32, #tpu.memory_space<hbm>> -> memref<5120xi32, #tpu.memory_space<hbm>>
    %dma_wait3A_43 = arith.constant 0 : i32
    %dma_wait3A_44 = tpu.memref_slice %arg3[%dma_wait3A_43] : memref<327680xi32, #tpu.memory_space<hbm>> -> memref<5120xi32, #tpu.memory_space<hbm>>
    tpu.wait_dma2 semaphore(%arg10 : memref<!tpu.dma_semaphore, #tpu.memory_space<semaphore_mem>>) src(%dma_wait3A_44 : memref<5120xi32, #tpu.memory_space<hbm>>) dst(%arg6 : memref<5120xi32, #tpu.memory_space<vmem>>)
    %dma_start3A_45 = arith.constant 0 : i32
    %dma_start3A_46 = tpu.memref_slice %arg6[%dma_start3A_45] : memref<5120xi32, #tpu.memory_space<vmem>> -> memref<128xi32, #tpu.memory_space<vmem>>
    %dma_start3A_47 = arith.constant 0 : i32
    %dma_start3A_48 = arith.constant 0 : i32
    %dma_start3A_49 = tpu.memref_slice %arg2[%dma_start3A_47, %dma_start3A_48] : memref<10240x128xf32, #tpu.memory_space<hbm>> -> memref<10240x128xf32, #tpu.memory_space<hbm>>
    tpu.enqueue_indirect_dma source(%dma_start3A_49 : memref<10240x128xf32, #tpu.memory_space<hbm>>) target(%arg8 : memref<128x128xf32, #tpu.memory_space<vmem>>) offsets(%dma_start3A_46 : memref<128xi32, #tpu.memory_space<vmem>>) semaphore(%arg12 : memref<!tpu.dma_semaphore, #tpu.memory_space<semaphore_mem>>)
    %scan3A_50 = arith.constant 0 : i32
    %scan3A_51 = arith.constant 0 : i32
    %scan3A_52 = arith.constant 20 : i32
    %scan3A_53 = arith.addi %scan3A_51, %scan3A_52 : i32
    %scan3A_54 = arith.constant 1 : i32
    scf.for %scan3A_63 = %scan3A_51 to %scan3A_53 step %scan3A_54  : i32 {
      %mul3A_64 = arith.constant 2 : i32
      %mul3A_65 = arith.muli %mul3A_64, %scan3A_63 : i32
      %add3A_66 = arith.constant 0 : i32
      %add3A_67 = arith.addi %mul3A_65, %add3A_66 : i32
      %dma_wait3A_68 = arith.constant 0 : i32
      %dma_wait3A_69 = arith.constant 0 : i32
      %dma_wait3A_70 = tpu.memref_slice %arg2[%dma_wait3A_68, %dma_wait3A_69] : memref<10240x128xf32, #tpu.memory_space<hbm>> -> memref<128x128xf32, #tpu.memory_space<hbm>>
      %dma_wait3A_71 = arith.constant 0 : i32
      %dma_wait3A_72 = arith.constant 0 : i32
      %dma_wait3A_73 = tpu.memref_slice %arg2[%dma_wait3A_71, %dma_wait3A_72] : memref<10240x128xf32, #tpu.memory_space<hbm>> -> memref<128x128xf32, #tpu.memory_space<hbm>>
      tpu.wait_dma2 semaphore(%arg12 : memref<!tpu.dma_semaphore, #tpu.memory_space<semaphore_mem>>) src(%dma_wait3A_73 : memref<128x128xf32, #tpu.memory_space<hbm>>) dst(%arg8 : memref<128x128xf32, #tpu.memory_space<vmem>>)
      %add3A_74 = arith.constant 40 : i32
      %add3A_75 = arith.addi %add3A_74, %add3A_67 : i32
      %dma_start3A_76 = arith.constant 0 : i32
      %dma_start3A_77 = tpu.memref_slice %arg7[%add3A_75, %dma_start3A_76] : memref<80x128xi32, #tpu.memory_space<vmem>> -> memref<1x128xi32, #tpu.memory_space<vmem>>
      %dma_start3A_78 = tpu.memref_squeeze %dma_start3A_77 : memref<1x128xi32, #tpu.memory_space<vmem>> -> memref<128xi32, #tpu.memory_space<vmem>>
      %dma_start3A_79 = arith.constant 0 : i32
      %dma_start3A_80 = arith.constant 0 : i32
      %dma_start3A_81 = tpu.memref_slice %arg16[%dma_start3A_79, %dma_start3A_80] : memref<10240x128xf32, #tpu.memory_space<vmem_shared>> -> memref<10240x128xf32, #tpu.memory_space<vmem_shared>>
      tpu.enqueue_indirect_dma source(%arg8 : memref<128x128xf32, #tpu.memory_space<vmem>>) target(%dma_start3A_81 : memref<10240x128xf32, #tpu.memory_space<vmem_shared>>) offsets(%dma_start3A_78 : memref<128xi32, #tpu.memory_space<vmem>>) semaphore(%arg14 : memref<!tpu.dma_semaphore, #tpu.memory_space<semaphore_mem>>) {add = true}
      %ge3A = arith.constant 1 : i32
      %ge3A_82 = arith.cmpi sge, %add3A_67, %ge3A : i32
      %convert_element_type3A = arith.extui %ge3A_82 : i1 to i32
      %cond3A = arith.constant 0 : i32
      %cond3A_83 = arith.cmpi ne, %convert_element_type3A, %cond3A : i32
      scf.if %cond3A_83 {
        %dma_wait3A_120 = arith.constant 0 : i32
        %dma_wait3A_121 = arith.constant 0 : i32
        %dma_wait3A_122 = tpu.memref_slice %arg2[%dma_wait3A_120, %dma_wait3A_121] : memref<10240x128xf32, #tpu.memory_space<hbm>> -> memref<128x128xf32, #tpu.memory_space<hbm>>
        %dma_wait3A_123 = arith.constant 0 : i32
        %dma_wait3A_124 = arith.constant 0 : i32
        %dma_wait3A_125 = tpu.memref_slice %arg2[%dma_wait3A_123, %dma_wait3A_124] : memref<10240x128xf32, #tpu.memory_space<hbm>> -> memref<128x128xf32, #tpu.memory_space<hbm>>
        tpu.wait_dma2 semaphore(%arg15 : memref<!tpu.dma_semaphore, #tpu.memory_space<semaphore_mem>>) src(%dma_wait3A_125 : memref<128x128xf32, #tpu.memory_space<hbm>>) dst(%arg9 : memref<128x128xf32, #tpu.memory_space<vmem>>)
      } else {
      }
      %add3A_84 = arith.constant 1 : i32
      %add3A_85 = arith.addi %add3A_67, %add3A_84 : i32
      %lt3A = arith.constant 40 : i32
      %lt3A_86 = arith.cmpi slt, %add3A_85, %lt3A : i32
      %convert_element_type3A_87 = arith.extui %lt3A_86 : i1 to i32
      %cond3A_88 = arith.constant 0 : i32
      %cond3A_89 = arith.cmpi ne, %convert_element_type3A_87, %cond3A_88 : i32
      scf.if %cond3A_89 {
        %add3A_120 = arith.constant 1 : i32
        %add3A_121 = arith.addi %add3A_67, %add3A_120 : i32
        %mul3A_122 = arith.constant 128 : i32
        %mul3A_123 = arith.muli %add3A_121, %mul3A_122 : i32
        %dma_start3A_124 = tpu.memref_slice %arg6[%mul3A_123] : memref<5120xi32, #tpu.memory_space<vmem>> -> memref<128xi32, #tpu.memory_space<vmem>>
        %dma_start3A_125 = arith.constant 0 : i32
        %dma_start3A_126 = arith.constant 0 : i32
        %dma_start3A_127 = tpu.memref_slice %arg2[%dma_start3A_125, %dma_start3A_126] : memref<10240x128xf32, #tpu.memory_space<hbm>> -> memref<10240x128xf32, #tpu.memory_space<hbm>>
        tpu.enqueue_indirect_dma source(%dma_start3A_127 : memref<10240x128xf32, #tpu.memory_space<hbm>>) target(%arg9 : memref<128x128xf32, #tpu.memory_space<vmem>>) offsets(%dma_start3A_124 : memref<128xi32, #tpu.memory_space<vmem>>) semaphore(%arg13 : memref<!tpu.dma_semaphore, #tpu.memory_space<semaphore_mem>>)
      } else {
      }
      %mul3A_90 = arith.constant 2 : i32
      %mul3A_91 = arith.muli %mul3A_90, %scan3A_63 : i32
      %add3A_92 = arith.constant 1 : i32
      %add3A_93 = arith.addi %mul3A_91, %add3A_92 : i32
      %dma_wait3A_94 = arith.constant 0 : i32
      %dma_wait3A_95 = arith.constant 0 : i32
      %dma_wait3A_96 = tpu.memref_slice %arg2[%dma_wait3A_94, %dma_wait3A_95] : memref<10240x128xf32, #tpu.memory_space<hbm>> -> memref<128x128xf32, #tpu.memory_space<hbm>>
      %dma_wait3A_97 = arith.constant 0 : i32
      %dma_wait3A_98 = arith.constant 0 : i32
      %dma_wait3A_99 = tpu.memref_slice %arg2[%dma_wait3A_97, %dma_wait3A_98] : memref<10240x128xf32, #tpu.memory_space<hbm>> -> memref<128x128xf32, #tpu.memory_space<hbm>>
      tpu.wait_dma2 semaphore(%arg13 : memref<!tpu.dma_semaphore, #tpu.memory_space<semaphore_mem>>) src(%dma_wait3A_99 : memref<128x128xf32, #tpu.memory_space<hbm>>) dst(%arg9 : memref<128x128xf32, #tpu.memory_space<vmem>>)
      %add3A_100 = arith.constant 40 : i32
      %add3A_101 = arith.addi %add3A_100, %add3A_93 : i32
      %dma_start3A_102 = arith.constant 0 : i32
      %dma_start3A_103 = tpu.memref_slice %arg7[%add3A_101, %dma_start3A_102] : memref<80x128xi32, #tpu.memory_space<vmem>> -> memref<1x128xi32, #tpu.memory_space<vmem>>
      %dma_start3A_104 = tpu.memref_squeeze %dma_start3A_103 : memref<1x128xi32, #tpu.memory_space<vmem>> -> memref<128xi32, #tpu.memory_space<vmem>>
      %dma_start3A_105 = arith.constant 0 : i32
      %dma_start3A_106 = arith.constant 0 : i32
      %dma_start3A_107 = tpu.memref_slice %arg16[%dma_start3A_105, %dma_start3A_106] : memref<10240x128xf32, #tpu.memory_space<vmem_shared>> -> memref<10240x128xf32, #tpu.memory_space<vmem_shared>>
      tpu.enqueue_indirect_dma source(%arg9 : memref<128x128xf32, #tpu.memory_space<vmem>>) target(%dma_start3A_107 : memref<10240x128xf32, #tpu.memory_space<vmem_shared>>) offsets(%dma_start3A_104 : memref<128xi32, #tpu.memory_space<vmem>>) semaphore(%arg15 : memref<!tpu.dma_semaphore, #tpu.memory_space<semaphore_mem>>) {add = true}
      %ge3A_108 = arith.constant 1 : i32
      %ge3A_109 = arith.cmpi sge, %add3A_93, %ge3A_108 : i32
      %convert_element_type3A_110 = arith.extui %ge3A_109 : i1 to i32
      %cond3A_111 = arith.constant 0 : i32
      %cond3A_112 = arith.cmpi ne, %convert_element_type3A_110, %cond3A_111 : i32
      scf.if %cond3A_112 {
        %dma_wait3A_120 = arith.constant 0 : i32
        %dma_wait3A_121 = arith.constant 0 : i32
        %dma_wait3A_122 = tpu.memref_slice %arg2[%dma_wait3A_120, %dma_wait3A_121] : memref<10240x128xf32, #tpu.memory_space<hbm>> -> memref<128x128xf32, #tpu.memory_space<hbm>>
        %dma_wait3A_123 = arith.constant 0 : i32
        %dma_wait3A_124 = arith.constant 0 : i32
        %dma_wait3A_125 = tpu.memref_slice %arg2[%dma_wait3A_123, %dma_wait3A_124] : memref<10240x128xf32, #tpu.memory_space<hbm>> -> memref<128x128xf32, #tpu.memory_space<hbm>>
        tpu.wait_dma2 semaphore(%arg14 : memref<!tpu.dma_semaphore, #tpu.memory_space<semaphore_mem>>) src(%dma_wait3A_125 : memref<128x128xf32, #tpu.memory_space<hbm>>) dst(%arg8 : memref<128x128xf32, #tpu.memory_space<vmem>>)
      } else {
      }
      %add3A_113 = arith.constant 1 : i32
      %add3A_114 = arith.addi %add3A_93, %add3A_113 : i32
      %lt3A_115 = arith.constant 40 : i32
      %lt3A_116 = arith.cmpi slt, %add3A_114, %lt3A_115 : i32
      %convert_element_type3A_117 = arith.extui %lt3A_116 : i1 to i32
      %cond3A_118 = arith.constant 0 : i32
      %cond3A_119 = arith.cmpi ne, %convert_element_type3A_117, %cond3A_118 : i32
      scf.if %cond3A_119 {
        %add3A_120 = arith.constant 1 : i32
        %add3A_121 = arith.addi %add3A_93, %add3A_120 : i32
        %mul3A_122 = arith.constant 128 : i32
        %mul3A_123 = arith.muli %add3A_121, %mul3A_122 : i32
        %dma_start3A_124 = tpu.memref_slice %arg6[%mul3A_123] : memref<5120xi32, #tpu.memory_space<vmem>> -> memref<128xi32, #tpu.memory_space<vmem>>
        %dma_start3A_125 = arith.constant 0 : i32
        %dma_start3A_126 = arith.constant 0 : i32
        %dma_start3A_127 = tpu.memref_slice %arg2[%dma_start3A_125, %dma_start3A_126] : memref<10240x128xf32, #tpu.memory_space<hbm>> -> memref<10240x128xf32, #tpu.memory_space<hbm>>
        tpu.enqueue_indirect_dma source(%dma_start3A_127 : memref<10240x128xf32, #tpu.memory_space<hbm>>) target(%arg8 : memref<128x128xf32, #tpu.memory_space<vmem>>) offsets(%dma_start3A_124 : memref<128xi32, #tpu.memory_space<vmem>>) semaphore(%arg12 : memref<!tpu.dma_semaphore, #tpu.memory_space<semaphore_mem>>)
      } else {
      }
    }
    %scan3A_55 = arith.constant 20 : i32
    %dma_wait3A_56 = arith.constant 0 : i32
    %dma_wait3A_57 = arith.constant 0 : i32
    %dma_wait3A_58 = tpu.memref_slice %arg2[%dma_wait3A_56, %dma_wait3A_57] : memref<10240x128xf32, #tpu.memory_space<hbm>> -> memref<128x128xf32, #tpu.memory_space<hbm>>
    %dma_wait3A_59 = arith.constant 0 : i32
    %dma_wait3A_60 = arith.constant 0 : i32
    %dma_wait3A_61 = tpu.memref_slice %arg2[%dma_wait3A_59, %dma_wait3A_60] : memref<10240x128xf32, #tpu.memory_space<hbm>> -> memref<128x128xf32, #tpu.memory_space<hbm>>
    tpu.wait_dma2 semaphore(%arg15 : memref<!tpu.dma_semaphore, #tpu.memory_space<semaphore_mem>>) src(%dma_wait3A_61 : memref<128x128xf32, #tpu.memory_space<hbm>>) dst(%arg9 : memref<128x128xf32, #tpu.memory_space<vmem>>)
    %barrier3A_62 = arith.constant 0 : index
    tpu.barrier barrier_id(%barrier3A_62)
    "tpu.region"() ({
      %run_scoped3A = tpu.sem_alloc : memref<!tpu.dma_semaphore, #tpu.memory_space<semaphore_mem>>
      %dma_start3A_63 = arith.constant 0 : i32
      %dma_start3A_64 = tpu.memref_slice %arg5[%arg0, %mul3A_0, %dma_start3A_63] : memref<2x10240x128xf32, #tpu.memory_space<hbm>> -> memref<1x640x128xf32, #tpu.memory_space<hbm>>
      %dma_start3A_65 = tpu.memref_squeeze %dma_start3A_64 : memref<1x640x128xf32, #tpu.memory_space<hbm>> -> memref<640x128xf32, #tpu.memory_space<hbm>>
      %dma_start3A_66 = arith.constant 0 : i32
      %dma_start3A_67 = tpu.memref_slice %arg16[%mul3A_0, %dma_start3A_66] : memref<10240x128xf32, #tpu.memory_space<vmem_shared>> -> memref<640x128xf32, #tpu.memory_space<vmem_shared>>
      tpu.enqueue_dma source(%dma_start3A_67 : memref<640x128xf32, #tpu.memory_space<vmem_shared>>) target(%dma_start3A_65 : memref<640x128xf32, #tpu.memory_space<hbm>>) target_semaphore(%run_scoped3A : memref<!tpu.dma_semaphore, #tpu.memory_space<semaphore_mem>>)
      %dma_wait3A_68 = arith.constant 0 : i32
      %dma_wait3A_69 = tpu.memref_slice %arg5[%arg0, %mul3A_0, %dma_wait3A_68] : memref<2x10240x128xf32, #tpu.memory_space<hbm>> -> memref<1x640x128xf32, #tpu.memory_space<hbm>>
      %dma_wait3A_70 = tpu.memref_squeeze %dma_wait3A_69 : memref<1x640x128xf32, #tpu.memory_space<hbm>> -> memref<640x128xf32, #tpu.memory_space<hbm>>
      %dma_wait3A_71 = arith.constant 0 : i32
      %dma_wait3A_72 = tpu.memref_slice %arg16[%mul3A_0, %dma_wait3A_71] : memref<10240x128xf32, #tpu.memory_space<vmem_shared>> -> memref<640x128xf32, #tpu.memory_space<vmem_shared>>
      tpu.wait_dma2 semaphore(%run_scoped3A : memref<!tpu.dma_semaphore, #tpu.memory_space<semaphore_mem>>) src(%dma_wait3A_72 : memref<640x128xf32, #tpu.memory_space<vmem_shared>>) dst(%dma_wait3A_70 : memref<640x128xf32, #tpu.memory_space<hbm>>)
      tpu.yield
    }) : () -> ()
    return
  }
}

module attributes {stable_mosaic.version = 14 : i64} {
  func.func @_mm1_body(%arg0: i32, %arg1: memref<512x128xf32, #tpu.memory_space<vmem>>, %arg2: memref<128x128xf32, #tpu.memory_space<vmem>>, %arg3: memref<512x1xf32, #tpu.memory_space<vmem>>, %arg4: memref<512x128xf32, #tpu.memory_space<vmem>>) attributes {dimension_semantics = [#tpu.dimension_semantics<arbitrary>], iteration_bounds = array<i64: 20>, scalar_prefetch = 0 : i64, scratch_operands = 0 : i64, tpu.core_type = #tpu.core_type<tc>, window_params = [{transform_indices = @transform_0, window_bounds = array<i64: 512, 128>}, {pipeline_mode = #tpu.pipeline_mode<synchronous>, transform_indices = @transform_1, window_bounds = array<i64: 128, 128>}, {transform_indices = @transform_2, window_bounds = array<i64: 512, 1>}, {transform_indices = @transform_3, window_bounds = array<i64: 512, 128>}]} {
    %get3A = arith.constant 0 : index
    %get3A_0 = arith.constant 0 : index
    %get3A_1 = vector.load %arg1[%get3A, %get3A_0] : memref<512x128xf32, #tpu.memory_space<vmem>>, vector<512x128xf32>
    %get3A_2 = arith.constant 0 : index
    %get3A_3 = arith.constant 0 : index
    %get3A_4 = vector.load %arg2[%get3A_2, %get3A_3] : memref<128x128xf32, #tpu.memory_space<vmem>>, vector<128x128xf32>
    %dot_general3A = arith.constant dense<0.000000e+00> : vector<512x128xf32>
    %dot_general3A_5 = tpu.matmul %get3A_1, %get3A_4, %dot_general3A {dimension_numbers = #tpu.dot_dimension_numbers<[1], [0], [0], [1], [0, 0, 1, 1], [], []>, transpose_lhs_hint = false} : vector<512x128xf32>, vector<128x128xf32>, vector<512x128xf32> -> vector<512x128xf32>
    %get3A_6 = arith.constant 0 : index
    %get3A_7 = arith.constant 0 : index
    %get3A_8 = vector.load %arg3[%get3A_6, %get3A_7] : memref<512x1xf32, #tpu.memory_space<vmem>>, vector<512x1xf32>
    %mul3A = vector.broadcast %get3A_8 : vector<512x1xf32> to vector<512x128xf32>
    %mul3A_9 = arith.mulf %dot_general3A_5, %mul3A : vector<512x128xf32>
    %swap3A = arith.constant 0 : index
    %swap3A_10 = arith.constant 0 : index
    %swap3A_11 = vector.load %arg4[%swap3A, %swap3A_10] : memref<512x128xf32, #tpu.memory_space<vmem>>, vector<512x128xf32>
    tpu.vector_store %arg4[%swap3A, %swap3A_10], %mul3A_9 {strides = array<i32>} : memref<512x128xf32, #tpu.memory_space<vmem>>, vector<512x128xf32>,
    return
  }
  func.func @transform_0(%arg0: i32) -> (i32, i32) {
    %c0_i32 = arith.constant 0 : i32
    %c0_i32_0 = arith.constant 0 : i32
    return %arg0, %c0_i32 : i32, i32
  }
  func.func @transform_1(%arg0: i32) -> (i32, i32) {
    %c0_i32 = arith.constant 0 : i32
    %c0_i32_0 = arith.constant 0 : i32
    %c0_i32_1 = arith.constant 0 : i32
    return %c0_i32, %c0_i32_0 : i32, i32
  }
  func.func @transform_2(%arg0: i32) -> (i32, i32) {
    %c0_i32 = arith.constant 0 : i32
    %c0_i32_0 = arith.constant 0 : i32
    return %arg0, %c0_i32 : i32, i32
  }
  func.func @transform_3(%arg0: i32) -> (i32, i32) {
    %c0_i32 = arith.constant 0 : i32
    %c0_i32_0 = arith.constant 0 : i32
    return %arg0, %c0_i32 : i32, i32
  }
}

module attributes {stable_mosaic.version = 14 : i64} {
  func.func @_mid_body(%arg0: i32, %arg1: memref<512x128xf32, #tpu.memory_space<vmem>>, %arg2: memref<512x128xf32, #tpu.memory_space<vmem>>, %arg3: memref<512x128xf32, #tpu.memory_space<vmem>>, %arg4: memref<512x1xf32, #tpu.memory_space<vmem>>, %arg5: memref<512x1xf32, #tpu.memory_space<vmem>>, %arg6: memref<512x1xf32, #tpu.memory_space<vmem>>, %arg7: memref<1x128xf32, #tpu.memory_space<vmem>>, %arg8: memref<128x128xf32, #tpu.memory_space<vmem>>, %arg9: memref<512x128xf32, #tpu.memory_space<vmem>>, %arg10: memref<512x1xf32, #tpu.memory_space<vmem>>) attributes {dimension_semantics = [#tpu.dimension_semantics<arbitrary>], iteration_bounds = array<i64: 20>, scalar_prefetch = 0 : i64, scratch_operands = 0 : i64, tpu.core_type = #tpu.core_type<tc>, window_params = [{transform_indices = @transform_0, window_bounds = array<i64: 512, 128>}, {transform_indices = @transform_1, window_bounds = array<i64: 512, 128>}, {transform_indices = @transform_2, window_bounds = array<i64: 512, 128>}, {transform_indices = @transform_3, window_bounds = array<i64: 512, 1>}, {transform_indices = @transform_4, window_bounds = array<i64: 512, 1>}, {transform_indices = @transform_5, window_bounds = array<i64: 512, 1>}, {pipeline_mode = #tpu.pipeline_mode<synchronous>, transform_indices = @transform_6, window_bounds = array<i64: 1, 128>}, {pipeline_mode = #tpu.pipeline_mode<synchronous>, transform_indices = @transform_7, window_bounds = array<i64: 128, 128>}, {transform_indices = @transform_8, window_bounds = array<i64: 512, 128>}, {transform_indices = @transform_9, window_bounds = array<i64: 512, 1>}]} {
    %get3A = arith.constant 0 : index
    %get3A_0 = arith.constant 0 : index
    %get3A_1 = vector.load %arg4[%get3A, %get3A_0] : memref<512x1xf32, #tpu.memory_space<vmem>>, vector<512x1xf32>
    %get3A_2 = arith.constant 0 : index
    %get3A_3 = arith.constant 0 : index
    %get3A_4 = vector.load %arg1[%get3A_2, %get3A_3] : memref<512x128xf32, #tpu.memory_space<vmem>>, vector<512x128xf32>
    %get3A_5 = arith.constant 0 : index
    %get3A_6 = arith.constant 0 : index
    %get3A_7 = vector.load %arg2[%get3A_5, %get3A_6] : memref<512x128xf32, #tpu.memory_space<vmem>>, vector<512x128xf32>
    %add3A = arith.addf %get3A_4, %get3A_7 : vector<512x128xf32>
    %get3A_8 = arith.constant 0 : index
    %get3A_9 = arith.constant 0 : index
    %get3A_10 = vector.load %arg3[%get3A_8, %get3A_9] : memref<512x128xf32, #tpu.memory_space<vmem>>, vector<512x128xf32>
    %sub3A = arith.subf %add3A, %get3A_10 : vector<512x128xf32>
    %mul3A = vector.broadcast %get3A_1 : vector<512x1xf32> to vector<512x128xf32>
    %mul3A_11 = arith.mulf %mul3A, %sub3A : vector<512x128xf32>
    %get3A_12 = arith.constant 0 : index
    %get3A_13 = arith.constant 0 : index
    %get3A_14 = vector.load %arg7[%get3A_12, %get3A_13] : memref<1x128xf32, #tpu.memory_space<vmem>>, vector<1x128xf32>
    %add3A_15 = vector.broadcast %get3A_14 : vector<1x128xf32> to vector<512x128xf32>
    %add3A_16 = arith.addf %mul3A_11, %add3A_15 : vector<512x128xf32>
    %max3A = arith.constant 0.000000e+00 : f32
    %max3A_17 = vector.broadcast %max3A : f32 to vector<512x128xf32>
    %max3A_18 = arith.maximumf %add3A_16, %max3A_17 : vector<512x128xf32>
    %get3A_19 = arith.constant 0 : index
    %get3A_20 = arith.constant 0 : index
    %get3A_21 = vector.load %arg8[%get3A_19, %get3A_20] : memref<128x128xf32, #tpu.memory_space<vmem>>, vector<128x128xf32>
    %dot_general3A = arith.constant dense<0.000000e+00> : vector<512x128xf32>
    %dot_general3A_22 = tpu.matmul %max3A_18, %get3A_21, %dot_general3A {dimension_numbers = #tpu.dot_dimension_numbers<[1], [0], [0], [1], [0, 0, 1, 1], [], []>, transpose_lhs_hint = false} : vector<512x128xf32>, vector<128x128xf32>, vector<512x128xf32> -> vector<512x128xf32>
    %mul3A_23 = vector.broadcast %get3A_1 : vector<512x1xf32> to vector<512x128xf32>
    %mul3A_24 = arith.mulf %dot_general3A_22, %mul3A_23 : vector<512x128xf32>
    %swap3A = arith.constant 0 : index
    %swap3A_25 = arith.constant 0 : index
    %swap3A_26 = vector.load %arg9[%swap3A, %swap3A_25] : memref<512x128xf32, #tpu.memory_space<vmem>>, vector<512x128xf32>
    tpu.vector_store %arg9[%swap3A, %swap3A_25], %mul3A_24 {strides = array<i32>} : memref<512x128xf32, #tpu.memory_space<vmem>>, vector<512x128xf32>,
    %get3A_27 = arith.constant 0 : index
    %get3A_28 = arith.constant 0 : index
    %get3A_29 = vector.load %arg5[%get3A_27, %get3A_28] : memref<512x1xf32, #tpu.memory_space<vmem>>, vector<512x1xf32>
    %get3A_30 = arith.constant 0 : index
    %get3A_31 = arith.constant 0 : index
    %get3A_32 = vector.load %arg6[%get3A_30, %get3A_31] : memref<512x1xf32, #tpu.memory_space<vmem>>, vector<512x1xf32>
    %add3A_33 = arith.addf %get3A_29, %get3A_32 : vector<512x1xf32>
    %add3A_34 = arith.addf %add3A_33, %get3A_1 : vector<512x1xf32>
    %mul3A_35 = arith.mulf %get3A_1, %add3A_34 : vector<512x1xf32>
    %swap3A_36 = arith.constant 0 : index
    %swap3A_37 = arith.constant 0 : index
    %swap3A_38 = vector.load %arg10[%swap3A_36, %swap3A_37] : memref<512x1xf32, #tpu.memory_space<vmem>>, vector<512x1xf32>
    tpu.vector_store %arg10[%swap3A_36, %swap3A_37], %mul3A_35 {strides = array<i32>} : memref<512x1xf32, #tpu.memory_space<vmem>>, vector<512x1xf32>,
    return
  }
  func.func @transform_0(%arg0: i32) -> (i32, i32) {
    %c0_i32 = arith.constant 0 : i32
    %c0_i32_0 = arith.constant 0 : i32
    return %arg0, %c0_i32 : i32, i32
  }
  func.func @transform_1(%arg0: i32) -> (i32, i32) {
    %c0_i32 = arith.constant 0 : i32
    %c0_i32_0 = arith.constant 0 : i32
    return %arg0, %c0_i32 : i32, i32
  }
  func.func @transform_2(%arg0: i32) -> (i32, i32) {
    %c0_i32 = arith.constant 0 : i32
    %c0_i32_0 = arith.constant 0 : i32
    return %arg0, %c0_i32 : i32, i32
  }
  func.func @transform_3(%arg0: i32) -> (i32, i32) {
    %c0_i32 = arith.constant 0 : i32
    %c0_i32_0 = arith.constant 0 : i32
    return %arg0, %c0_i32 : i32, i32
  }
  func.func @transform_4(%arg0: i32) -> (i32, i32) {
    %c0_i32 = arith.constant 0 : i32
    %c0_i32_0 = arith.constant 0 : i32
    return %arg0, %c0_i32 : i32, i32
  }
  func.func @transform_5(%arg0: i32) -> (i32, i32) {
    %c0_i32 = arith.constant 0 : i32
    %c0_i32_0 = arith.constant 0 : i32
    return %arg0, %c0_i32 : i32, i32
  }
  func.func @transform_6(%arg0: i32) -> (i32, i32) {
    %c0_i32 = arith.constant 0 : i32
    %c0_i32_0 = arith.constant 0 : i32
    %c0_i32_1 = arith.constant 0 : i32
    return %c0_i32, %c0_i32_0 : i32, i32
  }
  func.func @transform_7(%arg0: i32) -> (i32, i32) {
    %c0_i32 = arith.constant 0 : i32
    %c0_i32_0 = arith.constant 0 : i32
    %c0_i32_1 = arith.constant 0 : i32
    return %c0_i32, %c0_i32_0 : i32, i32
  }
  func.func @transform_8(%arg0: i32) -> (i32, i32) {
    %c0_i32 = arith.constant 0 : i32
    %c0_i32_0 = arith.constant 0 : i32
    return %arg0, %c0_i32 : i32, i32
  }
  func.func @transform_9(%arg0: i32) -> (i32, i32) {
    %c0_i32 = arith.constant 0 : i32
    %c0_i32_0 = arith.constant 0 : i32
    return %arg0, %c0_i32 : i32, i32
  }
}

module attributes {stable_mosaic.version = 14 : i64} {
  func.func @_head_body(%arg0: i32, %arg1: memref<512x128xf32, #tpu.memory_space<vmem>>, %arg2: memref<512x128xf32, #tpu.memory_space<vmem>>, %arg3: memref<512x128xf32, #tpu.memory_space<vmem>>, %arg4: memref<512x1xf32, #tpu.memory_space<vmem>>, %arg5: memref<512x1xf32, #tpu.memory_space<vmem>>, %arg6: memref<1x128xf32, #tpu.memory_space<vmem>>, %arg7: memref<128x128xf32, #tpu.memory_space<vmem>>, %arg8: memref<1x128xf32, #tpu.memory_space<vmem>>, %arg9: memref<128x64xf32, #tpu.memory_space<vmem>>, %arg10: memref<1x64xf32, #tpu.memory_space<vmem>>, %arg11: memref<64x128xf32, #tpu.memory_space<vmem>>, %arg12: memref<1x128xf32, #tpu.memory_space<vmem>>, %arg13: memref<1x128xf32, #tpu.memory_space<vmem>>, %arg14: memref<1x128xf32, #tpu.memory_space<vmem>>) attributes {dimension_semantics = [#tpu.dimension_semantics<arbitrary>], iteration_bounds = array<i64: 20>, scalar_prefetch = 0 : i64, scratch_operands = 0 : i64, tpu.core_type = #tpu.core_type<tc>, window_params = [{transform_indices = @transform_0, window_bounds = array<i64: 512, 128>}, {transform_indices = @transform_1, window_bounds = array<i64: 512, 128>}, {transform_indices = @transform_2, window_bounds = array<i64: 512, 128>}, {transform_indices = @transform_3, window_bounds = array<i64: 512, 1>}, {transform_indices = @transform_4, window_bounds = array<i64: 512, 1>}, {pipeline_mode = #tpu.pipeline_mode<synchronous>, transform_indices = @transform_5, window_bounds = array<i64: 1, 128>}, {pipeline_mode = #tpu.pipeline_mode<synchronous>, transform_indices = @transform_6, window_bounds = array<i64: 128, 128>}, {pipeline_mode = #tpu.pipeline_mode<synchronous>, transform_indices = @transform_7, window_bounds = array<i64: 1, 128>}, {pipeline_mode = #tpu.pipeline_mode<synchronous>, transform_indices = @transform_8, window_bounds = array<i64: 128, 64>}, {pipeline_mode = #tpu.pipeline_mode<synchronous>, transform_indices = @transform_9, window_bounds = array<i64: 1, 64>}, {pipeline_mode = #tpu.pipeline_mode<synchronous>, transform_indices = @transform_10, window_bounds = array<i64: 64, 128>}, {pipeline_mode = #tpu.pipeline_mode<synchronous>, transform_indices = @transform_11, window_bounds = array<i64: 1, 128>}, {pipeline_mode = #tpu.pipeline_mode<synchronous>, transform_indices = @transform_12, window_bounds = array<i64: 1, 128>}, {pipeline_mode = #tpu.pipeline_mode<synchronous>, transform_indices = @transform_13, window_bounds = array<i64: 1, 128>}]} {
    %get3A = arith.constant 0 : index
    %get3A_0 = arith.constant 0 : index
    %get3A_1 = vector.load %arg4[%get3A, %get3A_0] : memref<512x1xf32, #tpu.memory_space<vmem>>, vector<512x1xf32>
    %get3A_2 = arith.constant 0 : index
    %get3A_3 = arith.constant 0 : index
    %get3A_4 = vector.load %arg1[%get3A_2, %get3A_3] : memref<512x128xf32, #tpu.memory_space<vmem>>, vector<512x128xf32>
    %get3A_5 = arith.constant 0 : index
    %get3A_6 = arith.constant 0 : index
    %get3A_7 = vector.load %arg2[%get3A_5, %get3A_6] : memref<512x128xf32, #tpu.memory_space<vmem>>, vector<512x128xf32>
    %add3A = arith.addf %get3A_4, %get3A_7 : vector<512x128xf32>
    %get3A_8 = arith.constant 0 : index
    %get3A_9 = arith.constant 0 : index
    %get3A_10 = vector.load %arg3[%get3A_8, %get3A_9] : memref<512x128xf32, #tpu.memory_space<vmem>>, vector<512x128xf32>
    %sub3A = arith.subf %add3A, %get3A_10 : vector<512x128xf32>
    %mul3A = vector.broadcast %get3A_1 : vector<512x1xf32> to vector<512x128xf32>
    %mul3A_11 = arith.mulf %mul3A, %sub3A : vector<512x128xf32>
    %get3A_12 = arith.constant 0 : index
    %get3A_13 = arith.constant 0 : index
    %get3A_14 = vector.load %arg6[%get3A_12, %get3A_13] : memref<1x128xf32, #tpu.memory_space<vmem>>, vector<1x128xf32>
    %add3A_15 = vector.broadcast %get3A_14 : vector<1x128xf32> to vector<512x128xf32>
    %add3A_16 = arith.addf %mul3A_11, %add3A_15 : vector<512x128xf32>
    %max3A = arith.constant 0.000000e+00 : f32
    %max3A_17 = vector.broadcast %max3A : f32 to vector<512x128xf32>
    %max3A_18 = arith.maximumf %add3A_16, %max3A_17 : vector<512x128xf32>
    %get3A_19 = arith.constant 0 : index
    %get3A_20 = arith.constant 0 : index
    %get3A_21 = vector.load %arg5[%get3A_19, %get3A_20] : memref<512x1xf32, #tpu.memory_space<vmem>>, vector<512x1xf32>
    %mul3A_22 = vector.broadcast %get3A_21 : vector<512x1xf32> to vector<512x128xf32>
    %mul3A_23 = arith.mulf %mul3A_22, %max3A_18 : vector<512x128xf32>
    %reduce_sum3A = arith.constant dense<0.000000e+00> : vector<128xf32>
    %reduce_sum3A_24 = vector.multi_reduction <add>, %mul3A_23, %reduce_sum3A [0] : vector<512x128xf32> to vector<128xf32>
    %broadcast_in_dim3A = vector.shape_cast %reduce_sum3A_24 : vector<128xf32> to vector<1x128xf32>
    %eq3A = arith.constant 0 : i32
    %eq3A_25 = arith.cmpi eq, %arg0, %eq3A : i32
    %convert_element_type3A = arith.extui %eq3A_25 : i1 to i32
    %cond3A = arith.constant 0 : i32
    %cond3A_26 = arith.cmpi ne, %convert_element_type3A, %cond3A : i32
    scf.if %cond3A_26 {
      %swap3A = arith.constant 0 : index
      %swap3A_36 = arith.constant 0 : index
      %swap3A_37 = vector.load %arg13[%swap3A, %swap3A_36] : memref<1x128xf32, #tpu.memory_space<vmem>>, vector<1x128xf32>
      tpu.vector_store %arg13[%swap3A, %swap3A_36], %broadcast_in_dim3A {strides = array<i32>} : memref<1x128xf32, #tpu.memory_space<vmem>>, vector<1x128xf32>,
    } else {
    }
    %gt3A = arith.constant 0 : i32
    %gt3A_27 = arith.cmpi sgt, %arg0, %gt3A : i32
    %convert_element_type3A_28 = arith.extui %gt3A_27 : i1 to i32
    %cond3A_29 = arith.constant 0 : i32
    %cond3A_30 = arith.cmpi ne, %convert_element_type3A_28, %cond3A_29 : i32
    scf.if %cond3A_30 {
      %get3A_36 = arith.constant 0 : index
      %get3A_37 = arith.constant 0 : index
      %get3A_38 = vector.load %arg13[%get3A_36, %get3A_37] : memref<1x128xf32, #tpu.memory_space<vmem>>, vector<1x128xf32>
      %add3A_39 = arith.addf %get3A_38, %broadcast_in_dim3A : vector<1x128xf32>
      %swap3A = arith.constant 0 : index
      %swap3A_40 = arith.constant 0 : index
      %swap3A_41 = vector.load %arg13[%swap3A, %swap3A_40] : memref<1x128xf32, #tpu.memory_space<vmem>>, vector<1x128xf32>
      tpu.vector_store %arg13[%swap3A, %swap3A_40], %add3A_39 {strides = array<i32>} : memref<1x128xf32, #tpu.memory_space<vmem>>, vector<1x128xf32>,
    } else {
    }
    %eq3A_31 = arith.constant 19 : i32
    %eq3A_32 = arith.cmpi eq, %arg0, %eq3A_31 : i32
    %convert_element_type3A_33 = arith.extui %eq3A_32 : i1 to i32
    %cond3A_34 = arith.constant 0 : i32
    %cond3A_35 = arith.cmpi ne, %convert_element_type3A_33, %cond3A_34 : i32
    scf.if %cond3A_35 {
      %get3A_36 = arith.constant 0 : index
      %get3A_37 = arith.constant 0 : index
      %get3A_38 = vector.load %arg13[%get3A_36, %get3A_37] : memref<1x128xf32, #tpu.memory_space<vmem>>, vector<1x128xf32>
      %get3A_39 = arith.constant 0 : index
      %get3A_40 = arith.constant 0 : index
      %get3A_41 = vector.load %arg7[%get3A_39, %get3A_40] : memref<128x128xf32, #tpu.memory_space<vmem>>, vector<128x128xf32>
      %dot_general3A = arith.constant dense<0.000000e+00> : vector<1x128xf32>
      %dot_general3A_42 = tpu.matmul %get3A_38, %get3A_41, %dot_general3A {dimension_numbers = #tpu.dot_dimension_numbers<[1], [0], [0], [1], [0, 0, 1, 1], [], []>, transpose_lhs_hint = false} : vector<1x128xf32>, vector<128x128xf32>, vector<1x128xf32> -> vector<1x128xf32>
      %mul3A_43 = arith.constant 9.99999974E-5 : f32
      %mul3A_44 = vector.broadcast %mul3A_43 : f32 to vector<1x128xf32>
      %mul3A_45 = arith.mulf %dot_general3A_42, %mul3A_44 : vector<1x128xf32>
      %get3A_46 = arith.constant 0 : index
      %get3A_47 = arith.constant 0 : index
      %get3A_48 = vector.load %arg8[%get3A_46, %get3A_47] : memref<1x128xf32, #tpu.memory_space<vmem>>, vector<1x128xf32>
      %add3A_49 = arith.addf %mul3A_45, %get3A_48 : vector<1x128xf32>
      %get3A_50 = arith.constant 0 : index
      %get3A_51 = arith.constant 0 : index
      %get3A_52 = vector.load %arg9[%get3A_50, %get3A_51] : memref<128x64xf32, #tpu.memory_space<vmem>>, vector<128x64xf32>
      %dot_general3A_53 = arith.constant dense<0.000000e+00> : vector<1x64xf32>
      %dot_general3A_54 = tpu.matmul %add3A_49, %get3A_52, %dot_general3A_53 {dimension_numbers = #tpu.dot_dimension_numbers<[1], [0], [0], [1], [0, 0, 1, 1], [], []>, transpose_lhs_hint = false} : vector<1x128xf32>, vector<128x64xf32>, vector<1x64xf32> -> vector<1x64xf32>
      %get3A_55 = arith.constant 0 : index
      %get3A_56 = arith.constant 0 : index
      %get3A_57 = vector.load %arg10[%get3A_55, %get3A_56] : memref<1x64xf32, #tpu.memory_space<vmem>>, vector<1x64xf32>
      %add3A_58 = arith.addf %dot_general3A_54, %get3A_57 : vector<1x64xf32>
      %max3A_59 = arith.constant 0.000000e+00 : f32
      %max3A_60 = vector.broadcast %max3A_59 : f32 to vector<1x64xf32>
      %max3A_61 = arith.maximumf %add3A_58, %max3A_60 : vector<1x64xf32>
      %get3A_62 = arith.constant 0 : index
      %get3A_63 = arith.constant 0 : index
      %get3A_64 = vector.load %arg11[%get3A_62, %get3A_63] : memref<64x128xf32, #tpu.memory_space<vmem>>, vector<64x128xf32>
      %dot_general3A_65 = arith.constant dense<0.000000e+00> : vector<1x128xf32>
      %dot_general3A_66 = tpu.matmul %max3A_61, %get3A_64, %dot_general3A_65 {dimension_numbers = #tpu.dot_dimension_numbers<[1], [0], [0], [1], [0, 0, 1, 1], [], []>, transpose_lhs_hint = false} : vector<1x64xf32>, vector<64x128xf32>, vector<1x128xf32> -> vector<1x128xf32>
      %get3A_67 = arith.constant 0 : index
      %get3A_68 = arith.constant 0 : index
      %get3A_69 = vector.load %arg12[%get3A_67, %get3A_68] : memref<1x128xf32, #tpu.memory_space<vmem>>, vector<1x128xf32>
      %add3A_70 = arith.addf %dot_general3A_66, %get3A_69 : vector<1x128xf32>
      %neg3A = arith.constant 0.000000e+00 : f32
      %neg3A_71 = vector.broadcast %neg3A : f32 to vector<1x128xf32>
      %neg3A_72 = arith.subf %neg3A_71, %add3A_70 : vector<1x128xf32>
      %exp3A = math.exp %neg3A_72 : vector<1x128xf32>
      %add3A_73 = arith.constant 1.000000e+00 : f32
      %add3A_74 = vector.broadcast %add3A_73 : f32 to vector<1x128xf32>
      %add3A_75 = arith.addf %add3A_74, %exp3A : vector<1x128xf32>
      %div3A = arith.constant 1.000000e+00 : f32
      %div3A_76 = vector.broadcast %div3A : f32 to vector<1x128xf32>
      %div3A_77 = arith.divf %div3A_76, %add3A_75 : vector<1x128xf32>
      %swap3A = arith.constant 0 : index
      %swap3A_78 = arith.constant 0 : index
      %swap3A_79 = vector.load %arg14[%swap3A, %swap3A_78] : memref<1x128xf32, #tpu.memory_space<vmem>>, vector<1x128xf32>
      tpu.vector_store %arg14[%swap3A, %swap3A_78], %div3A_77 {strides = array<i32>} : memref<1x128xf32, #tpu.memory_space<vmem>>, vector<1x128xf32>,
    } else {
    }
    return
  }
  func.func @transform_0(%arg0: i32) -> (i32, i32) {
    %c0_i32 = arith.constant 0 : i32
    %c0_i32_0 = arith.constant 0 : i32
    return %arg0, %c0_i32 : i32, i32
  }
  func.func @transform_1(%arg0: i32) -> (i32, i32) {
    %c0_i32 = arith.constant 0 : i32
    %c0_i32_0 = arith.constant 0 : i32
    return %arg0, %c0_i32 : i32, i32
  }
  func.func @transform_2(%arg0: i32) -> (i32, i32) {
    %c0_i32 = arith.constant 0 : i32
    %c0_i32_0 = arith.constant 0 : i32
    return %arg0, %c0_i32 : i32, i32
  }
  func.func @transform_3(%arg0: i32) -> (i32, i32) {
    %c0_i32 = arith.constant 0 : i32
    %c0_i32_0 = arith.constant 0 : i32
    return %arg0, %c0_i32 : i32, i32
  }
  func.func @transform_4(%arg0: i32) -> (i32, i32) {
    %c0_i32 = arith.constant 0 : i32
    %c0_i32_0 = arith.constant 0 : i32
    return %arg0, %c0_i32 : i32, i32
  }
  func.func @transform_5(%arg0: i32) -> (i32, i32) {
    %c0_i32 = arith.constant 0 : i32
    %c0_i32_0 = arith.constant 0 : i32
    %c0_i32_1 = arith.constant 0 : i32
    return %c0_i32, %c0_i32_0 : i32, i32
  }
  func.func @transform_6(%arg0: i32) -> (i32, i32) {
    %c0_i32 = arith.constant 0 : i32
    %c0_i32_0 = arith.constant 0 : i32
    %c0_i32_1 = arith.constant 0 : i32
    return %c0_i32, %c0_i32_0 : i32, i32
  }
  func.func @transform_7(%arg0: i32) -> (i32, i32) {
    %c0_i32 = arith.constant 0 : i32
    %c0_i32_0 = arith.constant 0 : i32
    %c0_i32_1 = arith.constant 0 : i32
    return %c0_i32, %c0_i32_0 : i32, i32
  }
  func.func @transform_8(%arg0: i32) -> (i32, i32) {
    %c0_i32 = arith.constant 0 : i32
    %c0_i32_0 = arith.constant 0 : i32
    %c0_i32_1 = arith.constant 0 : i32
    return %c0_i32, %c0_i32_0 : i32, i32
  }
  func.func @transform_9(%arg0: i32) -> (i32, i32) {
    %c0_i32 = arith.constant 0 : i32
    %c0_i32_0 = arith.constant 0 : i32
    %c0_i32_1 = arith.constant 0 : i32
    return %c0_i32, %c0_i32_0 : i32, i32
  }
  func.func @transform_10(%arg0: i32) -> (i32, i32) {
    %c0_i32 = arith.constant 0 : i32
    %c0_i32_0 = arith.constant 0 : i32
    %c0_i32_1 = arith.constant 0 : i32
    return %c0_i32, %c0_i32_0 : i32, i32
  }
  func.func @transform_11(%arg0: i32) -> (i32, i32) {
    %c0_i32 = arith.constant 0 : i32
    %c0_i32_0 = arith.constant 0 : i32
    %c0_i32_1 = arith.constant 0 : i32
    return %c0_i32, %c0_i32_0 : i32, i32
  }
  func.func @transform_12(%arg0: i32) -> (i32, i32) {
    %c0_i32 = arith.constant 0 : i32
    %c0_i32_0 = arith.constant 0 : i32
    %c0_i32_1 = arith.constant 0 : i32
    return %c0_i32, %c0_i32_0 : i32, i32
  }
  func.func @transform_13(%arg0: i32) -> (i32, i32) {
    %c0_i32 = arith.constant 0 : i32
    %c0_i32_0 = arith.constant 0 : i32
    %c0_i32_1 = arith.constant 0 : i32
    return %c0_i32, %c0_i32_0 : i32, i32
  }
}

</mosaic_0001>

<sc_bundles>
// kernel: kernel.11.cloned.1.call-start
scs
__scs_entry_jumppad:
0x0: {  	(pc) =	sbr.rel $0x88, $3  }
0x1: {  	(tag) =	ssettag $0x0;
	lr =	simm.s32 $0x1  }
0x2: {  	[smem:$0x3F95] =	sst lr;
	_ =	strace $0xD0000000  }
0x3: {  	_ = 	snop  }
0x4: {  	_ = 	snop  }
0x5: {  	_ = 	snop  }
0x6: {  	_ = 	snop  }
0x7: {  	_ = 	snop  }
__scs_overlays_trampoline_lowered:
0x8: {  	[smem:$0x3FA4] =	sst s0  }
0x9: {  	[smem:$0x3FA5] =	sst s1  }
0xa: {  	[smem:$0x3FA6] =	sst s2  }
0xb: {  	[smem:$0x3FA7] =	sst s3  }
0xc: {  	[smem:$0x3FA8] =	sst s4  }
0xd: {  	[smem:$0x3FA9] =	sst s5  }
0xe: {  	[smem:$0x3FAA] =	sst s6  }
0xf: {  	[smem:$0x3FAB] =	sst s7  }
0x10: {  	[smem:$0x3FAC] =	sst s8  }
0x11: {  	[smem:$0x3FAD] =	sst s9;
	s0 =	simm.s32 @!p0 $0x0  }
0x12: {  	s1 =	sld [smem:$0x3F93];
	s0 =	simm.s32 @p0 $0x1  }
0x13: {  	[smem:$0x3FAE] =	sst s0;
	s0 =	simm.s32 @!p1 $0x0  }
0x14: {  	s2 =	sld [smem:$0x3F92];
	s0 =	simm.s32 @p1 $0x1  }
0x15: {  	[smem:$0x3FAF] =	sst s0;
	s0 =	simm.s32 @!p2 $0x0  }
0x16: {  	s3 =	sld [smem:$0x3FDB];
	s0 =	simm.s32 @p2 $0x1  }
0x17: {  	s4 =	simm.s32 $0x1BF5;
	[smem:$0x3FB1] =	sst s0  }
0x18: {  	s0 =	sld [smem:$0x3F94];
	_ =	swait.ge [sflag:s4], $0x0  }
0x19: {  	s7 =	sld [smem:$0x3F95]  }
0x1a: {  	s8 =	sadd.s32 $0xFFFFE003, lr  }
0x1b: {  	s9 =	sadd.s32 $0xFFFFFEF7, lr;
	s5 =	simm.s32 $0xFFFFFFFF;
	p2 =	slt.u32 s8, $0xFFFFF086  }
0x1c: {  	p1 =	slt.u32 s9, $0xF7A;
	s5 =	simm.s32 @!p2 $0x0  }
0x1d: {  	s5 =	simm.s32 @p1 $0x1;
	p0 =	seq.s32 s7, s2  }
0x1e: {  	s7 =	smul.u32 @!p0 $0xF7A, s2;
	p2 =	seq.s32 @!p0 s5, $0x0  }
0x1f: {  	s9 =	smul.u32 $0xF7A, s1;
	s8 =	simm.s32 @!p0 $0x1BF5;
	p2 =	por !p2, p0  }
0x20: {  	[sflag:s8] =	ssyncset.s32 @!p0 $0xFFFFF086;
	s6 =	sadd.s32 @!p0 s3, s7;
	s7 =	simm.s32 @!p0 $0x108  }
0x21: {  	s3 =	sadd.s32 s3, s9;
	s6 =	sadd.s32 @!p0 $0x88, s6;
	s7 =	simm.s32 @p2 $0x1082  }
0x22: {  	[simem:s7], [sflag:s8] =	dma.local @!p0 [hbm:s6], $0xF7A  }
0x23: {  	s9 =	sor.u32 $0xD0000000, s2;
	s6 =	simm.s32 $0x108;
	_ =	swait.ge @!p0 [sflag:s8], $0x0  }
0x24: {  	s3 =	sadd.s32 $0x88, s3;
	s6 =	simm.s32 @!p1 $0x1082;
	[sflag:s4] =	ssyncset.s32 $0xFFFFF086  }
0x25: {  	[simem:s6], [sflag:s4] =	dma.local [hbm:s3], $0xF7A  }
0x26: {  	[smem:$0x3F95] =	sst s1;
	(tag) =	ssettag s2;
	_ =	strace s9  }
0x27: {  	s1 =	sld [smem:$0x3FA5]  }
0x28: {  	s2 =	sld [smem:$0x3FA6]  }
0x29: {  	s4 =	sld [smem:$0x3FA8]  }
0x2a: {  	p0 =	seq.s32 s5, $0x0;
	s5 =	sld [smem:$0x3FA9]  }
0x2b: {  	s6 =	sld [smem:$0x3FAA]  }
0x2c: {  	s7 =	sld [smem:$0x3FAB]  }
0x2d: {  	s3 =	simm.s32 $0x108;
	s8 =	sld [smem:$0x3FAC]  }
0x2e: {  	s3 =	simm.s32 @!p0 $0x1082;
	s9 =	sld [smem:$0x3FAD]  }
0x2f: {  	lr =	sadd.s32 s0, s3;
	s0 =	sld [smem:$0x3FA4]  }
0x30: {  	s3 =	sld [smem:$0x3FA7]  }
0x31: {  	[smem:$0x3FB0] =	sst s10  }
0x32: {  	s10 =	sld [smem:$0x3FAE];
	_ =	sdelay $0x3  }
0x33: {  	p0 =	seq.s32 s10, $0x1;
	s10 =	sld [smem:$0x3FB0];
	_ =	sdelay $0x3  }
0x34: {  	[smem:$0x3FB0] =	sst s10  }
0x35: {  	s10 =	sld [smem:$0x3FAF];
	_ =	sdelay $0x3  }
0x36: {  	p1 =	seq.s32 s10, $0x1;
	s10 =	sld [smem:$0x3FB0];
	_ =	sdelay $0x3  }
0x37: {  	[smem:$0x3FB0] =	sst s10  }
0x38: {  	s10 =	sld [smem:$0x3FB1]  }
0x39: {  	_ = 	snop;
	(pc) =	sbr.ind lr, $3  }
0x3a: {  	_ = 	snop  }
0x3b: {  	_ = 	snop  }
0x3c: {  	p2 =	seq.s32 s10, $0x1;
	s10 =	sld [smem:$0x3FB0]  }
0x3d: {  	_ =	shalt  }
0x3e: {  	_ =	shalt  }
0x3f: {  	_ =	shalt  }
0x40: {  	_ =	shalt  }
0x41: {  	_ =	shalt  }
0x42: {  	_ =	shalt  }
0x43: {  	_ =	shalt  }
0x44: {  	_ =	shalt  }
0x45: {  	_ =	shalt  }
0x46: {  	_ =	shalt  }
0x47: {  	_ =	shalt  }
0x48: {  	_ =	shalt  }
0x49: {  	_ =	shalt  }
0x4a: {  	_ =	shalt  }
0x4b: {  	_ =	shalt  }
0x4c: {  	_ =	shalt  }
0x4d: {  	_ =	shalt  }
0x4e: {  	_ =	shalt  }
0x4f: {  	_ =	shalt  }
0x50: {  	_ =	shalt  }
0x51: {  	_ =	shalt  }
0x52: {  	_ =	shalt  }
0x53: {  	_ =	shalt  }
0x54: {  	_ =	shalt  }
0x55: {  	_ =	shalt  }
0x56: {  	_ =	shalt  }
0x57: {  	_ =	shalt  }
0x58: {  	_ =	shalt  }
0x59: {  	_ =	shalt  }
0x5a: {  	_ =	shalt  }
0x5b: {  	_ =	shalt  }
0x5c: {  	_ =	shalt  }
0x5d: {  	_ =	shalt  }
0x5e: {  	_ =	shalt  }
0x5f: {  	_ =	shalt  }
0x60: {  	_ =	shalt  }
0x61: {  	_ =	shalt  }
0x62: {  	_ =	shalt  }
0x63: {  	_ =	shalt  }
0x64: {  	_ =	shalt  }
0x65: {  	_ =	shalt  }
0x66: {  	_ =	shalt  }
0x67: {  	_ =	shalt  }
0x68: {  	_ =	shalt  }
0x69: {  	_ =	shalt  }
0x6a: {  	_ =	shalt  }
0x6b: {  	_ =	shalt  }
0x6c: {  	_ =	shalt  }
0x6d: {  	_ =	shalt  }
0x6e: {  	_ =	shalt  }
0x6f: {  	_ =	shalt  }
0x70: {  	_ =	shalt  }
0x71: {  	_ =	shalt  }
0x72: {  	_ =	shalt  }
0x73: {  	_ =	shalt  }
0x74: {  	_ =	shalt  }
0x75: {  	_ =	shalt  }
0x76: {  	_ =	shalt  }
0x77: {  	_ =	shalt  }
0x78: {  	_ =	shalt  }
0x79: {  	_ =	shalt  }
0x7a: {  	_ =	shalt  }
0x7b: {  	_ =	shalt  }
0x7c: {  	_ =	shalt  }
0x7d: {  	_ =	shalt  }
0x7e: {  	_ =	shalt  }
0x7f: {  	_ =	shalt  }
0x80: {  	_ =	shalt  }
0x81: {  	_ =	shalt  }
0x82: {  	_ =	shalt  }
0x83: {  	_ =	shalt  }
0x84: {  	_ =	shalt  }
0x85: {  	_ =	shalt  }
0x86: {  	_ =	shalt  }
0x87: {  	_ =	shalt  }
.Lfunc_end0:
.L_simem_size_0:
called_computation.1_lowered:
.L_overlay_start_0:
0x88: {  	s2 =	sld [smem:$0x3FD9]  }
0x89: {  	s3 =	sld [smem:$0x3FFE];
	_ =	sdelay $0x1  }
0x8a: {  	s1 =	srdreg.scid  }
0x8b: {  	s0 =	sand.u32 $0x1, s1  }
0x8c: {  	s16 =	sshll.u32 s0, $0xA;
	s2 =	sadd.s32 s3, s2  }
0x8d: {  	s2 =	sadd.s32 s2, s16  }
0x8e: {  	[smem:$0x3FBC] =	sst s2  }
0x8f: {  	_ = 	snop  }
0x90: {  	(tm) =	ssettm $0x1  }
0x91: {  	s17 =	sld [smem:$0x3FFB];
	_ =	sdelay $0x3  }
0x92: {  	_ =	strace s17  }
0x93: {  	s2 =	sld [smem:$0x3FFC];
	_ =	sdelay $0x3  }
0x94: {  	_ =	strace s2  }
0x95: {  	s2 =	sld [smem:$0x3FFD];
	_ =	sdelay $0x3  }
0x96: {  	_ =	strace s2  }
0x97: {  	_ =	strace $0x8FFFFFFF  }
0x98: {  	s18 =	sld [smem:$0x3FDB];
	_ =	sdelay $0x1  }
0x99: {  	s19 =	simm.s32 $_scs_section_size  }
0x9a: {  	s4 =	simm.s32 $_size__tile_overlayer_lowered;
	s5 =	simm.s32 $_tile_overlayer_lowered  }
0x9b: {  	s22 =	simm.s32 $0x1BFF;
	s21 =	sshll.u32 s5, $0x1;
	s2 =	sadd.s32 s19, s18  }
0x9c: {  	s6 =	simm.s32 $0x0;
	s20 =	sshll.u32 s4, $0x1;
	s4 =	sadd.s32 s21, s2  }
0x9d: {  	[timem:s6], [sflag:s22] =	dma.local [hbm:s4], s20  }
0x9e: {  	_ =	swait.ge [sflag:s22], s20  }
0x9f: {  	s3 =	ssub.s32 $0x0, s20;
	[sflag:s22] =	ssyncset.done $0x0  }
0xa0: {  	[sflag:s22] =	ssyncadd.s32 s3;
	_ =	sdelay $0x1  }
0xa1: {  	s23 =	simm.s32 $0x1B8B  }
0xa2: {  	_ =	swait.ge [sflag:s23], $0x1  }
0xa3: {  	[sflag:s23] =	ssyncset.done $0x0  }
0xa4: {  	s25 =	simm.s32 $0x1B8E;
	s24 =	sld [smem:$0x3FFE];
	[sflag:s23] =	ssyncadd.s32 $0xFFFFFFFF  }
0xa5: {  	s26 =	simm.s32 $execute0_lowered;
	[smem:$0x3FD2] =	sst s25  }
0xa6: {  	s4 =	sshll.u32 s26, $0x1;
	_ =	strace $0x80000049;
	[dreg:$0x1] =	wrdreg $0xFFFFFFFF  }
0xa7: {  	s28 =	simm.s32 $_size_execute0_lowered;
	s2 =	sadd.s32 s2, s4;
	[dreg:$0x0] =	wrdreg $0x0  }
0xa8: {  	s4 =	sshll.u32 s28, $0x1;
	[dreg:$0x2] =	wrdreg s2  }
0xa9: {  	[dreg:$0x3] =	wrdreg s4  }
0xaa: {  	[dreg:$0x4] =	wrdreg $0xC0  }
0xab: {  	_ =	task [dreg:s6], $0x5FFFF  }
0xac: {  	[dreg:$0x1] =	wrdreg $0xFFFFFFFF  }
0xad: {  	[dreg:$0x0] =	wrdreg $0x60  }
0xae: {  	[dreg:$0x2] =	wrdreg s24  }
0xaf: {  	[dreg:$0x3] =	wrdreg $0xBC000  }
0xb0: {  	[dreg:$0x4] =	wrdreg $0x9  }
0xb1: {  	_ =	task.clear_ibuf [dreg:s6], $0x5FFFF;
	_ =	strace $0x90000049  }
0xb2: {  	s29 =	simm.s32 $0x9;
	_ =	strace $0x8000004B  }
0xb3: {  	_ =	swait.ge [sflag:s29], $0x1  }
0xb4: {  	[sflag:s29] =	ssyncadd.s32 $0xFFFFFFFF  }
0xb5: {  	_ =	strace $0x9000004B  }
0xb6: {  	_ =	sfence  }
0xb7: {  	s30 =	sld [smem:$0x0];
	_ =	sdelay $0x2  }
0xb8: {  	s31 =	sshll.u32 s1, $0xD;
	s1 =	sshrl.u32 s1, $0x2  }
0xb9: {  	s3 =	sand.u32 $0x4000, s31;
	s1 =	sadd.s32 s1, s30  }
0xba: {  	s0 =	sor.u32 s3, s0;
	s1 =	sshll.u32 s1, $0x11  }
0xbb: {  	s0 =	sor.u32 s1, s0  }
0xbc: {  	s0 =	sadd.s32 $0x8F2B, s0  }
0xbd: {  	[sflag:s0] =	ssyncadd.remote.s32 $0x1  }
0xbe: {  	_ =	sfence.sel $0xFFFF  }
0xbf: {  	[dreg:$0x0] =	wrdreg $0xFFFFFFFF;
	(pc) =	sbr.abs _section_cstart, $3  }
0xc0: {  	[dreg:$0x1] =	wrdreg $0xFFFFFFFF  }
0xc1: {  	_ =	task.clear_ibuf [dreg:s6], $0x2FFFF;
	_ =	strace $0x9FFFFFFF  }
0xc2: {  	(tm) =	ssettm $0x7FFFFFFF  }
0xc3: {  	_ =	shalt  }
tec
execute0_lowered:
.L_overlay_start_1:
0x0: {  	(tag) =	ssettag $0x1  }
0x1: {  	s6 =	rddreg [dreg:$0x0]  }
0x2: {  	s0 =	srdreg.scid;
	s2 =	rddreg [dreg:$0x1]  }
0x3: {  	s3 =	simm.s32 $0x0;
	s14 =	simm.s32 $0x7;
	s15 =	simm.s32 $0x1  }
0x4: {  	s16 =	simm.s32 $0x2;
	s17 =	simm.s32 $0x80;
	s18 =	simm.s32 $0x3C00  }
0x5: {  	s19 =	simm.s32 $0x3;
	s20 =	simm.s32 $0x7C00;
	s21 =	simm.s32 $0x4  }
0x6: {  	s22 =	simm.s32 $0x1480;
	s23 =	simm.s32 $0x5;
	s24 =	simm.s32 $0x100  }
0x7: {  	s25 =	simm.s32 $0x6;
	s5 =	sand.u32 $0x1, s0;
	s0 =	stileid.u32  }
0x8: {  	s26 =	simm.s32 $0x2800;
	s28 =	simm.s32 $0x2880;
	s8 =	smul.u32 $0x14000, s0  }
0x9: {  	s29 =	simm.s32 $0x0;
	s1 =	sshll.u32 s5, $0x4;
	s10 =	smul.u32 $0x140000, s5  }
0xa: {  	[smem:$0x7FF] =	sst s3;
	s12 =	smul.u32 $0x50000, s0;
	s1 =	sor.u32 s0, s1  }
0xb: {  	_ =	strace $0x8000004A;
	s5 =	ssub.s32 $0x2, s5;
	s4 =	smul.u32 $0x2800, s1  }
0xc: {  	s31 =	sshll.u32 s0, $0x6;
	s11 =	sshrl.u32 s5, $0x1;
	s7 =	smul.u32 $0x500, s1  }
0xd: {  	s10 =	sadd.s32 s8, s10;
	s11 =	ssub.s32 s5, s11;
	s30 =	sshrl.u32 s12, $0x2  }
0xe: {  	s8 =	sshrl.u32 s8, $0x3;
	s12 =	simm.s32 $0x1400;
	s10 =	sshrl.u32 s10, $0x3  }
.Ltmp0:
0xf: {  	s13 =	sadd.s32 s30, s2;
	s11 =	smax.u32 s11, $0x1;
	(pc) =	sbr.rel .LBB2_1-.Ltmp0, $4  }
0x10: {  	s9 =	sshrl.u32 s4, $0x3;
	s4 =	sadd.s32 $0x41A00, s6;
	s7 =	sadd.s32 s7, s6  }
0x11: {  	s10 =	sadd.s32 s10, s6;
	s13 =	sshrl.u32 s13, $0x3;
	s9 =	sadd.s32 s9, s6  }
0x12: {  	s6 =	sadd.s32 $0xEA00, s7;
	s7 =	sadd.s32 s4, s8;
	s8 =	sor.u32 $0x1C07, s31  }
0x13: {  	s10 =	sadd.s32 $0x69A00, s10;
	s5 =	sadd.s32 $0x4A00, s9;
	s9 =	sadd.s32 $0x4C80, s9  }
.LBB2_7:
0x14: {  	_ =	swait.ge [sflag:s25], $0x4000  }
0x15: {  	s29 =	sadd.s32 $0x1, s29;
	[sflag:s25] =	ssyncset.done $0x0  }
0x16: {  	p0 =	sne.s32 s29, s11;
	[sflag:s25] =	ssyncadd.s32 $0xFFFFC000  }
.Ltmp1:
0x17: {  	[bflag:$0x0] =	sbarrier.arrive $0xFFFF;
	(pc) =	sbr.rel @!p0 .LBB2_8-.Ltmp1, $4  }
0x18: {  	[hbm:s10], [sflag:s8] =	dma.local [spmem:s13], $0x2800  }
0x19: {  	_ =	swait.ge [sflag:s14], $0x2800  }
0x1a: {  	[sflag:s14] =	ssyncset.done $0x0  }
0x1b: {  	[sflag:s14] =	ssyncadd.s32 $0xFFFFD800  }
.LBB2_1:
0x1c: {  	[tilespmem:s3], [sflag:$0x1] =	stream.linear.gather [hbm4b:s5+s3], $0x1400, $0x38;
	[tilespmem:$0x1FC00] =	vst v63  }
0x1d: {  	_ = 	snop  }
0x1e: {  	[tilespmem:s12], [sflag:$0x2] =	stream.linear.gather [hbm4b:s6+s3], $0x2800, $0x38;
	[tilespmem:$0x1FC00] =	vst v63  }
0x1f: {  	[spmem:s13], [sflag:s8] =	dma.local [hbm:s7], $0x2800  }
0x20: {  	_ =	swait.ge [sflag:s14], $0x2800  }
0x21: {  	[sflag:s14] =	ssyncset.done $0x0  }
0x22: {  	[sflag:s14] =	ssyncadd.s32 $0xFFFFD800  }
0x23: {  	_ =	swait.ge [sflag:s15], $0x1400  }
0x24: {  	[sflag:s15] =	ssyncset.done $0x0  }
0x25: {  	[sflag:s15] =	ssyncadd.s32 $0xFFFFEC00  }
0x26: {  	_ =	swait.ge [sflag:s16], $0x2800  }
0x27: {  	[sflag:s16] =	ssyncset.done $0x0  }
0x28: {  	[sflag:s16] =	ssyncadd.s32 $0xFFFFD800  }
0x29: {  	[bflag:$0x0] =	sbarrier.arrive $0xFFFF  }
0x2a: {  	[tilespmem:s18], [sflag:$0x3] =	stream.indirect.gather [hbm4b:s4+s17], $0x80, s3, s17, $0xb8;
	[tilespmem:$0x1FC00] =	vst v63  }
0x2b: {  	_ =	swait.ge [sflag:s19], $0x4000  }
0x2c: {  	[sflag:s19] =	ssyncset.done $0x0  }
0x2d: {  	[sflag:s19] =	ssyncadd.s32 $0xFFFFC000  }
0x2e: {  	[spmem:s2] =	stream.indirect.scatter.add.f32 [tilespmem:s18], [sflag:$0x5], $0x80, s12, s17, $0xb8;
	[tilespmem:$0x1FC00] =	vst v63  }
0x2f: {  	_ = 	snop  }
0x30: {  	[tilespmem:s20], [sflag:$0x4] =	stream.indirect.gather [hbm4b:s4+s17], $0x80, s17, s17, $0xb8;
	[tilespmem:$0x1FC00] =	vst v63  }
0x31: {  	_ =	swait.ge [sflag:s21], $0x4000  }
0x32: {  	[sflag:s21] =	ssyncset.done $0x0  }
0x33: {  	[sflag:s21] =	ssyncadd.s32 $0xFFFFC000  }
0x34: {  	[spmem:s2] =	stream.indirect.scatter.add.f32 [tilespmem:s20], [sflag:$0x6], $0x80, s22, s17, $0xb8;
	[tilespmem:$0x1FC00] =	vst v63  }
0x35: {  	_ =	swait.ge [sflag:s23], $0x4000  }
0x36: {  	[sflag:s23] =	ssyncset.done $0x0  }
0x37: {  	s30 =	simm.s32 $0xFFFFB800;
	[sflag:s23] =	ssyncadd.s32 $0xFFFFC000  }
0x38: {  	[tilespmem:s18], [sflag:$0x3] =	stream.indirect.gather [hbm4b:s4+s17], $0x80, s24, s17, $0xb8;
	[tilespmem:$0x1FC00] =	vst v63  }
.LBB2_2:
0x39: {  	_ =	swait.ge [sflag:s19], $0x4000  }
0x3a: {  	s31 =	sshra.s32 s30, $0x2;
	[sflag:s19] =	ssyncset.done $0x0  }
0x3b: {  	s1 =	sadd.s32 $0x2700, s31;
	[sflag:s19] =	ssyncadd.s32 $0xFFFFC000  }
0x3c: {  	[spmem:s2] =	stream.indirect.scatter.add.f32 [tilespmem:s18], [sflag:$0x5], $0x80, s1, s17, $0xb8;
	[tilespmem:$0x1FC00] =	vst v63  }
0x3d: {  	_ =	swait.ge [sflag:s25], $0x4000  }
0x3e: {  	[sflag:s25] =	ssyncset.done $0x0  }
0x3f: {  	s1 =	sadd.s32 $0x1380, s31;
	[sflag:s25] =	ssyncadd.s32 $0xFFFFC000  }
0x40: {  	[tilespmem:s20], [sflag:$0x4] =	stream.indirect.gather [hbm4b:s4+s17], $0x80, s1, s17, $0xb8;
	[tilespmem:$0x1FC00] =	vst v63  }
0x41: {  	_ =	swait.ge [sflag:s21], $0x4000  }
0x42: {  	p0 =	seq.s32 s30, $0x0;
	[sflag:s21] =	ssyncset.done $0x0  }
.Ltmp2:
0x43: {  	s1 =	sadd.s32 $0x2780, s31;
	[sflag:s21] =	ssyncadd.s32 $0xFFFFC000;
	(pc) =	sbr.rel @p0 .LBB2_4-.Ltmp2, $4  }
0x44: {  	[spmem:s2] =	stream.indirect.scatter.add.f32 [tilespmem:s20], [sflag:$0x6], $0x80, s1, s17, $0xb8;
	[tilespmem:$0x1FC00] =	vst v63  }
0x45: {  	_ =	swait.ge [sflag:s23], $0x4000  }
0x46: {  	[sflag:s23] =	ssyncset.done $0x0  }
0x47: {  	[sflag:s23] =	ssyncadd.s32 $0xFFFFC000  }
.Ltmp3:
0x48: {  	(pc) =	sbr.rel .LBB2_2-.Ltmp3, $3  }
0x49: {  	_ =	sdelay $0x1  }
0x4a: {  	s1 =	sadd.s32 $0x1400, s31;
	s30 =	sadd.s32 $0x400, s30  }
0x4b: {  	[tilespmem:s18], [sflag:$0x3] =	stream.indirect.gather [hbm4b:s4+s17], $0x80, s1, s17, $0xb8;
	[tilespmem:$0x1FC00] =	vst v63  }
.LBB2_4:
0x4c: {  	_ =	swait.ge [sflag:s25], $0x4000  }
0x4d: {  	[sflag:s25] =	ssyncset.done $0x0  }
0x4e: {  	[sflag:s25] =	ssyncadd.s32 $0xFFFFC000  }
0x4f: {  	[tilespmem:s3], [sflag:$0x1] =	stream.linear.gather [hbm4b:s9+s3], $0x1400, $0x38;
	[tilespmem:$0x1FC00] =	vst v63  }
0x50: {  	_ =	swait.ge [sflag:s15], $0x1400  }
0x51: {  	[sflag:s15] =	ssyncset.done $0x0  }
0x52: {  	[sflag:s15] =	ssyncadd.s32 $0xFFFFEC00  }
0x53: {  	[tilespmem:s18], [sflag:$0x3] =	stream.indirect.gather [hbm4b:s4+s17], $0x80, s3, s17, $0xb8;
	[tilespmem:$0x1FC00] =	vst v63  }
0x54: {  	_ =	swait.ge [sflag:s19], $0x4000  }
0x55: {  	[sflag:s19] =	ssyncset.done $0x0  }
0x56: {  	[sflag:s19] =	ssyncadd.s32 $0xFFFFC000  }
0x57: {  	[spmem:s2] =	stream.indirect.scatter.add.f32 [tilespmem:s18], [sflag:$0x5], $0x80, s26, s17, $0xb8;
	[tilespmem:$0x1FC00] =	vst v63  }
0x58: {  	_ = 	snop  }
0x59: {  	[tilespmem:s20], [sflag:$0x4] =	stream.indirect.gather [hbm4b:s4+s17], $0x80, s17, s17, $0xb8;
	[tilespmem:$0x1FC00] =	vst v63  }
0x5a: {  	_ =	swait.ge [sflag:s21], $0x4000  }
0x5b: {  	[sflag:s21] =	ssyncset.done $0x0  }
0x5c: {  	[sflag:s21] =	ssyncadd.s32 $0xFFFFC000  }
0x5d: {  	[spmem:s2] =	stream.indirect.scatter.add.f32 [tilespmem:s20], [sflag:$0x6], $0x80, s28, s17, $0xb8;
	[tilespmem:$0x1FC00] =	vst v63  }
0x5e: {  	_ =	swait.ge [sflag:s23], $0x4000  }
0x5f: {  	[sflag:s23] =	ssyncset.done $0x0  }
0x60: {  	s30 =	simm.s32 $0xFFFFB800;
	[sflag:s23] =	ssyncadd.s32 $0xFFFFC000  }
0x61: {  	[tilespmem:s18], [sflag:$0x3] =	stream.indirect.gather [hbm4b:s4+s17], $0x80, s24, s17, $0xb8;
	[tilespmem:$0x1FC00] =	vst v63  }
.LBB2_5:
0x62: {  	_ =	swait.ge [sflag:s19], $0x4000  }
0x63: {  	s31 =	sshra.s32 s30, $0x2;
	[sflag:s19] =	ssyncset.done $0x0  }
0x64: {  	s1 =	sadd.s32 $0x3B00, s31;
	[sflag:s19] =	ssyncadd.s32 $0xFFFFC000  }
0x65: {  	[spmem:s2] =	stream.indirect.scatter.add.f32 [tilespmem:s18], [sflag:$0x5], $0x80, s1, s17, $0xb8;
	[tilespmem:$0x1FC00] =	vst v63  }
0x66: {  	_ =	swait.ge [sflag:s25], $0x4000  }
0x67: {  	[sflag:s25] =	ssyncset.done $0x0  }
0x68: {  	s1 =	sadd.s32 $0x1380, s31;
	[sflag:s25] =	ssyncadd.s32 $0xFFFFC000  }
0x69: {  	[tilespmem:s20], [sflag:$0x4] =	stream.indirect.gather [hbm4b:s4+s17], $0x80, s1, s17, $0xb8;
	[tilespmem:$0x1FC00] =	vst v63  }
0x6a: {  	_ =	swait.ge [sflag:s21], $0x4000  }
0x6b: {  	p0 =	seq.s32 s30, $0x0;
	[sflag:s21] =	ssyncset.done $0x0  }
.Ltmp4:
0x6c: {  	s1 =	sadd.s32 $0x3B80, s31;
	[sflag:s21] =	ssyncadd.s32 $0xFFFFC000;
	(pc) =	sbr.rel @p0 .LBB2_7-.Ltmp4, $4  }
0x6d: {  	[spmem:s2] =	stream.indirect.scatter.add.f32 [tilespmem:s20], [sflag:$0x6], $0x80, s1, s17, $0xb8;
	[tilespmem:$0x1FC00] =	vst v63  }
0x6e: {  	_ =	swait.ge [sflag:s23], $0x4000  }
0x6f: {  	[sflag:s23] =	ssyncset.done $0x0  }
0x70: {  	[sflag:s23] =	ssyncadd.s32 $0xFFFFC000  }
.Ltmp5:
0x71: {  	(pc) =	sbr.rel .LBB2_5-.Ltmp5, $3  }
0x72: {  	_ =	sdelay $0x1  }
0x73: {  	s1 =	sadd.s32 $0x1400, s31;
	s30 =	sadd.s32 $0x400, s30  }
0x74: {  	[tilespmem:s18], [sflag:$0x3] =	stream.indirect.gather [hbm4b:s4+s17], $0x80, s1, s17, $0xb8;
	[tilespmem:$0x1FC00] =	vst v63  }
.LBB2_8:
0x75: {  	_ =	sfence.sel $0x180000  }
0x76: {  	[bflag:$0x0] =	sbarrier.arrive $0xFFFF  }
0x77: {  	_ =	strace $0x9000004A  }
0x78: {  	[bflag:$0x2] =	sbarrier.arrive $0xFFFF  }
0x79: {  	p0 =	sne.s32 s0, $0x0;
	s0 =	rddreg [dreg:$0x2]  }
0x7a: {  	s0 =	sadd.s32 @!p0 $0x100000, s0  }
0x7b: {  	[sflag:s0] =	ssyncadd.tile.s32 @!p0 $0x1;
	_ =	shalt  }
.Lfunc_end2:
_tile_overlayer_lowered:
.L_overlay_start_2:
0x7c: {  	(tag) =	ssettag $0x2  }
0x7d: {  	s0 =	rddreg [dreg:$0x0];
	s2 =	stileid.u32  }
0x7e: {  	s1 =	rddreg [dreg:$0x1];
	p0 =	sne.s32 s2, $0x0  }
0x7f: {  	s3 =	rddreg [dreg:$0x2];
	[bflag:$0x3] =	sbarrier.arrive $0xFFFF;
	s2 =	simm.s32 @!p0 $0x1C07  }
0x80: {  	[timem:s3], [sflag:s2] =	dma.local @!p0 [hbm:s0], s1  }
0x81: {  	s0 =	simm.s32 @!p0 $0x7  }
0x82: {  	_ =	swait.ge @!p0 [sflag:s0], s1  }
0x83: {  	s1 =	ssub.s32 @!p0 $0x0, s1;
	[sflag:s0] =	ssyncset.done @!p0 $0x0  }
0x84: {  	[sflag:s0] =	ssyncadd.s32 @!p0 s1  }
0x85: {  	[bflag:$0x3] =	sbarrier.arrive $0xFFFF  }
0x86: {  	_ =	shalt  }

// kernel: kernel.14.cloned.1.call-start
scs
__scs_entry_jumppad:
0x0: {  	(pc) =	sbr.rel $0x88, $3  }
0x1: {  	(tag) =	ssettag $0x0;
	lr =	simm.s32 $0x1  }
0x2: {  	[smem:$0x3F95] =	sst lr;
	_ =	strace $0xD0000000  }
0x3: {  	_ = 	snop  }
0x4: {  	_ = 	snop  }
0x5: {  	_ = 	snop  }
0x6: {  	_ = 	snop  }
0x7: {  	_ = 	snop  }
__scs_overlays_trampoline_lowered:
0x8: {  	[smem:$0x3FA4] =	sst s0  }
0x9: {  	[smem:$0x3FA5] =	sst s1  }
0xa: {  	[smem:$0x3FA6] =	sst s2  }
0xb: {  	[smem:$0x3FA7] =	sst s3  }
0xc: {  	[smem:$0x3FA8] =	sst s4  }
0xd: {  	[smem:$0x3FA9] =	sst s5  }
0xe: {  	[smem:$0x3FAA] =	sst s6  }
0xf: {  	[smem:$0x3FAB] =	sst s7  }
0x10: {  	[smem:$0x3FAC] =	sst s8  }
0x11: {  	[smem:$0x3FAD] =	sst s9;
	s0 =	simm.s32 @!p0 $0x0  }
0x12: {  	s1 =	sld [smem:$0x3F93];
	s0 =	simm.s32 @p0 $0x1  }
0x13: {  	[smem:$0x3FAE] =	sst s0;
	s0 =	simm.s32 @!p1 $0x0  }
0x14: {  	s2 =	sld [smem:$0x3F92];
	s0 =	simm.s32 @p1 $0x1  }
0x15: {  	[smem:$0x3FAF] =	sst s0;
	s0 =	simm.s32 @!p2 $0x0  }
0x16: {  	s3 =	sld [smem:$0x3FDB];
	s0 =	simm.s32 @p2 $0x1  }
0x17: {  	s4 =	simm.s32 $0x1BF5;
	[smem:$0x3FB1] =	sst s0  }
0x18: {  	s0 =	sld [smem:$0x3F94];
	_ =	swait.ge [sflag:s4], $0x0  }
0x19: {  	s7 =	sld [smem:$0x3F95]  }
0x1a: {  	s8 =	sadd.s32 $0xFFFFE003, lr  }
0x1b: {  	s9 =	sadd.s32 $0xFFFFFEF7, lr;
	s5 =	simm.s32 $0xFFFFFFFF;
	p2 =	slt.u32 s8, $0xFFFFF086  }
0x1c: {  	p1 =	slt.u32 s9, $0xF7A;
	s5 =	simm.s32 @!p2 $0x0  }
0x1d: {  	s5 =	simm.s32 @p1 $0x1;
	p0 =	seq.s32 s7, s2  }
0x1e: {  	s7 =	smul.u32 @!p0 $0xF7A, s2;
	p2 =	seq.s32 @!p0 s5, $0x0  }
0x1f: {  	s9 =	smul.u32 $0xF7A, s1;
	s8 =	simm.s32 @!p0 $0x1BF5;
	p2 =	por !p2, p0  }
0x20: {  	[sflag:s8] =	ssyncset.s32 @!p0 $0xFFFFF086;
	s6 =	sadd.s32 @!p0 s3, s7;
	s7 =	simm.s32 @!p0 $0x108  }
0x21: {  	s3 =	sadd.s32 s3, s9;
	s6 =	sadd.s32 @!p0 $0x88, s6;
	s7 =	simm.s32 @p2 $0x1082  }
0x22: {  	[simem:s7], [sflag:s8] =	dma.local @!p0 [hbm:s6], $0xF7A  }
0x23: {  	s9 =	sor.u32 $0xD0000000, s2;
	s6 =	simm.s32 $0x108;
	_ =	swait.ge @!p0 [sflag:s8], $0x0  }
0x24: {  	s3 =	sadd.s32 $0x88, s3;
	s6 =	simm.s32 @!p1 $0x1082;
	[sflag:s4] =	ssyncset.s32 $0xFFFFF086  }
0x25: {  	[simem:s6], [sflag:s4] =	dma.local [hbm:s3], $0xF7A  }
0x26: {  	[smem:$0x3F95] =	sst s1;
	(tag) =	ssettag s2;
	_ =	strace s9  }
0x27: {  	s1 =	sld [smem:$0x3FA5]  }
0x28: {  	s2 =	sld [smem:$0x3FA6]  }
0x29: {  	s4 =	sld [smem:$0x3FA8]  }
0x2a: {  	p0 =	seq.s32 s5, $0x0;
	s5 =	sld [smem:$0x3FA9]  }
0x2b: {  	s6 =	sld [smem:$0x3FAA]  }
0x2c: {  	s7 =	sld [smem:$0x3FAB]  }
0x2d: {  	s3 =	simm.s32 $0x108;
	s8 =	sld [smem:$0x3FAC]  }
0x2e: {  	s3 =	simm.s32 @!p0 $0x1082;
	s9 =	sld [smem:$0x3FAD]  }
0x2f: {  	lr =	sadd.s32 s0, s3;
	s0 =	sld [smem:$0x3FA4]  }
0x30: {  	s3 =	sld [smem:$0x3FA7]  }
0x31: {  	[smem:$0x3FB0] =	sst s10  }
0x32: {  	s10 =	sld [smem:$0x3FAE];
	_ =	sdelay $0x3  }
0x33: {  	p0 =	seq.s32 s10, $0x1;
	s10 =	sld [smem:$0x3FB0];
	_ =	sdelay $0x3  }
0x34: {  	[smem:$0x3FB0] =	sst s10  }
0x35: {  	s10 =	sld [smem:$0x3FAF];
	_ =	sdelay $0x3  }
0x36: {  	p1 =	seq.s32 s10, $0x1;
	s10 =	sld [smem:$0x3FB0];
	_ =	sdelay $0x3  }
0x37: {  	[smem:$0x3FB0] =	sst s10  }
0x38: {  	s10 =	sld [smem:$0x3FB1]  }
0x39: {  	_ = 	snop;
	(pc) =	sbr.ind lr, $3  }
0x3a: {  	_ = 	snop  }
0x3b: {  	_ = 	snop  }
0x3c: {  	p2 =	seq.s32 s10, $0x1;
	s10 =	sld [smem:$0x3FB0]  }
0x3d: {  	_ =	shalt  }
0x3e: {  	_ =	shalt  }
0x3f: {  	_ =	shalt  }
0x40: {  	_ =	shalt  }
0x41: {  	_ =	shalt  }
0x42: {  	_ =	shalt  }
0x43: {  	_ =	shalt  }
0x44: {  	_ =	shalt  }
0x45: {  	_ =	shalt  }
0x46: {  	_ =	shalt  }
0x47: {  	_ =	shalt  }
0x48: {  	_ =	shalt  }
0x49: {  	_ =	shalt  }
0x4a: {  	_ =	shalt  }
0x4b: {  	_ =	shalt  }
0x4c: {  	_ =	shalt  }
0x4d: {  	_ =	shalt  }
0x4e: {  	_ =	shalt  }
0x4f: {  	_ =	shalt  }
0x50: {  	_ =	shalt  }
0x51: {  	_ =	shalt  }
0x52: {  	_ =	shalt  }
0x53: {  	_ =	shalt  }
0x54: {  	_ =	shalt  }
0x55: {  	_ =	shalt  }
0x56: {  	_ =	shalt  }
0x57: {  	_ =	shalt  }
0x58: {  	_ =	shalt  }
0x59: {  	_ =	shalt  }
0x5a: {  	_ =	shalt  }
0x5b: {  	_ =	shalt  }
0x5c: {  	_ =	shalt  }
0x5d: {  	_ =	shalt  }
0x5e: {  	_ =	shalt  }
0x5f: {  	_ =	shalt  }
0x60: {  	_ =	shalt  }
0x61: {  	_ =	shalt  }
0x62: {  	_ =	shalt  }
0x63: {  	_ =	shalt  }
0x64: {  	_ =	shalt  }
0x65: {  	_ =	shalt  }
0x66: {  	_ =	shalt  }
0x67: {  	_ =	shalt  }
0x68: {  	_ =	shalt  }
0x69: {  	_ =	shalt  }
0x6a: {  	_ =	shalt  }
0x6b: {  	_ =	shalt  }
0x6c: {  	_ =	shalt  }
0x6d: {  	_ =	shalt  }
0x6e: {  	_ =	shalt  }
0x6f: {  	_ =	shalt  }
0x70: {  	_ =	shalt  }
0x71: {  	_ =	shalt  }
0x72: {  	_ =	shalt  }
0x73: {  	_ =	shalt  }
0x74: {  	_ =	shalt  }
0x75: {  	_ =	shalt  }
0x76: {  	_ =	shalt  }
0x77: {  	_ =	shalt  }
0x78: {  	_ =	shalt  }
0x79: {  	_ =	shalt  }
0x7a: {  	_ =	shalt  }
0x7b: {  	_ =	shalt  }
0x7c: {  	_ =	shalt  }
0x7d: {  	_ =	shalt  }
0x7e: {  	_ =	shalt  }
0x7f: {  	_ =	shalt  }
0x80: {  	_ =	shalt  }
0x81: {  	_ =	shalt  }
0x82: {  	_ =	shalt  }
0x83: {  	_ =	shalt  }
0x84: {  	_ =	shalt  }
0x85: {  	_ =	shalt  }
0x86: {  	_ =	shalt  }
0x87: {  	_ =	shalt  }
.Lfunc_end0:
.L_simem_size_0:
called_computation.2_lowered:
.L_overlay_start_0:
0x88: {  	s2 =	sld [smem:$0x3FD9]  }
0x89: {  	s3 =	sld [smem:$0x3FFE];
	_ =	sdelay $0x1  }
0x8a: {  	s1 =	srdreg.scid  }
0x8b: {  	s0 =	sand.u32 $0x1, s1  }
0x8c: {  	s16 =	sshll.u32 s0, $0xA;
	s2 =	sadd.s32 s3, s2  }
0x8d: {  	s2 =	sadd.s32 s2, s16  }
0x8e: {  	[smem:$0x3FBC] =	sst s2  }
0x8f: {  	_ = 	snop  }
0x90: {  	(tm) =	ssettm $0x1  }
0x91: {  	s17 =	sld [smem:$0x3FFB];
	_ =	sdelay $0x3  }
0x92: {  	_ =	strace s17  }
0x93: {  	s2 =	sld [smem:$0x3FFC];
	_ =	sdelay $0x3  }
0x94: {  	_ =	strace s2  }
0x95: {  	s2 =	sld [smem:$0x3FFD];
	_ =	sdelay $0x3  }
0x96: {  	_ =	strace s2  }
0x97: {  	_ =	strace $0x8FFFFFFF  }
0x98: {  	s18 =	sld [smem:$0x3FDB];
	_ =	sdelay $0x1  }
0x99: {  	s19 =	simm.s32 $_scs_section_size  }
0x9a: {  	s4 =	simm.s32 $_size__tile_overlayer_lowered;
	s5 =	simm.s32 $_tile_overlayer_lowered  }
0x9b: {  	s22 =	simm.s32 $0x1BFF;
	s21 =	sshll.u32 s5, $0x1;
	s2 =	sadd.s32 s19, s18  }
0x9c: {  	s6 =	simm.s32 $0x0;
	s20 =	sshll.u32 s4, $0x1;
	s4 =	sadd.s32 s21, s2  }
0x9d: {  	[timem:s6], [sflag:s22] =	dma.local [hbm:s4], s20  }
0x9e: {  	_ =	swait.ge [sflag:s22], s20  }
0x9f: {  	s3 =	ssub.s32 $0x0, s20;
	[sflag:s22] =	ssyncset.done $0x0  }
0xa0: {  	[sflag:s22] =	ssyncadd.s32 s3;
	_ =	sdelay $0x1  }
0xa1: {  	s23 =	simm.s32 $0x1B8B  }
0xa2: {  	_ =	swait.ge [sflag:s23], $0x1  }
0xa3: {  	[sflag:s23] =	ssyncset.done $0x0  }
0xa4: {  	s25 =	simm.s32 $0x1B8E;
	s24 =	sld [smem:$0x3FFE];
	[sflag:s23] =	ssyncadd.s32 $0xFFFFFFFF  }
0xa5: {  	s26 =	simm.s32 $execute0_lowered;
	[smem:$0x3FD2] =	sst s25  }
0xa6: {  	s4 =	sshll.u32 s26, $0x1;
	_ =	strace $0x8000004C;
	[dreg:$0x1] =	wrdreg $0xFFFFFFFF  }
0xa7: {  	s28 =	simm.s32 $_size_execute0_lowered;
	s2 =	sadd.s32 s2, s4;
	[dreg:$0x0] =	wrdreg $0x0  }
0xa8: {  	s4 =	sshll.u32 s28, $0x1;
	[dreg:$0x2] =	wrdreg s2  }
0xa9: {  	[dreg:$0x3] =	wrdreg s4  }
0xaa: {  	[dreg:$0x4] =	wrdreg $0xC0  }
0xab: {  	_ =	task [dreg:s6], $0x5FFFF  }
0xac: {  	[dreg:$0x1] =	wrdreg $0xFFFFFFFF  }
0xad: {  	[dreg:$0x0] =	wrdreg $0x60  }
0xae: {  	[dreg:$0x2] =	wrdreg s24  }
0xaf: {  	[dreg:$0x3] =	wrdreg $0xBC000  }
0xb0: {  	[dreg:$0x4] =	wrdreg $0x9  }
0xb1: {  	_ =	task.clear_ibuf [dreg:s6], $0x5FFFF;
	_ =	strace $0x9000004C  }
0xb2: {  	s29 =	simm.s32 $0x9;
	_ =	strace $0x8000004E  }
0xb3: {  	_ =	swait.ge [sflag:s29], $0x1  }
0xb4: {  	[sflag:s29] =	ssyncadd.s32 $0xFFFFFFFF  }
0xb5: {  	_ =	strace $0x9000004E  }
0xb6: {  	_ =	sfence  }
0xb7: {  	s30 =	sld [smem:$0x0];
	_ =	sdelay $0x2  }
0xb8: {  	s31 =	sshll.u32 s1, $0xD;
	s1 =	sshrl.u32 s1, $0x2  }
0xb9: {  	s3 =	sand.u32 $0x4000, s31;
	s1 =	sadd.s32 s1, s30  }
0xba: {  	s0 =	sor.u32 s3, s0;
	s1 =	sshll.u32 s1, $0x11  }
0xbb: {  	s0 =	sor.u32 s1, s0  }
0xbc: {  	s0 =	sadd.s32 $0x8F2B, s0  }
0xbd: {  	[sflag:s0] =	ssyncadd.remote.s32 $0x1  }
0xbe: {  	_ =	sfence.sel $0xFFFF  }
0xbf: {  	[dreg:$0x0] =	wrdreg $0xFFFFFFFF;
	(pc) =	sbr.abs _section_cstart, $3  }
0xc0: {  	[dreg:$0x1] =	wrdreg $0xFFFFFFFF  }
0xc1: {  	_ =	task.clear_ibuf [dreg:s6], $0x2FFFF;
	_ =	strace $0x9FFFFFFF  }
0xc2: {  	(tm) =	ssettm $0x7FFFFFFF  }
0xc3: {  	_ =	shalt  }
tec
execute0_lowered:
.L_overlay_start_1:
0x0: {  	(tag) =	ssettag $0x1  }
0x1: {  	s6 =	rddreg [dreg:$0x0]  }
0x2: {  	s0 =	srdreg.scid;
	s2 =	rddreg [dreg:$0x1]  }
0x3: {  	s3 =	simm.s32 $0x0;
	s14 =	simm.s32 $0x7;
	s15 =	simm.s32 $0x1  }
0x4: {  	s16 =	simm.s32 $0x2;
	s17 =	simm.s32 $0x80;
	s18 =	simm.s32 $0x3C00  }
0x5: {  	s19 =	simm.s32 $0x3;
	s20 =	simm.s32 $0x7C00;
	s21 =	simm.s32 $0x4  }
0x6: {  	s22 =	simm.s32 $0x1480;
	s23 =	simm.s32 $0x5;
	s24 =	simm.s32 $0x100  }
0x7: {  	s25 =	simm.s32 $0x6;
	s5 =	sand.u32 $0x1, s0;
	s0 =	stileid.u32  }
0x8: {  	s26 =	simm.s32 $0x2800;
	s28 =	simm.s32 $0x2880;
	s8 =	smul.u32 $0x14000, s0  }
0x9: {  	s29 =	simm.s32 $0x0;
	s1 =	sshll.u32 s5, $0x4;
	s10 =	smul.u32 $0x140000, s5  }
0xa: {  	[smem:$0x7FF] =	sst s3;
	s12 =	smul.u32 $0x50000, s0;
	s1 =	sor.u32 s0, s1  }
0xb: {  	_ =	strace $0x8000004D;
	s5 =	ssub.s32 $0x2, s5;
	s4 =	smul.u32 $0x2800, s1  }
0xc: {  	s31 =	sshll.u32 s0, $0x6;
	s11 =	sshrl.u32 s5, $0x1;
	s7 =	smul.u32 $0x500, s1  }
0xd: {  	s10 =	sadd.s32 s8, s10;
	s11 =	ssub.s32 s5, s11;
	s30 =	sshrl.u32 s12, $0x2  }
0xe: {  	s8 =	sshrl.u32 s8, $0x3;
	s12 =	simm.s32 $0x1400;
	s10 =	sshrl.u32 s10, $0x3  }
.Ltmp0:
0xf: {  	s13 =	sadd.s32 s30, s2;
	s11 =	smax.u32 s11, $0x1;
	(pc) =	sbr.rel .LBB2_1-.Ltmp0, $4  }
0x10: {  	s9 =	sshrl.u32 s4, $0x3;
	s4 =	sadd.s32 $0x41A00, s6;
	s7 =	sadd.s32 s7, s6  }
0x11: {  	s10 =	sadd.s32 s10, s6;
	s13 =	sshrl.u32 s13, $0x3;
	s9 =	sadd.s32 s9, s6  }
0x12: {  	s6 =	sadd.s32 $0xEA00, s7;
	s7 =	sadd.s32 s4, s8;
	s8 =	sor.u32 $0x1C07, s31  }
0x13: {  	s10 =	sadd.s32 $0x91A00, s10;
	s5 =	sadd.s32 $0x4A00, s9;
	s9 =	sadd.s32 $0x4C80, s9  }
.LBB2_7:
0x14: {  	_ =	swait.ge [sflag:s25], $0x4000  }
0x15: {  	s29 =	sadd.s32 $0x1, s29;
	[sflag:s25] =	ssyncset.done $0x0  }
0x16: {  	p0 =	sne.s32 s29, s11;
	[sflag:s25] =	ssyncadd.s32 $0xFFFFC000  }
.Ltmp1:
0x17: {  	[bflag:$0x0] =	sbarrier.arrive $0xFFFF;
	(pc) =	sbr.rel @!p0 .LBB2_8-.Ltmp1, $4  }
0x18: {  	[hbm:s10], [sflag:s8] =	dma.local [spmem:s13], $0x2800  }
0x19: {  	_ =	swait.ge [sflag:s14], $0x2800  }
0x1a: {  	[sflag:s14] =	ssyncset.done $0x0  }
0x1b: {  	[sflag:s14] =	ssyncadd.s32 $0xFFFFD800  }
.LBB2_1:
0x1c: {  	[tilespmem:s3], [sflag:$0x1] =	stream.linear.gather [hbm4b:s5+s3], $0x1400, $0x38;
	[tilespmem:$0x1FC00] =	vst v63  }
0x1d: {  	_ = 	snop  }
0x1e: {  	[tilespmem:s12], [sflag:$0x2] =	stream.linear.gather [hbm4b:s6+s3], $0x2800, $0x38;
	[tilespmem:$0x1FC00] =	vst v63  }
0x1f: {  	[spmem:s13], [sflag:s8] =	dma.local [hbm:s7], $0x2800  }
0x20: {  	_ =	swait.ge [sflag:s14], $0x2800  }
0x21: {  	[sflag:s14] =	ssyncset.done $0x0  }
0x22: {  	[sflag:s14] =	ssyncadd.s32 $0xFFFFD800  }
0x23: {  	_ =	swait.ge [sflag:s15], $0x1400  }
0x24: {  	[sflag:s15] =	ssyncset.done $0x0  }
0x25: {  	[sflag:s15] =	ssyncadd.s32 $0xFFFFEC00  }
0x26: {  	_ =	swait.ge [sflag:s16], $0x2800  }
0x27: {  	[sflag:s16] =	ssyncset.done $0x0  }
0x28: {  	[sflag:s16] =	ssyncadd.s32 $0xFFFFD800  }
0x29: {  	[bflag:$0x0] =	sbarrier.arrive $0xFFFF  }
0x2a: {  	[tilespmem:s18], [sflag:$0x3] =	stream.indirect.gather [hbm4b:s4+s17], $0x80, s3, s17, $0xb8;
	[tilespmem:$0x1FC00] =	vst v63  }
0x2b: {  	_ =	swait.ge [sflag:s19], $0x4000  }
0x2c: {  	[sflag:s19] =	ssyncset.done $0x0  }
0x2d: {  	[sflag:s19] =	ssyncadd.s32 $0xFFFFC000  }
0x2e: {  	[spmem:s2] =	stream.indirect.scatter.add.f32 [tilespmem:s18], [sflag:$0x5], $0x80, s12, s17, $0xb8;
	[tilespmem:$0x1FC00] =	vst v63  }
0x2f: {  	_ = 	snop  }
0x30: {  	[tilespmem:s20], [sflag:$0x4] =	stream.indirect.gather [hbm4b:s4+s17], $0x80, s17, s17, $0xb8;
	[tilespmem:$0x1FC00] =	vst v63  }
0x31: {  	_ =	swait.ge [sflag:s21], $0x4000  }
0x32: {  	[sflag:s21] =	ssyncset.done $0x0  }
0x33: {  	[sflag:s21] =	ssyncadd.s32 $0xFFFFC000  }
0x34: {  	[spmem:s2] =	stream.indirect.scatter.add.f32 [tilespmem:s20], [sflag:$0x6], $0x80, s22, s17, $0xb8;
	[tilespmem:$0x1FC00] =	vst v63  }
0x35: {  	_ =	swait.ge [sflag:s23], $0x4000  }
0x36: {  	[sflag:s23] =	ssyncset.done $0x0  }
0x37: {  	s30 =	simm.s32 $0xFFFFB800;
	[sflag:s23] =	ssyncadd.s32 $0xFFFFC000  }
0x38: {  	[tilespmem:s18], [sflag:$0x3] =	stream.indirect.gather [hbm4b:s4+s17], $0x80, s24, s17, $0xb8;
	[tilespmem:$0x1FC00] =	vst v63  }
.LBB2_2:
0x39: {  	_ =	swait.ge [sflag:s19], $0x4000  }
0x3a: {  	s31 =	sshra.s32 s30, $0x2;
	[sflag:s19] =	ssyncset.done $0x0  }
0x3b: {  	s1 =	sadd.s32 $0x2700, s31;
	[sflag:s19] =	ssyncadd.s32 $0xFFFFC000  }
0x3c: {  	[spmem:s2] =	stream.indirect.scatter.add.f32 [tilespmem:s18], [sflag:$0x5], $0x80, s1, s17, $0xb8;
	[tilespmem:$0x1FC00] =	vst v63  }
0x3d: {  	_ =	swait.ge [sflag:s25], $0x4000  }
0x3e: {  	[sflag:s25] =	ssyncset.done $0x0  }
0x3f: {  	s1 =	sadd.s32 $0x1380, s31;
	[sflag:s25] =	ssyncadd.s32 $0xFFFFC000  }
0x40: {  	[tilespmem:s20], [sflag:$0x4] =	stream.indirect.gather [hbm4b:s4+s17], $0x80, s1, s17, $0xb8;
	[tilespmem:$0x1FC00] =	vst v63  }
0x41: {  	_ =	swait.ge [sflag:s21], $0x4000  }
0x42: {  	p0 =	seq.s32 s30, $0x0;
	[sflag:s21] =	ssyncset.done $0x0  }
.Ltmp2:
0x43: {  	s1 =	sadd.s32 $0x2780, s31;
	[sflag:s21] =	ssyncadd.s32 $0xFFFFC000;
	(pc) =	sbr.rel @p0 .LBB2_4-.Ltmp2, $4  }
0x44: {  	[spmem:s2] =	stream.indirect.scatter.add.f32 [tilespmem:s20], [sflag:$0x6], $0x80, s1, s17, $0xb8;
	[tilespmem:$0x1FC00] =	vst v63  }
0x45: {  	_ =	swait.ge [sflag:s23], $0x4000  }
0x46: {  	[sflag:s23] =	ssyncset.done $0x0  }
0x47: {  	[sflag:s23] =	ssyncadd.s32 $0xFFFFC000  }
.Ltmp3:
0x48: {  	(pc) =	sbr.rel .LBB2_2-.Ltmp3, $3  }
0x49: {  	_ =	sdelay $0x1  }
0x4a: {  	s1 =	sadd.s32 $0x1400, s31;
	s30 =	sadd.s32 $0x400, s30  }
0x4b: {  	[tilespmem:s18], [sflag:$0x3] =	stream.indirect.gather [hbm4b:s4+s17], $0x80, s1, s17, $0xb8;
	[tilespmem:$0x1FC00] =	vst v63  }
.LBB2_4:
0x4c: {  	_ =	swait.ge [sflag:s25], $0x4000  }
0x4d: {  	[sflag:s25] =	ssyncset.done $0x0  }
0x4e: {  	[sflag:s25] =	ssyncadd.s32 $0xFFFFC000  }
0x4f: {  	[tilespmem:s3], [sflag:$0x1] =	stream.linear.gather [hbm4b:s9+s3], $0x1400, $0x38;
	[tilespmem:$0x1FC00] =	vst v63  }
0x50: {  	_ =	swait.ge [sflag:s15], $0x1400  }
0x51: {  	[sflag:s15] =	ssyncset.done $0x0  }
0x52: {  	[sflag:s15] =	ssyncadd.s32 $0xFFFFEC00  }
0x53: {  	[tilespmem:s18], [sflag:$0x3] =	stream.indirect.gather [hbm4b:s4+s17], $0x80, s3, s17, $0xb8;
	[tilespmem:$0x1FC00] =	vst v63  }
0x54: {  	_ =	swait.ge [sflag:s19], $0x4000  }
0x55: {  	[sflag:s19] =	ssyncset.done $0x0  }
0x56: {  	[sflag:s19] =	ssyncadd.s32 $0xFFFFC000  }
0x57: {  	[spmem:s2] =	stream.indirect.scatter.add.f32 [tilespmem:s18], [sflag:$0x5], $0x80, s26, s17, $0xb8;
	[tilespmem:$0x1FC00] =	vst v63  }
0x58: {  	_ = 	snop  }
0x59: {  	[tilespmem:s20], [sflag:$0x4] =	stream.indirect.gather [hbm4b:s4+s17], $0x80, s17, s17, $0xb8;
	[tilespmem:$0x1FC00] =	vst v63  }
0x5a: {  	_ =	swait.ge [sflag:s21], $0x4000  }
0x5b: {  	[sflag:s21] =	ssyncset.done $0x0  }
0x5c: {  	[sflag:s21] =	ssyncadd.s32 $0xFFFFC000  }
0x5d: {  	[spmem:s2] =	stream.indirect.scatter.add.f32 [tilespmem:s20], [sflag:$0x6], $0x80, s28, s17, $0xb8;
	[tilespmem:$0x1FC00] =	vst v63  }
0x5e: {  	_ =	swait.ge [sflag:s23], $0x4000  }
0x5f: {  	[sflag:s23] =	ssyncset.done $0x0  }
0x60: {  	s30 =	simm.s32 $0xFFFFB800;
	[sflag:s23] =	ssyncadd.s32 $0xFFFFC000  }
0x61: {  	[tilespmem:s18], [sflag:$0x3] =	stream.indirect.gather [hbm4b:s4+s17], $0x80, s24, s17, $0xb8;
	[tilespmem:$0x1FC00] =	vst v63  }
.LBB2_5:
0x62: {  	_ =	swait.ge [sflag:s19], $0x4000  }
0x63: {  	s31 =	sshra.s32 s30, $0x2;
	[sflag:s19] =	ssyncset.done $0x0  }
0x64: {  	s1 =	sadd.s32 $0x3B00, s31;
	[sflag:s19] =	ssyncadd.s32 $0xFFFFC000  }
0x65: {  	[spmem:s2] =	stream.indirect.scatter.add.f32 [tilespmem:s18], [sflag:$0x5], $0x80, s1, s17, $0xb8;
	[tilespmem:$0x1FC00] =	vst v63  }
0x66: {  	_ =	swait.ge [sflag:s25], $0x4000  }
0x67: {  	[sflag:s25] =	ssyncset.done $0x0  }
0x68: {  	s1 =	sadd.s32 $0x1380, s31;
	[sflag:s25] =	ssyncadd.s32 $0xFFFFC000  }
0x69: {  	[tilespmem:s20], [sflag:$0x4] =	stream.indirect.gather [hbm4b:s4+s17], $0x80, s1, s17, $0xb8;
	[tilespmem:$0x1FC00] =	vst v63  }
0x6a: {  	_ =	swait.ge [sflag:s21], $0x4000  }
0x6b: {  	p0 =	seq.s32 s30, $0x0;
	[sflag:s21] =	ssyncset.done $0x0  }
.Ltmp4:
0x6c: {  	s1 =	sadd.s32 $0x3B80, s31;
	[sflag:s21] =	ssyncadd.s32 $0xFFFFC000;
	(pc) =	sbr.rel @p0 .LBB2_7-.Ltmp4, $4  }
0x6d: {  	[spmem:s2] =	stream.indirect.scatter.add.f32 [tilespmem:s20], [sflag:$0x6], $0x80, s1, s17, $0xb8;
	[tilespmem:$0x1FC00] =	vst v63  }
0x6e: {  	_ =	swait.ge [sflag:s23], $0x4000  }
0x6f: {  	[sflag:s23] =	ssyncset.done $0x0  }
0x70: {  	[sflag:s23] =	ssyncadd.s32 $0xFFFFC000  }
.Ltmp5:
0x71: {  	(pc) =	sbr.rel .LBB2_5-.Ltmp5, $3  }
0x72: {  	_ =	sdelay $0x1  }
0x73: {  	s1 =	sadd.s32 $0x1400, s31;
	s30 =	sadd.s32 $0x400, s30  }
0x74: {  	[tilespmem:s18], [sflag:$0x3] =	stream.indirect.gather [hbm4b:s4+s17], $0x80, s1, s17, $0xb8;
	[tilespmem:$0x1FC00] =	vst v63  }
.LBB2_8:
0x75: {  	_ =	sfence.sel $0x180000  }
0x76: {  	[bflag:$0x0] =	sbarrier.arrive $0xFFFF  }
0x77: {  	_ =	strace $0x9000004D  }
0x78: {  	[bflag:$0x2] =	sbarrier.arrive $0xFFFF  }
0x79: {  	p0 =	sne.s32 s0, $0x0;
	s0 =	rddreg [dreg:$0x2]  }
0x7a: {  	s0 =	sadd.s32 @!p0 $0x100000, s0  }
0x7b: {  	[sflag:s0] =	ssyncadd.tile.s32 @!p0 $0x1;
	_ =	shalt  }
.Lfunc_end2:
_tile_overlayer_lowered:
.L_overlay_start_2:
0x7c: {  	(tag) =	ssettag $0x2  }
0x7d: {  	s0 =	rddreg [dreg:$0x0];
	s2 =	stileid.u32  }
0x7e: {  	s1 =	rddreg [dreg:$0x1];
	p0 =	sne.s32 s2, $0x0  }
0x7f: {  	s3 =	rddreg [dreg:$0x2];
	[bflag:$0x3] =	sbarrier.arrive $0xFFFF;
	s2 =	simm.s32 @!p0 $0x1C07  }
0x80: {  	[timem:s3], [sflag:s2] =	dma.local @!p0 [hbm:s0], s1  }
0x81: {  	s0 =	simm.s32 @!p0 $0x7  }
0x82: {  	_ =	swait.ge @!p0 [sflag:s0], s1  }
0x83: {  	s1 =	ssub.s32 @!p0 $0x0, s1;
	[sflag:s0] =	ssyncset.done @!p0 $0x0  }
0x84: {  	[sflag:s0] =	ssyncadd.s32 @!p0 s1  }
0x85: {  	[bflag:$0x3] =	sbarrier.arrive $0xFFFF  }
0x86: {  	_ =	shalt  }

// kernel: kernel.8.cloned.1.call-start
scs
__scs_entry_jumppad:
0x0: {  	(pc) =	sbr.rel $0x88, $3  }
0x1: {  	(tag) =	ssettag $0x0;
	lr =	simm.s32 $0x1  }
0x2: {  	[smem:$0x3F95] =	sst lr;
	_ =	strace $0xD0000000  }
0x3: {  	_ = 	snop  }
0x4: {  	_ = 	snop  }
0x5: {  	_ = 	snop  }
0x6: {  	_ = 	snop  }
0x7: {  	_ = 	snop  }
__scs_overlays_trampoline_lowered:
0x8: {  	[smem:$0x3FA4] =	sst s0  }
0x9: {  	[smem:$0x3FA5] =	sst s1  }
0xa: {  	[smem:$0x3FA6] =	sst s2  }
0xb: {  	[smem:$0x3FA7] =	sst s3  }
0xc: {  	[smem:$0x3FA8] =	sst s4  }
0xd: {  	[smem:$0x3FA9] =	sst s5  }
0xe: {  	[smem:$0x3FAA] =	sst s6  }
0xf: {  	[smem:$0x3FAB] =	sst s7  }
0x10: {  	[smem:$0x3FAC] =	sst s8  }
0x11: {  	[smem:$0x3FAD] =	sst s9;
	s0 =	simm.s32 @!p0 $0x0  }
0x12: {  	s1 =	sld [smem:$0x3F93];
	s0 =	simm.s32 @p0 $0x1  }
0x13: {  	[smem:$0x3FAE] =	sst s0;
	s0 =	simm.s32 @!p1 $0x0  }
0x14: {  	s2 =	sld [smem:$0x3F92];
	s0 =	simm.s32 @p1 $0x1  }
0x15: {  	[smem:$0x3FAF] =	sst s0;
	s0 =	simm.s32 @!p2 $0x0  }
0x16: {  	s3 =	sld [smem:$0x3FDB];
	s0 =	simm.s32 @p2 $0x1  }
0x17: {  	s4 =	simm.s32 $0x1BF5;
	[smem:$0x3FB1] =	sst s0  }
0x18: {  	s0 =	sld [smem:$0x3F94];
	_ =	swait.ge [sflag:s4], $0x0  }
0x19: {  	s7 =	sld [smem:$0x3F95]  }
0x1a: {  	s8 =	sadd.s32 $0xFFFFE003, lr  }
0x1b: {  	s9 =	sadd.s32 $0xFFFFFEF7, lr;
	s5 =	simm.s32 $0xFFFFFFFF;
	p2 =	slt.u32 s8, $0xFFFFF086  }
0x1c: {  	p1 =	slt.u32 s9, $0xF7A;
	s5 =	simm.s32 @!p2 $0x0  }
0x1d: {  	s5 =	simm.s32 @p1 $0x1;
	p0 =	seq.s32 s7, s2  }
0x1e: {  	s7 =	smul.u32 @!p0 $0xF7A, s2;
	p2 =	seq.s32 @!p0 s5, $0x0  }
0x1f: {  	s9 =	smul.u32 $0xF7A, s1;
	s8 =	simm.s32 @!p0 $0x1BF5;
	p2 =	por !p2, p0  }
0x20: {  	[sflag:s8] =	ssyncset.s32 @!p0 $0xFFFFF086;
	s6 =	sadd.s32 @!p0 s3, s7;
	s7 =	simm.s32 @!p0 $0x108  }
0x21: {  	s3 =	sadd.s32 s3, s9;
	s6 =	sadd.s32 @!p0 $0x88, s6;
	s7 =	simm.s32 @p2 $0x1082  }
0x22: {  	[simem:s7], [sflag:s8] =	dma.local @!p0 [hbm:s6], $0xF7A  }
0x23: {  	s9 =	sor.u32 $0xD0000000, s2;
	s6 =	simm.s32 $0x108;
	_ =	swait.ge @!p0 [sflag:s8], $0x0  }
0x24: {  	s3 =	sadd.s32 $0x88, s3;
	s6 =	simm.s32 @!p1 $0x1082;
	[sflag:s4] =	ssyncset.s32 $0xFFFFF086  }
0x25: {  	[simem:s6], [sflag:s4] =	dma.local [hbm:s3], $0xF7A  }
0x26: {  	[smem:$0x3F95] =	sst s1;
	(tag) =	ssettag s2;
	_ =	strace s9  }
0x27: {  	s1 =	sld [smem:$0x3FA5]  }
0x28: {  	s2 =	sld [smem:$0x3FA6]  }
0x29: {  	s4 =	sld [smem:$0x3FA8]  }
0x2a: {  	p0 =	seq.s32 s5, $0x0;
	s5 =	sld [smem:$0x3FA9]  }
0x2b: {  	s6 =	sld [smem:$0x3FAA]  }
0x2c: {  	s7 =	sld [smem:$0x3FAB]  }
0x2d: {  	s3 =	simm.s32 $0x108;
	s8 =	sld [smem:$0x3FAC]  }
0x2e: {  	s3 =	simm.s32 @!p0 $0x1082;
	s9 =	sld [smem:$0x3FAD]  }
0x2f: {  	lr =	sadd.s32 s0, s3;
	s0 =	sld [smem:$0x3FA4]  }
0x30: {  	s3 =	sld [smem:$0x3FA7]  }
0x31: {  	[smem:$0x3FB0] =	sst s10  }
0x32: {  	s10 =	sld [smem:$0x3FAE];
	_ =	sdelay $0x3  }
0x33: {  	p0 =	seq.s32 s10, $0x1;
	s10 =	sld [smem:$0x3FB0];
	_ =	sdelay $0x3  }
0x34: {  	[smem:$0x3FB0] =	sst s10  }
0x35: {  	s10 =	sld [smem:$0x3FAF];
	_ =	sdelay $0x3  }
0x36: {  	p1 =	seq.s32 s10, $0x1;
	s10 =	sld [smem:$0x3FB0];
	_ =	sdelay $0x3  }
0x37: {  	[smem:$0x3FB0] =	sst s10  }
0x38: {  	s10 =	sld [smem:$0x3FB1]  }
0x39: {  	_ = 	snop;
	(pc) =	sbr.ind lr, $3  }
0x3a: {  	_ = 	snop  }
0x3b: {  	_ = 	snop  }
0x3c: {  	p2 =	seq.s32 s10, $0x1;
	s10 =	sld [smem:$0x3FB0]  }
0x3d: {  	_ =	shalt  }
0x3e: {  	_ =	shalt  }
0x3f: {  	_ =	shalt  }
0x40: {  	_ =	shalt  }
0x41: {  	_ =	shalt  }
0x42: {  	_ =	shalt  }
0x43: {  	_ =	shalt  }
0x44: {  	_ =	shalt  }
0x45: {  	_ =	shalt  }
0x46: {  	_ =	shalt  }
0x47: {  	_ =	shalt  }
0x48: {  	_ =	shalt  }
0x49: {  	_ =	shalt  }
0x4a: {  	_ =	shalt  }
0x4b: {  	_ =	shalt  }
0x4c: {  	_ =	shalt  }
0x4d: {  	_ =	shalt  }
0x4e: {  	_ =	shalt  }
0x4f: {  	_ =	shalt  }
0x50: {  	_ =	shalt  }
0x51: {  	_ =	shalt  }
0x52: {  	_ =	shalt  }
0x53: {  	_ =	shalt  }
0x54: {  	_ =	shalt  }
0x55: {  	_ =	shalt  }
0x56: {  	_ =	shalt  }
0x57: {  	_ =	shalt  }
0x58: {  	_ =	shalt  }
0x59: {  	_ =	shalt  }
0x5a: {  	_ =	shalt  }
0x5b: {  	_ =	shalt  }
0x5c: {  	_ =	shalt  }
0x5d: {  	_ =	shalt  }
0x5e: {  	_ =	shalt  }
0x5f: {  	_ =	shalt  }
0x60: {  	_ =	shalt  }
0x61: {  	_ =	shalt  }
0x62: {  	_ =	shalt  }
0x63: {  	_ =	shalt  }
0x64: {  	_ =	shalt  }
0x65: {  	_ =	shalt  }
0x66: {  	_ =	shalt  }
0x67: {  	_ =	shalt  }
0x68: {  	_ =	shalt  }
0x69: {  	_ =	shalt  }
0x6a: {  	_ =	shalt  }
0x6b: {  	_ =	shalt  }
0x6c: {  	_ =	shalt  }
0x6d: {  	_ =	shalt  }
0x6e: {  	_ =	shalt  }
0x6f: {  	_ =	shalt  }
0x70: {  	_ =	shalt  }
0x71: {  	_ =	shalt  }
0x72: {  	_ =	shalt  }
0x73: {  	_ =	shalt  }
0x74: {  	_ =	shalt  }
0x75: {  	_ =	shalt  }
0x76: {  	_ =	shalt  }
0x77: {  	_ =	shalt  }
0x78: {  	_ =	shalt  }
0x79: {  	_ =	shalt  }
0x7a: {  	_ =	shalt  }
0x7b: {  	_ =	shalt  }
0x7c: {  	_ =	shalt  }
0x7d: {  	_ =	shalt  }
0x7e: {  	_ =	shalt  }
0x7f: {  	_ =	shalt  }
0x80: {  	_ =	shalt  }
0x81: {  	_ =	shalt  }
0x82: {  	_ =	shalt  }
0x83: {  	_ =	shalt  }
0x84: {  	_ =	shalt  }
0x85: {  	_ =	shalt  }
0x86: {  	_ =	shalt  }
0x87: {  	_ =	shalt  }
.Lfunc_end0:
.L_simem_size_0:
called_computation_lowered:
.L_overlay_start_0:
0x88: {  	s2 =	sld [smem:$0x3FD9]  }
0x89: {  	s3 =	sld [smem:$0x3FFE];
	_ =	sdelay $0x1  }
0x8a: {  	s1 =	srdreg.scid  }
0x8b: {  	s0 =	sand.u32 $0x1, s1  }
0x8c: {  	s16 =	sshll.u32 s0, $0xA;
	s2 =	sadd.s32 s3, s2  }
0x8d: {  	s2 =	sadd.s32 s2, s16  }
0x8e: {  	[smem:$0x3FBC] =	sst s2  }
0x8f: {  	_ = 	snop  }
0x90: {  	(tm) =	ssettm $0x1  }
0x91: {  	s17 =	sld [smem:$0x3FFB];
	_ =	sdelay $0x3  }
0x92: {  	_ =	strace s17  }
0x93: {  	s2 =	sld [smem:$0x3FFC];
	_ =	sdelay $0x3  }
0x94: {  	_ =	strace s2  }
0x95: {  	s2 =	sld [smem:$0x3FFD];
	_ =	sdelay $0x3  }
0x96: {  	_ =	strace s2  }
0x97: {  	_ =	strace $0x8FFFFFFF  }
0x98: {  	s18 =	sld [smem:$0x3FDB];
	_ =	sdelay $0x1  }
0x99: {  	s19 =	simm.s32 $_scs_section_size  }
0x9a: {  	s4 =	simm.s32 $_size__tile_overlayer_lowered;
	s5 =	simm.s32 $_tile_overlayer_lowered  }
0x9b: {  	s22 =	simm.s32 $0x1BFF;
	s21 =	sshll.u32 s5, $0x1;
	s2 =	sadd.s32 s19, s18  }
0x9c: {  	s6 =	simm.s32 $0x0;
	s20 =	sshll.u32 s4, $0x1;
	s4 =	sadd.s32 s21, s2  }
0x9d: {  	[timem:s6], [sflag:s22] =	dma.local [hbm:s4], s20  }
0x9e: {  	_ =	swait.ge [sflag:s22], s20  }
0x9f: {  	s3 =	ssub.s32 $0x0, s20;
	[sflag:s22] =	ssyncset.done $0x0  }
0xa0: {  	[sflag:s22] =	ssyncadd.s32 s3;
	_ =	sdelay $0x1  }
0xa1: {  	s23 =	simm.s32 $0x1B8B  }
0xa2: {  	_ =	swait.ge [sflag:s23], $0x1  }
0xa3: {  	[sflag:s23] =	ssyncset.done $0x0  }
0xa4: {  	s25 =	simm.s32 $0x1B8E;
	s24 =	sld [smem:$0x3FFE];
	[sflag:s23] =	ssyncadd.s32 $0xFFFFFFFF  }
0xa5: {  	s26 =	simm.s32 $execute0_lowered;
	[smem:$0x3FD2] =	sst s25  }
0xa6: {  	s4 =	sshll.u32 s26, $0x1;
	_ =	strace $0x80000046;
	[dreg:$0x1] =	wrdreg $0xFFFFFFFF  }
0xa7: {  	s28 =	simm.s32 $_size_execute0_lowered;
	s2 =	sadd.s32 s2, s4;
	[dreg:$0x0] =	wrdreg $0x0  }
0xa8: {  	s4 =	sshll.u32 s28, $0x1;
	[dreg:$0x2] =	wrdreg s2  }
0xa9: {  	[dreg:$0x3] =	wrdreg s4  }
0xaa: {  	[dreg:$0x4] =	wrdreg $0xC0  }
0xab: {  	_ =	task [dreg:s6], $0x5FFFF  }
0xac: {  	[dreg:$0x1] =	wrdreg $0xFFFFFFFF  }
0xad: {  	[dreg:$0x0] =	wrdreg $0x60  }
0xae: {  	[dreg:$0x2] =	wrdreg s24  }
0xaf: {  	[dreg:$0x3] =	wrdreg $0xA6800  }
0xb0: {  	[dreg:$0x4] =	wrdreg $0xAB800  }
0xb1: {  	[dreg:$0x5] =	wrdreg $0xA9000  }
0xb2: {  	[dreg:$0x6] =	wrdreg $0x9  }
0xb3: {  	_ =	task.clear_ibuf [dreg:s6], $0x7FFFF;
	_ =	strace $0x90000046  }
0xb4: {  	s29 =	simm.s32 $0x9;
	_ =	strace $0x80000048  }
0xb5: {  	_ =	swait.ge [sflag:s29], $0x1  }
0xb6: {  	[sflag:s29] =	ssyncadd.s32 $0xFFFFFFFF  }
0xb7: {  	_ =	strace $0x90000048  }
0xb8: {  	_ =	sfence  }
0xb9: {  	s30 =	sld [smem:$0x0];
	_ =	sdelay $0x2  }
0xba: {  	s31 =	sshll.u32 s1, $0xD;
	s1 =	sshrl.u32 s1, $0x2  }
0xbb: {  	s3 =	sand.u32 $0x4000, s31;
	s1 =	sadd.s32 s1, s30  }
0xbc: {  	s0 =	sor.u32 s3, s0;
	s1 =	sshll.u32 s1, $0x11  }
0xbd: {  	s0 =	sor.u32 s1, s0  }
0xbe: {  	s0 =	sadd.s32 $0x8F2B, s0  }
0xbf: {  	[sflag:s0] =	ssyncadd.remote.s32 $0x1  }
0xc0: {  	_ =	sfence.sel $0xFFFF  }
0xc1: {  	[dreg:$0x0] =	wrdreg $0xFFFFFFFF;
	(pc) =	sbr.abs _section_cstart, $3  }
0xc2: {  	[dreg:$0x1] =	wrdreg $0xFFFFFFFF  }
0xc3: {  	_ =	task.clear_ibuf [dreg:s6], $0x2FFFF;
	_ =	strace $0x9FFFFFFF  }
0xc4: {  	(tm) =	ssettm $0x7FFFFFFF  }
0xc5: {  	_ =	shalt  }
tec
execute0_lowered:
.L_overlay_start_1:
0x0: {  	(tag) =	ssettag $0x1  }
0x1: {  	s0 =	rddreg [dreg:$0x0]  }
0x2: {  	s1 =	rddreg [dreg:$0x1]  }
0x3: {  	s2 =	srdreg.scid;
	s3 =	rddreg [dreg:$0x2]  }
0x4: {  	s13 =	stileid.u32;
	s4 =	rddreg [dreg:$0x3];
	s28 =	simm.s32 $0x4  }
0x5: {  	s30 =	simm.s32 $0x5;
	s2 =	sand.u32 $0x1, s2;
	s11 =	smul.u32 $0x280, s13  }
0x6: {  	s8 =	sadd.s32 $0xEA00, s0;
	s5 =	sshll.u32 s2, $0x4;
	s21 =	smul.u32 $0x2800, s2  }
0x7: {  	s12 =	ssub.s32 $0x2, s2;
	p1 =	sne.s32 s2, $0x0;
	s2 =	simm.s32 $0x6  }
0x8: {  	s6 =	sor.u32 s13, s5;
	s5 =	simm.s32 $0x0;
	s10 =	sshrl.u32 s11, $0x3  }
0x9: {  	s13 =	smul.u32 $0xA00, s13;
	s22 =	sshrl.u32 s12, $0x1;
	s23 =	sadd.s32 $0x190, s11  }
0xa: {  	s24 =	sadd.s32 $0x1A0, s11;
	s25 =	sadd.s32 $0x1B0, s11;
	s16 =	sadd.s32 $0x1C0, s11  }
0xb: {  	s26 =	sadd.s32 $0x1D0, s11;
	s29 =	sadd.s32 $0x1E0, s11;
	s31 =	sadd.s32 $0x1F0, s11  }
0xc: {  	s17 =	sadd.s32 $0x200, s11;
	s18 =	sadd.s32 $0x210, s11;
	s19 =	sadd.s32 $0x220, s11  }
0xd: {  	s20 =	sadd.s32 $0x230, s11;
	s7 =	smul.u32 $0x500, s6;
	[smem:$0x7FF] =	sst s5  }
0xe: {  	s6 =	sadd.s32 s11, s21;
	s14 =	sadd.s32 s10, s0;
	s15 =	ssub.s32 s12, s22  }
0xf: {  	s10 =	sadd.s32 s11, s3;
	p0 =	slt.u32 s23, $0x2710;
	s21 =	sadd.s32 $0x240, s11  }
0x10: {  	s22 =	sadd.s32 $0x250, s11;
	s23 =	sadd.s32 $0x260, s11;
	_ =	strace $0x80000047  }
0x11: {  	s6 =	sshrl.u32 s6, $0x3;
	s12 =	simm.s32 @!p0 $0x0;
	p4 =	slt.u32 s21, $0x2710  }
0x12: {  	s21 =	simm.s32 $0x500;
	p5 =	slt.u32 s22, $0x2710;
	s22 =	simm.s32 $0x280  }
0x13: {  	p6 =	slt.u32 s23, $0x2710;
	s12 =	simm.s32 @p0 $0x1;
	p0 =	slt.u32 s24, $0x2710  }
0x14: {  	s23 =	simm.s32 $0xA580;
	[smem:$0x7F3] =	sst s12;
	s12 =	simm.s32 @!p0 $0x0  }
0x15: {  	s9 =	sadd.s32 s7, s0;
	s12 =	simm.s32 @p0 $0x1;
	p0 =	slt.u32 s25, $0x2710  }
0x16: {  	s0 =	sadd.s32 s6, s0;
	[smem:$0x7F4] =	sst s12;
	s12 =	simm.s32 @!p0 $0x0  }
0x17: {  	s6 =	sadd.s32 s8, s13;
	s12 =	simm.s32 @p0 $0x1;
	p0 =	slt.u32 s16, $0x2710  }
0x18: {  	s7 =	sadd.s32 s8, s7;
	[smem:$0x7F5] =	sst s12;
	s12 =	simm.s32 @!p0 $0x0  }
0x19: {  	s24 =	sadd.s32 $0x270, s11;
	s12 =	simm.s32 @p0 $0x1;
	p0 =	slt.u32 s26, $0x2710  }
0x1a: {  	s8 =	sadd.s32 $0x4A00, s9;
	[smem:$0x7F6] =	sst s12;
	s12 =	simm.s32 @!p0 $0x0  }
0x1b: {  	s9 =	sadd.s32 s11, s1;
	s12 =	simm.s32 @p0 $0x1;
	p0 =	slt.u32 s29, $0x2710  }
0x1c: {  	s11 =	sadd.s32 s11, s4;
	[smem:$0x7F7] =	sst s12;
	s12 =	simm.s32 @!p0 $0x0  }
0x1d: {  	s13 =	sadd.s32 $0x19000, s0;
	s12 =	simm.s32 @p0 $0x1;
	p0 =	slt.u32 s31, $0x2710  }
0x1e: {  	s25 =	simm.s32 $0x0;
	[smem:$0x7F8] =	sst s12;
	s12 =	simm.s32 @!p0 $0x0  }
0x1f: {  	s16 =	simm.s32 $0x7D80;
	s12 =	simm.s32 @p0 $0x1;
	p0 =	slt.u32 s17, $0x2710  }
0x20: {  	s26 =	simm.s32 $0xA600;
	s17 =	simm.s32 $0x7;
	s0 =	simm.s32 @!p0 $0x0  }
0x21: {  	[smem:$0x7F9] =	sst s12;
	s0 =	simm.s32 @p0 $0x1;
	p0 =	slt.u32 s18, $0x2710  }
0x22: {  	s12 =	sadd.s32 $0x18A00, s14;
	[smem:$0x7FA] =	sst s0;
	s0 =	simm.s32 @!p0 $0x0  }
0x23: {  	s14 =	smax.u32 s15, $0x1;
	s0 =	simm.s32 @p0 $0x1;
	p0 =	slt.u32 s19, $0x2710  }
.Ltmp0:
0x24: {  	[smem:$0x7FB] =	sst s0;
	s0 =	simm.s32 @!p0 $0x0;
	(pc) =	sbr.rel .LBB2_1-.Ltmp0, $4  }
0x25: {  	s15 =	simm.s32 $0x5580;
	s0 =	simm.s32 @p0 $0x1;
	p0 =	slt.u32 s20, $0x2710  }
0x26: {  	s18 =	simm.s32 $0x1;
	[smem:$0x7FC] =	sst s0;
	s0 =	simm.s32 @!p0 $0x0  }
0x27: {  	s19 =	simm.s32 $0x2;
	s20 =	simm.s32 $0x80;
	s0 =	simm.s32 @p0 $0x1  }
0x28: {  	v0 =	vimm.f32 $0.0e+00;
	v1 =	vimm.f32 $1.000000000e+00;
	p0 =	slt.u32 s24, $0x2710;
	s24 =	simm.s32 $0x3;
	[smem:$0x7FD] =	sst s0  }
.LBB2_6:
0x29: {  	_ =	swait.ge [sflag:s2], $0x80;
	s0 =	stileid.u32  }
0x2a: {  	s29 =	sshrl.u32 s10, $0x3;
	s25 =	sadd.s32 $0x1, s25;
	[sflag:s2] =	ssyncset.done $0x0  }
0x2b: {  	s0 =	sshll.u32 s0, $0x6;
	p2 =	sne.s32 s25, s14;
	[sflag:s2] =	ssyncadd.s32 $0xFFFFFF80  }
.Ltmp1:
0x2c: {  	s0 =	sor.u32 $0x1C07, s0;
	[bflag:$0x0] =	sbarrier.arrive $0xFFFF;
	(pc) =	sbr.rel @!p2 .LBB2_7-.Ltmp1, $4  }
0x2d: {  	[hbm:s13], [sflag:s0] =	dma.local [spmem:s29], $0x50  }
0x2e: {  	_ =	swait.ge [sflag:s17], $0x50  }
0x2f: {  	[sflag:s17] =	ssyncset.done $0x0  }
0x30: {  	[sflag:s17] =	ssyncadd.s32 $0xFFFFFFB0  }
.LBB2_1:
0x31: {  	s29 =	simm.s32 $0x580  }
0x32: {  	[tilespmem:s29], [sflag:$0x1] =	stream.linear.gather [hbm4b:s6+s5], $0x5000, $0x38;
	[tilespmem:$0xAE00] =	vst v63  }
0x33: {  	_ = 	snop  }
0x34: {  	[tilespmem:s15], [sflag:$0x2] =	stream.linear.gather [hbm4b:s7+s5], $0x2800, $0x38;
	[tilespmem:$0xAE00] =	vst v63  }
0x35: {  	_ = 	snop  }
0x36: {  	[tilespmem:s16], [sflag:$0x2] =	stream.linear.gather [hbm4b:s8+s5], $0x2800, $0x38;
	[tilespmem:$0xAE00] =	vst v63  }
0x37: {  	[tilespmem:$0x0] =	vst v0  }
0x38: {  	[tilespmem:$0x10] =	vst v0  }
0x39: {  	[tilespmem:$0x20] =	vst v0  }
0x3a: {  	[tilespmem:$0x30] =	vst v0  }
0x3b: {  	[tilespmem:$0x40] =	vst v0  }
0x3c: {  	[tilespmem:$0x50] =	vst v0  }
0x3d: {  	[tilespmem:$0x60] =	vst v0  }
0x3e: {  	[tilespmem:$0x70] =	vst v0  }
0x3f: {  	[tilespmem:$0x80] =	vst v0  }
0x40: {  	[tilespmem:$0x90] =	vst v0  }
0x41: {  	[tilespmem:$0xA0] =	vst v0  }
0x42: {  	[tilespmem:$0xB0] =	vst v0  }
0x43: {  	[tilespmem:$0xC0] =	vst v0  }
0x44: {  	[tilespmem:$0xD0] =	vst v0  }
0x45: {  	[tilespmem:$0xE0] =	vst v0  }
0x46: {  	[tilespmem:$0xF0] =	vst v0  }
0x47: {  	[tilespmem:$0x100] =	vst v0  }
0x48: {  	[tilespmem:$0x110] =	vst v0  }
0x49: {  	[tilespmem:$0x120] =	vst v0  }
0x4a: {  	[tilespmem:$0x130] =	vst v0  }
0x4b: {  	[tilespmem:$0x140] =	vst v0  }
0x4c: {  	[tilespmem:$0x150] =	vst v0  }
0x4d: {  	[tilespmem:$0x160] =	vst v0  }
0x4e: {  	[tilespmem:$0x170] =	vst v0  }
0x4f: {  	[tilespmem:$0x180] =	vst v0  }
0x50: {  	[tilespmem:$0x190] =	vst v0  }
0x51: {  	[tilespmem:$0x1A0] =	vst v0  }
0x52: {  	[tilespmem:$0x1B0] =	vst v0  }
0x53: {  	[tilespmem:$0x1C0] =	vst v0  }
0x54: {  	[tilespmem:$0x1D0] =	vst v0  }
0x55: {  	[tilespmem:$0x1E0] =	vst v0  }
0x56: {  	[tilespmem:$0x1F0] =	vst v0  }
0x57: {  	[tilespmem:$0x200] =	vst v0  }
0x58: {  	[tilespmem:$0x210] =	vst v0  }
0x59: {  	[tilespmem:$0x220] =	vst v0  }
0x5a: {  	[tilespmem:$0x230] =	vst v0  }
0x5b: {  	[tilespmem:$0x240] =	vst v0  }
0x5c: {  	[tilespmem:$0x250] =	vst v0  }
0x5d: {  	[tilespmem:$0x260] =	vst v0  }
0x5e: {  	[tilespmem:$0x270] =	vst v0  }
0x5f: {  	[tilespmem:$0x500] =	vst v1  }
0x60: {  	[tilespmem:$0x510] =	vst v1  }
0x61: {  	[tilespmem:$0x520] =	vst v1  }
0x62: {  	[tilespmem:$0x530] =	vst v1  }
0x63: {  	[tilespmem:$0x540] =	vst v1  }
0x64: {  	[tilespmem:$0x550] =	vst v1  }
0x65: {  	[tilespmem:$0x560] =	vst v1  }
0x66: {  	[tilespmem:$0x570] =	vst v1  }
0x67: {  	[spmem:s9] =	stream.linear.scatter [tilespmem:s5], [sflag:$0x7], $0x280, $0x38;
	[tilespmem:$0xAE00] =	vst v63  }
0x68: {  	_ =	swait.ge [sflag:s17], $0x280  }
0x69: {  	[sflag:s17] =	ssyncset.done $0x0  }
0x6a: {  	[sflag:s17] =	ssyncadd.s32 $0xFFFFFD80  }
0x6b: {  	[spmem:s10] =	stream.linear.scatter [tilespmem:s5], [sflag:$0x7], $0x280, $0x38;
	[tilespmem:$0xAE00] =	vst v63  }
0x6c: {  	_ =	swait.ge [sflag:s17], $0x280  }
0x6d: {  	[sflag:s17] =	ssyncset.done $0x0  }
0x6e: {  	[sflag:s17] =	ssyncadd.s32 $0xFFFFFD80  }
0x6f: {  	_ =	swait.ge [sflag:s18], $0x5000  }
0x70: {  	[sflag:s18] =	ssyncset.done $0x0  }
0x71: {  	[sflag:s18] =	ssyncadd.s32 $0xFFFFB000  }
0x72: {  	_ =	swait.ge [sflag:s19], $0x2800  }
0x73: {  	[sflag:s19] =	ssyncset.done $0x0  }
0x74: {  	[sflag:s19] =	ssyncadd.s32 $0xFFFFD800  }
0x75: {  	_ =	swait.ge [sflag:s19], $0x2800  }
0x76: {  	[sflag:s19] =	ssyncset.done $0x0  }
0x77: {  	p2 =	por $0x1, $0x1;
	[sflag:s19] =	ssyncadd.s32 $0xFFFFD800  }
0x78: {  	s0 =	simm.s32 @!p2 $0x1;
	[bflag:$0x0] =	sbarrier.arrive $0xFFFF  }
0x79: {  	[spmem:s1] =	stream.indirect.scatter.add.f32 [tilespmem:s21], [sflag:$0x1], $0x1, s29, s20, $0xb8;
	[tilespmem:$0xAE00] =	vst v63  }
0x7a: {  	_ =	swait.ge @!p2 [sflag:s0], $0x80  }
0x7b: {  	s31 =	simm.s32 $0x1;
	[sflag:s0] =	ssyncset.done @!p2 $0x0  }
.LBB2_2:
0x7c: {  	[sflag:s0] =	ssyncadd.s32 @!p2 $0xFFFFFF80  }
0x7d: {  	s29 =	sadd.s32 $0x80, s29;
	s0 =	smov.u32 s31;
	s31 =	sadd.s32 $0x1, s31  }
0x7e: {  	p3 =	sne.s32 s31, $0xA0  }
0x7f: {  	[spmem:s1] =	stream.indirect.scatter.add.f32 [tilespmem:s21], [sflag:$0x1], $0x1, s29, s20, $0xb8;
	[tilespmem:$0xAE00] =	vst v63  }
.Ltmp2:
0x80: {  	_ = 	snop;
	(pc) =	sbr.rel @p3 .LBB2_2-.Ltmp2, $4  }
0x81: {  	p2 =	slt.u32 s0, $0x8  }
0x82: {  	s0 =	simm.s32 @!p2 $0x1  }
0x83: {  	_ =	swait.ge @!p2 [sflag:s0], $0x80  }
0x84: {  	[sflag:s0] =	ssyncset.done @!p2 $0x0  }
0x85: {  	[sflag:s0] =	ssyncadd.s32 @!p2 $0xFFFFFF80  }
0x86: {  	_ =	swait.ge [sflag:s18], $0x80  }
0x87: {  	[sflag:s18] =	ssyncset.done $0x0  }
0x88: {  	[sflag:s18] =	ssyncadd.s32 $0xFFFFFF80  }
0x89: {  	_ =	swait.ge [sflag:s18], $0x80  }
0x8a: {  	[sflag:s18] =	ssyncset.done $0x0  }
0x8b: {  	[sflag:s18] =	ssyncadd.s32 $0xFFFFFF80  }
0x8c: {  	_ =	swait.ge [sflag:s18], $0x80  }
0x8d: {  	[sflag:s18] =	ssyncset.done $0x0  }
0x8e: {  	[sflag:s18] =	ssyncadd.s32 $0xFFFFFF80  }
0x8f: {  	_ =	swait.ge [sflag:s18], $0x80  }
0x90: {  	[sflag:s18] =	ssyncset.done $0x0  }
0x91: {  	[sflag:s18] =	ssyncadd.s32 $0xFFFFFF80  }
0x92: {  	_ =	swait.ge [sflag:s18], $0x80  }
0x93: {  	[sflag:s18] =	ssyncset.done $0x0  }
0x94: {  	[sflag:s18] =	ssyncadd.s32 $0xFFFFFF80  }
0x95: {  	_ =	swait.ge [sflag:s18], $0x80  }
0x96: {  	[sflag:s18] =	ssyncset.done $0x0  }
0x97: {  	[sflag:s18] =	ssyncadd.s32 $0xFFFFFF80  }
0x98: {  	_ =	swait.ge [sflag:s18], $0x80  }
0x99: {  	[sflag:s18] =	ssyncset.done $0x0  }
0x9a: {  	[sflag:s18] =	ssyncadd.s32 $0xFFFFFF80  }
0x9b: {  	_ =	swait.ge [sflag:s18], $0x80  }
0x9c: {  	[sflag:s18] =	ssyncset.done $0x0  }
0x9d: {  	[sflag:s18] =	ssyncadd.s32 $0xFFFFFF80  }
0x9e: {  	[bflag:$0x0] =	sbarrier.arrive $0xFFFF  }
0x9f: {  	[tilespmem:s22], [sflag:$0x7] =	stream.linear.gather [spmem:s9], $0x280, $0x38;
	[tilespmem:$0xAE00] =	vst v63  }
0xa0: {  	_ =	swait.ge [sflag:s17], $0x280  }
0xa1: {  	[sflag:s17] =	ssyncset.done $0x0  }
0xa2: {  	[sflag:s17] =	ssyncadd.s32 $0xFFFFFD80  }
0xa3: {  	v2 =	vld [tilespmem:$0x280]  }
0xa4: {  	v3 =	vld [tilespmem:$0x290]  }
0xa5: {  	v6 =	vld [tilespmem:$0x2A0]  }
0xa6: {  	v11 =	vld [tilespmem:$0x2B0]  }
0xa7: {  	v12 =	vld [tilespmem:$0x2C0]  }
0xa8: {  	v26 =	vld [tilespmem:$0x2D0]  }
0xa9: {  	v29 =	vld [tilespmem:$0x2E0]  }
0xaa: {  	v2 =	vadd.f32 $1.000000000e+00, v2  }
0xab: {  	v3 =	vadd.f32 $1.000000000e+00, v3  }
0xac: {  	v6 =	vadd.f32 $1.000000000e+00, v6;
	v4 =	vshrl.u32 v2, $0x1;
	v2 =	vmul.f32 $5.000000000e-01, v2  }
0xad: {  	v21 =	vadd.f32 $1.000000000e+00, v11;
	v32 =	vadd.f32 $1.000000000e+00, v26;
	v4 =	vsub.s32 $0x5F3759DF, v4  }
0xae: {  	v37 =	vld [tilespmem:$0x2F0];
	v28 =	vadd.f32 $1.000000000e+00, v12;
	v12 =	vadd.f32 $1.000000000e+00, v29;
	v5 =	vmul.f32 v4, v2  }
0xaf: {  	v7 =	vshrl.u32 v3, $0x1;
	v15 =	vshrl.u32 v32, $0x1;
	v11 =	vmul.f32 $5.000000000e-01, v32  }
0xb0: {  	v3 =	vmul.f32 $5.000000000e-01, v3;
	v15 =	vsub.s32 $0x5F3759DF, v15;
	v5 =	vmul.f32 v4, v5  }
0xb1: {  	v18 =	vshrl.u32 v6, $0x1;
	v7 =	vsub.s32 $0x5F3759DF, v7;
	v16 =	vmul.f32 v15, v11  }
0xb2: {  	v6 =	vmul.f32 $5.000000000e-01, v6;
	v8 =	vmul.f32 v7, v3;
	v5 =	vsub.f32 $1.500000000e+00, v5  }
0xb3: {  	v43 =	vadd.f32 $1.000000000e+00, v37;
	v31 =	vmul.f32 $5.000000000e-01, v28;
	v16 =	vmul.f32 v15, v16  }
0xb4: {  	v17 =	vmul.f32 v7, v8;
	v8 =	vsub.s32 $0x5F3759DF, v18;
	v4 =	vmul.f32 v4, v5  }
0xb5: {  	v46 =	vshrl.u32 v43, $0x1;
	v10 =	vmul.f32 v8, v6;
	v35 =	vsub.f32 $1.500000000e+00, v16  }
0xb6: {  	v16 =	vmul.f32 $5.000000000e-01, v43;
	v5 =	vsub.f32 $1.500000000e+00, v17;
	v9 =	vmul.f32 v4, v2  }
0xb7: {  	v19 =	vmul.f32 v8, v10;
	v17 =	vshrl.u32 v12, $0x1;
	v12 =	vmul.f32 $5.000000000e-01, v12  }
0xb8: {  	v17 =	vsub.s32 $0x5F3759DF, v17;
	v5 =	vmul.f32 v7, v5;
	v9 =	vmul.f32 v9, v4  }
0xb9: {  	v49 =	vsub.s32 $0x5F3759DF, v46;
	v7 =	vsub.f32 $1.500000000e+00, v19;
	v18 =	vmul.f32 v17, v12  }
0xba: {  	v52 =	vld [tilespmem:$0x310];
	v50 =	vmul.f32 v49, v16;
	v20 =	vmul.f32 v5, v3;
	v9 =	vsub.f32 $1.500000000e+00, v9  }
0xbb: {  	v7 =	vmul.f32 v8, v7;
	v36 =	vmul.f32 v17, v18  }
0xbc: {  	v22 =	vshrl.u32 v21, $0x1;
	v4 =	vmul.f32 v9, v4;
	v9 =	vmul.f32 $5.000000000e-01, v21  }
0xbd: {  	v8 =	vsub.s32 $0x5F3759DF, v22;
	v10 =	vmul.f32 v20, v5;
	v23 =	vmul.f32 v7, v6  }
0xbe: {  	v2 =	vmul.f32 v4, v2;
	v13 =	vmul.f32 v8, v9  }
0xbf: {  	v18 =	vadd.f32 $1.000000000e+00, v52;
	v10 =	vsub.f32 $1.500000000e+00, v10;
	v24 =	vmul.f32 v23, v7  }
0xc0: {  	v39 =	vsub.f32 $1.500000000e+00, v36;
	v2 =	vmul.f32 v2, v4;
	v25 =	vmul.f32 v8, v13  }
0xc1: {  	v19 =	vshrl.u32 v18, $0x1;
	v5 =	vmul.f32 v10, v5;
	v10 =	vsub.f32 $1.500000000e+00, v24  }
0xc2: {  	v18 =	vmul.f32 $5.000000000e-01, v18;
	v2 =	vsub.f32 $1.500000000e+00, v2;
	v27 =	vsub.f32 $1.500000000e+00, v25  }
0xc3: {  	v30 =	vshrl.u32 v28, $0x1;
	v17 =	vmul.f32 v17, v39;
	v7 =	vmul.f32 v10, v7  }
0xc4: {  	v19 =	vsub.s32 $0x5F3759DF, v19;
	v2 =	vmul.f32 v2, v4;
	v4 =	vmul.f32 v8, v27  }
0xc5: {  	v59 =	vmul.f32 v19, v18;
	v6 =	vmul.f32 v7, v6;
	v8 =	vsub.s32 $0x5F3759DF, v30  }
0xc6: {  	v14 =	vmul.f32 v8, v31;
	v33 =	vmul.f32 v4, v9  }
0xc7: {  	v34 =	vmul.f32 v6, v7;
	v6 =	vmul.f32 v15, v35  }
0xc8: {  	v14 =	vmul.f32 v8, v14;
	v13 =	vmul.f32 v33, v4  }
0xc9: {  	v45 =	vmul.f32 v17, v12;
	v15 =	vmul.f32 v6, v11  }
0xca: {  	v3 =	vmul.f32 v5, v3;
	v14 =	vsub.f32 $1.500000000e+00, v14;
	v13 =	vsub.f32 $1.500000000e+00, v13  }
0xcb: {  	v48 =	vmul.f32 v45, v17;
	v44 =	vmul.f32 v15, v6  }
0xcc: {  	v41 =	vld [tilespmem:$0x300];
	v8 =	vmul.f32 v8, v14;
	v13 =	vmul.f32 v13, v4  }
0xcd: {  	v3 =	vmul.f32 v3, v5;
	v47 =	vsub.f32 $1.500000000e+00, v44;
	v4 =	vsub.f32 $1.500000000e+00, v34  }
0xce: {  	v38 =	vmul.f32 v8, v31;
	v9 =	vmul.f32 v13, v9  }
0xcf: {  	v53 =	vsub.f32 $1.500000000e+00, v48;
	v4 =	vmul.f32 v4, v7;
	v7 =	vmul.f32 v47, v6  }
0xd0: {  	v3 =	vsub.f32 $1.500000000e+00, v3;
	v40 =	vmul.f32 v38, v8;
	v9 =	vmul.f32 v9, v13  }
0xd1: {  	v51 =	vadd.f32 $1.000000000e+00, v41;
	v17 =	vmul.f32 v53, v17;
	v11 =	vmul.f32 v7, v11  }
0xd2: {  	v3 =	vmul.f32 v3, v5;
	v42 =	vsub.f32 $1.500000000e+00, v40;
	v9 =	vsub.f32 $1.500000000e+00, v9  }
0xd3: {  	v61 =	vld [tilespmem:$0x330];
	v12 =	vmul.f32 v17, v12;
	v11 =	vmul.f32 v11, v7  }
0xd4: {  	v57 =	vld [tilespmem:$0x320];
	v54 =	vshrl.u32 v51, $0x1;
	v8 =	vmul.f32 v42, v8;
	v5 =	vmul.f32 v9, v13  }
0xd5: {  	v14 =	vsub.s32 $0x5F3759DF, v54;
	v9 =	vmul.f32 v49, v50;
	v13 =	vmul.f32 $5.000000000e-01, v51  }
0xd6: {  	v58 =	vsub.f32 $1.500000000e+00, v11;
	v11 =	vmul.f32 v19, v59;
	v10 =	vmul.f32 v8, v31  }
0xd7: {  	v12 =	vmul.f32 v12, v17;
	v9 =	vsub.f32 $1.500000000e+00, v9;
	v56 =	vmul.f32 v14, v13  }
0xd8: {  	v15 =	vadd.f32 $1.000000000e+00, v61;
	v11 =	vsub.f32 $1.500000000e+00, v11;
	v55 =	vmul.f32 v10, v8  }
0xd9: {  	v60 =	vadd.f32 $1.000000000e+00, v57;
	v9 =	vmul.f32 v49, v9;
	v10 =	vmul.f32 v14, v56  }
0xda: {  	v29 =	vshrl.u32 v15, $0x1;
	v11 =	vmul.f32 v19, v11;
	v6 =	vsub.f32 $1.500000000e+00, v55  }
0xdb: {  	v15 =	vmul.f32 $5.000000000e-01, v15;
	v20 =	vmul.f32 v9, v16;
	v10 =	vsub.f32 $1.500000000e+00, v10  }
0xdc: {  	v28 =	vld [tilespmem:$0x340];
	v24 =	vshrl.u32 v60, $0x1;
	v21 =	vmul.f32 v11, v18;
	v6 =	vmul.f32 v6, v8  }
0xdd: {  	v23 =	vld [tilespmem:$0x350];
	v26 =	vsub.s32 $0x5F3759DF, v24;
	v20 =	vmul.f32 v20, v9;
	v10 =	vmul.f32 v14, v10  }
0xde: {  	v12 =	vsub.f32 $1.500000000e+00, v12;
	v14 =	vmul.f32 $5.000000000e-01, v60;
	v21 =	vmul.f32 v21, v11  }
0xdf: {  	v8 =	vmul.f32 v58, v7;
	v62 =	vsub.f32 $1.500000000e+00, v20;
	v63 =	vmul.f32 v10, v13  }
0xe0: {  	v7 =	vmul.f32 v12, v17;
	v27 =	vmul.f32 v26, v14;
	v21 =	vsub.f32 $1.500000000e+00, v21  }
0xe1: {  	v20 =	vadd.f32 $1.000000000e+00, v28;
	v9 =	vmul.f32 v62, v9;
	v25 =	vmul.f32 v63, v10  }
0xe2: {  	v35 =	vadd.f32 $1.000000000e+00, v23;
	v19 =	vmul.f32 v26, v27;
	v11 =	vmul.f32 v21, v11;
	v27 =	vld [tilespmem:$0x3A0]  }
0xe3: {  	v31 =	vshrl.u32 v20, $0x1;
	v16 =	vmul.f32 v9, v16;
	v12 =	vsub.f32 $1.500000000e+00, v25  }
0xe4: {  	v20 =	vmul.f32 $5.000000000e-01, v20;
	v19 =	vsub.f32 $1.500000000e+00, v19;
	v18 =	vmul.f32 v11, v18  }
0xe5: {  	v10 =	vmul.f32 v12, v10;
	v12 =	vsub.s32 $0x5F3759DF, v29;
	v16 =	vmul.f32 v16, v9  }
0xe6: {  	v37 =	vshrl.u32 v35, $0x1;
	v54 =	vld [tilespmem:$0x390];
	v17 =	vmul.f32 v26, v19;
	v22 =	vmul.f32 v12, v15  }
0xe7: {  	v18 =	vmul.f32 v18, v11;
	v26 =	vld [tilespmem:$0x380];
	v27 =	vadd.f32 $1.000000000e+00, v27;
	v13 =	vmul.f32 v10, v13  }
0xe8: {  	v32 =	vmul.f32 v17, v14;
	v16 =	vsub.f32 $1.500000000e+00, v16;
	v30 =	vmul.f32 v12, v22  }
0xe9: {  	v22 =	vsub.s32 $0x5F3759DF, v31;
	v63 =	vshrl.u32 v27, $0x1;
	v27 =	vmul.f32 $5.000000000e-01, v27  }
0xea: {  	v18 =	vsub.f32 $1.500000000e+00, v18;
	v13 =	vmul.f32 v13, v10;
	v24 =	vmul.f32 v22, v20  }
0xeb: {  	v21 =	vmul.f32 v32, v17;
	v9 =	vmul.f32 v16, v9;
	v19 =	vsub.f32 $1.500000000e+00, v30  }
0xec: {  	v11 =	vmul.f32 v18, v11;
	v53 =	vadd.f32 $1.000000000e+00, v26;
	v26 =	vadd.f32 $1.000000000e+00, v54  }
0xed: {  	v33 =	vmul.f32 v22, v24;
	v34 =	vsub.f32 $1.500000000e+00, v21;
	v21 =	vmul.f32 $5.000000000e-01, v35  }
0xee: {  	v38 =	vld [tilespmem:$0x360];
	v13 =	vsub.f32 $1.500000000e+00, v13;
	v12 =	vmul.f32 v12, v19;
	v56 =	vmul.f32 $5.000000000e-01, v53  }
0xef: {  	v31 =	vld [tilespmem:$0x3B0];
	v60 =	vshrl.u32 v26, $0x1;
	v26 =	vmul.f32 $5.000000000e-01, v26;
	v19 =	vsub.f32 $1.500000000e+00, v33  }
0xf0: {  	v16 =	vmul.f32 v34, v17;
	v17 =	vsub.s32 $0x5F3759DF, v37;
	v10 =	vmul.f32 v13, v10  }
0xf1: {  	v36 =	vmul.f32 v12, v15;
	v39 =	vmul.f32 v17, v21  }
0xf2: {  	v44 =	vld [tilespmem:$0x370];
	v19 =	vmul.f32 v22, v19;
	v14 =	vmul.f32 v16, v14  }
0xf3: {  	v22 =	vadd.f32 $1.000000000e+00, v38;
	v23 =	vmul.f32 v36, v12;
	v24 =	vmul.f32 v17, v39  }
0xf4: {  	v36 =	vadd.f32 $1.000000000e+00, v31;
	v41 =	vmul.f32 v19, v20;
	v14 =	vmul.f32 v14, v16  }
0xf5: {  	v45 =	vshrl.u32 v22, $0x1;
	v22 =	vmul.f32 $5.000000000e-01, v22;
	v40 =	vsub.f32 $1.500000000e+00, v23  }
0xf6: {  	v43 =	vsub.f32 $1.500000000e+00, v24;
	v18 =	vsub.s32 $0x5F3759DF, v45;
	v42 =	vmul.f32 v41, v19  }
0xf7: {  	v48 =	vadd.f32 $1.000000000e+00, v44;
	v25 =	vmul.f32 v18, v22;
	v13 =	vmul.f32 v40, v12  }
0xf8: {  	v38 =	vmul.f32 $5.000000000e-01, v36;
	v17 =	vmul.f32 v17, v43;
	v12 =	vsub.f32 $1.500000000e+00, v42  }
0xf9: {  	v14 =	vsub.f32 $1.500000000e+00, v14;
	v50 =	vmul.f32 v18, v25;
	v15 =	vmul.f32 v13, v15  }
0xfa: {  	v46 =	vmul.f32 v17, v21;
	v19 =	vmul.f32 v12, v19  }
0xfb: {  	v12 =	vmul.f32 v14, v16;
	v16 =	vmul.f32 $5.000000000e-01, v48;
	v23 =	vsub.f32 $1.500000000e+00, v50  }
0xfc: {  	v51 =	vshrl.u32 v48, $0x1;
	v15 =	vmul.f32 v15, v13;
	v49 =	vmul.f32 v46, v17  }
0xfd: {  	v24 =	vsub.s32 $0x5F3759DF, v51;
	v47 =	vmul.f32 v19, v20;
	v18 =	vmul.f32 v18, v23  }
0xfe: {  	v52 =	vmul.f32 v24, v16;
	v15 =	vsub.f32 $1.500000000e+00, v15;
	v20 =	vsub.f32 $1.500000000e+00, v49  }
0xff: {  	v55 =	vshrl.u32 v53, $0x1;
	v14 =	vmul.f32 v47, v19;
	v57 =	vmul.f32 v18, v22  }
0x100: {  	v13 =	vmul.f32 v15, v13;
	v17 =	vmul.f32 v20, v17;
	v20 =	vsub.s32 $0x5F3759DF, v55  }
0x101: {  	v15 =	vmul.f32 v24, v52;
	v14 =	vsub.f32 $1.500000000e+00, v14;
	v58 =	vmul.f32 v20, v56  }
0x102: {  	v25 =	vmul.f32 v57, v18;
	v21 =	vmul.f32 v17, v21  }
0x103: {  	v15 =	vsub.f32 $1.500000000e+00, v15;
	v14 =	vmul.f32 v14, v19;
	v19 =	vmul.f32 v20, v58  }
0x104: {  	v41 =	vld [tilespmem:$0x3C0];
	v59 =	vsub.f32 $1.500000000e+00, v25;
	v25 =	vsub.s32 $0x5F3759DF, v60;
	v21 =	vmul.f32 v21, v17  }
0x105: {  	v15 =	vmul.f32 v24, v15;
	v61 =	vmul.f32 v25, v26  }
0x106: {  	v24 =	vsub.s32 $0x5F3759DF, v63;
	v19 =	vsub.f32 $1.500000000e+00, v19;
	v18 =	vmul.f32 v59, v18  }
0x107: {  	v30 =	vmul.f32 v24, v27;
	v28 =	vmul.f32 v15, v16  }
0x108: {  	v37 =	vshrl.u32 v36, $0x1;
	v62 =	vmul.f32 v25, v61;
	v19 =	vmul.f32 v20, v19  }
0x109: {  	v46 =	vadd.f32 $1.000000000e+00, v41;
	v22 =	vmul.f32 v18, v22;
	v28 =	vmul.f32 v28, v15  }
0x10a: {  	v32 =	vmul.f32 v24, v30;
	v20 =	vsub.f32 $1.500000000e+00, v62;
	v29 =	vmul.f32 v19, v56  }
0x10b: {  	v21 =	vsub.f32 $1.500000000e+00, v21;
	v34 =	vmul.f32 v22, v18;
	v28 =	vsub.f32 $1.500000000e+00, v28  }
0x10c: {  	v20 =	vmul.f32 v25, v20;
	v25 =	vsub.f32 $1.500000000e+00, v32;
	v29 =	vmul.f32 v29, v19  }
0x10d: {  	v41 =	vld [tilespmem:$0x400];
	v49 =	vshrl.u32 v46, $0x1;
	v28 =	vmul.f32 v28, v15;
	v15 =	vmul.f32 v21, v17  }
0x10e: {  	v35 =	vmul.f32 v20, v26;
	v24 =	vmul.f32 v24, v25;
	v25 =	vsub.s32 $0x5F3759DF, v37  }
0x10f: {  	v32 =	vld [tilespmem:$0x3D0];
	v21 =	vsub.f32 $1.500000000e+00, v34;
	v42 =	vmul.f32 v25, v38;
	v16 =	vmul.f32 v28, v16  }
0x110: {  	v33 =	vsub.f32 $1.500000000e+00, v29;
	v22 =	vmul.f32 v35, v20;
	v40 =	vmul.f32 v24, v27  }
0x111: {  	v51 =	vsub.s32 $0x5F3759DF, v49;
	v17 =	vmul.f32 v21, v18;
	v21 =	vmul.f32 $5.000000000e-01, v46  }
0x112: {  	v46 =	vadd.f32 $1.000000000e+00, v41;
	v19 =	vmul.f32 v33, v19;
	v44 =	vmul.f32 v25, v42  }
0x113: {  	v16 =	vmul.f32 v16, v28;
	v39 =	vsub.f32 $1.500000000e+00, v22;
	v22 =	vmul.f32 v40, v24  }
0x114: {  	v48 =	vadd.f32 $1.000000000e+00, v32;
	v54 =	vmul.f32 v51, v21;
	v23 =	vmul.f32 v19, v56  }
0x115: {  	v45 =	vsub.f32 $1.500000000e+00, v44;
	v16 =	vsub.f32 $1.500000000e+00, v16;
	v20 =	vmul.f32 v39, v20  }
0x116: {  	v50 =	vld [tilespmem:$0x3E0];
	v22 =	vsub.f32 $1.500000000e+00, v22;
	v31 =	vmul.f32 v51, v54;
	v23 =	vmul.f32 v23, v19  }
0x117: {  	v60 =	vld [tilespmem:$0x3F0];
	v52 =	vshrl.u32 v48, $0x1;
	v25 =	vmul.f32 v25, v45;
	v18 =	vmul.f32 v16, v28  }
0x118: {  	v55 =	vsub.s32 $0x5F3759DF, v52;
	v26 =	vmul.f32 v20, v26;
	v22 =	vmul.f32 v22, v24  }
0x119: {  	v24 =	vmul.f32 $5.000000000e-01, v48;
	v31 =	vsub.f32 $1.500000000e+00, v31;
	v53 =	vmul.f32 v25, v38  }
0x11a: {  	v43 =	vsub.f32 $1.500000000e+00, v23;
	v47 =	vmul.f32 v26, v20;
	v57 =	vmul.f32 v22, v27  }
0x11b: {  	v58 =	vmul.f32 v55, v24;
	v26 =	vadd.f32 $1.000000000e+00, v50;
	v28 =	vmul.f32 v51, v31  }
0x11c: {  	v27 =	vadd.f32 $1.000000000e+00, v60;
	v16 =	vmul.f32 v43, v19;
	v30 =	vmul.f32 v53, v25  }
0x11d: {  	v56 =	vsub.f32 $1.500000000e+00, v47;
	v59 =	vmul.f32 v55, v58;
	v23 =	vmul.f32 v57, v22  }
0x11e: {  	v52 =	vld [tilespmem:$0x420];
	v33 =	vshrl.u32 v26, $0x1;
	v26 =	vmul.f32 $5.000000000e-01, v26;
	v36 =	vmul.f32 v28, v21  }
0x11f: {  	v34 =	vshrl.u32 v27, $0x1;
	v27 =	vmul.f32 $5.000000000e-01, v27;
	v30 =	vsub.f32 $1.500000000e+00, v30  }
0x120: {  	v61 =	vsub.s32 $0x5F3759DF, v33;
	v19 =	vmul.f32 v56, v20;
	v20 =	vsub.f32 $1.500000000e+00, v59  }
0x121: {  	v45 =	vld [tilespmem:$0x410];
	v34 =	vsub.s32 $0x5F3759DF, v34;
	v63 =	vmul.f32 v61, v26;
	v32 =	vmul.f32 v36, v28  }
0x122: {  	v23 =	vsub.f32 $1.500000000e+00, v23;
	v56 =	vld [tilespmem:$0x430];
	v25 =	vmul.f32 v30, v25;
	v62 =	vmul.f32 v55, v20  }
0x123: {  	v39 =	vmul.f32 v34, v27;
	v20 =	vmul.f32 v61, v63;
	v55 =	vadd.f32 $1.000000000e+00, v52  }
0x124: {  	v29 =	vmul.f32 v25, v38;
	v38 =	vsub.f32 $1.500000000e+00, v32;
	v37 =	vmul.f32 v62, v24  }
0x125: {  	v35 =	vsub.f32 $1.500000000e+00, v20;
	v20 =	vmul.f32 v23, v22;
	v23 =	vmul.f32 v34, v39  }
0x126: {  	v51 =	vadd.f32 $1.000000000e+00, v45;
	v29 =	vmul.f32 v29, v25;
	v22 =	vmul.f32 v38, v28  }
0x127: {  	v28 =	vmul.f32 $5.000000000e-01, v55;
	v60 =	vadd.f32 $1.000000000e+00, v56;
	v30 =	vmul.f32 v61, v35  }
0x128: {  	v33 =	vmul.f32 v37, v62;
	v23 =	vsub.f32 $1.500000000e+00, v23;
	v44 =	vmul.f32 v22, v21  }
0x129: {  	v29 =	vsub.f32 $1.500000000e+00, v29;
	v39 =	vmul.f32 $5.000000000e-01, v60;
	v43 =	vmul.f32 v30, v26  }
0x12a: {  	v40 =	vsub.f32 $1.500000000e+00, v33;
	v23 =	vmul.f32 v34, v23;
	v34 =	vmul.f32 $5.000000000e-01, v46  }
0x12b: {  	v33 =	vshrl.u32 v46, $0x1;
	v21 =	vmul.f32 v29, v25;
	v47 =	vmul.f32 v44, v22  }
0x12c: {  	v50 =	vsub.s32 $0x5F3759DF, v33;
	v44 =	vshrl.u32 v60, $0x1;
	v42 =	vmul.f32 v40, v62  }
0x12d: {  	v31 =	vmul.f32 v43, v30;
	v48 =	vmul.f32 v23, v27;
	v40 =	vsub.s32 $0x5F3759DF, v44  }
0x12e: {  	v33 =	vmul.f32 v50, v34;
	v29 =	vsub.f32 $1.500000000e+00, v47;
	v46 =	vmul.f32 v40, v39  }
0x12f: {  	v24 =	vmul.f32 v42, v24;
	v31 =	vsub.f32 $1.500000000e+00, v31;
	v32 =	vmul.f32 v48, v23  }
0x130: {  	v36 =	vshrl.u32 v51, $0x1;
	v33 =	vmul.f32 v50, v33;
	v22 =	vmul.f32 v29, v22  }
0x131: {  	v36 =	vsub.s32 $0x5F3759DF, v36;
	v49 =	vmul.f32 v31, v30;
	v31 =	vmul.f32 $5.000000000e-01, v51  }
0x132: {  	v38 =	vld [tilespmem:$0x440];
	v24 =	vmul.f32 v24, v42;
	v32 =	vsub.f32 $1.500000000e+00, v32;
	v33 =	vsub.f32 $1.500000000e+00, v33  }
0x133: {  	v57 =	vshrl.u32 v55, $0x1;
	v26 =	vmul.f32 v49, v26;
	v53 =	vmul.f32 v36, v31  }
0x134: {  	v32 =	vmul.f32 v32, v23;
	v30 =	vmul.f32 v50, v33;
	v33 =	vsub.s32 $0x5F3759DF, v57  }
0x135: {  	v37 =	vmul.f32 v33, v28;
	v26 =	vmul.f32 v26, v49  }
0x136: {  	v24 =	vsub.f32 $1.500000000e+00, v24;
	v54 =	vmul.f32 v36, v53;
	v27 =	vmul.f32 v32, v27  }
0x137: {  	v45 =	vld [tilespmem:$0x450];
	v47 =	vadd.f32 $1.000000000e+00, v38;
	v58 =	vmul.f32 v30, v34;
	v62 =	vmul.f32 v33, v37  }
0x138: {  	v23 =	vmul.f32 v24, v42;
	v24 =	vsub.f32 $1.500000000e+00, v54;
	v27 =	vmul.f32 v27, v32  }
0x139: {  	v26 =	vsub.f32 $1.500000000e+00, v26;
	v59 =	vmul.f32 v58, v30;
	v35 =	vsub.f32 $1.500000000e+00, v62  }
0x13a: {  	v48 =	vshrl.u32 v47, $0x1;
	v36 =	vmul.f32 v36, v24;
	v27 =	vsub.f32 $1.500000000e+00, v27  }
0x13b: {  	v24 =	vmul.f32 v26, v49;
	v63 =	vsub.f32 $1.500000000e+00, v59;
	v33 =	vmul.f32 v33, v35  }
0x13c: {  	v26 =	vadd.f32 $1.000000000e+00, v45;
	v61 =	vmul.f32 v36, v31;
	v25 =	vmul.f32 v27, v32  }
0x13d: {  	v35 =	vsub.s32 $0x5F3759DF, v48;
	v30 =	vmul.f32 v63, v30;
	v27 =	vmul.f32 v40, v46  }
0x13e: {  	v32 =	vmul.f32 $5.000000000e-01, v47;
	v51 =	vshrl.u32 v26, $0x1;
	v41 =	vmul.f32 $5.000000000e-01, v26  }
0x13f: {  	v46 =	vld [tilespmem:$0x470];
	v49 =	vmul.f32 v33, v28;
	v54 =	vsub.s32 $0x5F3759DF, v51;
	v29 =	vmul.f32 v61, v36  }
0x140: {  	v27 =	vsub.f32 $1.500000000e+00, v27;
	v50 =	vmul.f32 v35, v32;
	v34 =	vmul.f32 v30, v34  }
0x141: {  	v51 =	vld [tilespmem:$0x490];
	v38 =	vmul.f32 v54, v41;
	v37 =	vmul.f32 v49, v33  }
0x142: {  	v29 =	vsub.f32 $1.500000000e+00, v29;
	v52 =	vmul.f32 v40, v27;
	v53 =	vmul.f32 v35, v50  }
0x143: {  	v55 =	vmul.f32 v54, v38;
	v57 =	vmul.f32 v34, v30;
	v37 =	vsub.f32 $1.500000000e+00, v37  }
0x144: {  	v50 =	vadd.f32 $1.000000000e+00, v46;
	v29 =	vmul.f32 v29, v36;
	v40 =	vmul.f32 v52, v39  }
0x145: {  	v61 =	vld [tilespmem:$0x460];
	v27 =	vsub.f32 $1.500000000e+00, v53;
	v58 =	vsub.f32 $1.500000000e+00, v55;
	v33 =	vmul.f32 v37, v33  }
0x146: {  	v55 =	vadd.f32 $1.000000000e+00, v51;
	v36 =	vmul.f32 $5.000000000e-01, v50;
	v31 =	vmul.f32 v29, v31  }
0x147: {  	v53 =	vshrl.u32 v50, $0x1;
	v56 =	vmul.f32 v40, v52;
	v35 =	vmul.f32 v35, v27  }
0x148: {  	v34 =	vmul.f32 v54, v58;
	v40 =	vsub.s32 $0x5F3759DF, v53;
	v46 =	vmul.f32 $5.000000000e-01, v55  }
0x149: {  	v27 =	vsub.f32 $1.500000000e+00, v57;
	v28 =	vmul.f32 v33, v28;
	v54 =	vmul.f32 v40, v36  }
0x14a: {  	v45 =	vadd.f32 $1.000000000e+00, v61;
	v31 =	vmul.f32 v31, v29;
	v60 =	vmul.f32 v35, v32  }
0x14b: {  	v59 =	vsub.f32 $1.500000000e+00, v56;
	v26 =	vmul.f32 v27, v30;
	v42 =	vmul.f32 v34, v41  }
0x14c: {  	v48 =	vld [tilespmem:$0x480];
	v47 =	vshrl.u32 v45, $0x1;
	v28 =	vmul.f32 v28, v33;
	v56 =	vmul.f32 v40, v54  }
0x14d: {  	v31 =	vsub.f32 $1.500000000e+00, v31;
	v62 =	vmul.f32 v59, v52;
	v63 =	vmul.f32 v60, v35  }
0x14e: {  	v30 =	vmul.f32 v42, v34;
	v38 =	vsub.f32 $1.500000000e+00, v28;
	v37 =	vsub.f32 $1.500000000e+00, v56  }
0x14f: {  	v28 =	vmul.f32 v31, v29;
	v43 =	vmul.f32 v62, v39;
	v44 =	vsub.f32 $1.500000000e+00, v63  }
0x150: {  	v30 =	vsub.f32 $1.500000000e+00, v30;
	v27 =	vmul.f32 v38, v33;
	v33 =	vmul.f32 $5.000000000e-01, v45  }
0x151: {  	v38 =	vadd.f32 $1.000000000e+00, v48;
	v45 =	vshrl.u32 v55, $0x1;
	v37 =	vmul.f32 v40, v37  }
0x152: {  	v29 =	vmul.f32 v43, v62;
	v31 =	vmul.f32 v44, v35;
	v35 =	vsub.s32 $0x5F3759DF, v47  }
0x153: {  	v34 =	vmul.f32 v30, v34;
	v45 =	vsub.s32 $0x5F3759DF, v45;
	v49 =	vmul.f32 v35, v33  }
0x154: {  	v43 =	vld [tilespmem:$0x4A0];
	v42 =	vshrl.u32 v38, $0x1;
	v38 =	vmul.f32 $5.000000000e-01, v38;
	v59 =	vmul.f32 v45, v46  }
0x155: {  	v48 =	vmul.f32 v37, v36;
	v29 =	vsub.f32 $1.500000000e+00, v29;
	v32 =	vmul.f32 v31, v32  }
0x156: {  	v52 =	vmul.f32 v34, v41;
	v42 =	vsub.s32 $0x5F3759DF, v42;
	v30 =	vmul.f32 v35, v49  }
0x157: {  	v63 =	vld [tilespmem:$0x4B0];
	v57 =	vmul.f32 v42, v38;
	v32 =	vmul.f32 v32, v31  }
0x158: {  	v29 =	vmul.f32 v29, v62;
	v39 =	vmul.f32 v52, v34;
	v30 =	vsub.f32 $1.500000000e+00, v30  }
0x159: {  	v41 =	vmul.f32 v42, v57;
	v62 =	vadd.f32 $1.000000000e+00, v43;
	v32 =	vsub.f32 $1.500000000e+00, v32  }
0x15a: {  	v43 =	vmul.f32 v48, v37;
	v58 =	vsub.f32 $1.500000000e+00, v39;
	v35 =	vmul.f32 v35, v30  }
0x15b: {  	v61 =	vsub.f32 $1.500000000e+00, v41;
	v49 =	vshrl.u32 v62, $0x1;
	v30 =	vmul.f32 v32, v31  }
0x15c: {  	v41 =	vadd.f32 $1.000000000e+00, v63;
	v31 =	vmul.f32 v58, v34;
	v32 =	vmul.f32 v45, v59  }
0x15d: {  	v43 =	vsub.f32 $1.500000000e+00, v43;
	v34 =	vmul.f32 $5.000000000e-01, v62;
	v44 =	vmul.f32 v35, v33  }
0x15e: {  	v40 =	vmul.f32 v42, v61;
	v42 =	vsub.s32 $0x5F3759DF, v49;
	v47 =	vshrl.u32 v41, $0x1  }
0x15f: {  	v41 =	vmul.f32 $5.000000000e-01, v41;
	v37 =	vmul.f32 v43, v37;
	v32 =	vsub.f32 $1.500000000e+00, v32  }
0x160: {  	v59 =	vld [tilespmem:$0x4C0];
	v51 =	vmul.f32 v42, v34;
	v47 =	vsub.s32 $0x5F3759DF, v47;
	v60 =	vmul.f32 v44, v35  }
0x161: {  	v50 =	vmul.f32 v40, v38;
	v54 =	vmul.f32 v47, v41  }
0x162: {  	v36 =	vmul.f32 v37, v36;
	v32 =	vmul.f32 v45, v32  }
0x163: {  	v45 =	vmul.f32 v42, v51;
	v52 =	vmul.f32 v50, v40  }
0x164: {  	[tilespmem:$0x290] =	vst v3;
	v39 =	vsub.f32 $1.500000000e+00, v60;
	v43 =	vmul.f32 v47, v54;
	v3 =	vmul.f32 v36, v37  }
0x165: {  	v50 =	vadd.f32 $1.000000000e+00, v59;
	v53 =	vmul.f32 v32, v46;
	v45 =	vsub.f32 $1.500000000e+00, v45  }
0x166: {  	v35 =	vmul.f32 v39, v35;
	v39 =	vsub.f32 $1.500000000e+00, v52;
	v43 =	vsub.f32 $1.500000000e+00, v43  }
0x167: {  	v51 =	vld [tilespmem:$0x4F0];
	v3 =	vsub.f32 $1.500000000e+00, v3;
	v44 =	vmul.f32 v53, v32;
	v55 =	vmul.f32 v42, v45  }
0x168: {  	v48 =	vld [tilespmem:$0x4E0];
	v39 =	vmul.f32 v39, v40;
	v33 =	vmul.f32 v35, v33  }
0x169: {  	v53 =	vshrl.u32 v50, $0x1;
	v43 =	vmul.f32 v47, v43;
	v3 =	vmul.f32 v3, v37  }
0x16a: {  	s31 =	sld [smem:$0x7F3];
	v45 =	vld [tilespmem:$0x4D0];
	v56 =	vsub.f32 $1.500000000e+00, v44;
	v57 =	vmul.f32 v55, v34;
	v33 =	vmul.f32 v33, v35  }
0x16b: {  	[tilespmem:$0x2F0] =	vst v9;
	v9 =	vsub.s32 $0x5F3759DF, v53;
	v38 =	vmul.f32 v39, v38;
	v63 =	vmul.f32 v43, v41  }
0x16c: {  	v59 =	vadd.f32 $1.000000000e+00, v51;
	v32 =	vmul.f32 v56, v32;
	v42 =	vmul.f32 v57, v55  }
0x16d: {  	p3 =	seq.s32 s31, $0x1;
	[tilespmem:$0x280] =	vst v2;
	v57 =	vadd.f32 $1.000000000e+00, v48;
	v2 =	vsub.f32 $1.500000000e+00, v33;
	v60 =	vmul.f32 v38, v39  }
0x16e: {  	[tilespmem:$0x2A0] =	vst v4;
	v48 =	vpsel !p3, $0x0, v28;
	v33 =	vmul.f32 v63, v43;
	v58 =	vmul.f32 v32, v46  }
0x16f: {  	s31 =	sld [smem:$0x7F4];
	[tilespmem:$0x2B0] =	vst v5;
	v54 =	vadd.f32 $1.000000000e+00, v45;
	v61 =	vsub.f32 $1.500000000e+00, v42;
	v2 =	vmul.f32 v2, v35  }
0x170: {  	[tilespmem:$0x2C0] =	vst v6;
	v47 =	vsub.f32 $1.500000000e+00, v60;
	v52 =	vsub.f32 $1.500000000e+00, v33;
	v62 =	vmul.f32 v58, v32  }
0x171: {  	[tilespmem:$0x2D0] =	vst v8;
	v56 =	vshrl.u32 v54, $0x1;
	v35 =	vshrl.u32 v57, $0x1;
	v46 =	vmul.f32 v61, v55  }
0x172: {  	[tilespmem:$0x2E0] =	vst v7;
	p3 =	seq.s32 s31, $0x1;
	s31 =	sld [smem:$0x7F5];
	v33 =	vmul.f32 $5.000000000e-01, v57;
	v55 =	vmul.f32 $5.000000000e-01, v50;
	v4 =	vsub.f32 $1.500000000e+00, v62  }
0x173: {  	[tilespmem:$0x310] =	vst v11;
	v11 =	vsub.s32 $0x5F3759DF, v56;
	v6 =	vmul.f32 v47, v39;
	v49 =	vmul.f32 v46, v34  }
0x174: {  	[tilespmem:$0x300] =	vst v10;
	v61 =	vsub.s32 $0x5F3759DF, v35;
	v58 =	vmul.f32 v9, v55;
	v4 =	vmul.f32 v4, v32  }
0x175: {  	[tilespmem:$0x320] =	vst v12;
	v8 =	vmul.f32 v49, v46;
	v32 =	vmul.f32 $5.000000000e-01, v54;
	v49 =	vpsel !p3, $0x0, v27;
	p3 =	seq.s32 s31, $0x1;
	s31 =	sld [smem:$0x7F6]  }
0x176: {  	[tilespmem:$0x330] =	vst v13;
	v63 =	vmul.f32 v61, v33;
	v62 =	vshrl.u32 v59, $0x1;
	v34 =	vmul.f32 $5.000000000e-01, v59  }
0x177: {  	[tilespmem:$0x340] =	vst v14;
	v35 =	vsub.s32 $0x5F3759DF, v62;
	v12 =	vmul.f32 v9, v58;
	v60 =	vmul.f32 v11, v32  }
0x178: {  	[tilespmem:$0x350] =	vst v15;
	v7 =	vmul.f32 v52, v43;
	v36 =	vmul.f32 v35, v34;
	v50 =	vpsel !p3, $0x0, v29;
	p3 =	seq.s32 s31, $0x1;
	s31 =	sld [smem:$0x7F7]  }
0x179: {  	[tilespmem:$0x360] =	vst v17;
	v15 =	vmul.f32 v61, v63;
	v12 =	vsub.f32 $1.500000000e+00, v12;
	v13 =	vmul.f32 v11, v60  }
0x17a: {  	[tilespmem:$0x370] =	vst v18;
	v37 =	vmul.f32 v7, v41;
	v8 =	vsub.f32 $1.500000000e+00, v8;
	v17 =	vmul.f32 v35, v36  }
0x17b: {  	[tilespmem:$0x380] =	vst v16;
	v38 =	vmul.f32 v9, v12;
	v52 =	vpsel !p3, $0x0, v30;
	v13 =	vsub.f32 $1.500000000e+00, v13;
	p3 =	seq.s32 s31, $0x1;
	s31 =	sld [smem:$0x7F8]  }
0x17c: {  	[tilespmem:$0x390] =	vst v19;
	v39 =	vsub.f32 $1.500000000e+00, v15;
	v5 =	vmul.f32 v8, v46;
	v41 =	vsub.f32 $1.500000000e+00, v17  }
0x17d: {  	[tilespmem:$0x3A0] =	vst v20;
	v42 =	vmul.f32 v38, v55;
	v11 =	vmul.f32 v11, v13  }
0x17e: {  	[tilespmem:$0x3B0] =	vst v21;
	v9 =	vmul.f32 v61, v39;
	v54 =	vpsel !p3, $0x0, v31;
	v13 =	vmul.f32 v35, v41;
	p3 =	seq.s32 s31, $0x1;
	s31 =	sld [smem:$0x7F9]  }
0x17f: {  	[tilespmem:$0x3C0] =	vst v22;
	v14 =	vmul.f32 v42, v38;
	v43 =	vmul.f32 v11, v32  }
0x180: {  	[tilespmem:$0x3D0] =	vst v23;
	v44 =	vmul.f32 v9, v33;
	v45 =	vmul.f32 v13, v34  }
0x181: {  	[tilespmem:$0x3E0] =	vst v24;
	v46 =	vsub.f32 $1.500000000e+00, v14;
	v2 =	vpsel !p3, $0x0, v2;
	v15 =	vmul.f32 v43, v11;
	p3 =	seq.s32 s31, $0x1;
	s31 =	sld [smem:$0x7FA]  }
0x182: {  	[tilespmem:$0x3F0] =	vst v25;
	v47 =	vmul.f32 v44, v9;
	v17 =	vmul.f32 v45, v13  }
0x183: {  	[tilespmem:$0x400] =	vst v26;
	v8 =	vmul.f32 v46, v38;
	v15 =	vsub.f32 $1.500000000e+00, v15  }
0x184: {  	v14 =	vsub.f32 $1.500000000e+00, v47;
	[tilespmem:$0x460] =	vst v2;
	v2 =	vpsel !p3, $0x0, v3;
	v51 =	vsub.f32 $1.500000000e+00, v17;
	p3 =	seq.s32 s31, $0x1;
	s31 =	sld [smem:$0x7FB]  }
0x185: {  	[tilespmem:$0x410] =	vst v48;
	v10 =	vmul.f32 v8, v55;
	v11 =	vmul.f32 v15, v11  }
0x186: {  	[tilespmem:$0x420] =	vst v49;
	v9 =	vmul.f32 v14, v9;
	v53 =	vmul.f32 v51, v13  }
0x187: {  	[tilespmem:$0x470] =	vst v2;
	v10 =	vmul.f32 v10, v8;
	v2 =	vpsel !p3, $0x0, v6;
	v55 =	vmul.f32 v11, v32;
	p3 =	seq.s32 s31, $0x1;
	s31 =	sld [smem:$0x7FC]  }
0x188: {  	v40 =	vmul.f32 v37, v7;
	[tilespmem:$0x430] =	vst v50;
	v57 =	vmul.f32 v53, v34  }
0x189: {  	[tilespmem:$0x440] =	vst v52;
	v56 =	vmul.f32 v9, v33;
	v58 =	vsub.f32 $1.500000000e+00, v10;
	v3 =	vmul.f32 v55, v11  }
0x18a: {  	v12 =	vsub.f32 $1.500000000e+00, v40;
	[tilespmem:$0x480] =	vst v2;
	v2 =	vpsel !p3, $0x0, v4;
	v60 =	vmul.f32 v57, v53;
	p3 =	seq.s32 s31, $0x1;
	s31 =	sld [smem:$0x7FD]  }
0x18b: {  	v59 =	vmul.f32 v56, v9;
	[tilespmem:$0x490] =	vst v2;
	v2 =	vmul.f32 v58, v8;
	v3 =	vsub.f32 $1.500000000e+00, v3  }
0x18c: {  	v7 =	vmul.f32 v12, v7;
	[tilespmem:$0x450] =	vst v54;
	v5 =	vpsel !p3, $0x0, v5;
	v4 =	vsub.f32 $1.500000000e+00, v60  }
0x18d: {  	v61 =	vsub.f32 $1.500000000e+00, v59;
	v2 =	vpsel !p4, $0x0, v2;
	[tilespmem:$0x4A0] =	vst v5;
	v3 =	vmul.f32 v3, v11;
	p3 =	seq.s32 s31, $0x1  }
0x18e: {  	[tilespmem:$0x4C0] =	vst v2;
	v2 =	vmul.f32 v4, v53;
	v62 =	vpsel !p3, $0x0, v7  }
0x18f: {  	v63 =	vmul.f32 v61, v9;
	[tilespmem:$0x4B0] =	vst v62;
	v3 =	vpsel !p5, $0x0, v3  }
0x190: {  	v2 =	vpsel !p0, $0x0, v2;
	[tilespmem:$0x4D0] =	vst v3  }
0x191: {  	v3 =	vpsel !p6, $0x0, v63;
	[tilespmem:$0x4F0] =	vst v2  }
0x192: {  	[tilespmem:$0x4E0] =	vst v3  }
0x193: {  	[spmem:s11] =	stream.linear.scatter [tilespmem:s22], [sflag:$0x7], $0x280, $0x38;
	[tilespmem:$0xAE00] =	vst v63  }
0x194: {  	_ =	swait.ge [sflag:s17], $0x280  }
0x195: {  	[sflag:s17] =	ssyncset.done $0x0  }
0x196: {  	s0 =	simm.s32 @!p1 $0x0;
	s29 =	simm.s32 @!p1 $0x280;
	[sflag:s17] =	ssyncadd.s32 $0xFFFFFD80  }
0x197: {  	[hbm4b:s12+s0] =	stream.linear.scatter @!p1 [tilespmem:s29], [sflag:$0x7], $0x280, $0x38;
	[tilespmem:$0xAE00] =	vst v63  }
0x198: {  	s0 =	simm.s32 @!p1 $0x7  }
0x199: {  	_ =	swait.ge @!p1 [sflag:s0], $0x280  }
0x19a: {  	[sflag:s0] =	ssyncset.done @!p1 $0x0  }
0x19b: {  	[sflag:s0] =	ssyncadd.s32 @!p1 $0xFFFFFD80  }
0x19c: {  	[bflag:$0x0] =	sbarrier.arrive $0xFFFF  }
0x19d: {  	[tilespmem:s23], [sflag:$0x3] =	stream.indirect.gather [spmem:s4], $0x1, s15, s20, $0xb8;
	[tilespmem:$0xAE00] =	vst v63  }
0x19e: {  	_ =	swait.ge [sflag:s24], $0x80  }
0x19f: {  	[sflag:s24] =	ssyncset.done $0x0  }
0x1a0: {  	[sflag:s24] =	ssyncadd.s32 $0xFFFFFF80  }
0x1a1: {  	[spmem:s3] =	stream.indirect.scatter.add.f32 [tilespmem:s23], [sflag:$0x5], $0x1, s16, s20, $0xb8;
	[tilespmem:$0xAE00] =	vst v63  }
0x1a2: {  	s31 =	simm.s32 $0x5600  }
0x1a3: {  	[tilespmem:s26], [sflag:$0x4] =	stream.indirect.gather [spmem:s4], $0x1, s31, s20, $0xb8;
	[tilespmem:$0xAE00] =	vst v63  }
0x1a4: {  	_ =	swait.ge [sflag:s28], $0x80  }
0x1a5: {  	[sflag:s28] =	ssyncset.done $0x0  }
0x1a6: {  	s31 =	simm.s32 $0x7E00;
	[sflag:s28] =	ssyncadd.s32 $0xFFFFFF80  }
0x1a7: {  	[spmem:s3] =	stream.indirect.scatter.add.f32 [tilespmem:s26], [sflag:$0x6], $0x1, s31, s20, $0xb8;
	[tilespmem:$0xAE00] =	vst v63  }
0x1a8: {  	_ =	swait.ge [sflag:s30], $0x80  }
0x1a9: {  	[sflag:s30] =	ssyncset.done $0x0  }
0x1aa: {  	s29 =	simm.s32 $0xFFFF6800;
	s31 =	simm.s32 $0x5680;
	[sflag:s30] =	ssyncadd.s32 $0xFFFFFF80  }
0x1ab: {  	[tilespmem:s23], [sflag:$0x3] =	stream.indirect.gather [spmem:s4], $0x1, s31, s20, $0xb8;
	[tilespmem:$0xAE00] =	vst v63  }
.LBB2_4:
0x1ac: {  	_ =	swait.ge [sflag:s24], $0x80  }
0x1ad: {  	s31 =	sshra.s32 s29, $0x2;
	[sflag:s24] =	ssyncset.done $0x0  }
0x1ae: {  	s0 =	sadd.s32 $0xA480, s31;
	[sflag:s24] =	ssyncadd.s32 $0xFFFFFF80  }
0x1af: {  	[spmem:s3] =	stream.indirect.scatter.add.f32 [tilespmem:s23], [sflag:$0x5], $0x1, s0, s20, $0xb8;
	[tilespmem:$0xAE00] =	vst v63  }
0x1b0: {  	_ =	swait.ge [sflag:s2], $0x80  }
0x1b1: {  	[sflag:s2] =	ssyncset.done $0x0  }
0x1b2: {  	s0 =	sadd.s32 $0x7D00, s31;
	[sflag:s2] =	ssyncadd.s32 $0xFFFFFF80  }
0x1b3: {  	[tilespmem:s26], [sflag:$0x4] =	stream.indirect.gather [spmem:s4], $0x1, s0, s20, $0xb8;
	[tilespmem:$0xAE00] =	vst v63  }
0x1b4: {  	_ =	swait.ge [sflag:s28], $0x80  }
0x1b5: {  	p2 =	seq.s32 s29, $0x0;
	[sflag:s28] =	ssyncset.done $0x0  }
.Ltmp3:
0x1b6: {  	s0 =	sadd.s32 $0xA500, s31;
	[sflag:s28] =	ssyncadd.s32 $0xFFFFFF80;
	(pc) =	sbr.rel @p2 .LBB2_6-.Ltmp3, $4  }
0x1b7: {  	[spmem:s3] =	stream.indirect.scatter.add.f32 [tilespmem:s26], [sflag:$0x6], $0x1, s0, s20, $0xb8;
	[tilespmem:$0xAE00] =	vst v63  }
0x1b8: {  	_ =	swait.ge [sflag:s30], $0x80  }
0x1b9: {  	[sflag:s30] =	ssyncset.done $0x0  }
0x1ba: {  	[sflag:s30] =	ssyncadd.s32 $0xFFFFFF80  }
.Ltmp4:
0x1bb: {  	(pc) =	sbr.rel .LBB2_4-.Ltmp4, $3  }
0x1bc: {  	_ =	sdelay $0x1  }
0x1bd: {  	s0 =	sadd.s32 $0x7D80, s31;
	s29 =	sadd.s32 $0x400, s29  }
0x1be: {  	[tilespmem:s23], [sflag:$0x3] =	stream.indirect.gather [spmem:s4], $0x1, s0, s20, $0xb8;
	[tilespmem:$0xAE00] =	vst v63  }
.LBB2_7:
0x1bf: {  	_ =	sfence.sel $0x180000  }
0x1c0: {  	[bflag:$0x0] =	sbarrier.arrive $0xFFFF  }
0x1c1: {  	_ =	strace $0x90000047  }
0x1c2: {  	s0 =	stileid.u32;
	[bflag:$0x2] =	sbarrier.arrive $0xFFFF  }
0x1c3: {  	p0 =	sne.s32 s0, $0x0;
	s0 =	rddreg [dreg:$0x4]  }
0x1c4: {  	s0 =	sadd.s32 @!p0 $0x100000, s0  }
0x1c5: {  	[sflag:s0] =	ssyncadd.tile.s32 @!p0 $0x1;
	_ =	shalt  }
.Lfunc_end2:
_tile_overlayer_lowered:
.L_overlay_start_2:
0x1c6: {  	(tag) =	ssettag $0x2  }
0x1c7: {  	s0 =	rddreg [dreg:$0x0];
	s2 =	stileid.u32  }
0x1c8: {  	s1 =	rddreg [dreg:$0x1];
	p0 =	sne.s32 s2, $0x0  }
0x1c9: {  	s3 =	rddreg [dreg:$0x2];
	[bflag:$0x3] =	sbarrier.arrive $0xFFFF;
	s2 =	simm.s32 @!p0 $0x1C07  }
0x1ca: {  	[timem:s3], [sflag:s2] =	dma.local @!p0 [hbm:s0], s1  }
0x1cb: {  	s0 =	simm.s32 @!p0 $0x7  }
0x1cc: {  	_ =	swait.ge @!p0 [sflag:s0], s1  }
0x1cd: {  	s1 =	ssub.s32 @!p0 $0x0, s1;
	[sflag:s0] =	ssyncset.done @!p0 $0x0  }
0x1ce: {  	[sflag:s0] =	ssyncadd.s32 @!p0 s1  }
0x1cf: {  	[bflag:$0x3] =	sbarrier.arrive $0xFFFF  }
0x1d0: {  	_ =	shalt  }

</sc_bundles>
